<compile_context>
chip_gen: v7x
topology: tpu7x:2x2x1
jax: 0.10.2.dev20260603
libtpu: 0.0.44.dev20260713+nightly
codegen_flags: <defaults>
</compile_context>

<pallas_src>
import functools

import jax
import jax.numpy as jnp
from jax import lax
from jax.experimental import pallas as pl
from jax.experimental.pallas import tpu as pltpu
from jax.experimental.pallas import tpu_sc as plsc

B, T, D = 2, 2048, 1024
E, K = 8, 2
H = D * 4
N = B * T
A = N * K
TM = 256
PT = A // TM + E
S = PT * TM
GT = 512
NSC = 16
NCORE = 2
NW = NSC * NCORE

_f32 = jnp.float32
_i32 = jnp.int32



def _gate_body(xf_ref, gw_ref, gb_ref,
               idx0_ref, idx1_ref, p0_ref, p1_ref, te_ref, act_ref, aux_ref,
               hist_ref, cnt_acc):
    t = pl.program_id(0)
    logits = jnp.dot(xf_ref[...].astype(jnp.bfloat16),
                     gw_ref[...].astype(jnp.bfloat16),
                     preferred_element_type=_f32) + gb_ref[...]
    iota_e = lax.broadcasted_iota(_i32, (GT, E), 1)
    m1 = jnp.max(logits, axis=1, keepdims=True)
    i1 = jnp.min(jnp.where(logits == m1, iota_e, E), axis=1, keepdims=True)
    lm = jnp.where(iota_e == i1, -jnp.inf, logits)
    m2 = jnp.max(lm, axis=1, keepdims=True)
    i2 = jnp.min(jnp.where(lm == m2, iota_e, E), axis=1, keepdims=True)
    b = jnp.exp(m2 - m1)
    p0 = 1.0 / (1.0 + b)
    p1 = b / (1.0 + b)
    idx0_ref[...] = i1
    idx1_ref[...] = i2
    p0_ref[...] = p0
    p1_ref[...] = p1

    onehot = (iota_e == i1).astype(_f32) + (iota_e == i2).astype(_f32)
    csum = jnp.sum(onehot, axis=0, keepdims=True)
    cnt_acc[...] = jnp.where(t == 0, csum, cnt_acc[...] + csum)

    z = jnp.zeros((1, 16 - E), _f32)
    h0 = jnp.sum(onehot[:GT // 2], axis=0, keepdims=True)
    h1 = jnp.sum(onehot[GT // 2:], axis=0, keepdims=True)
    hist_ref[0, 0:1, :] = jnp.concatenate([h0, z], axis=1).astype(_i32)
    hist_ref[0, 1:2, :] = jnp.concatenate([h1, z], axis=1).astype(_i32)

    @pl.when(t == pl.num_programs(0) - 1)
    def _():
        c = cnt_acc[...]
        aux_ref[...] = jnp.sum((c / float(A) - 1.0 / E) ** 2,
                               axis=1, keepdims=True)
        ci = c.astype(_i32)
        ptl = (ci + (TM - 1)) // TM
        ptb = jnp.broadcast_to(ptl, (E, E))
        ii = lax.broadcasted_iota(_i32, (E, E), 0)
        jj = lax.broadcasted_iota(_i32, (E, E), 1)
        ends_col = jnp.sum(jnp.where(jj <= ii, ptb, 0), axis=1, keepdims=True)
        pt_col = jnp.sum(jnp.where(jj == ii, ptb, 0), axis=1, keepdims=True)
        iota_col = lax.broadcasted_iota(_i32, (E, 1), 0)
        total_tiles = jnp.max(ends_col, axis=0, keepdims=True)
        last_e = jnp.max(jnp.where(pt_col > 0, iota_col, 0),
                         axis=0, keepdims=True)
        tt = lax.broadcasted_iota(_i32, (E, 128), 1)
        te_row = jnp.sum((tt >= ends_col).astype(_i32), axis=0, keepdims=True)
        t1 = lax.broadcasted_iota(_i32, (1, 128), 1)
        act = t1 < total_tiles
        te_ref[...] = jnp.where(act, jnp.minimum(te_row, E - 1), last_e)
        act_ref[...] = act.astype(_i32)


def _gate(xf, gate_w, gate_b):
    grid = (N // GT,)
    return pl.pallas_call(
        _gate_body,
        grid=grid,
        in_specs=[
            pl.BlockSpec((GT, D), lambda t: (t, 0)),
            pl.BlockSpec((D, E), lambda t: (0, 0)),
            pl.BlockSpec((1, E), lambda t: (0, 0)),
        ],
        out_specs=[
            pl.BlockSpec((GT, 1), lambda t: (t, 0)),
            pl.BlockSpec((GT, 1), lambda t: (t, 0)),
            pl.BlockSpec((GT, 1), lambda t: (t, 0)),
            pl.BlockSpec((GT, 1), lambda t: (t, 0)),
            pl.BlockSpec((1, 128), lambda t: (0, 0)),
            pl.BlockSpec((1, 128), lambda t: (0, 0)),
            pl.BlockSpec((1, 1), lambda t: (0, 0)),
            pl.BlockSpec((1, 2, 16), lambda t: (t, 0, 0)),
        ],
        out_shape=[
            jax.ShapeDtypeStruct((N, 1), _i32),
            jax.ShapeDtypeStruct((N, 1), _i32),
            jax.ShapeDtypeStruct((N, 1), _f32),
            jax.ShapeDtypeStruct((N, 1), _f32),
            jax.ShapeDtypeStruct((1, 128), _i32),
            jax.ShapeDtypeStruct((1, 128), _i32),
            jax.ShapeDtypeStruct((1, 1), _f32),
            jax.ShapeDtypeStruct((N // GT, 2, 16), _i32),
        ],
        scratch_shapes=[pltpu.VMEM((1, E), _f32)],
    )(xf, gate_w, gate_b.reshape(1, E))



def _routing_body(idx0_h, idx1_h, p0_h, p1_h, hist_h,
                  pos0_h, pos1_h, tos_h, psc_h,
                  e0v, e1v, pflat, posflat, posb2d, tokb, pb2d,
                  allh_v, zv, sem):
    cid = lax.axis_index("c")
    sid = lax.axis_index("s")
    lane = lax.broadcasted_iota(_i32, (16,), 0)

    @pl.when(cid == 0)
    def _():
        base = sid * 256

        zper = S // NSC
        def zchunk(c, _):
            slot = sid * zper + c * 16 + lane
            zv[pl.ds(c * 16, 16)] = slot & (N - 1)
            return 0
        lax.fori_loop(0, zper // 16, zchunk, 0)
        pltpu.sync_copy(zv, tos_h.at[pl.ds(sid * zper, zper)])
        plsc.subcore_barrier()

        pltpu.sync_copy(idx0_h.at[pl.ds(base, 256)], e0v)
        pltpu.sync_copy(idx1_h.at[pl.ds(base, 256)], e1v)
        pltpu.sync_copy(hist_h, allh_v)

        total = jnp.zeros((16,), _i32)
        mybase = jnp.zeros((16,), _i32)
        for sp in range(NSC):
            row = allh_v[pl.ds(sp * 16, 16)]
            total = total + row
            before = jnp.full((16,), sp, _i32) < jnp.full((16,), sid, _i32)
            mybase = mybase + jnp.where(before, row, 0)
        ptl = (total + (TM - 1)) // TM
        pstart = (plsc.cumsum(ptl) - ptl) * TM
        ebase = pstart + mybase

        def scan(ev, run0):
            def chunk(c, runs):
                v = ev[pl.ds(c * 16, 16)]
                pos = jnp.zeros((16,), _i32)
                new_runs = []
                for e in range(E):
                    m = v == e
                    mi = m.astype(_i32)
                    cs = lax.cumsum(mi)
                    pos = jnp.where(m, runs[e] + cs - 1, pos)
                    new_runs.append(runs[e] + jnp.sum(mi))
                posflat[pl.ds(c * 16, 16)] = pos
                return tuple(new_runs)
            return lax.fori_loop(0, 16, chunk, run0)

        run0 = tuple(ebase[e] for e in range(E))

        for j in range(2):
            for cc in range(8):
                tokb[j, pl.ds(cc * 16, 16)] = (base + j * 128 + cc * 16) + lane

        def emit(pos_out_h, p_h):
            for j in range(2):
                for cc in range(8):
                    posb2d[j, pl.ds(cc * 16, 16)] = posflat[
                        pl.ds(j * 128 + cc * 16, 16)]
            pltpu.sync_copy(posb2d, pos_out_h.at[pl.ds(sid * 2, 2)])
            pltpu.sync_copy(p_h.at[pl.ds(base, 256)], pflat)
            for j in range(2):
                for cc in range(8):
                    pb2d[j, pl.ds(cc * 16, 16)] = pflat[
                        pl.ds(j * 128 + cc * 16, 16)]
            for j in range(2):
                pltpu.async_copy(tokb.at[j], tos_h.at[posb2d.at[j]],
                                 sem).wait()
                pltpu.async_copy(pb2d.at[j], psc_h.at[posb2d.at[j]],
                                 sem).wait()

        run1 = scan(e0v, run0)
        emit(pos0_h, p0_h)
        scan(e1v, run1)
        emit(pos1_h, p1_h)


def _routing(idx0, idx1, p0, p1, hist):
    mesh = plsc.VectorSubcoreMesh(core_axis_name="c", subcore_axis_name="s")
    f = pl.kernel(
        _routing_body,
        out_type=[
            jax.ShapeDtypeStruct((N // 128, 128), _i32),
            jax.ShapeDtypeStruct((N // 128, 128), _i32),
            jax.ShapeDtypeStruct((S,), _i32),
            jax.ShapeDtypeStruct((S,), _f32),
        ],
        mesh=mesh,
        scratch_types=[
            pltpu.VMEM((256,), _i32),
            pltpu.VMEM((256,), _i32),
            pltpu.VMEM((256,), _f32),
            pltpu.VMEM((256,), _i32),
            pltpu.VMEM((2, 128), _i32),
            pltpu.VMEM((2, 128), _i32),
            pltpu.VMEM((2, 128), _f32),
            pltpu.VMEM((NSC * 16,), _i32),
            pltpu.VMEM((S // NSC,), _i32),
            pltpu.SemaphoreType.DMA,
        ],
        compiler_params=pltpu.CompilerParams(needs_layout_passes=False),
    )
    return f(idx0, idx1, p0, p1, hist)



_GCH = 32
_GR = (S // NW) // _GCH


def _gather_body(xf_h, tos_h, xs_h, idx2, rows0, rows1,
                 sg0, sg1, sc0, sc1):
    cid = lax.axis_index("c")
    sid = lax.axis_index("s")
    wid = sid * NCORE + cid
    base = wid * (S // NW)
    pltpu.sync_copy(tos_h.at[pl.ds(base, S // NW)], idx2)

    rows = (rows0, rows1)
    sg = (sg0, sg1)
    sc = (sc0, sc1)
    ga = {}
    cp = {}

    def copy_out(r):
        b = r & 1
        ga[r].wait()
        cp[r] = pltpu.async_copy(
            rows[b], xs_h.at[pl.ds(base + r * _GCH, _GCH), :], sc[b])

    for r in range(_GR):
        b = r & 1
        if r >= 2:
            cp[r - 2].wait()
        ga[r] = pltpu.async_copy(
            xf_h.at[idx2.at[pl.ds(r * _GCH, _GCH)]], rows[b], sg[b])
        if r >= 1:
            copy_out(r - 1)
    copy_out(_GR - 1)
    cp[_GR - 2].wait()
    cp[_GR - 1].wait()


def _gather(xf, tos2):
    mesh = plsc.VectorSubcoreMesh(core_axis_name="c", subcore_axis_name="s")
    f = pl.kernel(
        _gather_body,
        out_type=[jax.ShapeDtypeStruct((S, D), _f32)],
        mesh=mesh,
        scratch_types=[
            pltpu.VMEM((S // NW,), _i32),
            pltpu.VMEM((_GCH, D), _f32),
            pltpu.VMEM((_GCH, D), _f32),
            pltpu.SemaphoreType.DMA,
            pltpu.SemaphoreType.DMA,
            pltpu.SemaphoreType.DMA,
            pltpu.SemaphoreType.DMA,
        ],
        compiler_params=pltpu.CompilerParams(needs_layout_passes=False),
    )
    return f(xf, tos2)[0]



NH = 4
HB = H // NH


def _ffn_body(te_ref, act_ref, xs_ref, psc_ref,
              w1_ref, w2_ref, wp_ref, b1_ref, b2_ref, bp_ref, ysin_ref,
              ys_ref):
    h = pl.program_id(0)
    t = pl.program_id(1)

    @pl.when(act_ref[t] == 1)
    def _():
        xb = xs_ref[...].astype(jnp.bfloat16)
        h1 = jnp.dot(xb, w1_ref[0].astype(jnp.bfloat16),
                     preferred_element_type=_f32) + b1_ref[0]
        h2 = jnp.dot(xb, w2_ref[0].astype(jnp.bfloat16),
                     preferred_element_type=_f32) + b2_ref[0]
        g = (h1 * jax.nn.sigmoid(h1)) * h2
        part = jnp.dot(g.astype(jnp.bfloat16), wp_ref[0].astype(jnp.bfloat16),
                       preferred_element_type=_f32)
        acc = ysin_ref[...] + part
        final = (acc + bp_ref[0]) * psc_ref[...]
        ys_ref[...] = jnp.where(h == NH - 1, final, acc)


def _ffn(te, act, xs, psc, w1b, w2b, wpb, b1, b2, bp, ysin):
    grid_spec = pltpu.PrefetchScalarGridSpec(
        num_scalar_prefetch=2,
        grid=(NH, PT),
        in_specs=[
            pl.BlockSpec((TM, D), lambda h, t, te, a: (t, 0)),
            pl.BlockSpec((TM, 1), lambda h, t, te, a: (t, 0)),
            pl.BlockSpec((1, D, HB), lambda h, t, te, a: (te[t], 0, h)),
            pl.BlockSpec((1, D, HB), lambda h, t, te, a: (te[t], 0, h)),
            pl.BlockSpec((1, HB, D), lambda h, t, te, a: (te[t], h, 0)),
            pl.BlockSpec((1, 1, HB), lambda h, t, te, a: (te[t], 0, h)),
            pl.BlockSpec((1, 1, HB), lambda h, t, te, a: (te[t], 0, h)),
            pl.BlockSpec((1, 1, D), lambda h, t, te, a: (te[t], 0, 0)),
            pl.BlockSpec((TM, D), lambda h, t, te, a: (t, 0)),
        ],
        out_specs=pl.BlockSpec((TM, D), lambda h, t, te, a: (t, 0)),
    )
    return pl.pallas_call(
        _ffn_body,
        grid_spec=grid_spec,
        out_shape=jax.ShapeDtypeStruct((S, D), _f32),
        input_output_aliases={10: 0},
    )(te, act, xs, psc, w1b, w2b, wpb, b1, b2, bp, ysin)



_CR = 8
_CCH = (N // NW) // _CR


def _combine_body(ys_h, pos0_h, pos1_h, a0_h, a1_h, i0v, i1v,
                  a00, a01, a10, a11, sa0, sa1, sb0, sb1, so0, so1,
                  sp0, sp1):
    cid = lax.axis_index("c")
    sid = lax.axis_index("s")
    wid = sid * NCORE + cid
    pltpu.sync_copy(pos0_h.at[pl.ds(wid, 1)], i0v)
    pltpu.sync_copy(pos1_h.at[pl.ds(wid, 1)], i1v)

    a0 = (a00, a01)
    a1 = (a10, a11)
    sa = (sa0, sa1)
    sb = (sb0, sb1)
    so = (so0, so1)
    sp = (sp0, sp1)
    g0 = {}
    g1 = {}
    cp0 = {}
    cp1 = {}

    def copy_out(r):
        b = r & 1
        g0[r].wait()
        g1[r].wait()
        dst = pl.ds(wid * 128 + r * _CCH, _CCH)
        cp0[r] = pltpu.async_copy(a0[b], a0_h.at[dst, :], so[b])
        cp1[r] = pltpu.async_copy(a1[b], a1_h.at[dst, :], sp[b])

    for r in range(_CR):
        b = r & 1
        if r >= 2:
            cp0[r - 2].wait()
            cp1[r - 2].wait()
        g0[r] = pltpu.async_copy(
            ys_h.at[i0v.at[0, pl.ds(r * _CCH, _CCH)]], a0[b], sa[b])
        g1[r] = pltpu.async_copy(
            ys_h.at[i1v.at[0, pl.ds(r * _CCH, _CCH)]], a1[b], sb[b])
        if r >= 1:
            copy_out(r - 1)
    copy_out(_CR - 1)
    for r in (_CR - 2, _CR - 1):
        cp0[r].wait()
        cp1[r].wait()


def _combine(ys, pos0, pos1):
    mesh = plsc.VectorSubcoreMesh(core_axis_name="c", subcore_axis_name="s")
    f = pl.kernel(
        _combine_body,
        out_type=[
            jax.ShapeDtypeStruct((N, D), _f32),
            jax.ShapeDtypeStruct((N, D), _f32),
        ],
        mesh=mesh,
        scratch_types=[
            pltpu.VMEM((1, 128), _i32),
            pltpu.VMEM((1, 128), _i32),
            pltpu.VMEM((_CCH, D), _f32),
            pltpu.VMEM((_CCH, D), _f32),
            pltpu.VMEM((_CCH, D), _f32),
            pltpu.VMEM((_CCH, D), _f32),
            pltpu.SemaphoreType.DMA,
            pltpu.SemaphoreType.DMA,
            pltpu.SemaphoreType.DMA,
            pltpu.SemaphoreType.DMA,
            pltpu.SemaphoreType.DMA,
            pltpu.SemaphoreType.DMA,
            pltpu.SemaphoreType.DMA,
            pltpu.SemaphoreType.DMA,
        ],
        compiler_params=pltpu.CompilerParams(needs_layout_passes=False),
    )
    return f(ys, pos0, pos1)


def _add_body(a_ref, b_ref, o_ref):
    o_ref[...] = a_ref[...] + b_ref[...]


def _add(a, b):
    return pl.pallas_call(
        _add_body,
        grid=(N // GT,),
        in_specs=[pl.BlockSpec((GT, D), lambda t: (t, 0)),
                  pl.BlockSpec((GT, D), lambda t: (t, 0))],
        out_specs=pl.BlockSpec((GT, D), lambda t: (t, 0)),
        out_shape=jax.ShapeDtypeStruct((N, D), _f32),
    )(a, b)



def kernel(x, gate_w, gate_b, w1, b1, w2, b2, wp, bp):
    xf = x.reshape(N, D)
    (idx0, idx1, p0, p1, te128, act128, aux, hist) = _gate(xf, gate_w,
                                                           gate_b)
    pos0, pos1, tos, psc = _routing(idx0.reshape(N), idx1.reshape(N),
                                    p0.reshape(N), p1.reshape(N),
                                    hist.reshape(NSC * 16))
    xs = _gather(xf, tos)
    ys = _ffn(te128[0, :PT], act128[0, :PT], xs, psc.reshape(S, 1),
              w1, w2, wp, b1.reshape(E, 1, H),
              b2.reshape(E, 1, H), bp.reshape(E, 1, D),
              jnp.zeros((S, D), _f32))
    a0, a1 = _combine(ys, pos0, pos1)
    out = _add(a0, a1)
    return out.reshape(B, T, D), aux[0, 0]

# --- scband reference (transcript-rebuilt; emitter-appended) ---
"""Pipeline reference for scband-sparse-mo-e-64458869178976 (READ-ONLY COPY).

The authoritative reference and input builder live on the scoring server;
editing this copy changes nothing except your own understanding.
"""

import jax, jax.numpy as jnp
import numpy as np

B, T, D = 2, 2048, 1024
E, K = 8, 2
H = D * 4


def setup_inputs(seed: int = 0) -> dict:
    key = jax.random.key(seed)
    ks = jax.random.split(key, 9)
    x = jax.random.normal(ks[0], (B, T, D), dtype=jnp.float32)
    gate_w = jax.random.normal(ks[1], (D, E), dtype=jnp.float32) * (1.0 / np.sqrt(D))
    gate_b = jnp.zeros((E,), dtype=jnp.float32)
    w1 = jax.random.normal(ks[2], (E, D, H), dtype=jnp.float32) * (1.0 / np.sqrt(D))
    b1 = jnp.zeros((E, H), dtype=jnp.float32)
    w2 = jax.random.normal(ks[3], (E, D, H), dtype=jnp.float32) * (1.0 / np.sqrt(D))
    b2 = jnp.zeros((E, H), dtype=jnp.float32)
    wp = jax.random.normal(ks[4], (E, H, D), dtype=jnp.float32) * (1.0 / np.sqrt(H))
    bp = jnp.zeros((E, D), dtype=jnp.float32)
    return {"x": x, "gate_w": gate_w, "gate_b": gate_b, "w1": w1, "b1": b1,
            "w2": w2, "b2": b2, "wp": wp, "bp": bp}


def reference(x, gate_w, gate_b, w1, b1, w2, b2, wp, bp):
    Bx, Tx, Dx = x.shape
    xf = x.reshape(-1, Dx)
    gate_logits = xf @ gate_w + gate_b
    topk_scores, topk_idx = jax.lax.top_k(gate_logits, K)
    gate_probs = jax.nn.softmax(topk_scores, axis=-1)
    # Dense expert compute (math-equivalent to per-expert masked dispatch):
    h1 = jnp.einsum('nd,edh->enh', xf, w1) + b1[:, None, :]
    h2 = jnp.einsum('nd,edh->enh', xf, w2) + b2[:, None, :]
    h = jax.nn.silu(h1) * h2
    out_all = jnp.einsum('enh,ehd->end', h, wp) + bp[:, None, :]
    N = xf.shape[0]
    tok = jnp.arange(N)
    expert_outputs = jnp.zeros_like(xf)
    counts = jnp.zeros((E,), dtype=jnp.float32)
    for i in range(K):
        idx = topk_idx[:, i]
        counts = counts + jnp.bincount(idx, length=E).astype(jnp.float32)
        sel = out_all[idx, tok]
        expert_outputs = expert_outputs + gate_probs[:, i][:, None] * sel
    aux_loss = jnp.sum((counts / counts.sum() - 1.0 / E) ** 2)
    return expert_outputs.reshape(Bx, Tx, Dx), aux_loss

if __name__ == "__main__":
    import jax
    _d = setup_inputs()
    print(jax.jit(kernel)(*tuple(_d.values())))

</pallas_src>

<mosaic_0001>
#map = affine_map<(d0, d1) -> (0, 0)>
#map1 = affine_map<(d0, d1) -> (0)>
module attributes {stable_mosaic.version = 14 : i64} {
  func.func @_gather_body(%arg0: i32, %arg1: i32, %arg2: memref<4096x1024xf32, #tpu.memory_space<hbm>>, %arg3: memref<10240xi32, #tpu.memory_space<hbm>>, %arg4: memref<10240x1024xf32, #tpu.memory_space<hbm>>, %arg5: memref<320xi32, #tpu.memory_space<vmem>>, %arg6: memref<32x1024xf32, #tpu.memory_space<vmem>>, %arg7: memref<32x1024xf32, #tpu.memory_space<vmem>>, %arg8: memref<!tpu.dma_semaphore, #tpu.memory_space<semaphore_mem>>, %arg9: memref<!tpu.dma_semaphore, #tpu.memory_space<semaphore_mem>>, %arg10: memref<!tpu.dma_semaphore, #tpu.memory_space<semaphore_mem>>, %arg11: memref<!tpu.dma_semaphore, #tpu.memory_space<semaphore_mem>>) attributes {dimension_semantics = [#tpu.dimension_semantics<core_parallel>, #tpu.dimension_semantics<subcore_parallel>], iteration_bounds = array<i64: 2, 16>, scalar_prefetch = 0 : i64, scratch_operands = 7 : i64, tpu.core_type = #tpu.core_type<sc_vector_subcore>, window_params = [{transform_indices = #map}, {transform_indices = #map1}, {transform_indices = #map}]} {
    %mul3A = arith.constant 2 : i32
    %mul3A_0 = arith.muli %arg1, %mul3A : i32
    %add3A = arith.addi %mul3A_0, %arg0 : i32
    %mul3A_1 = arith.constant 320 : i32
    %mul3A_2 = arith.muli %add3A, %mul3A_1 : i32
    "tpu.region"() ({
      %run_scoped3A = tpu.sem_alloc : memref<!tpu.dma_semaphore, #tpu.memory_space<semaphore_mem>>
      %dma_start3A_201 = tpu.memref_slice %arg3[%mul3A_2] : memref<10240xi32, #tpu.memory_space<hbm>> -> memref<320xi32, #tpu.memory_space<hbm>>
      %dma_start3A_202 = tpu.memref_slice %arg3[%mul3A_2] : memref<10240xi32, #tpu.memory_space<hbm>> -> memref<320xi32, #tpu.memory_space<hbm>>
      tpu.enqueue_dma source(%dma_start3A_202 : memref<320xi32, #tpu.memory_space<hbm>>) target(%arg5 : memref<320xi32, #tpu.memory_space<vmem>>) target_semaphore(%run_scoped3A : memref<!tpu.dma_semaphore, #tpu.memory_space<semaphore_mem>>)
      %dma_wait3A_203 = tpu.memref_slice %arg3[%mul3A_2] : memref<10240xi32, #tpu.memory_space<hbm>> -> memref<320xi32, #tpu.memory_space<hbm>>
      %dma_wait3A_204 = tpu.memref_slice %arg3[%mul3A_2] : memref<10240xi32, #tpu.memory_space<hbm>> -> memref<320xi32, #tpu.memory_space<hbm>>
      tpu.wait_dma2 semaphore(%run_scoped3A : memref<!tpu.dma_semaphore, #tpu.memory_space<semaphore_mem>>) src(%dma_wait3A_204 : memref<320xi32, #tpu.memory_space<hbm>>) dst(%arg5 : memref<320xi32, #tpu.memory_space<vmem>>)
      tpu.yield
    }) : () -> ()
    %dma_start3A = arith.constant 0 : i32
    %dma_start3A_3 = tpu.memref_slice %arg5[%dma_start3A] : memref<320xi32, #tpu.memory_space<vmem>> -> memref<32xi32, #tpu.memory_space<vmem>>
    %dma_start3A_4 = arith.constant 0 : i32
    %dma_start3A_5 = arith.constant 0 : i32
    %dma_start3A_6 = tpu.memref_slice %arg2[%dma_start3A_4, %dma_start3A_5] : memref<4096x1024xf32, #tpu.memory_space<hbm>> -> memref<4096x1024xf32, #tpu.memory_space<hbm>>
    tpu.enqueue_indirect_dma source(%dma_start3A_6 : memref<4096x1024xf32, #tpu.memory_space<hbm>>) target(%arg6 : memref<32x1024xf32, #tpu.memory_space<vmem>>) offsets(%dma_start3A_3 : memref<32xi32, #tpu.memory_space<vmem>>) semaphore(%arg8 : memref<!tpu.dma_semaphore, #tpu.memory_space<semaphore_mem>>)
    %dma_start3A_7 = arith.constant 32 : i32
    %dma_start3A_8 = tpu.memref_slice %arg5[%dma_start3A_7] : memref<320xi32, #tpu.memory_space<vmem>> -> memref<32xi32, #tpu.memory_space<vmem>>
    %dma_start3A_9 = arith.constant 0 : i32
    %dma_start3A_10 = arith.constant 0 : i32
    %dma_start3A_11 = tpu.memref_slice %arg2[%dma_start3A_9, %dma_start3A_10] : memref<4096x1024xf32, #tpu.memory_space<hbm>> -> memref<4096x1024xf32, #tpu.memory_space<hbm>>
    tpu.enqueue_indirect_dma source(%dma_start3A_11 : memref<4096x1024xf32, #tpu.memory_space<hbm>>) target(%arg7 : memref<32x1024xf32, #tpu.memory_space<vmem>>) offsets(%dma_start3A_8 : memref<32xi32, #tpu.memory_space<vmem>>) semaphore(%arg9 : memref<!tpu.dma_semaphore, #tpu.memory_space<semaphore_mem>>)
    %dma_wait3A = arith.constant 0 : i32
    %dma_wait3A_12 = tpu.memref_slice %arg5[%dma_wait3A] : memref<320xi32, #tpu.memory_space<vmem>> -> memref<32xi32, #tpu.memory_space<vmem>>
    %dma_wait3A_13 = arith.constant 0 : i32
    %dma_wait3A_14 = arith.constant 0 : i32
    %dma_wait3A_15 = tpu.memref_slice %arg2[%dma_wait3A_13, %dma_wait3A_14] : memref<4096x1024xf32, #tpu.memory_space<hbm>> -> memref<4096x1024xf32, #tpu.memory_space<hbm>>
    tpu.wait_indirect_dma semaphore(%arg8 : memref<!tpu.dma_semaphore, #tpu.memory_space<semaphore_mem>>) src(%dma_wait3A_15 : memref<4096x1024xf32, #tpu.memory_space<hbm>>) dst(%arg6 : memref<32x1024xf32, #tpu.memory_space<vmem>>)
    %add3A_16 = arith.constant 0 : i32
    %add3A_17 = arith.addi %mul3A_2, %add3A_16 : i32
    %dma_start3A_18 = arith.constant 0 : i32
    %dma_start3A_19 = tpu.memref_slice %arg4[%add3A_17, %dma_start3A_18] : memref<10240x1024xf32, #tpu.memory_space<hbm>> -> memref<32x1024xf32, #tpu.memory_space<hbm>>
    %dma_start3A_20 = arith.constant 0 : i32
    %dma_start3A_21 = tpu.memref_slice %arg4[%add3A_17, %dma_start3A_20] : memref<10240x1024xf32, #tpu.memory_space<hbm>> -> memref<32x1024xf32, #tpu.memory_space<hbm>>
    tpu.enqueue_dma source(%arg6 : memref<32x1024xf32, #tpu.memory_space<vmem>>) target(%dma_start3A_21 : memref<32x1024xf32, #tpu.memory_space<hbm>>) target_semaphore(%arg10 : memref<!tpu.dma_semaphore, #tpu.memory_space<semaphore_mem>>)
    %dma_wait3A_22 = arith.constant 0 : i32
    %dma_wait3A_23 = tpu.memref_slice %arg4[%add3A_17, %dma_wait3A_22] : memref<10240x1024xf32, #tpu.memory_space<hbm>> -> memref<32x1024xf32, #tpu.memory_space<hbm>>
    %dma_wait3A_24 = arith.constant 0 : i32
    %dma_wait3A_25 = tpu.memref_slice %arg4[%add3A_17, %dma_wait3A_24] : memref<10240x1024xf32, #tpu.memory_space<hbm>> -> memref<32x1024xf32, #tpu.memory_space<hbm>>
    tpu.wait_dma2 semaphore(%arg10 : memref<!tpu.dma_semaphore, #tpu.memory_space<semaphore_mem>>) src(%arg6 : memref<32x1024xf32, #tpu.memory_space<vmem>>) dst(%dma_wait3A_25 : memref<32x1024xf32, #tpu.memory_space<hbm>>)
    %dma_start3A_26 = arith.constant 64 : i32
    %dma_start3A_27 = tpu.memref_slice %arg5[%dma_start3A_26] : memref<320xi32, #tpu.memory_space<vmem>> -> memref<32xi32, #tpu.memory_space<vmem>>
    %dma_start3A_28 = arith.constant 0 : i32
    %dma_start3A_29 = arith.constant 0 : i32
    %dma_start3A_30 = tpu.memref_slice %arg2[%dma_start3A_28, %dma_start3A_29] : memref<4096x1024xf32, #tpu.memory_space<hbm>> -> memref<4096x1024xf32, #tpu.memory_space<hbm>>
    tpu.enqueue_indirect_dma source(%dma_start3A_30 : memref<4096x1024xf32, #tpu.memory_space<hbm>>) target(%arg6 : memref<32x1024xf32, #tpu.memory_space<vmem>>) offsets(%dma_start3A_27 : memref<32xi32, #tpu.memory_space<vmem>>) semaphore(%arg8 : memref<!tpu.dma_semaphore, #tpu.memory_space<semaphore_mem>>)
    %dma_wait3A_31 = arith.constant 32 : i32
    %dma_wait3A_32 = tpu.memref_slice %arg5[%dma_wait3A_31] : memref<320xi32, #tpu.memory_space<vmem>> -> memref<32xi32, #tpu.memory_space<vmem>>
    %dma_wait3A_33 = arith.constant 0 : i32
    %dma_wait3A_34 = arith.constant 0 : i32
    %dma_wait3A_35 = tpu.memref_slice %arg2[%dma_wait3A_33, %dma_wait3A_34] : memref<4096x1024xf32, #tpu.memory_space<hbm>> -> memref<4096x1024xf32, #tpu.memory_space<hbm>>
    tpu.wait_indirect_dma semaphore(%arg9 : memref<!tpu.dma_semaphore, #tpu.memory_space<semaphore_mem>>) src(%dma_wait3A_35 : memref<4096x1024xf32, #tpu.memory_space<hbm>>) dst(%arg7 : memref<32x1024xf32, #tpu.memory_space<vmem>>)
    %add3A_36 = arith.constant 32 : i32
    %add3A_37 = arith.addi %mul3A_2, %add3A_36 : i32
    %dma_start3A_38 = arith.constant 0 : i32
    %dma_start3A_39 = tpu.memref_slice %arg4[%add3A_37, %dma_start3A_38] : memref<10240x1024xf32, #tpu.memory_space<hbm>> -> memref<32x1024xf32, #tpu.memory_space<hbm>>
    %dma_start3A_40 = arith.constant 0 : i32
    %dma_start3A_41 = tpu.memref_slice %arg4[%add3A_37, %dma_start3A_40] : memref<10240x1024xf32, #tpu.memory_space<hbm>> -> memref<32x1024xf32, #tpu.memory_space<hbm>>
    tpu.enqueue_dma source(%arg7 : memref<32x1024xf32, #tpu.memory_space<vmem>>) target(%dma_start3A_41 : memref<32x1024xf32, #tpu.memory_space<hbm>>) target_semaphore(%arg11 : memref<!tpu.dma_semaphore, #tpu.memory_space<semaphore_mem>>)
    %dma_wait3A_42 = arith.constant 0 : i32
    %dma_wait3A_43 = tpu.memref_slice %arg4[%add3A_37, %dma_wait3A_42] : memref<10240x1024xf32, #tpu.memory_space<hbm>> -> memref<32x1024xf32, #tpu.memory_space<hbm>>
    %dma_wait3A_44 = arith.constant 0 : i32
    %dma_wait3A_45 = tpu.memref_slice %arg4[%add3A_37, %dma_wait3A_44] : memref<10240x1024xf32, #tpu.memory_space<hbm>> -> memref<32x1024xf32, #tpu.memory_space<hbm>>
    tpu.wait_dma2 semaphore(%arg11 : memref<!tpu.dma_semaphore, #tpu.memory_space<semaphore_mem>>) src(%arg7 : memref<32x1024xf32, #tpu.memory_space<vmem>>) dst(%dma_wait3A_45 : memref<32x1024xf32, #tpu.memory_space<hbm>>)
    %dma_start3A_46 = arith.constant 96 : i32
    %dma_start3A_47 = tpu.memref_slice %arg5[%dma_start3A_46] : memref<320xi32, #tpu.memory_space<vmem>> -> memref<32xi32, #tpu.memory_space<vmem>>
    %dma_start3A_48 = arith.constant 0 : i32
    %dma_start3A_49 = arith.constant 0 : i32
    %dma_start3A_50 = tpu.memref_slice %arg2[%dma_start3A_48, %dma_start3A_49] : memref<4096x1024xf32, #tpu.memory_space<hbm>> -> memref<4096x1024xf32, #tpu.memory_space<hbm>>
    tpu.enqueue_indirect_dma source(%dma_start3A_50 : memref<4096x1024xf32, #tpu.memory_space<hbm>>) target(%arg7 : memref<32x1024xf32, #tpu.memory_space<vmem>>) offsets(%dma_start3A_47 : memref<32xi32, #tpu.memory_space<vmem>>) semaphore(%arg9 : memref<!tpu.dma_semaphore, #tpu.memory_space<semaphore_mem>>)
    %dma_wait3A_51 = arith.constant 64 : i32
    %dma_wait3A_52 = tpu.memref_slice %arg5[%dma_wait3A_51] : memref<320xi32, #tpu.memory_space<vmem>> -> memref<32xi32, #tpu.memory_space<vmem>>
    %dma_wait3A_53 = arith.constant 0 : i32
    %dma_wait3A_54 = arith.constant 0 : i32
    %dma_wait3A_55 = tpu.memref_slice %arg2[%dma_wait3A_53, %dma_wait3A_54] : memref<4096x1024xf32, #tpu.memory_space<hbm>> -> memref<4096x1024xf32, #tpu.memory_space<hbm>>
    tpu.wait_indirect_dma semaphore(%arg8 : memref<!tpu.dma_semaphore, #tpu.memory_space<semaphore_mem>>) src(%dma_wait3A_55 : memref<4096x1024xf32, #tpu.memory_space<hbm>>) dst(%arg6 : memref<32x1024xf32, #tpu.memory_space<vmem>>)
    %add3A_56 = arith.constant 64 : i32
    %add3A_57 = arith.addi %mul3A_2, %add3A_56 : i32
    %dma_start3A_58 = arith.constant 0 : i32
    %dma_start3A_59 = tpu.memref_slice %arg4[%add3A_57, %dma_start3A_58] : memref<10240x1024xf32, #tpu.memory_space<hbm>> -> memref<32x1024xf32, #tpu.memory_space<hbm>>
    %dma_start3A_60 = arith.constant 0 : i32
    %dma_start3A_61 = tpu.memref_slice %arg4[%add3A_57, %dma_start3A_60] : memref<10240x1024xf32, #tpu.memory_space<hbm>> -> memref<32x1024xf32, #tpu.memory_space<hbm>>
    tpu.enqueue_dma source(%arg6 : memref<32x1024xf32, #tpu.memory_space<vmem>>) target(%dma_start3A_61 : memref<32x1024xf32, #tpu.memory_space<hbm>>) target_semaphore(%arg10 : memref<!tpu.dma_semaphore, #tpu.memory_space<semaphore_mem>>)
    %dma_wait3A_62 = arith.constant 0 : i32
    %dma_wait3A_63 = tpu.memref_slice %arg4[%add3A_57, %dma_wait3A_62] : memref<10240x1024xf32, #tpu.memory_space<hbm>> -> memref<32x1024xf32, #tpu.memory_space<hbm>>
    %dma_wait3A_64 = arith.constant 0 : i32
    %dma_wait3A_65 = tpu.memref_slice %arg4[%add3A_57, %dma_wait3A_64] : memref<10240x1024xf32, #tpu.memory_space<hbm>> -> memref<32x1024xf32, #tpu.memory_space<hbm>>
    tpu.wait_dma2 semaphore(%arg10 : memref<!tpu.dma_semaphore, #tpu.memory_space<semaphore_mem>>) src(%arg6 : memref<32x1024xf32, #tpu.memory_space<vmem>>) dst(%dma_wait3A_65 : memref<32x1024xf32, #tpu.memory_space<hbm>>)
    %dma_start3A_66 = arith.constant 128 : i32
    %dma_start3A_67 = tpu.memref_slice %arg5[%dma_start3A_66] : memref<320xi32, #tpu.memory_space<vmem>> -> memref<32xi32, #tpu.memory_space<vmem>>
    %dma_start3A_68 = arith.constant 0 : i32
    %dma_start3A_69 = arith.constant 0 : i32
    %dma_start3A_70 = tpu.memref_slice %arg2[%dma_start3A_68, %dma_start3A_69] : memref<4096x1024xf32, #tpu.memory_space<hbm>> -> memref<4096x1024xf32, #tpu.memory_space<hbm>>
    tpu.enqueue_indirect_dma source(%dma_start3A_70 : memref<4096x1024xf32, #tpu.memory_space<hbm>>) target(%arg6 : memref<32x1024xf32, #tpu.memory_space<vmem>>) offsets(%dma_start3A_67 : memref<32xi32, #tpu.memory_space<vmem>>) semaphore(%arg8 : memref<!tpu.dma_semaphore, #tpu.memory_space<semaphore_mem>>)
    %dma_wait3A_71 = arith.constant 96 : i32
    %dma_wait3A_72 = tpu.memref_slice %arg5[%dma_wait3A_71] : memref<320xi32, #tpu.memory_space<vmem>> -> memref<32xi32, #tpu.memory_space<vmem>>
    %dma_wait3A_73 = arith.constant 0 : i32
    %dma_wait3A_74 = arith.constant 0 : i32
    %dma_wait3A_75 = tpu.memref_slice %arg2[%dma_wait3A_73, %dma_wait3A_74] : memref<4096x1024xf32, #tpu.memory_space<hbm>> -> memref<4096x1024xf32, #tpu.memory_space<hbm>>
    tpu.wait_indirect_dma semaphore(%arg9 : memref<!tpu.dma_semaphore, #tpu.memory_space<semaphore_mem>>) src(%dma_wait3A_75 : memref<4096x1024xf32, #tpu.memory_space<hbm>>) dst(%arg7 : memref<32x1024xf32, #tpu.memory_space<vmem>>)
    %add3A_76 = arith.constant 96 : i32
    %add3A_77 = arith.addi %mul3A_2, %add3A_76 : i32
    %dma_start3A_78 = arith.constant 0 : i32
    %dma_start3A_79 = tpu.memref_slice %arg4[%add3A_77, %dma_start3A_78] : memref<10240x1024xf32, #tpu.memory_space<hbm>> -> memref<32x1024xf32, #tpu.memory_space<hbm>>
    %dma_start3A_80 = arith.constant 0 : i32
    %dma_start3A_81 = tpu.memref_slice %arg4[%add3A_77, %dma_start3A_80] : memref<10240x1024xf32, #tpu.memory_space<hbm>> -> memref<32x1024xf32, #tpu.memory_space<hbm>>
    tpu.enqueue_dma source(%arg7 : memref<32x1024xf32, #tpu.memory_space<vmem>>) target(%dma_start3A_81 : memref<32x1024xf32, #tpu.memory_space<hbm>>) target_semaphore(%arg11 : memref<!tpu.dma_semaphore, #tpu.memory_space<semaphore_mem>>)
    %dma_wait3A_82 = arith.constant 0 : i32
    %dma_wait3A_83 = tpu.memref_slice %arg4[%add3A_77, %dma_wait3A_82] : memref<10240x1024xf32, #tpu.memory_space<hbm>> -> memref<32x1024xf32, #tpu.memory_space<hbm>>
    %dma_wait3A_84 = arith.constant 0 : i32
    %dma_wait3A_85 = tpu.memref_slice %arg4[%add3A_77, %dma_wait3A_84] : memref<10240x1024xf32, #tpu.memory_space<hbm>> -> memref<32x1024xf32, #tpu.memory_space<hbm>>
    tpu.wait_dma2 semaphore(%arg11 : memref<!tpu.dma_semaphore, #tpu.memory_space<semaphore_mem>>) src(%arg7 : memref<32x1024xf32, #tpu.memory_space<vmem>>) dst(%dma_wait3A_85 : memref<32x1024xf32, #tpu.memory_space<hbm>>)
    %dma_start3A_86 = arith.constant 160 : i32
    %dma_start3A_87 = tpu.memref_slice %arg5[%dma_start3A_86] : memref<320xi32, #tpu.memory_space<vmem>> -> memref<32xi32, #tpu.memory_space<vmem>>
    %dma_start3A_88 = arith.constant 0 : i32
    %dma_start3A_89 = arith.constant 0 : i32
    %dma_start3A_90 = tpu.memref_slice %arg2[%dma_start3A_88, %dma_start3A_89] : memref<4096x1024xf32, #tpu.memory_space<hbm>> -> memref<4096x1024xf32, #tpu.memory_space<hbm>>
    tpu.enqueue_indirect_dma source(%dma_start3A_90 : memref<4096x1024xf32, #tpu.memory_space<hbm>>) target(%arg7 : memref<32x1024xf32, #tpu.memory_space<vmem>>) offsets(%dma_start3A_87 : memref<32xi32, #tpu.memory_space<vmem>>) semaphore(%arg9 : memref<!tpu.dma_semaphore, #tpu.memory_space<semaphore_mem>>)
    %dma_wait3A_91 = arith.constant 128 : i32
    %dma_wait3A_92 = tpu.memref_slice %arg5[%dma_wait3A_91] : memref<320xi32, #tpu.memory_space<vmem>> -> memref<32xi32, #tpu.memory_space<vmem>>
    %dma_wait3A_93 = arith.constant 0 : i32
    %dma_wait3A_94 = arith.constant 0 : i32
    %dma_wait3A_95 = tpu.memref_slice %arg2[%dma_wait3A_93, %dma_wait3A_94] : memref<4096x1024xf32, #tpu.memory_space<hbm>> -> memref<4096x1024xf32, #tpu.memory_space<hbm>>
    tpu.wait_indirect_dma semaphore(%arg8 : memref<!tpu.dma_semaphore, #tpu.memory_space<semaphore_mem>>) src(%dma_wait3A_95 : memref<4096x1024xf32, #tpu.memory_space<hbm>>) dst(%arg6 : memref<32x1024xf32, #tpu.memory_space<vmem>>)
    %add3A_96 = arith.constant 128 : i32
    %add3A_97 = arith.addi %mul3A_2, %add3A_96 : i32
    %dma_start3A_98 = arith.constant 0 : i32
    %dma_start3A_99 = tpu.memref_slice %arg4[%add3A_97, %dma_start3A_98] : memref<10240x1024xf32, #tpu.memory_space<hbm>> -> memref<32x1024xf32, #tpu.memory_space<hbm>>
    %dma_start3A_100 = arith.constant 0 : i32
    %dma_start3A_101 = tpu.memref_slice %arg4[%add3A_97, %dma_start3A_100] : memref<10240x1024xf32, #tpu.memory_space<hbm>> -> memref<32x1024xf32, #tpu.memory_space<hbm>>
    tpu.enqueue_dma source(%arg6 : memref<32x1024xf32, #tpu.memory_space<vmem>>) target(%dma_start3A_101 : memref<32x1024xf32, #tpu.memory_space<hbm>>) target_semaphore(%arg10 : memref<!tpu.dma_semaphore, #tpu.memory_space<semaphore_mem>>)
    %dma_wait3A_102 = arith.constant 0 : i32
    %dma_wait3A_103 = tpu.memref_slice %arg4[%add3A_97, %dma_wait3A_102] : memref<10240x1024xf32, #tpu.memory_space<hbm>> -> memref<32x1024xf32, #tpu.memory_space<hbm>>
    %dma_wait3A_104 = arith.constant 0 : i32
    %dma_wait3A_105 = tpu.memref_slice %arg4[%add3A_97, %dma_wait3A_104] : memref<10240x1024xf32, #tpu.memory_space<hbm>> -> memref<32x1024xf32, #tpu.memory_space<hbm>>
    tpu.wait_dma2 semaphore(%arg10 : memref<!tpu.dma_semaphore, #tpu.memory_space<semaphore_mem>>) src(%arg6 : memref<32x1024xf32, #tpu.memory_space<vmem>>) dst(%dma_wait3A_105 : memref<32x1024xf32, #tpu.memory_space<hbm>>)
    %dma_start3A_106 = arith.constant 192 : i32
    %dma_start3A_107 = tpu.memref_slice %arg5[%dma_start3A_106] : memref<320xi32, #tpu.memory_space<vmem>> -> memref<32xi32, #tpu.memory_space<vmem>>
    %dma_start3A_108 = arith.constant 0 : i32
    %dma_start3A_109 = arith.constant 0 : i32
    %dma_start3A_110 = tpu.memref_slice %arg2[%dma_start3A_108, %dma_start3A_109] : memref<4096x1024xf32, #tpu.memory_space<hbm>> -> memref<4096x1024xf32, #tpu.memory_space<hbm>>
    tpu.enqueue_indirect_dma source(%dma_start3A_110 : memref<4096x1024xf32, #tpu.memory_space<hbm>>) target(%arg6 : memref<32x1024xf32, #tpu.memory_space<vmem>>) offsets(%dma_start3A_107 : memref<32xi32, #tpu.memory_space<vmem>>) semaphore(%arg8 : memref<!tpu.dma_semaphore, #tpu.memory_space<semaphore_mem>>)
    %dma_wait3A_111 = arith.constant 160 : i32
    %dma_wait3A_112 = tpu.memref_slice %arg5[%dma_wait3A_111] : memref<320xi32, #tpu.memory_space<vmem>> -> memref<32xi32, #tpu.memory_space<vmem>>
    %dma_wait3A_113 = arith.constant 0 : i32
    %dma_wait3A_114 = arith.constant 0 : i32
    %dma_wait3A_115 = tpu.memref_slice %arg2[%dma_wait3A_113, %dma_wait3A_114] : memref<4096x1024xf32, #tpu.memory_space<hbm>> -> memref<4096x1024xf32, #tpu.memory_space<hbm>>
    tpu.wait_indirect_dma semaphore(%arg9 : memref<!tpu.dma_semaphore, #tpu.memory_space<semaphore_mem>>) src(%dma_wait3A_115 : memref<4096x1024xf32, #tpu.memory_space<hbm>>) dst(%arg7 : memref<32x1024xf32, #tpu.memory_space<vmem>>)
    %add3A_116 = arith.constant 160 : i32
    %add3A_117 = arith.addi %mul3A_2, %add3A_116 : i32
    %dma_start3A_118 = arith.constant 0 : i32
    %dma_start3A_119 = tpu.memref_slice %arg4[%add3A_117, %dma_start3A_118] : memref<10240x1024xf32, #tpu.memory_space<hbm>> -> memref<32x1024xf32, #tpu.memory_space<hbm>>
    %dma_start3A_120 = arith.constant 0 : i32
    %dma_start3A_121 = tpu.memref_slice %arg4[%add3A_117, %dma_start3A_120] : memref<10240x1024xf32, #tpu.memory_space<hbm>> -> memref<32x1024xf32, #tpu.memory_space<hbm>>
    tpu.enqueue_dma source(%arg7 : memref<32x1024xf32, #tpu.memory_space<vmem>>) target(%dma_start3A_121 : memref<32x1024xf32, #tpu.memory_space<hbm>>) target_semaphore(%arg11 : memref<!tpu.dma_semaphore, #tpu.memory_space<semaphore_mem>>)
    %dma_wait3A_122 = arith.constant 0 : i32
    %dma_wait3A_123 = tpu.memref_slice %arg4[%add3A_117, %dma_wait3A_122] : memref<10240x1024xf32, #tpu.memory_space<hbm>> -> memref<32x1024xf32, #tpu.memory_space<hbm>>
    %dma_wait3A_124 = arith.constant 0 : i32
    %dma_wait3A_125 = tpu.memref_slice %arg4[%add3A_117, %dma_wait3A_124] : memref<10240x1024xf32, #tpu.memory_space<hbm>> -> memref<32x1024xf32, #tpu.memory_space<hbm>>
    tpu.wait_dma2 semaphore(%arg11 : memref<!tpu.dma_semaphore, #tpu.memory_space<semaphore_mem>>) src(%arg7 : memref<32x1024xf32, #tpu.memory_space<vmem>>) dst(%dma_wait3A_125 : memref<32x1024xf32, #tpu.memory_space<hbm>>)
    %dma_start3A_126 = arith.constant 224 : i32
    %dma_start3A_127 = tpu.memref_slice %arg5[%dma_start3A_126] : memref<320xi32, #tpu.memory_space<vmem>> -> memref<32xi32, #tpu.memory_space<vmem>>
    %dma_start3A_128 = arith.constant 0 : i32
    %dma_start3A_129 = arith.constant 0 : i32
    %dma_start3A_130 = tpu.memref_slice %arg2[%dma_start3A_128, %dma_start3A_129] : memref<4096x1024xf32, #tpu.memory_space<hbm>> -> memref<4096x1024xf32, #tpu.memory_space<hbm>>
    tpu.enqueue_indirect_dma source(%dma_start3A_130 : memref<4096x1024xf32, #tpu.memory_space<hbm>>) target(%arg7 : memref<32x1024xf32, #tpu.memory_space<vmem>>) offsets(%dma_start3A_127 : memref<32xi32, #tpu.memory_space<vmem>>) semaphore(%arg9 : memref<!tpu.dma_semaphore, #tpu.memory_space<semaphore_mem>>)
    %dma_wait3A_131 = arith.constant 192 : i32
    %dma_wait3A_132 = tpu.memref_slice %arg5[%dma_wait3A_131] : memref<320xi32, #tpu.memory_space<vmem>> -> memref<32xi32, #tpu.memory_space<vmem>>
    %dma_wait3A_133 = arith.constant 0 : i32
    %dma_wait3A_134 = arith.constant 0 : i32
    %dma_wait3A_135 = tpu.memref_slice %arg2[%dma_wait3A_133, %dma_wait3A_134] : memref<4096x1024xf32, #tpu.memory_space<hbm>> -> memref<4096x1024xf32, #tpu.memory_space<hbm>>
    tpu.wait_indirect_dma semaphore(%arg8 : memref<!tpu.dma_semaphore, #tpu.memory_space<semaphore_mem>>) src(%dma_wait3A_135 : memref<4096x1024xf32, #tpu.memory_space<hbm>>) dst(%arg6 : memref<32x1024xf32, #tpu.memory_space<vmem>>)
    %add3A_136 = arith.constant 192 : i32
    %add3A_137 = arith.addi %mul3A_2, %add3A_136 : i32
    %dma_start3A_138 = arith.constant 0 : i32
    %dma_start3A_139 = tpu.memref_slice %arg4[%add3A_137, %dma_start3A_138] : memref<10240x1024xf32, #tpu.memory_space<hbm>> -> memref<32x1024xf32, #tpu.memory_space<hbm>>
    %dma_start3A_140 = arith.constant 0 : i32
    %dma_start3A_141 = tpu.memref_slice %arg4[%add3A_137, %dma_start3A_140] : memref<10240x1024xf32, #tpu.memory_space<hbm>> -> memref<32x1024xf32, #tpu.memory_space<hbm>>
    tpu.enqueue_dma source(%arg6 : memref<32x1024xf32, #tpu.memory_space<vmem>>) target(%dma_start3A_141 : memref<32x1024xf32, #tpu.memory_space<hbm>>) target_semaphore(%arg10 : memref<!tpu.dma_semaphore, #tpu.memory_space<semaphore_mem>>)
    %dma_wait3A_142 = arith.constant 0 : i32
    %dma_wait3A_143 = tpu.memref_slice %arg4[%add3A_137, %dma_wait3A_142] : memref<10240x1024xf32, #tpu.memory_space<hbm>> -> memref<32x1024xf32, #tpu.memory_space<hbm>>
    %dma_wait3A_144 = arith.constant 0 : i32
    %dma_wait3A_145 = tpu.memref_slice %arg4[%add3A_137, %dma_wait3A_144] : memref<10240x1024xf32, #tpu.memory_space<hbm>> -> memref<32x1024xf32, #tpu.memory_space<hbm>>
    tpu.wait_dma2 semaphore(%arg10 : memref<!tpu.dma_semaphore, #tpu.memory_space<semaphore_mem>>) src(%arg6 : memref<32x1024xf32, #tpu.memory_space<vmem>>) dst(%dma_wait3A_145 : memref<32x1024xf32, #tpu.memory_space<hbm>>)
    %dma_start3A_146 = arith.constant 256 : i32
    %dma_start3A_147 = tpu.memref_slice %arg5[%dma_start3A_146] : memref<320xi32, #tpu.memory_space<vmem>> -> memref<32xi32, #tpu.memory_space<vmem>>
    %dma_start3A_148 = arith.constant 0 : i32
    %dma_start3A_149 = arith.constant 0 : i32
    %dma_start3A_150 = tpu.memref_slice %arg2[%dma_start3A_148, %dma_start3A_149] : memref<4096x1024xf32, #tpu.memory_space<hbm>> -> memref<4096x1024xf32, #tpu.memory_space<hbm>>
    tpu.enqueue_indirect_dma source(%dma_start3A_150 : memref<4096x1024xf32, #tpu.memory_space<hbm>>) target(%arg6 : memref<32x1024xf32, #tpu.memory_space<vmem>>) offsets(%dma_start3A_147 : memref<32xi32, #tpu.memory_space<vmem>>) semaphore(%arg8 : memref<!tpu.dma_semaphore, #tpu.memory_space<semaphore_mem>>)
    %dma_wait3A_151 = arith.constant 224 : i32
    %dma_wait3A_152 = tpu.memref_slice %arg5[%dma_wait3A_151] : memref<320xi32, #tpu.memory_space<vmem>> -> memref<32xi32, #tpu.memory_space<vmem>>
    %dma_wait3A_153 = arith.constant 0 : i32
    %dma_wait3A_154 = arith.constant 0 : i32
    %dma_wait3A_155 = tpu.memref_slice %arg2[%dma_wait3A_153, %dma_wait3A_154] : memref<4096x1024xf32, #tpu.memory_space<hbm>> -> memref<4096x1024xf32, #tpu.memory_space<hbm>>
    tpu.wait_indirect_dma semaphore(%arg9 : memref<!tpu.dma_semaphore, #tpu.memory_space<semaphore_mem>>) src(%dma_wait3A_155 : memref<4096x1024xf32, #tpu.memory_space<hbm>>) dst(%arg7 : memref<32x1024xf32, #tpu.memory_space<vmem>>)
    %add3A_156 = arith.constant 224 : i32
    %add3A_157 = arith.addi %mul3A_2, %add3A_156 : i32
    %dma_start3A_158 = arith.constant 0 : i32
    %dma_start3A_159 = tpu.memref_slice %arg4[%add3A_157, %dma_start3A_158] : memref<10240x1024xf32, #tpu.memory_space<hbm>> -> memref<32x1024xf32, #tpu.memory_space<hbm>>
    %dma_start3A_160 = arith.constant 0 : i32
    %dma_start3A_161 = tpu.memref_slice %arg4[%add3A_157, %dma_start3A_160] : memref<10240x1024xf32, #tpu.memory_space<hbm>> -> memref<32x1024xf32, #tpu.memory_space<hbm>>
    tpu.enqueue_dma source(%arg7 : memref<32x1024xf32, #tpu.memory_space<vmem>>) target(%dma_start3A_161 : memref<32x1024xf32, #tpu.memory_space<hbm>>) target_semaphore(%arg11 : memref<!tpu.dma_semaphore, #tpu.memory_space<semaphore_mem>>)
    %dma_wait3A_162 = arith.constant 0 : i32
    %dma_wait3A_163 = tpu.memref_slice %arg4[%add3A_157, %dma_wait3A_162] : memref<10240x1024xf32, #tpu.memory_space<hbm>> -> memref<32x1024xf32, #tpu.memory_space<hbm>>
    %dma_wait3A_164 = arith.constant 0 : i32
    %dma_wait3A_165 = tpu.memref_slice %arg4[%add3A_157, %dma_wait3A_164] : memref<10240x1024xf32, #tpu.memory_space<hbm>> -> memref<32x1024xf32, #tpu.memory_space<hbm>>
    tpu.wait_dma2 semaphore(%arg11 : memref<!tpu.dma_semaphore, #tpu.memory_space<semaphore_mem>>) src(%arg7 : memref<32x1024xf32, #tpu.memory_space<vmem>>) dst(%dma_wait3A_165 : memref<32x1024xf32, #tpu.memory_space<hbm>>)
    %dma_start3A_166 = arith.constant 288 : i32
    %dma_start3A_167 = tpu.memref_slice %arg5[%dma_start3A_166] : memref<320xi32, #tpu.memory_space<vmem>> -> memref<32xi32, #tpu.memory_space<vmem>>
    %dma_start3A_168 = arith.constant 0 : i32
    %dma_start3A_169 = arith.constant 0 : i32
    %dma_start3A_170 = tpu.memref_slice %arg2[%dma_start3A_168, %dma_start3A_169] : memref<4096x1024xf32, #tpu.memory_space<hbm>> -> memref<4096x1024xf32, #tpu.memory_space<hbm>>
    tpu.enqueue_indirect_dma source(%dma_start3A_170 : memref<4096x1024xf32, #tpu.memory_space<hbm>>) target(%arg7 : memref<32x1024xf32, #tpu.memory_space<vmem>>) offsets(%dma_start3A_167 : memref<32xi32, #tpu.memory_space<vmem>>) semaphore(%arg9 : memref<!tpu.dma_semaphore, #tpu.memory_space<semaphore_mem>>)
    %dma_wait3A_171 = arith.constant 256 : i32
    %dma_wait3A_172 = tpu.memref_slice %arg5[%dma_wait3A_171] : memref<320xi32, #tpu.memory_space<vmem>> -> memref<32xi32, #tpu.memory_space<vmem>>
    %dma_wait3A_173 = arith.constant 0 : i32
    %dma_wait3A_174 = arith.constant 0 : i32
    %dma_wait3A_175 = tpu.memref_slice %arg2[%dma_wait3A_173, %dma_wait3A_174] : memref<4096x1024xf32, #tpu.memory_space<hbm>> -> memref<4096x1024xf32, #tpu.memory_space<hbm>>
    tpu.wait_indirect_dma semaphore(%arg8 : memref<!tpu.dma_semaphore, #tpu.memory_space<semaphore_mem>>) src(%dma_wait3A_175 : memref<4096x1024xf32, #tpu.memory_space<hbm>>) dst(%arg6 : memref<32x1024xf32, #tpu.memory_space<vmem>>)
    %add3A_176 = arith.constant 256 : i32
    %add3A_177 = arith.addi %mul3A_2, %add3A_176 : i32
    %dma_start3A_178 = arith.constant 0 : i32
    %dma_start3A_179 = tpu.memref_slice %arg4[%add3A_177, %dma_start3A_178] : memref<10240x1024xf32, #tpu.memory_space<hbm>> -> memref<32x1024xf32, #tpu.memory_space<hbm>>
    %dma_start3A_180 = arith.constant 0 : i32
    %dma_start3A_181 = tpu.memref_slice %arg4[%add3A_177, %dma_start3A_180] : memref<10240x1024xf32, #tpu.memory_space<hbm>> -> memref<32x1024xf32, #tpu.memory_space<hbm>>
    tpu.enqueue_dma source(%arg6 : memref<32x1024xf32, #tpu.memory_space<vmem>>) target(%dma_start3A_181 : memref<32x1024xf32, #tpu.memory_space<hbm>>) target_semaphore(%arg10 : memref<!tpu.dma_semaphore, #tpu.memory_space<semaphore_mem>>)
    %dma_wait3A_182 = arith.constant 288 : i32
    %dma_wait3A_183 = tpu.memref_slice %arg5[%dma_wait3A_182] : memref<320xi32, #tpu.memory_space<vmem>> -> memref<32xi32, #tpu.memory_space<vmem>>
    %dma_wait3A_184 = arith.constant 0 : i32
    %dma_wait3A_185 = arith.constant 0 : i32
    %dma_wait3A_186 = tpu.memref_slice %arg2[%dma_wait3A_184, %dma_wait3A_185] : memref<4096x1024xf32, #tpu.memory_space<hbm>> -> memref<4096x1024xf32, #tpu.memory_space<hbm>>
    tpu.wait_indirect_dma semaphore(%arg9 : memref<!tpu.dma_semaphore, #tpu.memory_space<semaphore_mem>>) src(%dma_wait3A_186 : memref<4096x1024xf32, #tpu.memory_space<hbm>>) dst(%arg7 : memref<32x1024xf32, #tpu.memory_space<vmem>>)
    %add3A_187 = arith.constant 288 : i32
    %add3A_188 = arith.addi %mul3A_2, %add3A_187 : i32
    %dma_start3A_189 = arith.constant 0 : i32
    %dma_start3A_190 = tpu.memref_slice %arg4[%add3A_188, %dma_start3A_189] : memref<10240x1024xf32, #tpu.memory_space<hbm>> -> memref<32x1024xf32, #tpu.memory_space<hbm>>
    %dma_start3A_191 = arith.constant 0 : i32
    %dma_start3A_192 = tpu.memref_slice %arg4[%add3A_188, %dma_start3A_191] : memref<10240x1024xf32, #tpu.memory_space<hbm>> -> memref<32x1024xf32, #tpu.memory_space<hbm>>
    tpu.enqueue_dma source(%arg7 : memref<32x1024xf32, #tpu.memory_space<vmem>>) target(%dma_start3A_192 : memref<32x1024xf32, #tpu.memory_space<hbm>>) target_semaphore(%arg11 : memref<!tpu.dma_semaphore, #tpu.memory_space<semaphore_mem>>)
    %dma_wait3A_193 = arith.constant 0 : i32
    %dma_wait3A_194 = tpu.memref_slice %arg4[%add3A_177, %dma_wait3A_193] : memref<10240x1024xf32, #tpu.memory_space<hbm>> -> memref<32x1024xf32, #tpu.memory_space<hbm>>
    %dma_wait3A_195 = arith.constant 0 : i32
    %dma_wait3A_196 = tpu.memref_slice %arg4[%add3A_177, %dma_wait3A_195] : memref<10240x1024xf32, #tpu.memory_space<hbm>> -> memref<32x1024xf32, #tpu.memory_space<hbm>>
    tpu.wait_dma2 semaphore(%arg10 : memref<!tpu.dma_semaphore, #tpu.memory_space<semaphore_mem>>) src(%arg6 : memref<32x1024xf32, #tpu.memory_space<vmem>>) dst(%dma_wait3A_196 : memref<32x1024xf32, #tpu.memory_space<hbm>>)
    %dma_wait3A_197 = arith.constant 0 : i32
    %dma_wait3A_198 = tpu.memref_slice %arg4[%add3A_188, %dma_wait3A_197] : memref<10240x1024xf32, #tpu.memory_space<hbm>> -> memref<32x1024xf32, #tpu.memory_space<hbm>>
    %dma_wait3A_199 = arith.constant 0 : i32
    %dma_wait3A_200 = tpu.memref_slice %arg4[%add3A_188, %dma_wait3A_199] : memref<10240x1024xf32, #tpu.memory_space<hbm>> -> memref<32x1024xf32, #tpu.memory_space<hbm>>
    tpu.wait_dma2 semaphore(%arg11 : memref<!tpu.dma_semaphore, #tpu.memory_space<semaphore_mem>>) src(%arg7 : memref<32x1024xf32, #tpu.memory_space<vmem>>) dst(%dma_wait3A_200 : memref<32x1024xf32, #tpu.memory_space<hbm>>)
    return
  }
}

#map = affine_map<(d0, d1) -> (0)>
#map1 = affine_map<(d0, d1) -> (0, 0)>
module attributes {stable_mosaic.version = 14 : i64} {
  func.func @_routing_body(%arg0: i32, %arg1: i32, %arg2: memref<4096xi32, #tpu.memory_space<hbm>>, %arg3: memref<4096xi32, #tpu.memory_space<hbm>>, %arg4: memref<4096xf32, #tpu.memory_space<hbm>>, %arg5: memref<4096xf32, #tpu.memory_space<hbm>>, %arg6: memref<256xi32, #tpu.memory_space<hbm>>, %arg7: memref<32x128xi32, #tpu.memory_space<hbm>>, %arg8: memref<32x128xi32, #tpu.memory_space<hbm>>, %arg9: memref<10240xi32, #tpu.memory_space<hbm>>, %arg10: memref<10240xf32, #tpu.memory_space<hbm>>, %arg11: memref<256xi32, #tpu.memory_space<vmem>>, %arg12: memref<256xi32, #tpu.memory_space<vmem>>, %arg13: memref<256xf32, #tpu.memory_space<vmem>>, %arg14: memref<256xi32, #tpu.memory_space<vmem>>, %arg15: memref<2x128xi32, #tpu.memory_space<vmem>>, %arg16: memref<2x128xi32, #tpu.memory_space<vmem>>, %arg17: memref<2x128xf32, #tpu.memory_space<vmem>>, %arg18: memref<256xi32, #tpu.memory_space<vmem>>, %arg19: memref<640xi32, #tpu.memory_space<vmem>>, %arg20: memref<!tpu.dma_semaphore, #tpu.memory_space<semaphore_mem>>) attributes {dimension_semantics = [#tpu.dimension_semantics<core_parallel>, #tpu.dimension_semantics<subcore_parallel>], iteration_bounds = array<i64: 2, 16>, scalar_prefetch = 0 : i64, scratch_operands = 10 : i64, tpu.core_type = #tpu.core_type<sc_vector_subcore>, window_params = [{transform_indices = #map}, {transform_indices = #map}, {transform_indices = #map}, {transform_indices = #map}, {transform_indices = #map}, {transform_indices = #map1}, {transform_indices = #map1}, {transform_indices = #map}, {transform_indices = #map}]} {
    %iota3A = tpu.iota {dimensions = array<i32: 0>} : vector<16xi32>
    %eq3A = arith.constant 0 : i32
    %eq3A_0 = arith.cmpi eq, %arg0, %eq3A : i32
    %convert_element_type3A = arith.extui %eq3A_0 : i1 to i32
    %cond3A = arith.constant 0 : i32
    %cond3A_1 = arith.cmpi ne, %convert_element_type3A, %cond3A : i32
    scf.if %cond3A_1 {
      %mul3A = arith.constant 256 : i32
      %mul3A_2 = arith.muli %arg1, %mul3A : i32
      %scan3A = arith.constant 0 : i32
      %scan3A_3 = arith.constant 0 : i32
      %scan3A_4 = arith.constant 40 : i32
      %scan3A_5 = arith.addi %scan3A_3, %scan3A_4 : i32
      %scan3A_6 = arith.constant 1 : i32
      %scan3A_7 = scf.for %scan3A_951 = %scan3A_3 to %scan3A_5 step %scan3A_6 iter_args(%scan3A_952 = %scan3A) -> (i32)  : i32 {
        %mul3A_953 = arith.constant 640 : i32
        %mul3A_954 = arith.muli %arg1, %mul3A_953 : i32
        %mul3A_955 = arith.constant 16 : i32
        %mul3A_956 = arith.muli %scan3A_951, %mul3A_955 : i32
        %add3A_957 = arith.addi %mul3A_954, %mul3A_956 : i32
        %add3A_958 = vector.broadcast %add3A_957 : i32 to vector<16xi32>
        %add3A_959 = arith.addi %add3A_958, %iota3A : vector<16xi32>
        %and3A_960 = arith.constant 4095 : i32
        %and3A_961 = vector.broadcast %and3A_960 : i32 to vector<16xi32>
        %and3A_962 = arith.andi %add3A_959, %and3A_961 : vector<16xi32>
        %mul3A_963 = arith.constant 16 : i32
        %mul3A_964 = arith.muli %scan3A_951, %mul3A_963 : i32
        %swap3A_965 = arith.index_cast %mul3A_964 : i32 to index
        %swap3A_966 = tpu.vector_load %arg19[%swap3A_965] {strides = array<i32>} : memref<640xi32, #tpu.memory_space<vmem>>, vector<16xi32>,
        tpu.vector_store %arg19[%swap3A_965], %and3A_962 {strides = array<i32>} : memref<640xi32, #tpu.memory_space<vmem>>, vector<16xi32>,
        %scan3A_967 = arith.constant 0 : i32
        scf.yield %scan3A_967 : i32
      }
      %scan3A_8 = arith.constant 40 : i32
      %mul3A_9 = arith.constant 640 : i32
      %mul3A_10 = arith.muli %arg1, %mul3A_9 : i32
      "tpu.region"() ({
        %run_scoped3A = tpu.sem_alloc : memref<!tpu.dma_semaphore, #tpu.memory_space<semaphore_mem>>
        %dma_start3A_951 = tpu.memref_slice %arg9[%mul3A_10] : memref<10240xi32, #tpu.memory_space<hbm>> -> memref<640xi32, #tpu.memory_space<hbm>>
        %dma_start3A_952 = tpu.memref_slice %arg9[%mul3A_10] : memref<10240xi32, #tpu.memory_space<hbm>> -> memref<640xi32, #tpu.memory_space<hbm>>
        tpu.enqueue_dma source(%arg19 : memref<640xi32, #tpu.memory_space<vmem>>) target(%dma_start3A_952 : memref<640xi32, #tpu.memory_space<hbm>>) target_semaphore(%run_scoped3A : memref<!tpu.dma_semaphore, #tpu.memory_space<semaphore_mem>>)
        %dma_wait3A_953 = tpu.memref_slice %arg9[%mul3A_10] : memref<10240xi32, #tpu.memory_space<hbm>> -> memref<640xi32, #tpu.memory_space<hbm>>
        %dma_wait3A_954 = tpu.memref_slice %arg9[%mul3A_10] : memref<10240xi32, #tpu.memory_space<hbm>> -> memref<640xi32, #tpu.memory_space<hbm>>
        tpu.wait_dma2 semaphore(%run_scoped3A : memref<!tpu.dma_semaphore, #tpu.memory_space<semaphore_mem>>) src(%arg19 : memref<640xi32, #tpu.memory_space<vmem>>) dst(%dma_wait3A_954 : memref<640xi32, #tpu.memory_space<hbm>>)
        tpu.yield
      }) : () -> ()
      %barrier3A = arith.constant 0 : index
      tpu.barrier barrier_id(%barrier3A)
      "tpu.region"() ({
        %run_scoped3A = tpu.sem_alloc : memref<!tpu.dma_semaphore, #tpu.memory_space<semaphore_mem>>
        %dma_start3A_951 = tpu.memref_slice %arg2[%mul3A_2] : memref<4096xi32, #tpu.memory_space<hbm>> -> memref<256xi32, #tpu.memory_space<hbm>>
        %dma_start3A_952 = tpu.memref_slice %arg2[%mul3A_2] : memref<4096xi32, #tpu.memory_space<hbm>> -> memref<256xi32, #tpu.memory_space<hbm>>
        tpu.enqueue_dma source(%dma_start3A_952 : memref<256xi32, #tpu.memory_space<hbm>>) target(%arg11 : memref<256xi32, #tpu.memory_space<vmem>>) target_semaphore(%run_scoped3A : memref<!tpu.dma_semaphore, #tpu.memory_space<semaphore_mem>>)
        %dma_wait3A_953 = tpu.memref_slice %arg2[%mul3A_2] : memref<4096xi32, #tpu.memory_space<hbm>> -> memref<256xi32, #tpu.memory_space<hbm>>
        %dma_wait3A_954 = tpu.memref_slice %arg2[%mul3A_2] : memref<4096xi32, #tpu.memory_space<hbm>> -> memref<256xi32, #tpu.memory_space<hbm>>
        tpu.wait_dma2 semaphore(%run_scoped3A : memref<!tpu.dma_semaphore, #tpu.memory_space<semaphore_mem>>) src(%dma_wait3A_954 : memref<256xi32, #tpu.memory_space<hbm>>) dst(%arg11 : memref<256xi32, #tpu.memory_space<vmem>>)
        tpu.yield
      }) : () -> ()
      "tpu.region"() ({
        %run_scoped3A = tpu.sem_alloc : memref<!tpu.dma_semaphore, #tpu.memory_space<semaphore_mem>>
        %dma_start3A_951 = tpu.memref_slice %arg3[%mul3A_2] : memref<4096xi32, #tpu.memory_space<hbm>> -> memref<256xi32, #tpu.memory_space<hbm>>
        %dma_start3A_952 = tpu.memref_slice %arg3[%mul3A_2] : memref<4096xi32, #tpu.memory_space<hbm>> -> memref<256xi32, #tpu.memory_space<hbm>>
        tpu.enqueue_dma source(%dma_start3A_952 : memref<256xi32, #tpu.memory_space<hbm>>) target(%arg12 : memref<256xi32, #tpu.memory_space<vmem>>) target_semaphore(%run_scoped3A : memref<!tpu.dma_semaphore, #tpu.memory_space<semaphore_mem>>)
        %dma_wait3A_953 = tpu.memref_slice %arg3[%mul3A_2] : memref<4096xi32, #tpu.memory_space<hbm>> -> memref<256xi32, #tpu.memory_space<hbm>>
        %dma_wait3A_954 = tpu.memref_slice %arg3[%mul3A_2] : memref<4096xi32, #tpu.memory_space<hbm>> -> memref<256xi32, #tpu.memory_space<hbm>>
        tpu.wait_dma2 semaphore(%run_scoped3A : memref<!tpu.dma_semaphore, #tpu.memory_space<semaphore_mem>>) src(%dma_wait3A_954 : memref<256xi32, #tpu.memory_space<hbm>>) dst(%arg12 : memref<256xi32, #tpu.memory_space<vmem>>)
        tpu.yield
      }) : () -> ()
      "tpu.region"() ({
        %run_scoped3A = tpu.sem_alloc : memref<!tpu.dma_semaphore, #tpu.memory_space<semaphore_mem>>
        tpu.enqueue_dma source(%arg6 : memref<256xi32, #tpu.memory_space<hbm>>) target(%arg18 : memref<256xi32, #tpu.memory_space<vmem>>) target_semaphore(%run_scoped3A : memref<!tpu.dma_semaphore, #tpu.memory_space<semaphore_mem>>)
        tpu.wait_dma2 semaphore(%run_scoped3A : memref<!tpu.dma_semaphore, #tpu.memory_space<semaphore_mem>>) src(%arg6 : memref<256xi32, #tpu.memory_space<hbm>>) dst(%arg18 : memref<256xi32, #tpu.memory_space<vmem>>)
        tpu.yield
      }) : () -> ()
      %broadcast_in_dim3A = arith.constant 0 : i32
      %broadcast_in_dim3A_11 = vector.broadcast %broadcast_in_dim3A : i32 to vector<16xi32>
      %broadcast_in_dim3A_12 = arith.constant 0 : i32
      %broadcast_in_dim3A_13 = vector.broadcast %broadcast_in_dim3A_12 : i32 to vector<16xi32>
      %get3A = arith.constant 0 : index
      %get3A_14 = tpu.vector_load %arg18[%get3A] {strides = array<i32>} : memref<256xi32, #tpu.memory_space<vmem>>, vector<16xi32>,
      %add3A = arith.addi %broadcast_in_dim3A_11, %get3A_14 : vector<16xi32>
      %broadcast_in_dim3A_15 = arith.constant 0 : i32
      %broadcast_in_dim3A_16 = vector.broadcast %broadcast_in_dim3A_15 : i32 to vector<16xi32>
      %broadcast_in_dim3A_17 = vector.broadcast %arg1 : i32 to vector<16xi32>
      %lt3A = arith.cmpi slt, %broadcast_in_dim3A_16, %broadcast_in_dim3A_17 : vector<16xi32>
      %jit3A = arith.constant 0 : i32
      %broadcast_in_dim3A_18 = vector.broadcast %jit3A : i32 to vector<16xi32>
      %select_n3A = arith.select %lt3A, %get3A_14, %broadcast_in_dim3A_18 : vector<16xi1>, vector<16xi32>
      %add3A_19 = arith.addi %broadcast_in_dim3A_13, %select_n3A : vector<16xi32>
      %get3A_20 = arith.constant 16 : index
      %get3A_21 = tpu.vector_load %arg18[%get3A_20] {strides = array<i32>} : memref<256xi32, #tpu.memory_space<vmem>>, vector<16xi32>,
      %add3A_22 = arith.addi %add3A, %get3A_21 : vector<16xi32>
      %broadcast_in_dim3A_23 = arith.constant 1 : i32
      %broadcast_in_dim3A_24 = vector.broadcast %broadcast_in_dim3A_23 : i32 to vector<16xi32>
      %broadcast_in_dim3A_25 = vector.broadcast %arg1 : i32 to vector<16xi32>
      %lt3A_26 = arith.cmpi slt, %broadcast_in_dim3A_24, %broadcast_in_dim3A_25 : vector<16xi32>
      %jit3A_27 = arith.constant 0 : i32
      %broadcast_in_dim3A_28 = vector.broadcast %jit3A_27 : i32 to vector<16xi32>
      %select_n3A_29 = arith.select %lt3A_26, %get3A_21, %broadcast_in_dim3A_28 : vector<16xi1>, vector<16xi32>
      %add3A_30 = arith.addi %add3A_19, %select_n3A_29 : vector<16xi32>
      %get3A_31 = arith.constant 32 : index
      %get3A_32 = tpu.vector_load %arg18[%get3A_31] {strides = array<i32>} : memref<256xi32, #tpu.memory_space<vmem>>, vector<16xi32>,
      %add3A_33 = arith.addi %add3A_22, %get3A_32 : vector<16xi32>
      %broadcast_in_dim3A_34 = arith.constant 2 : i32
      %broadcast_in_dim3A_35 = vector.broadcast %broadcast_in_dim3A_34 : i32 to vector<16xi32>
      %broadcast_in_dim3A_36 = vector.broadcast %arg1 : i32 to vector<16xi32>
      %lt3A_37 = arith.cmpi slt, %broadcast_in_dim3A_35, %broadcast_in_dim3A_36 : vector<16xi32>
      %jit3A_38 = arith.constant 0 : i32
      %broadcast_in_dim3A_39 = vector.broadcast %jit3A_38 : i32 to vector<16xi32>
      %select_n3A_40 = arith.select %lt3A_37, %get3A_32, %broadcast_in_dim3A_39 : vector<16xi1>, vector<16xi32>
      %add3A_41 = arith.addi %add3A_30, %select_n3A_40 : vector<16xi32>
      %get3A_42 = arith.constant 48 : index
      %get3A_43 = tpu.vector_load %arg18[%get3A_42] {strides = array<i32>} : memref<256xi32, #tpu.memory_space<vmem>>, vector<16xi32>,
      %add3A_44 = arith.addi %add3A_33, %get3A_43 : vector<16xi32>
      %broadcast_in_dim3A_45 = arith.constant 3 : i32
      %broadcast_in_dim3A_46 = vector.broadcast %broadcast_in_dim3A_45 : i32 to vector<16xi32>
      %broadcast_in_dim3A_47 = vector.broadcast %arg1 : i32 to vector<16xi32>
      %lt3A_48 = arith.cmpi slt, %broadcast_in_dim3A_46, %broadcast_in_dim3A_47 : vector<16xi32>
      %jit3A_49 = arith.constant 0 : i32
      %broadcast_in_dim3A_50 = vector.broadcast %jit3A_49 : i32 to vector<16xi32>
      %select_n3A_51 = arith.select %lt3A_48, %get3A_43, %broadcast_in_dim3A_50 : vector<16xi1>, vector<16xi32>
      %add3A_52 = arith.addi %add3A_41, %select_n3A_51 : vector<16xi32>
      %get3A_53 = arith.constant 64 : index
      %get3A_54 = tpu.vector_load %arg18[%get3A_53] {strides = array<i32>} : memref<256xi32, #tpu.memory_space<vmem>>, vector<16xi32>,
      %add3A_55 = arith.addi %add3A_44, %get3A_54 : vector<16xi32>
      %broadcast_in_dim3A_56 = arith.constant 4 : i32
      %broadcast_in_dim3A_57 = vector.broadcast %broadcast_in_dim3A_56 : i32 to vector<16xi32>
      %broadcast_in_dim3A_58 = vector.broadcast %arg1 : i32 to vector<16xi32>
      %lt3A_59 = arith.cmpi slt, %broadcast_in_dim3A_57, %broadcast_in_dim3A_58 : vector<16xi32>
      %jit3A_60 = arith.constant 0 : i32
      %broadcast_in_dim3A_61 = vector.broadcast %jit3A_60 : i32 to vector<16xi32>
      %select_n3A_62 = arith.select %lt3A_59, %get3A_54, %broadcast_in_dim3A_61 : vector<16xi1>, vector<16xi32>
      %add3A_63 = arith.addi %add3A_52, %select_n3A_62 : vector<16xi32>
      %get3A_64 = arith.constant 80 : index
      %get3A_65 = tpu.vector_load %arg18[%get3A_64] {strides = array<i32>} : memref<256xi32, #tpu.memory_space<vmem>>, vector<16xi32>,
      %add3A_66 = arith.addi %add3A_55, %get3A_65 : vector<16xi32>
      %broadcast_in_dim3A_67 = arith.constant 5 : i32
      %broadcast_in_dim3A_68 = vector.broadcast %broadcast_in_dim3A_67 : i32 to vector<16xi32>
      %broadcast_in_dim3A_69 = vector.broadcast %arg1 : i32 to vector<16xi32>
      %lt3A_70 = arith.cmpi slt, %broadcast_in_dim3A_68, %broadcast_in_dim3A_69 : vector<16xi32>
      %jit3A_71 = arith.constant 0 : i32
      %broadcast_in_dim3A_72 = vector.broadcast %jit3A_71 : i32 to vector<16xi32>
      %select_n3A_73 = arith.select %lt3A_70, %get3A_65, %broadcast_in_dim3A_72 : vector<16xi1>, vector<16xi32>
      %add3A_74 = arith.addi %add3A_63, %select_n3A_73 : vector<16xi32>
      %get3A_75 = arith.constant 96 : index
      %get3A_76 = tpu.vector_load %arg18[%get3A_75] {strides = array<i32>} : memref<256xi32, #tpu.memory_space<vmem>>, vector<16xi32>,
      %add3A_77 = arith.addi %add3A_66, %get3A_76 : vector<16xi32>
      %broadcast_in_dim3A_78 = arith.constant 6 : i32
      %broadcast_in_dim3A_79 = vector.broadcast %broadcast_in_dim3A_78 : i32 to vector<16xi32>
      %broadcast_in_dim3A_80 = vector.broadcast %arg1 : i32 to vector<16xi32>
      %lt3A_81 = arith.cmpi slt, %broadcast_in_dim3A_79, %broadcast_in_dim3A_80 : vector<16xi32>
      %jit3A_82 = arith.constant 0 : i32
      %broadcast_in_dim3A_83 = vector.broadcast %jit3A_82 : i32 to vector<16xi32>
      %select_n3A_84 = arith.select %lt3A_81, %get3A_76, %broadcast_in_dim3A_83 : vector<16xi1>, vector<16xi32>
      %add3A_85 = arith.addi %add3A_74, %select_n3A_84 : vector<16xi32>
      %get3A_86 = arith.constant 112 : index
      %get3A_87 = tpu.vector_load %arg18[%get3A_86] {strides = array<i32>} : memref<256xi32, #tpu.memory_space<vmem>>, vector<16xi32>,
      %add3A_88 = arith.addi %add3A_77, %get3A_87 : vector<16xi32>
      %broadcast_in_dim3A_89 = arith.constant 7 : i32
      %broadcast_in_dim3A_90 = vector.broadcast %broadcast_in_dim3A_89 : i32 to vector<16xi32>
      %broadcast_in_dim3A_91 = vector.broadcast %arg1 : i32 to vector<16xi32>
      %lt3A_92 = arith.cmpi slt, %broadcast_in_dim3A_90, %broadcast_in_dim3A_91 : vector<16xi32>
      %jit3A_93 = arith.constant 0 : i32
      %broadcast_in_dim3A_94 = vector.broadcast %jit3A_93 : i32 to vector<16xi32>
      %select_n3A_95 = arith.select %lt3A_92, %get3A_87, %broadcast_in_dim3A_94 : vector<16xi1>, vector<16xi32>
      %add3A_96 = arith.addi %add3A_85, %select_n3A_95 : vector<16xi32>
      %get3A_97 = arith.constant 128 : index
      %get3A_98 = tpu.vector_load %arg18[%get3A_97] {strides = array<i32>} : memref<256xi32, #tpu.memory_space<vmem>>, vector<16xi32>,
      %add3A_99 = arith.addi %add3A_88, %get3A_98 : vector<16xi32>
      %broadcast_in_dim3A_100 = arith.constant 8 : i32
      %broadcast_in_dim3A_101 = vector.broadcast %broadcast_in_dim3A_100 : i32 to vector<16xi32>
      %broadcast_in_dim3A_102 = vector.broadcast %arg1 : i32 to vector<16xi32>
      %lt3A_103 = arith.cmpi slt, %broadcast_in_dim3A_101, %broadcast_in_dim3A_102 : vector<16xi32>
      %jit3A_104 = arith.constant 0 : i32
      %broadcast_in_dim3A_105 = vector.broadcast %jit3A_104 : i32 to vector<16xi32>
      %select_n3A_106 = arith.select %lt3A_103, %get3A_98, %broadcast_in_dim3A_105 : vector<16xi1>, vector<16xi32>
      %add3A_107 = arith.addi %add3A_96, %select_n3A_106 : vector<16xi32>
      %get3A_108 = arith.constant 144 : index
      %get3A_109 = tpu.vector_load %arg18[%get3A_108] {strides = array<i32>} : memref<256xi32, #tpu.memory_space<vmem>>, vector<16xi32>,
      %add3A_110 = arith.addi %add3A_99, %get3A_109 : vector<16xi32>
      %broadcast_in_dim3A_111 = arith.constant 9 : i32
      %broadcast_in_dim3A_112 = vector.broadcast %broadcast_in_dim3A_111 : i32 to vector<16xi32>
      %broadcast_in_dim3A_113 = vector.broadcast %arg1 : i32 to vector<16xi32>
      %lt3A_114 = arith.cmpi slt, %broadcast_in_dim3A_112, %broadcast_in_dim3A_113 : vector<16xi32>
      %jit3A_115 = arith.constant 0 : i32
      %broadcast_in_dim3A_116 = vector.broadcast %jit3A_115 : i32 to vector<16xi32>
      %select_n3A_117 = arith.select %lt3A_114, %get3A_109, %broadcast_in_dim3A_116 : vector<16xi1>, vector<16xi32>
      %add3A_118 = arith.addi %add3A_107, %select_n3A_117 : vector<16xi32>
      %get3A_119 = arith.constant 160 : index
      %get3A_120 = tpu.vector_load %arg18[%get3A_119] {strides = array<i32>} : memref<256xi32, #tpu.memory_space<vmem>>, vector<16xi32>,
      %add3A_121 = arith.addi %add3A_110, %get3A_120 : vector<16xi32>
      %broadcast_in_dim3A_122 = arith.constant 10 : i32
      %broadcast_in_dim3A_123 = vector.broadcast %broadcast_in_dim3A_122 : i32 to vector<16xi32>
      %broadcast_in_dim3A_124 = vector.broadcast %arg1 : i32 to vector<16xi32>
      %lt3A_125 = arith.cmpi slt, %broadcast_in_dim3A_123, %broadcast_in_dim3A_124 : vector<16xi32>
      %jit3A_126 = arith.constant 0 : i32
      %broadcast_in_dim3A_127 = vector.broadcast %jit3A_126 : i32 to vector<16xi32>
      %select_n3A_128 = arith.select %lt3A_125, %get3A_120, %broadcast_in_dim3A_127 : vector<16xi1>, vector<16xi32>
      %add3A_129 = arith.addi %add3A_118, %select_n3A_128 : vector<16xi32>
      %get3A_130 = arith.constant 176 : index
      %get3A_131 = tpu.vector_load %arg18[%get3A_130] {strides = array<i32>} : memref<256xi32, #tpu.memory_space<vmem>>, vector<16xi32>,
      %add3A_132 = arith.addi %add3A_121, %get3A_131 : vector<16xi32>
      %broadcast_in_dim3A_133 = arith.constant 11 : i32
      %broadcast_in_dim3A_134 = vector.broadcast %broadcast_in_dim3A_133 : i32 to vector<16xi32>
      %broadcast_in_dim3A_135 = vector.broadcast %arg1 : i32 to vector<16xi32>
      %lt3A_136 = arith.cmpi slt, %broadcast_in_dim3A_134, %broadcast_in_dim3A_135 : vector<16xi32>
      %jit3A_137 = arith.constant 0 : i32
      %broadcast_in_dim3A_138 = vector.broadcast %jit3A_137 : i32 to vector<16xi32>
      %select_n3A_139 = arith.select %lt3A_136, %get3A_131, %broadcast_in_dim3A_138 : vector<16xi1>, vector<16xi32>
      %add3A_140 = arith.addi %add3A_129, %select_n3A_139 : vector<16xi32>
      %get3A_141 = arith.constant 192 : index
      %get3A_142 = tpu.vector_load %arg18[%get3A_141] {strides = array<i32>} : memref<256xi32, #tpu.memory_space<vmem>>, vector<16xi32>,
      %add3A_143 = arith.addi %add3A_132, %get3A_142 : vector<16xi32>
      %broadcast_in_dim3A_144 = arith.constant 12 : i32
      %broadcast_in_dim3A_145 = vector.broadcast %broadcast_in_dim3A_144 : i32 to vector<16xi32>
      %broadcast_in_dim3A_146 = vector.broadcast %arg1 : i32 to vector<16xi32>
      %lt3A_147 = arith.cmpi slt, %broadcast_in_dim3A_145, %broadcast_in_dim3A_146 : vector<16xi32>
      %jit3A_148 = arith.constant 0 : i32
      %broadcast_in_dim3A_149 = vector.broadcast %jit3A_148 : i32 to vector<16xi32>
      %select_n3A_150 = arith.select %lt3A_147, %get3A_142, %broadcast_in_dim3A_149 : vector<16xi1>, vector<16xi32>
      %add3A_151 = arith.addi %add3A_140, %select_n3A_150 : vector<16xi32>
      %get3A_152 = arith.constant 208 : index
      %get3A_153 = tpu.vector_load %arg18[%get3A_152] {strides = array<i32>} : memref<256xi32, #tpu.memory_space<vmem>>, vector<16xi32>,
      %add3A_154 = arith.addi %add3A_143, %get3A_153 : vector<16xi32>
      %broadcast_in_dim3A_155 = arith.constant 13 : i32
      %broadcast_in_dim3A_156 = vector.broadcast %broadcast_in_dim3A_155 : i32 to vector<16xi32>
      %broadcast_in_dim3A_157 = vector.broadcast %arg1 : i32 to vector<16xi32>
      %lt3A_158 = arith.cmpi slt, %broadcast_in_dim3A_156, %broadcast_in_dim3A_157 : vector<16xi32>
      %jit3A_159 = arith.constant 0 : i32
      %broadcast_in_dim3A_160 = vector.broadcast %jit3A_159 : i32 to vector<16xi32>
      %select_n3A_161 = arith.select %lt3A_158, %get3A_153, %broadcast_in_dim3A_160 : vector<16xi1>, vector<16xi32>
      %add3A_162 = arith.addi %add3A_151, %select_n3A_161 : vector<16xi32>
      %get3A_163 = arith.constant 224 : index
      %get3A_164 = tpu.vector_load %arg18[%get3A_163] {strides = array<i32>} : memref<256xi32, #tpu.memory_space<vmem>>, vector<16xi32>,
      %add3A_165 = arith.addi %add3A_154, %get3A_164 : vector<16xi32>
      %broadcast_in_dim3A_166 = arith.constant 14 : i32
      %broadcast_in_dim3A_167 = vector.broadcast %broadcast_in_dim3A_166 : i32 to vector<16xi32>
      %broadcast_in_dim3A_168 = vector.broadcast %arg1 : i32 to vector<16xi32>
      %lt3A_169 = arith.cmpi slt, %broadcast_in_dim3A_167, %broadcast_in_dim3A_168 : vector<16xi32>
      %jit3A_170 = arith.constant 0 : i32
      %broadcast_in_dim3A_171 = vector.broadcast %jit3A_170 : i32 to vector<16xi32>
      %select_n3A_172 = arith.select %lt3A_169, %get3A_164, %broadcast_in_dim3A_171 : vector<16xi1>, vector<16xi32>
      %add3A_173 = arith.addi %add3A_162, %select_n3A_172 : vector<16xi32>
      %get3A_174 = arith.constant 240 : index
      %get3A_175 = tpu.vector_load %arg18[%get3A_174] {strides = array<i32>} : memref<256xi32, #tpu.memory_space<vmem>>, vector<16xi32>,
      %add3A_176 = arith.addi %add3A_165, %get3A_175 : vector<16xi32>
      %broadcast_in_dim3A_177 = arith.constant 15 : i32
      %broadcast_in_dim3A_178 = vector.broadcast %broadcast_in_dim3A_177 : i32 to vector<16xi32>
      %broadcast_in_dim3A_179 = vector.broadcast %arg1 : i32 to vector<16xi32>
      %lt3A_180 = arith.cmpi slt, %broadcast_in_dim3A_178, %broadcast_in_dim3A_179 : vector<16xi32>
      %jit3A_181 = arith.constant 0 : i32
      %broadcast_in_dim3A_182 = vector.broadcast %jit3A_181 : i32 to vector<16xi32>
      %select_n3A_183 = arith.select %lt3A_180, %get3A_175, %broadcast_in_dim3A_182 : vector<16xi1>, vector<16xi32>
      %add3A_184 = arith.addi %add3A_173, %select_n3A_183 : vector<16xi32>
      %add3A_185 = arith.constant 255 : i32
      %add3A_186 = vector.broadcast %add3A_185 : i32 to vector<16xi32>
      %add3A_187 = arith.addi %add3A_176, %add3A_186 : vector<16xi32>
      %jit3A_188 = arith.constant 256 : i32
      %div3A = vector.broadcast %jit3A_188 : i32 to vector<16xi32>
      %div3A_189 = arith.divsi %add3A_187, %div3A : vector<16xi32>
      %sign3A = arith.constant 0 : i32
      %sign3A_190 = vector.broadcast %sign3A : i32 to vector<16xi32>
      %sign3A_191 = arith.cmpi sgt, %add3A_187, %sign3A_190 : vector<16xi32>
      %sign3A_192 = arith.extui %sign3A_191 : vector<16xi1> to vector<16xi32>
      %sign3A_193 = arith.constant 0 : i32
      %sign3A_194 = vector.broadcast %sign3A_193 : i32 to vector<16xi32>
      %sign3A_195 = arith.cmpi slt, %add3A_187, %sign3A_194 : vector<16xi32>
      %sign3A_196 = arith.extui %sign3A_195 : vector<16xi1> to vector<16xi32>
      %sign3A_197 = arith.subi %sign3A_192, %sign3A_196 : vector<16xi32>
      %sign3A_198 = arith.constant 0 : i32
      %sign3A_199 = arith.cmpi sgt, %jit3A_188, %sign3A_198 : i32
      %sign3A_200 = arith.extui %sign3A_199 : i1 to i32
      %sign3A_201 = arith.constant 0 : i32
      %sign3A_202 = arith.cmpi slt, %jit3A_188, %sign3A_201 : i32
      %sign3A_203 = arith.extui %sign3A_202 : i1 to i32
      %sign3A_204 = arith.subi %sign3A_200, %sign3A_203 : i32
      %ne3A = vector.broadcast %sign3A_204 : i32 to vector<16xi32>
      %ne3A_205 = arith.cmpi ne, %sign3A_197, %ne3A : vector<16xi32>
      %rem3A = vector.broadcast %jit3A_188 : i32 to vector<16xi32>
      %rem3A_206 = arith.remsi %add3A_187, %rem3A : vector<16xi32>
      %ne3A_207 = arith.constant 0 : i32
      %ne3A_208 = vector.broadcast %ne3A_207 : i32 to vector<16xi32>
      %ne3A_209 = arith.cmpi ne, %rem3A_206, %ne3A_208 : vector<16xi32>
      %and3A = arith.andi %ne3A_205, %ne3A_209 : vector<16xi1>
      %sub3A = arith.constant 1 : i32
      %sub3A_210 = vector.broadcast %sub3A : i32 to vector<16xi32>
      %sub3A_211 = arith.subi %div3A_189, %sub3A_210 : vector<16xi32>
      %select_n3A_212 = arith.select %and3A, %sub3A_211, %div3A_189 : vector<16xi1>, vector<16xi32>
      %broadcast_in_dim3A_213 = arith.constant true
      %broadcast_in_dim3A_214 = vector.broadcast %broadcast_in_dim3A_213 : i1 to vector<16xi1>
      %masked_cumsum3A = tpu.scan <sum>, %select_n3A_212 masked %broadcast_in_dim3A_214 : vector<16xi32>, vector<16xi1> -> vector<16xi32>
      %sub3A_215 = arith.subi %masked_cumsum3A, %select_n3A_212 : vector<16xi32>
      %mul3A_216 = arith.constant 256 : i32
      %mul3A_217 = vector.broadcast %mul3A_216 : i32 to vector<16xi32>
      %mul3A_218 = arith.muli %sub3A_215, %mul3A_217 : vector<16xi32>
      %add3A_219 = arith.addi %mul3A_218, %add3A_184 : vector<16xi32>
      %slice3A = vector.extract_strided_slice %add3A_219 {offsets = [0], sizes = [1], strides = [1]} : vector<16xi32> to vector<1xi32>
      %squeeze3A = vector.extract %slice3A[0] : i32 from vector<1xi32>
      %slice3A_220 = vector.extract_strided_slice %add3A_219 {offsets = [1], sizes = [1], strides = [1]} : vector<16xi32> to vector<1xi32>
      %squeeze3A_221 = vector.extract %slice3A_220[0] : i32 from vector<1xi32>
      %slice3A_222 = vector.extract_strided_slice %add3A_219 {offsets = [2], sizes = [1], strides = [1]} : vector<16xi32> to vector<1xi32>
      %squeeze3A_223 = vector.extract %slice3A_222[0] : i32 from vector<1xi32>
      %slice3A_224 = vector.extract_strided_slice %add3A_219 {offsets = [3], sizes = [1], strides = [1]} : vector<16xi32> to vector<1xi32>
      %squeeze3A_225 = vector.extract %slice3A_224[0] : i32 from vector<1xi32>
      %slice3A_226 = vector.extract_strided_slice %add3A_219 {offsets = [4], sizes = [1], strides = [1]} : vector<16xi32> to vector<1xi32>
      %squeeze3A_227 = vector.extract %slice3A_226[0] : i32 from vector<1xi32>
      %slice3A_228 = vector.extract_strided_slice %add3A_219 {offsets = [5], sizes = [1], strides = [1]} : vector<16xi32> to vector<1xi32>
      %squeeze3A_229 = vector.extract %slice3A_228[0] : i32 from vector<1xi32>
      %slice3A_230 = vector.extract_strided_slice %add3A_219 {offsets = [6], sizes = [1], strides = [1]} : vector<16xi32> to vector<1xi32>
      %squeeze3A_231 = vector.extract %slice3A_230[0] : i32 from vector<1xi32>
      %slice3A_232 = vector.extract_strided_slice %add3A_219 {offsets = [7], sizes = [1], strides = [1]} : vector<16xi32> to vector<1xi32>
      %squeeze3A_233 = vector.extract %slice3A_232[0] : i32 from vector<1xi32>
      %add3A_234 = arith.constant 0 : i32
      %add3A_235 = arith.addi %mul3A_2, %add3A_234 : i32
      %add3A_236 = arith.constant 0 : i32
      %add3A_237 = arith.addi %add3A_235, %add3A_236 : i32
      %add3A_238 = vector.broadcast %add3A_237 : i32 to vector<16xi32>
      %add3A_239 = arith.addi %add3A_238, %iota3A : vector<16xi32>
      %swap3A = arith.constant 0 : i32
      %swap3A_240 = arith.index_cast %swap3A : i32 to index
      %swap3A_241 = arith.constant 0 : index
      %swap3A_242 = tpu.vector_load %arg16[%swap3A_240, %swap3A_241] {strides = array<i32>} : memref<2x128xi32, #tpu.memory_space<vmem>>, vector<16xi32>,
      tpu.vector_store %arg16[%swap3A_240, %swap3A_241], %add3A_239 {strides = array<i32>} : memref<2x128xi32, #tpu.memory_space<vmem>>, vector<16xi32>,
      %add3A_243 = arith.constant 0 : i32
      %add3A_244 = arith.addi %mul3A_2, %add3A_243 : i32
      %add3A_245 = arith.constant 16 : i32
      %add3A_246 = arith.addi %add3A_244, %add3A_245 : i32
      %add3A_247 = vector.broadcast %add3A_246 : i32 to vector<16xi32>
      %add3A_248 = arith.addi %add3A_247, %iota3A : vector<16xi32>
      %swap3A_249 = arith.constant 0 : i32
      %swap3A_250 = arith.index_cast %swap3A_249 : i32 to index
      %swap3A_251 = arith.constant 16 : index
      %swap3A_252 = tpu.vector_load %arg16[%swap3A_250, %swap3A_251] {strides = array<i32>} : memref<2x128xi32, #tpu.memory_space<vmem>>, vector<16xi32>,
      tpu.vector_store %arg16[%swap3A_250, %swap3A_251], %add3A_248 {strides = array<i32>} : memref<2x128xi32, #tpu.memory_space<vmem>>, vector<16xi32>,
      %add3A_253 = arith.constant 0 : i32
      %add3A_254 = arith.addi %mul3A_2, %add3A_253 : i32
      %add3A_255 = arith.constant 32 : i32
      %add3A_256 = arith.addi %add3A_254, %add3A_255 : i32
      %add3A_257 = vector.broadcast %add3A_256 : i32 to vector<16xi32>
      %add3A_258 = arith.addi %add3A_257, %iota3A : vector<16xi32>
      %swap3A_259 = arith.constant 0 : i32
      %swap3A_260 = arith.index_cast %swap3A_259 : i32 to index
      %swap3A_261 = arith.constant 32 : index
      %swap3A_262 = tpu.vector_load %arg16[%swap3A_260, %swap3A_261] {strides = array<i32>} : memref<2x128xi32, #tpu.memory_space<vmem>>, vector<16xi32>,
      tpu.vector_store %arg16[%swap3A_260, %swap3A_261], %add3A_258 {strides = array<i32>} : memref<2x128xi32, #tpu.memory_space<vmem>>, vector<16xi32>,
      %add3A_263 = arith.constant 0 : i32
      %add3A_264 = arith.addi %mul3A_2, %add3A_263 : i32
      %add3A_265 = arith.constant 48 : i32
      %add3A_266 = arith.addi %add3A_264, %add3A_265 : i32
      %add3A_267 = vector.broadcast %add3A_266 : i32 to vector<16xi32>
      %add3A_268 = arith.addi %add3A_267, %iota3A : vector<16xi32>
      %swap3A_269 = arith.constant 0 : i32
      %swap3A_270 = arith.index_cast %swap3A_269 : i32 to index
      %swap3A_271 = arith.constant 48 : index
      %swap3A_272 = tpu.vector_load %arg16[%swap3A_270, %swap3A_271] {strides = array<i32>} : memref<2x128xi32, #tpu.memory_space<vmem>>, vector<16xi32>,
      tpu.vector_store %arg16[%swap3A_270, %swap3A_271], %add3A_268 {strides = array<i32>} : memref<2x128xi32, #tpu.memory_space<vmem>>, vector<16xi32>,
      %add3A_273 = arith.constant 0 : i32
      %add3A_274 = arith.addi %mul3A_2, %add3A_273 : i32
      %add3A_275 = arith.constant 64 : i32
      %add3A_276 = arith.addi %add3A_274, %add3A_275 : i32
      %add3A_277 = vector.broadcast %add3A_276 : i32 to vector<16xi32>
      %add3A_278 = arith.addi %add3A_277, %iota3A : vector<16xi32>
      %swap3A_279 = arith.constant 0 : i32
      %swap3A_280 = arith.index_cast %swap3A_279 : i32 to index
      %swap3A_281 = arith.constant 64 : index
      %swap3A_282 = tpu.vector_load %arg16[%swap3A_280, %swap3A_281] {strides = array<i32>} : memref<2x128xi32, #tpu.memory_space<vmem>>, vector<16xi32>,
      tpu.vector_store %arg16[%swap3A_280, %swap3A_281], %add3A_278 {strides = array<i32>} : memref<2x128xi32, #tpu.memory_space<vmem>>, vector<16xi32>,
      %add3A_283 = arith.constant 0 : i32
      %add3A_284 = arith.addi %mul3A_2, %add3A_283 : i32
      %add3A_285 = arith.constant 80 : i32
      %add3A_286 = arith.addi %add3A_284, %add3A_285 : i32
      %add3A_287 = vector.broadcast %add3A_286 : i32 to vector<16xi32>
      %add3A_288 = arith.addi %add3A_287, %iota3A : vector<16xi32>
      %swap3A_289 = arith.constant 0 : i32
      %swap3A_290 = arith.index_cast %swap3A_289 : i32 to index
      %swap3A_291 = arith.constant 80 : index
      %swap3A_292 = tpu.vector_load %arg16[%swap3A_290, %swap3A_291] {strides = array<i32>} : memref<2x128xi32, #tpu.memory_space<vmem>>, vector<16xi32>,
      tpu.vector_store %arg16[%swap3A_290, %swap3A_291], %add3A_288 {strides = array<i32>} : memref<2x128xi32, #tpu.memory_space<vmem>>, vector<16xi32>,
      %add3A_293 = arith.constant 0 : i32
      %add3A_294 = arith.addi %mul3A_2, %add3A_293 : i32
      %add3A_295 = arith.constant 96 : i32
      %add3A_296 = arith.addi %add3A_294, %add3A_295 : i32
      %add3A_297 = vector.broadcast %add3A_296 : i32 to vector<16xi32>
      %add3A_298 = arith.addi %add3A_297, %iota3A : vector<16xi32>
      %swap3A_299 = arith.constant 0 : i32
      %swap3A_300 = arith.index_cast %swap3A_299 : i32 to index
      %swap3A_301 = arith.constant 96 : index
      %swap3A_302 = tpu.vector_load %arg16[%swap3A_300, %swap3A_301] {strides = array<i32>} : memref<2x128xi32, #tpu.memory_space<vmem>>, vector<16xi32>,
      tpu.vector_store %arg16[%swap3A_300, %swap3A_301], %add3A_298 {strides = array<i32>} : memref<2x128xi32, #tpu.memory_space<vmem>>, vector<16xi32>,
      %add3A_303 = arith.constant 0 : i32
      %add3A_304 = arith.addi %mul3A_2, %add3A_303 : i32
      %add3A_305 = arith.constant 112 : i32
      %add3A_306 = arith.addi %add3A_304, %add3A_305 : i32
      %add3A_307 = vector.broadcast %add3A_306 : i32 to vector<16xi32>
      %add3A_308 = arith.addi %add3A_307, %iota3A : vector<16xi32>
      %swap3A_309 = arith.constant 0 : i32
      %swap3A_310 = arith.index_cast %swap3A_309 : i32 to index
      %swap3A_311 = arith.constant 112 : index
      %swap3A_312 = tpu.vector_load %arg16[%swap3A_310, %swap3A_311] {strides = array<i32>} : memref<2x128xi32, #tpu.memory_space<vmem>>, vector<16xi32>,
      tpu.vector_store %arg16[%swap3A_310, %swap3A_311], %add3A_308 {strides = array<i32>} : memref<2x128xi32, #tpu.memory_space<vmem>>, vector<16xi32>,
      %add3A_313 = arith.constant 128 : i32
      %add3A_314 = arith.addi %mul3A_2, %add3A_313 : i32
      %add3A_315 = arith.constant 0 : i32
      %add3A_316 = arith.addi %add3A_314, %add3A_315 : i32
      %add3A_317 = vector.broadcast %add3A_316 : i32 to vector<16xi32>
      %add3A_318 = arith.addi %add3A_317, %iota3A : vector<16xi32>
      %swap3A_319 = arith.constant 1 : i32
      %swap3A_320 = arith.index_cast %swap3A_319 : i32 to index
      %swap3A_321 = arith.constant 0 : index
      %swap3A_322 = tpu.vector_load %arg16[%swap3A_320, %swap3A_321] {strides = array<i32>} : memref<2x128xi32, #tpu.memory_space<vmem>>, vector<16xi32>,
      tpu.vector_store %arg16[%swap3A_320, %swap3A_321], %add3A_318 {strides = array<i32>} : memref<2x128xi32, #tpu.memory_space<vmem>>, vector<16xi32>,
      %add3A_323 = arith.constant 128 : i32
      %add3A_324 = arith.addi %mul3A_2, %add3A_323 : i32
      %add3A_325 = arith.constant 16 : i32
      %add3A_326 = arith.addi %add3A_324, %add3A_325 : i32
      %add3A_327 = vector.broadcast %add3A_326 : i32 to vector<16xi32>
      %add3A_328 = arith.addi %add3A_327, %iota3A : vector<16xi32>
      %swap3A_329 = arith.constant 1 : i32
      %swap3A_330 = arith.index_cast %swap3A_329 : i32 to index
      %swap3A_331 = arith.constant 16 : index
      %swap3A_332 = tpu.vector_load %arg16[%swap3A_330, %swap3A_331] {strides = array<i32>} : memref<2x128xi32, #tpu.memory_space<vmem>>, vector<16xi32>,
      tpu.vector_store %arg16[%swap3A_330, %swap3A_331], %add3A_328 {strides = array<i32>} : memref<2x128xi32, #tpu.memory_space<vmem>>, vector<16xi32>,
      %add3A_333 = arith.constant 128 : i32
      %add3A_334 = arith.addi %mul3A_2, %add3A_333 : i32
      %add3A_335 = arith.constant 32 : i32
      %add3A_336 = arith.addi %add3A_334, %add3A_335 : i32
      %add3A_337 = vector.broadcast %add3A_336 : i32 to vector<16xi32>
      %add3A_338 = arith.addi %add3A_337, %iota3A : vector<16xi32>
      %swap3A_339 = arith.constant 1 : i32
      %swap3A_340 = arith.index_cast %swap3A_339 : i32 to index
      %swap3A_341 = arith.constant 32 : index
      %swap3A_342 = tpu.vector_load %arg16[%swap3A_340, %swap3A_341] {strides = array<i32>} : memref<2x128xi32, #tpu.memory_space<vmem>>, vector<16xi32>,
      tpu.vector_store %arg16[%swap3A_340, %swap3A_341], %add3A_338 {strides = array<i32>} : memref<2x128xi32, #tpu.memory_space<vmem>>, vector<16xi32>,
      %add3A_343 = arith.constant 128 : i32
      %add3A_344 = arith.addi %mul3A_2, %add3A_343 : i32
      %add3A_345 = arith.constant 48 : i32
      %add3A_346 = arith.addi %add3A_344, %add3A_345 : i32
      %add3A_347 = vector.broadcast %add3A_346 : i32 to vector<16xi32>
      %add3A_348 = arith.addi %add3A_347, %iota3A : vector<16xi32>
      %swap3A_349 = arith.constant 1 : i32
      %swap3A_350 = arith.index_cast %swap3A_349 : i32 to index
      %swap3A_351 = arith.constant 48 : index
      %swap3A_352 = tpu.vector_load %arg16[%swap3A_350, %swap3A_351] {strides = array<i32>} : memref<2x128xi32, #tpu.memory_space<vmem>>, vector<16xi32>,
      tpu.vector_store %arg16[%swap3A_350, %swap3A_351], %add3A_348 {strides = array<i32>} : memref<2x128xi32, #tpu.memory_space<vmem>>, vector<16xi32>,
      %add3A_353 = arith.constant 128 : i32
      %add3A_354 = arith.addi %mul3A_2, %add3A_353 : i32
      %add3A_355 = arith.constant 64 : i32
      %add3A_356 = arith.addi %add3A_354, %add3A_355 : i32
      %add3A_357 = vector.broadcast %add3A_356 : i32 to vector<16xi32>
      %add3A_358 = arith.addi %add3A_357, %iota3A : vector<16xi32>
      %swap3A_359 = arith.constant 1 : i32
      %swap3A_360 = arith.index_cast %swap3A_359 : i32 to index
      %swap3A_361 = arith.constant 64 : index
      %swap3A_362 = tpu.vector_load %arg16[%swap3A_360, %swap3A_361] {strides = array<i32>} : memref<2x128xi32, #tpu.memory_space<vmem>>, vector<16xi32>,
      tpu.vector_store %arg16[%swap3A_360, %swap3A_361], %add3A_358 {strides = array<i32>} : memref<2x128xi32, #tpu.memory_space<vmem>>, vector<16xi32>,
      %add3A_363 = arith.constant 128 : i32
      %add3A_364 = arith.addi %mul3A_2, %add3A_363 : i32
      %add3A_365 = arith.constant 80 : i32
      %add3A_366 = arith.addi %add3A_364, %add3A_365 : i32
      %add3A_367 = vector.broadcast %add3A_366 : i32 to vector<16xi32>
      %add3A_368 = arith.addi %add3A_367, %iota3A : vector<16xi32>
      %swap3A_369 = arith.constant 1 : i32
      %swap3A_370 = arith.index_cast %swap3A_369 : i32 to index
      %swap3A_371 = arith.constant 80 : index
      %swap3A_372 = tpu.vector_load %arg16[%swap3A_370, %swap3A_371] {strides = array<i32>} : memref<2x128xi32, #tpu.memory_space<vmem>>, vector<16xi32>,
      tpu.vector_store %arg16[%swap3A_370, %swap3A_371], %add3A_368 {strides = array<i32>} : memref<2x128xi32, #tpu.memory_space<vmem>>, vector<16xi32>,
      %add3A_373 = arith.constant 128 : i32
      %add3A_374 = arith.addi %mul3A_2, %add3A_373 : i32
      %add3A_375 = arith.constant 96 : i32
      %add3A_376 = arith.addi %add3A_374, %add3A_375 : i32
      %add3A_377 = vector.broadcast %add3A_376 : i32 to vector<16xi32>
      %add3A_378 = arith.addi %add3A_377, %iota3A : vector<16xi32>
      %swap3A_379 = arith.constant 1 : i32
      %swap3A_380 = arith.index_cast %swap3A_379 : i32 to index
      %swap3A_381 = arith.constant 96 : index
      %swap3A_382 = tpu.vector_load %arg16[%swap3A_380, %swap3A_381] {strides = array<i32>} : memref<2x128xi32, #tpu.memory_space<vmem>>, vector<16xi32>,
      tpu.vector_store %arg16[%swap3A_380, %swap3A_381], %add3A_378 {strides = array<i32>} : memref<2x128xi32, #tpu.memory_space<vmem>>, vector<16xi32>,
      %add3A_383 = arith.constant 128 : i32
      %add3A_384 = arith.addi %mul3A_2, %add3A_383 : i32
      %add3A_385 = arith.constant 112 : i32
      %add3A_386 = arith.addi %add3A_384, %add3A_385 : i32
      %add3A_387 = vector.broadcast %add3A_386 : i32 to vector<16xi32>
      %add3A_388 = arith.addi %add3A_387, %iota3A : vector<16xi32>
      %swap3A_389 = arith.constant 1 : i32
      %swap3A_390 = arith.index_cast %swap3A_389 : i32 to index
      %swap3A_391 = arith.constant 112 : index
      %swap3A_392 = tpu.vector_load %arg16[%swap3A_390, %swap3A_391] {strides = array<i32>} : memref<2x128xi32, #tpu.memory_space<vmem>>, vector<16xi32>,
      tpu.vector_store %arg16[%swap3A_390, %swap3A_391], %add3A_388 {strides = array<i32>} : memref<2x128xi32, #tpu.memory_space<vmem>>, vector<16xi32>,
      %scan3A_393 = arith.constant 0 : i32
      %scan3A_394 = arith.constant 16 : i32
      %scan3A_395 = arith.addi %scan3A_393, %scan3A_394 : i32
      %scan3A_396 = arith.constant 1 : i32
      %scan3A_397:8 = scf.for %scan3A_951 = %scan3A_393 to %scan3A_395 step %scan3A_396 iter_args(%scan3A_952 = %squeeze3A, %scan3A_953 = %squeeze3A_221, %scan3A_954 = %squeeze3A_223, %scan3A_955 = %squeeze3A_225, %scan3A_956 = %squeeze3A_227, %scan3A_957 = %squeeze3A_229, %scan3A_958 = %squeeze3A_231, %scan3A_959 = %squeeze3A_233) -> (i32, i32, i32, i32, i32, i32, i32, i32)  : i32 {
        %mul3A_960 = arith.constant 16 : i32
        %mul3A_961 = arith.muli %scan3A_951, %mul3A_960 : i32
        %get3A_962 = arith.index_cast %mul3A_961 : i32 to index
        %get3A_963 = tpu.vector_load %arg11[%get3A_962] {strides = array<i32>} : memref<256xi32, #tpu.memory_space<vmem>>, vector<16xi32>,
        %broadcast_in_dim3A_964 = arith.constant 0 : i32
        %broadcast_in_dim3A_965 = vector.broadcast %broadcast_in_dim3A_964 : i32 to vector<16xi32>
        %eq3A_966 = arith.constant 0 : i32
        %eq3A_967 = vector.broadcast %eq3A_966 : i32 to vector<16xi32>
        %eq3A_968 = arith.cmpi eq, %get3A_963, %eq3A_967 : vector<16xi32>
        %convert_element_type3A_969 = arith.extui %eq3A_968 : vector<16xi1> to vector<16xi32>
        %cumsum3A = arith.constant true
        %cumsum3A_970 = vector.broadcast %cumsum3A : i1 to vector<16xi1>
        %cumsum3A_971 = tpu.scan <sum>, %convert_element_type3A_969 masked %cumsum3A_970 : vector<16xi32>, vector<16xi1> -> vector<16xi32>
        %add3A_972 = vector.broadcast %scan3A_952 : i32 to vector<16xi32>
        %add3A_973 = arith.addi %add3A_972, %cumsum3A_971 : vector<16xi32>
        %sub3A_974 = arith.constant 1 : i32
        %sub3A_975 = vector.broadcast %sub3A_974 : i32 to vector<16xi32>
        %sub3A_976 = arith.subi %add3A_973, %sub3A_975 : vector<16xi32>
        %select_n3A_977 = arith.select %eq3A_968, %sub3A_976, %broadcast_in_dim3A_965 : vector<16xi1>, vector<16xi32>
        %reduce_sum3A = arith.constant true
        %reduce_sum3A_978 = vector.broadcast %reduce_sum3A : i1 to vector<16xi1>
        %reduce_sum3A_979 = tpu.scan <sum>, %convert_element_type3A_969 masked %reduce_sum3A_978 : vector<16xi32>, vector<16xi1> -> vector<16xi32>
        %reduce_sum3A_980 = vector.extract %reduce_sum3A_979[15] : i32 from vector<16xi32>
        %add3A_981 = arith.addi %scan3A_952, %reduce_sum3A_980 : i32
        %eq3A_982 = arith.constant 1 : i32
        %eq3A_983 = vector.broadcast %eq3A_982 : i32 to vector<16xi32>
        %eq3A_984 = arith.cmpi eq, %get3A_963, %eq3A_983 : vector<16xi32>
        %convert_element_type3A_985 = arith.extui %eq3A_984 : vector<16xi1> to vector<16xi32>
        %cumsum3A_986 = arith.constant true
        %cumsum3A_987 = vector.broadcast %cumsum3A_986 : i1 to vector<16xi1>
        %cumsum3A_988 = tpu.scan <sum>, %convert_element_type3A_985 masked %cumsum3A_987 : vector<16xi32>, vector<16xi1> -> vector<16xi32>
        %add3A_989 = vector.broadcast %scan3A_953 : i32 to vector<16xi32>
        %add3A_990 = arith.addi %add3A_989, %cumsum3A_988 : vector<16xi32>
        %sub3A_991 = arith.constant 1 : i32
        %sub3A_992 = vector.broadcast %sub3A_991 : i32 to vector<16xi32>
        %sub3A_993 = arith.subi %add3A_990, %sub3A_992 : vector<16xi32>
        %select_n3A_994 = arith.select %eq3A_984, %sub3A_993, %select_n3A_977 : vector<16xi1>, vector<16xi32>
        %reduce_sum3A_995 = arith.constant true
        %reduce_sum3A_996 = vector.broadcast %reduce_sum3A_995 : i1 to vector<16xi1>
        %reduce_sum3A_997 = tpu.scan <sum>, %convert_element_type3A_985 masked %reduce_sum3A_996 : vector<16xi32>, vector<16xi1> -> vector<16xi32>
        %reduce_sum3A_998 = vector.extract %reduce_sum3A_997[15] : i32 from vector<16xi32>
        %add3A_999 = arith.addi %scan3A_953, %reduce_sum3A_998 : i32
        %eq3A_1000 = arith.constant 2 : i32
        %eq3A_1001 = vector.broadcast %eq3A_1000 : i32 to vector<16xi32>
        %eq3A_1002 = arith.cmpi eq, %get3A_963, %eq3A_1001 : vector<16xi32>
        %convert_element_type3A_1003 = arith.extui %eq3A_1002 : vector<16xi1> to vector<16xi32>
        %cumsum3A_1004 = arith.constant true
        %cumsum3A_1005 = vector.broadcast %cumsum3A_1004 : i1 to vector<16xi1>
        %cumsum3A_1006 = tpu.scan <sum>, %convert_element_type3A_1003 masked %cumsum3A_1005 : vector<16xi32>, vector<16xi1> -> vector<16xi32>
        %add3A_1007 = vector.broadcast %scan3A_954 : i32 to vector<16xi32>
        %add3A_1008 = arith.addi %add3A_1007, %cumsum3A_1006 : vector<16xi32>
        %sub3A_1009 = arith.constant 1 : i32
        %sub3A_1010 = vector.broadcast %sub3A_1009 : i32 to vector<16xi32>
        %sub3A_1011 = arith.subi %add3A_1008, %sub3A_1010 : vector<16xi32>
        %select_n3A_1012 = arith.select %eq3A_1002, %sub3A_1011, %select_n3A_994 : vector<16xi1>, vector<16xi32>
        %reduce_sum3A_1013 = arith.constant true
        %reduce_sum3A_1014 = vector.broadcast %reduce_sum3A_1013 : i1 to vector<16xi1>
        %reduce_sum3A_1015 = tpu.scan <sum>, %convert_element_type3A_1003 masked %reduce_sum3A_1014 : vector<16xi32>, vector<16xi1> -> vector<16xi32>
        %reduce_sum3A_1016 = vector.extract %reduce_sum3A_1015[15] : i32 from vector<16xi32>
        %add3A_1017 = arith.addi %scan3A_954, %reduce_sum3A_1016 : i32
        %eq3A_1018 = arith.constant 3 : i32
        %eq3A_1019 = vector.broadcast %eq3A_1018 : i32 to vector<16xi32>
        %eq3A_1020 = arith.cmpi eq, %get3A_963, %eq3A_1019 : vector<16xi32>
        %convert_element_type3A_1021 = arith.extui %eq3A_1020 : vector<16xi1> to vector<16xi32>
        %cumsum3A_1022 = arith.constant true
        %cumsum3A_1023 = vector.broadcast %cumsum3A_1022 : i1 to vector<16xi1>
        %cumsum3A_1024 = tpu.scan <sum>, %convert_element_type3A_1021 masked %cumsum3A_1023 : vector<16xi32>, vector<16xi1> -> vector<16xi32>
        %add3A_1025 = vector.broadcast %scan3A_955 : i32 to vector<16xi32>
        %add3A_1026 = arith.addi %add3A_1025, %cumsum3A_1024 : vector<16xi32>
        %sub3A_1027 = arith.constant 1 : i32
        %sub3A_1028 = vector.broadcast %sub3A_1027 : i32 to vector<16xi32>
        %sub3A_1029 = arith.subi %add3A_1026, %sub3A_1028 : vector<16xi32>
        %select_n3A_1030 = arith.select %eq3A_1020, %sub3A_1029, %select_n3A_1012 : vector<16xi1>, vector<16xi32>
        %reduce_sum3A_1031 = arith.constant true
        %reduce_sum3A_1032 = vector.broadcast %reduce_sum3A_1031 : i1 to vector<16xi1>
        %reduce_sum3A_1033 = tpu.scan <sum>, %convert_element_type3A_1021 masked %reduce_sum3A_1032 : vector<16xi32>, vector<16xi1> -> vector<16xi32>
        %reduce_sum3A_1034 = vector.extract %reduce_sum3A_1033[15] : i32 from vector<16xi32>
        %add3A_1035 = arith.addi %scan3A_955, %reduce_sum3A_1034 : i32
        %eq3A_1036 = arith.constant 4 : i32
        %eq3A_1037 = vector.broadcast %eq3A_1036 : i32 to vector<16xi32>
        %eq3A_1038 = arith.cmpi eq, %get3A_963, %eq3A_1037 : vector<16xi32>
        %convert_element_type3A_1039 = arith.extui %eq3A_1038 : vector<16xi1> to vector<16xi32>
        %cumsum3A_1040 = arith.constant true
        %cumsum3A_1041 = vector.broadcast %cumsum3A_1040 : i1 to vector<16xi1>
        %cumsum3A_1042 = tpu.scan <sum>, %convert_element_type3A_1039 masked %cumsum3A_1041 : vector<16xi32>, vector<16xi1> -> vector<16xi32>
        %add3A_1043 = vector.broadcast %scan3A_956 : i32 to vector<16xi32>
        %add3A_1044 = arith.addi %add3A_1043, %cumsum3A_1042 : vector<16xi32>
        %sub3A_1045 = arith.constant 1 : i32
        %sub3A_1046 = vector.broadcast %sub3A_1045 : i32 to vector<16xi32>
        %sub3A_1047 = arith.subi %add3A_1044, %sub3A_1046 : vector<16xi32>
        %select_n3A_1048 = arith.select %eq3A_1038, %sub3A_1047, %select_n3A_1030 : vector<16xi1>, vector<16xi32>
        %reduce_sum3A_1049 = arith.constant true
        %reduce_sum3A_1050 = vector.broadcast %reduce_sum3A_1049 : i1 to vector<16xi1>
        %reduce_sum3A_1051 = tpu.scan <sum>, %convert_element_type3A_1039 masked %reduce_sum3A_1050 : vector<16xi32>, vector<16xi1> -> vector<16xi32>
        %reduce_sum3A_1052 = vector.extract %reduce_sum3A_1051[15] : i32 from vector<16xi32>
        %add3A_1053 = arith.addi %scan3A_956, %reduce_sum3A_1052 : i32
        %eq3A_1054 = arith.constant 5 : i32
        %eq3A_1055 = vector.broadcast %eq3A_1054 : i32 to vector<16xi32>
        %eq3A_1056 = arith.cmpi eq, %get3A_963, %eq3A_1055 : vector<16xi32>
        %convert_element_type3A_1057 = arith.extui %eq3A_1056 : vector<16xi1> to vector<16xi32>
        %cumsum3A_1058 = arith.constant true
        %cumsum3A_1059 = vector.broadcast %cumsum3A_1058 : i1 to vector<16xi1>
        %cumsum3A_1060 = tpu.scan <sum>, %convert_element_type3A_1057 masked %cumsum3A_1059 : vector<16xi32>, vector<16xi1> -> vector<16xi32>
        %add3A_1061 = vector.broadcast %scan3A_957 : i32 to vector<16xi32>
        %add3A_1062 = arith.addi %add3A_1061, %cumsum3A_1060 : vector<16xi32>
        %sub3A_1063 = arith.constant 1 : i32
        %sub3A_1064 = vector.broadcast %sub3A_1063 : i32 to vector<16xi32>
        %sub3A_1065 = arith.subi %add3A_1062, %sub3A_1064 : vector<16xi32>
        %select_n3A_1066 = arith.select %eq3A_1056, %sub3A_1065, %select_n3A_1048 : vector<16xi1>, vector<16xi32>
        %reduce_sum3A_1067 = arith.constant true
        %reduce_sum3A_1068 = vector.broadcast %reduce_sum3A_1067 : i1 to vector<16xi1>
        %reduce_sum3A_1069 = tpu.scan <sum>, %convert_element_type3A_1057 masked %reduce_sum3A_1068 : vector<16xi32>, vector<16xi1> -> vector<16xi32>
        %reduce_sum3A_1070 = vector.extract %reduce_sum3A_1069[15] : i32 from vector<16xi32>
        %add3A_1071 = arith.addi %scan3A_957, %reduce_sum3A_1070 : i32
        %eq3A_1072 = arith.constant 6 : i32
        %eq3A_1073 = vector.broadcast %eq3A_1072 : i32 to vector<16xi32>
        %eq3A_1074 = arith.cmpi eq, %get3A_963, %eq3A_1073 : vector<16xi32>
        %convert_element_type3A_1075 = arith.extui %eq3A_1074 : vector<16xi1> to vector<16xi32>
        %cumsum3A_1076 = arith.constant true
        %cumsum3A_1077 = vector.broadcast %cumsum3A_1076 : i1 to vector<16xi1>
        %cumsum3A_1078 = tpu.scan <sum>, %convert_element_type3A_1075 masked %cumsum3A_1077 : vector<16xi32>, vector<16xi1> -> vector<16xi32>
        %add3A_1079 = vector.broadcast %scan3A_958 : i32 to vector<16xi32>
        %add3A_1080 = arith.addi %add3A_1079, %cumsum3A_1078 : vector<16xi32>
        %sub3A_1081 = arith.constant 1 : i32
        %sub3A_1082 = vector.broadcast %sub3A_1081 : i32 to vector<16xi32>
        %sub3A_1083 = arith.subi %add3A_1080, %sub3A_1082 : vector<16xi32>
        %select_n3A_1084 = arith.select %eq3A_1074, %sub3A_1083, %select_n3A_1066 : vector<16xi1>, vector<16xi32>
        %reduce_sum3A_1085 = arith.constant true
        %reduce_sum3A_1086 = vector.broadcast %reduce_sum3A_1085 : i1 to vector<16xi1>
        %reduce_sum3A_1087 = tpu.scan <sum>, %convert_element_type3A_1075 masked %reduce_sum3A_1086 : vector<16xi32>, vector<16xi1> -> vector<16xi32>
        %reduce_sum3A_1088 = vector.extract %reduce_sum3A_1087[15] : i32 from vector<16xi32>
        %add3A_1089 = arith.addi %scan3A_958, %reduce_sum3A_1088 : i32
        %eq3A_1090 = arith.constant 7 : i32
        %eq3A_1091 = vector.broadcast %eq3A_1090 : i32 to vector<16xi32>
        %eq3A_1092 = arith.cmpi eq, %get3A_963, %eq3A_1091 : vector<16xi32>
        %convert_element_type3A_1093 = arith.extui %eq3A_1092 : vector<16xi1> to vector<16xi32>
        %cumsum3A_1094 = arith.constant true
        %cumsum3A_1095 = vector.broadcast %cumsum3A_1094 : i1 to vector<16xi1>
        %cumsum3A_1096 = tpu.scan <sum>, %convert_element_type3A_1093 masked %cumsum3A_1095 : vector<16xi32>, vector<16xi1> -> vector<16xi32>
        %add3A_1097 = vector.broadcast %scan3A_959 : i32 to vector<16xi32>
        %add3A_1098 = arith.addi %add3A_1097, %cumsum3A_1096 : vector<16xi32>
        %sub3A_1099 = arith.constant 1 : i32
        %sub3A_1100 = vector.broadcast %sub3A_1099 : i32 to vector<16xi32>
        %sub3A_1101 = arith.subi %add3A_1098, %sub3A_1100 : vector<16xi32>
        %select_n3A_1102 = arith.select %eq3A_1092, %sub3A_1101, %select_n3A_1084 : vector<16xi1>, vector<16xi32>
        %reduce_sum3A_1103 = arith.constant true
        %reduce_sum3A_1104 = vector.broadcast %reduce_sum3A_1103 : i1 to vector<16xi1>
        %reduce_sum3A_1105 = tpu.scan <sum>, %convert_element_type3A_1093 masked %reduce_sum3A_1104 : vector<16xi32>, vector<16xi1> -> vector<16xi32>
        %reduce_sum3A_1106 = vector.extract %reduce_sum3A_1105[15] : i32 from vector<16xi32>
        %add3A_1107 = arith.addi %scan3A_959, %reduce_sum3A_1106 : i32
        %mul3A_1108 = arith.constant 16 : i32
        %mul3A_1109 = arith.muli %scan3A_951, %mul3A_1108 : i32
        %swap3A_1110 = arith.index_cast %mul3A_1109 : i32 to index
        %swap3A_1111 = tpu.vector_load %arg14[%swap3A_1110] {strides = array<i32>} : memref<256xi32, #tpu.memory_space<vmem>>, vector<16xi32>,
        tpu.vector_store %arg14[%swap3A_1110], %select_n3A_1102 {strides = array<i32>} : memref<256xi32, #tpu.memory_space<vmem>>, vector<16xi32>,
        scf.yield %add3A_981, %add3A_999, %add3A_1017, %add3A_1035, %add3A_1053, %add3A_1071, %add3A_1089, %add3A_1107 : i32, i32, i32, i32, i32, i32, i32, i32
      }
      %scan3A_398 = arith.constant 16 : i32
      %get3A_399 = arith.constant 0 : index
      %get3A_400 = tpu.vector_load %arg14[%get3A_399] {strides = array<i32>} : memref<256xi32, #tpu.memory_space<vmem>>, vector<16xi32>,
      %swap3A_401 = arith.constant 0 : i32
      %swap3A_402 = arith.index_cast %swap3A_401 : i32 to index
      %swap3A_403 = arith.constant 0 : index
      %swap3A_404 = tpu.vector_load %arg15[%swap3A_402, %swap3A_403] {strides = array<i32>} : memref<2x128xi32, #tpu.memory_space<vmem>>, vector<16xi32>,
      tpu.vector_store %arg15[%swap3A_402, %swap3A_403], %get3A_400 {strides = array<i32>} : memref<2x128xi32, #tpu.memory_space<vmem>>, vector<16xi32>,
      %get3A_405 = arith.constant 16 : index
      %get3A_406 = tpu.vector_load %arg14[%get3A_405] {strides = array<i32>} : memref<256xi32, #tpu.memory_space<vmem>>, vector<16xi32>,
      %swap3A_407 = arith.constant 0 : i32
      %swap3A_408 = arith.index_cast %swap3A_407 : i32 to index
      %swap3A_409 = arith.constant 16 : index
      %swap3A_410 = tpu.vector_load %arg15[%swap3A_408, %swap3A_409] {strides = array<i32>} : memref<2x128xi32, #tpu.memory_space<vmem>>, vector<16xi32>,
      tpu.vector_store %arg15[%swap3A_408, %swap3A_409], %get3A_406 {strides = array<i32>} : memref<2x128xi32, #tpu.memory_space<vmem>>, vector<16xi32>,
      %get3A_411 = arith.constant 32 : index
      %get3A_412 = tpu.vector_load %arg14[%get3A_411] {strides = array<i32>} : memref<256xi32, #tpu.memory_space<vmem>>, vector<16xi32>,
      %swap3A_413 = arith.constant 0 : i32
      %swap3A_414 = arith.index_cast %swap3A_413 : i32 to index
      %swap3A_415 = arith.constant 32 : index
      %swap3A_416 = tpu.vector_load %arg15[%swap3A_414, %swap3A_415] {strides = array<i32>} : memref<2x128xi32, #tpu.memory_space<vmem>>, vector<16xi32>,
      tpu.vector_store %arg15[%swap3A_414, %swap3A_415], %get3A_412 {strides = array<i32>} : memref<2x128xi32, #tpu.memory_space<vmem>>, vector<16xi32>,
      %get3A_417 = arith.constant 48 : index
      %get3A_418 = tpu.vector_load %arg14[%get3A_417] {strides = array<i32>} : memref<256xi32, #tpu.memory_space<vmem>>, vector<16xi32>,
      %swap3A_419 = arith.constant 0 : i32
      %swap3A_420 = arith.index_cast %swap3A_419 : i32 to index
      %swap3A_421 = arith.constant 48 : index
      %swap3A_422 = tpu.vector_load %arg15[%swap3A_420, %swap3A_421] {strides = array<i32>} : memref<2x128xi32, #tpu.memory_space<vmem>>, vector<16xi32>,
      tpu.vector_store %arg15[%swap3A_420, %swap3A_421], %get3A_418 {strides = array<i32>} : memref<2x128xi32, #tpu.memory_space<vmem>>, vector<16xi32>,
      %get3A_423 = arith.constant 64 : index
      %get3A_424 = tpu.vector_load %arg14[%get3A_423] {strides = array<i32>} : memref<256xi32, #tpu.memory_space<vmem>>, vector<16xi32>,
      %swap3A_425 = arith.constant 0 : i32
      %swap3A_426 = arith.index_cast %swap3A_425 : i32 to index
      %swap3A_427 = arith.constant 64 : index
      %swap3A_428 = tpu.vector_load %arg15[%swap3A_426, %swap3A_427] {strides = array<i32>} : memref<2x128xi32, #tpu.memory_space<vmem>>, vector<16xi32>,
      tpu.vector_store %arg15[%swap3A_426, %swap3A_427], %get3A_424 {strides = array<i32>} : memref<2x128xi32, #tpu.memory_space<vmem>>, vector<16xi32>,
      %get3A_429 = arith.constant 80 : index
      %get3A_430 = tpu.vector_load %arg14[%get3A_429] {strides = array<i32>} : memref<256xi32, #tpu.memory_space<vmem>>, vector<16xi32>,
      %swap3A_431 = arith.constant 0 : i32
      %swap3A_432 = arith.index_cast %swap3A_431 : i32 to index
      %swap3A_433 = arith.constant 80 : index
      %swap3A_434 = tpu.vector_load %arg15[%swap3A_432, %swap3A_433] {strides = array<i32>} : memref<2x128xi32, #tpu.memory_space<vmem>>, vector<16xi32>,
      tpu.vector_store %arg15[%swap3A_432, %swap3A_433], %get3A_430 {strides = array<i32>} : memref<2x128xi32, #tpu.memory_space<vmem>>, vector<16xi32>,
      %get3A_435 = arith.constant 96 : index
      %get3A_436 = tpu.vector_load %arg14[%get3A_435] {strides = array<i32>} : memref<256xi32, #tpu.memory_space<vmem>>, vector<16xi32>,
      %swap3A_437 = arith.constant 0 : i32
      %swap3A_438 = arith.index_cast %swap3A_437 : i32 to index
      %swap3A_439 = arith.constant 96 : index
      %swap3A_440 = tpu.vector_load %arg15[%swap3A_438, %swap3A_439] {strides = array<i32>} : memref<2x128xi32, #tpu.memory_space<vmem>>, vector<16xi32>,
      tpu.vector_store %arg15[%swap3A_438, %swap3A_439], %get3A_436 {strides = array<i32>} : memref<2x128xi32, #tpu.memory_space<vmem>>, vector<16xi32>,
      %get3A_441 = arith.constant 112 : index
      %get3A_442 = tpu.vector_load %arg14[%get3A_441] {strides = array<i32>} : memref<256xi32, #tpu.memory_space<vmem>>, vector<16xi32>,
      %swap3A_443 = arith.constant 0 : i32
      %swap3A_444 = arith.index_cast %swap3A_443 : i32 to index
      %swap3A_445 = arith.constant 112 : index
      %swap3A_446 = tpu.vector_load %arg15[%swap3A_444, %swap3A_445] {strides = array<i32>} : memref<2x128xi32, #tpu.memory_space<vmem>>, vector<16xi32>,
      tpu.vector_store %arg15[%swap3A_444, %swap3A_445], %get3A_442 {strides = array<i32>} : memref<2x128xi32, #tpu.memory_space<vmem>>, vector<16xi32>,
      %get3A_447 = arith.constant 128 : index
      %get3A_448 = tpu.vector_load %arg14[%get3A_447] {strides = array<i32>} : memref<256xi32, #tpu.memory_space<vmem>>, vector<16xi32>,
      %swap3A_449 = arith.constant 1 : i32
      %swap3A_450 = arith.index_cast %swap3A_449 : i32 to index
      %swap3A_451 = arith.constant 0 : index
      %swap3A_452 = tpu.vector_load %arg15[%swap3A_450, %swap3A_451] {strides = array<i32>} : memref<2x128xi32, #tpu.memory_space<vmem>>, vector<16xi32>,
      tpu.vector_store %arg15[%swap3A_450, %swap3A_451], %get3A_448 {strides = array<i32>} : memref<2x128xi32, #tpu.memory_space<vmem>>, vector<16xi32>,
      %get3A_453 = arith.constant 144 : index
      %get3A_454 = tpu.vector_load %arg14[%get3A_453] {strides = array<i32>} : memref<256xi32, #tpu.memory_space<vmem>>, vector<16xi32>,
      %swap3A_455 = arith.constant 1 : i32
      %swap3A_456 = arith.index_cast %swap3A_455 : i32 to index
      %swap3A_457 = arith.constant 16 : index
      %swap3A_458 = tpu.vector_load %arg15[%swap3A_456, %swap3A_457] {strides = array<i32>} : memref<2x128xi32, #tpu.memory_space<vmem>>, vector<16xi32>,
      tpu.vector_store %arg15[%swap3A_456, %swap3A_457], %get3A_454 {strides = array<i32>} : memref<2x128xi32, #tpu.memory_space<vmem>>, vector<16xi32>,
      %get3A_459 = arith.constant 160 : index
      %get3A_460 = tpu.vector_load %arg14[%get3A_459] {strides = array<i32>} : memref<256xi32, #tpu.memory_space<vmem>>, vector<16xi32>,
      %swap3A_461 = arith.constant 1 : i32
      %swap3A_462 = arith.index_cast %swap3A_461 : i32 to index
      %swap3A_463 = arith.constant 32 : index
      %swap3A_464 = tpu.vector_load %arg15[%swap3A_462, %swap3A_463] {strides = array<i32>} : memref<2x128xi32, #tpu.memory_space<vmem>>, vector<16xi32>,
      tpu.vector_store %arg15[%swap3A_462, %swap3A_463], %get3A_460 {strides = array<i32>} : memref<2x128xi32, #tpu.memory_space<vmem>>, vector<16xi32>,
      %get3A_465 = arith.constant 176 : index
      %get3A_466 = tpu.vector_load %arg14[%get3A_465] {strides = array<i32>} : memref<256xi32, #tpu.memory_space<vmem>>, vector<16xi32>,
      %swap3A_467 = arith.constant 1 : i32
      %swap3A_468 = arith.index_cast %swap3A_467 : i32 to index
      %swap3A_469 = arith.constant 48 : index
      %swap3A_470 = tpu.vector_load %arg15[%swap3A_468, %swap3A_469] {strides = array<i32>} : memref<2x128xi32, #tpu.memory_space<vmem>>, vector<16xi32>,
      tpu.vector_store %arg15[%swap3A_468, %swap3A_469], %get3A_466 {strides = array<i32>} : memref<2x128xi32, #tpu.memory_space<vmem>>, vector<16xi32>,
      %get3A_471 = arith.constant 192 : index
      %get3A_472 = tpu.vector_load %arg14[%get3A_471] {strides = array<i32>} : memref<256xi32, #tpu.memory_space<vmem>>, vector<16xi32>,
      %swap3A_473 = arith.constant 1 : i32
      %swap3A_474 = arith.index_cast %swap3A_473 : i32 to index
      %swap3A_475 = arith.constant 64 : index
      %swap3A_476 = tpu.vector_load %arg15[%swap3A_474, %swap3A_475] {strides = array<i32>} : memref<2x128xi32, #tpu.memory_space<vmem>>, vector<16xi32>,
      tpu.vector_store %arg15[%swap3A_474, %swap3A_475], %get3A_472 {strides = array<i32>} : memref<2x128xi32, #tpu.memory_space<vmem>>, vector<16xi32>,
      %get3A_477 = arith.constant 208 : index
      %get3A_478 = tpu.vector_load %arg14[%get3A_477] {strides = array<i32>} : memref<256xi32, #tpu.memory_space<vmem>>, vector<16xi32>,
      %swap3A_479 = arith.constant 1 : i32
      %swap3A_480 = arith.index_cast %swap3A_479 : i32 to index
      %swap3A_481 = arith.constant 80 : index
      %swap3A_482 = tpu.vector_load %arg15[%swap3A_480, %swap3A_481] {strides = array<i32>} : memref<2x128xi32, #tpu.memory_space<vmem>>, vector<16xi32>,
      tpu.vector_store %arg15[%swap3A_480, %swap3A_481], %get3A_478 {strides = array<i32>} : memref<2x128xi32, #tpu.memory_space<vmem>>, vector<16xi32>,
      %get3A_483 = arith.constant 224 : index
      %get3A_484 = tpu.vector_load %arg14[%get3A_483] {strides = array<i32>} : memref<256xi32, #tpu.memory_space<vmem>>, vector<16xi32>,
      %swap3A_485 = arith.constant 1 : i32
      %swap3A_486 = arith.index_cast %swap3A_485 : i32 to index
      %swap3A_487 = arith.constant 96 : index
      %swap3A_488 = tpu.vector_load %arg15[%swap3A_486, %swap3A_487] {strides = array<i32>} : memref<2x128xi32, #tpu.memory_space<vmem>>, vector<16xi32>,
      tpu.vector_store %arg15[%swap3A_486, %swap3A_487], %get3A_484 {strides = array<i32>} : memref<2x128xi32, #tpu.memory_space<vmem>>, vector<16xi32>,
      %get3A_489 = arith.constant 240 : index
      %get3A_490 = tpu.vector_load %arg14[%get3A_489] {strides = array<i32>} : memref<256xi32, #tpu.memory_space<vmem>>, vector<16xi32>,
      %swap3A_491 = arith.constant 1 : i32
      %swap3A_492 = arith.index_cast %swap3A_491 : i32 to index
      %swap3A_493 = arith.constant 112 : index
      %swap3A_494 = tpu.vector_load %arg15[%swap3A_492, %swap3A_493] {strides = array<i32>} : memref<2x128xi32, #tpu.memory_space<vmem>>, vector<16xi32>,
      tpu.vector_store %arg15[%swap3A_492, %swap3A_493], %get3A_490 {strides = array<i32>} : memref<2x128xi32, #tpu.memory_space<vmem>>, vector<16xi32>,
      %mul3A_495 = arith.constant 2 : i32
      %mul3A_496 = arith.muli %arg1, %mul3A_495 : i32
      "tpu.region"() ({
        %run_scoped3A = tpu.sem_alloc : memref<!tpu.dma_semaphore, #tpu.memory_space<semaphore_mem>>
        %dma_start3A_951 = arith.constant 0 : i32
        %dma_start3A_952 = tpu.memref_slice %arg7[%mul3A_496, %dma_start3A_951] : memref<32x128xi32, #tpu.memory_space<hbm>> -> memref<2x128xi32, #tpu.memory_space<hbm>>
        %dma_start3A_953 = arith.constant 0 : i32
        %dma_start3A_954 = tpu.memref_slice %arg7[%mul3A_496, %dma_start3A_953] : memref<32x128xi32, #tpu.memory_space<hbm>> -> memref<2x128xi32, #tpu.memory_space<hbm>>
        tpu.enqueue_dma source(%arg15 : memref<2x128xi32, #tpu.memory_space<vmem>>) target(%dma_start3A_954 : memref<2x128xi32, #tpu.memory_space<hbm>>) target_semaphore(%run_scoped3A : memref<!tpu.dma_semaphore, #tpu.memory_space<semaphore_mem>>)
        %dma_wait3A_955 = arith.constant 0 : i32
        %dma_wait3A_956 = tpu.memref_slice %arg7[%mul3A_496, %dma_wait3A_955] : memref<32x128xi32, #tpu.memory_space<hbm>> -> memref<2x128xi32, #tpu.memory_space<hbm>>
        %dma_wait3A_957 = arith.constant 0 : i32
        %dma_wait3A_958 = tpu.memref_slice %arg7[%mul3A_496, %dma_wait3A_957] : memref<32x128xi32, #tpu.memory_space<hbm>> -> memref<2x128xi32, #tpu.memory_space<hbm>>
        tpu.wait_dma2 semaphore(%run_scoped3A : memref<!tpu.dma_semaphore, #tpu.memory_space<semaphore_mem>>) src(%arg15 : memref<2x128xi32, #tpu.memory_space<vmem>>) dst(%dma_wait3A_958 : memref<2x128xi32, #tpu.memory_space<hbm>>)
        tpu.yield
      }) : () -> ()
      "tpu.region"() ({
        %run_scoped3A = tpu.sem_alloc : memref<!tpu.dma_semaphore, #tpu.memory_space<semaphore_mem>>
        %dma_start3A_951 = tpu.memref_slice %arg4[%mul3A_2] : memref<4096xf32, #tpu.memory_space<hbm>> -> memref<256xf32, #tpu.memory_space<hbm>>
        %dma_start3A_952 = tpu.memref_slice %arg4[%mul3A_2] : memref<4096xf32, #tpu.memory_space<hbm>> -> memref<256xf32, #tpu.memory_space<hbm>>
        tpu.enqueue_dma source(%dma_start3A_952 : memref<256xf32, #tpu.memory_space<hbm>>) target(%arg13 : memref<256xf32, #tpu.memory_space<vmem>>) target_semaphore(%run_scoped3A : memref<!tpu.dma_semaphore, #tpu.memory_space<semaphore_mem>>)
        %dma_wait3A_953 = tpu.memref_slice %arg4[%mul3A_2] : memref<4096xf32, #tpu.memory_space<hbm>> -> memref<256xf32, #tpu.memory_space<hbm>>
        %dma_wait3A_954 = tpu.memref_slice %arg4[%mul3A_2] : memref<4096xf32, #tpu.memory_space<hbm>> -> memref<256xf32, #tpu.memory_space<hbm>>
        tpu.wait_dma2 semaphore(%run_scoped3A : memref<!tpu.dma_semaphore, #tpu.memory_space<semaphore_mem>>) src(%dma_wait3A_954 : memref<256xf32, #tpu.memory_space<hbm>>) dst(%arg13 : memref<256xf32, #tpu.memory_space<vmem>>)
        tpu.yield
      }) : () -> ()
      %get3A_497 = arith.constant 0 : index
      %get3A_498 = tpu.vector_load %arg13[%get3A_497] {strides = array<i32>} : memref<256xf32, #tpu.memory_space<vmem>>, vector<16xf32>,
      %swap3A_499 = arith.constant 0 : i32
      %swap3A_500 = arith.index_cast %swap3A_499 : i32 to index
      %swap3A_501 = arith.constant 0 : index
      %swap3A_502 = tpu.vector_load %arg17[%swap3A_500, %swap3A_501] {strides = array<i32>} : memref<2x128xf32, #tpu.memory_space<vmem>>, vector<16xf32>,
      tpu.vector_store %arg17[%swap3A_500, %swap3A_501], %get3A_498 {strides = array<i32>} : memref<2x128xf32, #tpu.memory_space<vmem>>, vector<16xf32>,
      %get3A_503 = arith.constant 16 : index
      %get3A_504 = tpu.vector_load %arg13[%get3A_503] {strides = array<i32>} : memref<256xf32, #tpu.memory_space<vmem>>, vector<16xf32>,
      %swap3A_505 = arith.constant 0 : i32
      %swap3A_506 = arith.index_cast %swap3A_505 : i32 to index
      %swap3A_507 = arith.constant 16 : index
      %swap3A_508 = tpu.vector_load %arg17[%swap3A_506, %swap3A_507] {strides = array<i32>} : memref<2x128xf32, #tpu.memory_space<vmem>>, vector<16xf32>,
      tpu.vector_store %arg17[%swap3A_506, %swap3A_507], %get3A_504 {strides = array<i32>} : memref<2x128xf32, #tpu.memory_space<vmem>>, vector<16xf32>,
      %get3A_509 = arith.constant 32 : index
      %get3A_510 = tpu.vector_load %arg13[%get3A_509] {strides = array<i32>} : memref<256xf32, #tpu.memory_space<vmem>>, vector<16xf32>,
      %swap3A_511 = arith.constant 0 : i32
      %swap3A_512 = arith.index_cast %swap3A_511 : i32 to index
      %swap3A_513 = arith.constant 32 : index
      %swap3A_514 = tpu.vector_load %arg17[%swap3A_512, %swap3A_513] {strides = array<i32>} : memref<2x128xf32, #tpu.memory_space<vmem>>, vector<16xf32>,
      tpu.vector_store %arg17[%swap3A_512, %swap3A_513], %get3A_510 {strides = array<i32>} : memref<2x128xf32, #tpu.memory_space<vmem>>, vector<16xf32>,
      %get3A_515 = arith.constant 48 : index
      %get3A_516 = tpu.vector_load %arg13[%get3A_515] {strides = array<i32>} : memref<256xf32, #tpu.memory_space<vmem>>, vector<16xf32>,
      %swap3A_517 = arith.constant 0 : i32
      %swap3A_518 = arith.index_cast %swap3A_517 : i32 to index
      %swap3A_519 = arith.constant 48 : index
      %swap3A_520 = tpu.vector_load %arg17[%swap3A_518, %swap3A_519] {strides = array<i32>} : memref<2x128xf32, #tpu.memory_space<vmem>>, vector<16xf32>,
      tpu.vector_store %arg17[%swap3A_518, %swap3A_519], %get3A_516 {strides = array<i32>} : memref<2x128xf32, #tpu.memory_space<vmem>>, vector<16xf32>,
      %get3A_521 = arith.constant 64 : index
      %get3A_522 = tpu.vector_load %arg13[%get3A_521] {strides = array<i32>} : memref<256xf32, #tpu.memory_space<vmem>>, vector<16xf32>,
      %swap3A_523 = arith.constant 0 : i32
      %swap3A_524 = arith.index_cast %swap3A_523 : i32 to index
      %swap3A_525 = arith.constant 64 : index
      %swap3A_526 = tpu.vector_load %arg17[%swap3A_524, %swap3A_525] {strides = array<i32>} : memref<2x128xf32, #tpu.memory_space<vmem>>, vector<16xf32>,
      tpu.vector_store %arg17[%swap3A_524, %swap3A_525], %get3A_522 {strides = array<i32>} : memref<2x128xf32, #tpu.memory_space<vmem>>, vector<16xf32>,
      %get3A_527 = arith.constant 80 : index
      %get3A_528 = tpu.vector_load %arg13[%get3A_527] {strides = array<i32>} : memref<256xf32, #tpu.memory_space<vmem>>, vector<16xf32>,
      %swap3A_529 = arith.constant 0 : i32
      %swap3A_530 = arith.index_cast %swap3A_529 : i32 to index
      %swap3A_531 = arith.constant 80 : index
      %swap3A_532 = tpu.vector_load %arg17[%swap3A_530, %swap3A_531] {strides = array<i32>} : memref<2x128xf32, #tpu.memory_space<vmem>>, vector<16xf32>,
      tpu.vector_store %arg17[%swap3A_530, %swap3A_531], %get3A_528 {strides = array<i32>} : memref<2x128xf32, #tpu.memory_space<vmem>>, vector<16xf32>,
      %get3A_533 = arith.constant 96 : index
      %get3A_534 = tpu.vector_load %arg13[%get3A_533] {strides = array<i32>} : memref<256xf32, #tpu.memory_space<vmem>>, vector<16xf32>,
      %swap3A_535 = arith.constant 0 : i32
      %swap3A_536 = arith.index_cast %swap3A_535 : i32 to index
      %swap3A_537 = arith.constant 96 : index
      %swap3A_538 = tpu.vector_load %arg17[%swap3A_536, %swap3A_537] {strides = array<i32>} : memref<2x128xf32, #tpu.memory_space<vmem>>, vector<16xf32>,
      tpu.vector_store %arg17[%swap3A_536, %swap3A_537], %get3A_534 {strides = array<i32>} : memref<2x128xf32, #tpu.memory_space<vmem>>, vector<16xf32>,
      %get3A_539 = arith.constant 112 : index
      %get3A_540 = tpu.vector_load %arg13[%get3A_539] {strides = array<i32>} : memref<256xf32, #tpu.memory_space<vmem>>, vector<16xf32>,
      %swap3A_541 = arith.constant 0 : i32
      %swap3A_542 = arith.index_cast %swap3A_541 : i32 to index
      %swap3A_543 = arith.constant 112 : index
      %swap3A_544 = tpu.vector_load %arg17[%swap3A_542, %swap3A_543] {strides = array<i32>} : memref<2x128xf32, #tpu.memory_space<vmem>>, vector<16xf32>,
      tpu.vector_store %arg17[%swap3A_542, %swap3A_543], %get3A_540 {strides = array<i32>} : memref<2x128xf32, #tpu.memory_space<vmem>>, vector<16xf32>,
      %get3A_545 = arith.constant 128 : index
      %get3A_546 = tpu.vector_load %arg13[%get3A_545] {strides = array<i32>} : memref<256xf32, #tpu.memory_space<vmem>>, vector<16xf32>,
      %swap3A_547 = arith.constant 1 : i32
      %swap3A_548 = arith.index_cast %swap3A_547 : i32 to index
      %swap3A_549 = arith.constant 0 : index
      %swap3A_550 = tpu.vector_load %arg17[%swap3A_548, %swap3A_549] {strides = array<i32>} : memref<2x128xf32, #tpu.memory_space<vmem>>, vector<16xf32>,
      tpu.vector_store %arg17[%swap3A_548, %swap3A_549], %get3A_546 {strides = array<i32>} : memref<2x128xf32, #tpu.memory_space<vmem>>, vector<16xf32>,
      %get3A_551 = arith.constant 144 : index
      %get3A_552 = tpu.vector_load %arg13[%get3A_551] {strides = array<i32>} : memref<256xf32, #tpu.memory_space<vmem>>, vector<16xf32>,
      %swap3A_553 = arith.constant 1 : i32
      %swap3A_554 = arith.index_cast %swap3A_553 : i32 to index
      %swap3A_555 = arith.constant 16 : index
      %swap3A_556 = tpu.vector_load %arg17[%swap3A_554, %swap3A_555] {strides = array<i32>} : memref<2x128xf32, #tpu.memory_space<vmem>>, vector<16xf32>,
      tpu.vector_store %arg17[%swap3A_554, %swap3A_555], %get3A_552 {strides = array<i32>} : memref<2x128xf32, #tpu.memory_space<vmem>>, vector<16xf32>,
      %get3A_557 = arith.constant 160 : index
      %get3A_558 = tpu.vector_load %arg13[%get3A_557] {strides = array<i32>} : memref<256xf32, #tpu.memory_space<vmem>>, vector<16xf32>,
      %swap3A_559 = arith.constant 1 : i32
      %swap3A_560 = arith.index_cast %swap3A_559 : i32 to index
      %swap3A_561 = arith.constant 32 : index
      %swap3A_562 = tpu.vector_load %arg17[%swap3A_560, %swap3A_561] {strides = array<i32>} : memref<2x128xf32, #tpu.memory_space<vmem>>, vector<16xf32>,
      tpu.vector_store %arg17[%swap3A_560, %swap3A_561], %get3A_558 {strides = array<i32>} : memref<2x128xf32, #tpu.memory_space<vmem>>, vector<16xf32>,
      %get3A_563 = arith.constant 176 : index
      %get3A_564 = tpu.vector_load %arg13[%get3A_563] {strides = array<i32>} : memref<256xf32, #tpu.memory_space<vmem>>, vector<16xf32>,
      %swap3A_565 = arith.constant 1 : i32
      %swap3A_566 = arith.index_cast %swap3A_565 : i32 to index
      %swap3A_567 = arith.constant 48 : index
      %swap3A_568 = tpu.vector_load %arg17[%swap3A_566, %swap3A_567] {strides = array<i32>} : memref<2x128xf32, #tpu.memory_space<vmem>>, vector<16xf32>,
      tpu.vector_store %arg17[%swap3A_566, %swap3A_567], %get3A_564 {strides = array<i32>} : memref<2x128xf32, #tpu.memory_space<vmem>>, vector<16xf32>,
      %get3A_569 = arith.constant 192 : index
      %get3A_570 = tpu.vector_load %arg13[%get3A_569] {strides = array<i32>} : memref<256xf32, #tpu.memory_space<vmem>>, vector<16xf32>,
      %swap3A_571 = arith.constant 1 : i32
      %swap3A_572 = arith.index_cast %swap3A_571 : i32 to index
      %swap3A_573 = arith.constant 64 : index
      %swap3A_574 = tpu.vector_load %arg17[%swap3A_572, %swap3A_573] {strides = array<i32>} : memref<2x128xf32, #tpu.memory_space<vmem>>, vector<16xf32>,
      tpu.vector_store %arg17[%swap3A_572, %swap3A_573], %get3A_570 {strides = array<i32>} : memref<2x128xf32, #tpu.memory_space<vmem>>, vector<16xf32>,
      %get3A_575 = arith.constant 208 : index
      %get3A_576 = tpu.vector_load %arg13[%get3A_575] {strides = array<i32>} : memref<256xf32, #tpu.memory_space<vmem>>, vector<16xf32>,
      %swap3A_577 = arith.constant 1 : i32
      %swap3A_578 = arith.index_cast %swap3A_577 : i32 to index
      %swap3A_579 = arith.constant 80 : index
      %swap3A_580 = tpu.vector_load %arg17[%swap3A_578, %swap3A_579] {strides = array<i32>} : memref<2x128xf32, #tpu.memory_space<vmem>>, vector<16xf32>,
      tpu.vector_store %arg17[%swap3A_578, %swap3A_579], %get3A_576 {strides = array<i32>} : memref<2x128xf32, #tpu.memory_space<vmem>>, vector<16xf32>,
      %get3A_581 = arith.constant 224 : index
      %get3A_582 = tpu.vector_load %arg13[%get3A_581] {strides = array<i32>} : memref<256xf32, #tpu.memory_space<vmem>>, vector<16xf32>,
      %swap3A_583 = arith.constant 1 : i32
      %swap3A_584 = arith.index_cast %swap3A_583 : i32 to index
      %swap3A_585 = arith.constant 96 : index
      %swap3A_586 = tpu.vector_load %arg17[%swap3A_584, %swap3A_585] {strides = array<i32>} : memref<2x128xf32, #tpu.memory_space<vmem>>, vector<16xf32>,
      tpu.vector_store %arg17[%swap3A_584, %swap3A_585], %get3A_582 {strides = array<i32>} : memref<2x128xf32, #tpu.memory_space<vmem>>, vector<16xf32>,
      %get3A_587 = arith.constant 240 : index
      %get3A_588 = tpu.vector_load %arg13[%get3A_587] {strides = array<i32>} : memref<256xf32, #tpu.memory_space<vmem>>, vector<16xf32>,
      %swap3A_589 = arith.constant 1 : i32
      %swap3A_590 = arith.index_cast %swap3A_589 : i32 to index
      %swap3A_591 = arith.constant 112 : index
      %swap3A_592 = tpu.vector_load %arg17[%swap3A_590, %swap3A_591] {strides = array<i32>} : memref<2x128xf32, #tpu.memory_space<vmem>>, vector<16xf32>,
      tpu.vector_store %arg17[%swap3A_590, %swap3A_591], %get3A_588 {strides = array<i32>} : memref<2x128xf32, #tpu.memory_space<vmem>>, vector<16xf32>,
      %dma_start3A = arith.constant 0 : i32
      %dma_start3A_593 = arith.constant 0 : i32
      %dma_start3A_594 = arith.constant 0 : i32
      %dma_start3A_595 = tpu.memref_slice %arg16[%dma_start3A, %dma_start3A_594] : memref<2x128xi32, #tpu.memory_space<vmem>> -> memref<1x128xi32, #tpu.memory_space<vmem>>
      %dma_start3A_596 = tpu.memref_squeeze %dma_start3A_595 : memref<1x128xi32, #tpu.memory_space<vmem>> -> memref<128xi32, #tpu.memory_space<vmem>>
      %dma_start3A_597 = arith.constant 0 : i32
      %dma_start3A_598 = tpu.memref_slice %arg15[%dma_start3A_593, %dma_start3A_597] : memref<2x128xi32, #tpu.memory_space<vmem>> -> memref<1x128xi32, #tpu.memory_space<vmem>>
      %dma_start3A_599 = tpu.memref_squeeze %dma_start3A_598 : memref<1x128xi32, #tpu.memory_space<vmem>> -> memref<128xi32, #tpu.memory_space<vmem>>
      %dma_start3A_600 = arith.constant 0 : i32
      %dma_start3A_601 = tpu.memref_slice %arg9[%dma_start3A_600] : memref<10240xi32, #tpu.memory_space<hbm>> -> memref<10240xi32, #tpu.memory_space<hbm>>
      tpu.enqueue_indirect_dma source(%dma_start3A_596 : memref<128xi32, #tpu.memory_space<vmem>>) target(%dma_start3A_601 : memref<10240xi32, #tpu.memory_space<hbm>>) offsets(%dma_start3A_599 : memref<128xi32, #tpu.memory_space<vmem>>) semaphore(%arg20 : memref<!tpu.dma_semaphore, #tpu.memory_space<semaphore_mem>>)
      %dma_wait3A = arith.constant 0 : i32
      %dma_wait3A_602 = arith.constant 0 : i32
      %dma_wait3A_603 = arith.constant 0 : i32
      %dma_wait3A_604 = tpu.memref_slice %arg16[%dma_wait3A, %dma_wait3A_603] : memref<2x128xi32, #tpu.memory_space<vmem>> -> memref<1x128xi32, #tpu.memory_space<vmem>>
      %dma_wait3A_605 = tpu.memref_squeeze %dma_wait3A_604 : memref<1x128xi32, #tpu.memory_space<vmem>> -> memref<128xi32, #tpu.memory_space<vmem>>
      %dma_wait3A_606 = arith.constant 0 : i32
      %dma_wait3A_607 = tpu.memref_slice %arg15[%dma_wait3A_602, %dma_wait3A_606] : memref<2x128xi32, #tpu.memory_space<vmem>> -> memref<1x128xi32, #tpu.memory_space<vmem>>
      %dma_wait3A_608 = tpu.memref_squeeze %dma_wait3A_607 : memref<1x128xi32, #tpu.memory_space<vmem>> -> memref<128xi32, #tpu.memory_space<vmem>>
      %dma_wait3A_609 = arith.constant 0 : i32
      %dma_wait3A_610 = tpu.memref_slice %arg9[%dma_wait3A_609] : memref<10240xi32, #tpu.memory_space<hbm>> -> memref<10240xi32, #tpu.memory_space<hbm>>
      tpu.wait_indirect_dma semaphore(%arg20 : memref<!tpu.dma_semaphore, #tpu.memory_space<semaphore_mem>>) src(%dma_wait3A_605 : memref<128xi32, #tpu.memory_space<vmem>>) dst(%dma_wait3A_610 : memref<10240xi32, #tpu.memory_space<hbm>>)
      %dma_start3A_611 = arith.constant 0 : i32
      %dma_start3A_612 = arith.constant 0 : i32
      %dma_start3A_613 = arith.constant 0 : i32
      %dma_start3A_614 = tpu.memref_slice %arg17[%dma_start3A_611, %dma_start3A_613] : memref<2x128xf32, #tpu.memory_space<vmem>> -> memref<1x128xf32, #tpu.memory_space<vmem>>
      %dma_start3A_615 = tpu.memref_squeeze %dma_start3A_614 : memref<1x128xf32, #tpu.memory_space<vmem>> -> memref<128xf32, #tpu.memory_space<vmem>>
      %dma_start3A_616 = arith.constant 0 : i32
      %dma_start3A_617 = tpu.memref_slice %arg15[%dma_start3A_612, %dma_start3A_616] : memref<2x128xi32, #tpu.memory_space<vmem>> -> memref<1x128xi32, #tpu.memory_space<vmem>>
      %dma_start3A_618 = tpu.memref_squeeze %dma_start3A_617 : memref<1x128xi32, #tpu.memory_space<vmem>> -> memref<128xi32, #tpu.memory_space<vmem>>
      %dma_start3A_619 = arith.constant 0 : i32
      %dma_start3A_620 = tpu.memref_slice %arg10[%dma_start3A_619] : memref<10240xf32, #tpu.memory_space<hbm>> -> memref<10240xf32, #tpu.memory_space<hbm>>
      tpu.enqueue_indirect_dma source(%dma_start3A_615 : memref<128xf32, #tpu.memory_space<vmem>>) target(%dma_start3A_620 : memref<10240xf32, #tpu.memory_space<hbm>>) offsets(%dma_start3A_618 : memref<128xi32, #tpu.memory_space<vmem>>) semaphore(%arg20 : memref<!tpu.dma_semaphore, #tpu.memory_space<semaphore_mem>>)
      %dma_wait3A_621 = arith.constant 0 : i32
      %dma_wait3A_622 = arith.constant 0 : i32
      %dma_wait3A_623 = arith.constant 0 : i32
      %dma_wait3A_624 = tpu.memref_slice %arg17[%dma_wait3A_621, %dma_wait3A_623] : memref<2x128xf32, #tpu.memory_space<vmem>> -> memref<1x128xf32, #tpu.memory_space<vmem>>
      %dma_wait3A_625 = tpu.memref_squeeze %dma_wait3A_624 : memref<1x128xf32, #tpu.memory_space<vmem>> -> memref<128xf32, #tpu.memory_space<vmem>>
      %dma_wait3A_626 = arith.constant 0 : i32
      %dma_wait3A_627 = tpu.memref_slice %arg15[%dma_wait3A_622, %dma_wait3A_626] : memref<2x128xi32, #tpu.memory_space<vmem>> -> memref<1x128xi32, #tpu.memory_space<vmem>>
      %dma_wait3A_628 = tpu.memref_squeeze %dma_wait3A_627 : memref<1x128xi32, #tpu.memory_space<vmem>> -> memref<128xi32, #tpu.memory_space<vmem>>
      %dma_wait3A_629 = arith.constant 0 : i32
      %dma_wait3A_630 = tpu.memref_slice %arg10[%dma_wait3A_629] : memref<10240xf32, #tpu.memory_space<hbm>> -> memref<10240xf32, #tpu.memory_space<hbm>>
      tpu.wait_indirect_dma semaphore(%arg20 : memref<!tpu.dma_semaphore, #tpu.memory_space<semaphore_mem>>) src(%dma_wait3A_625 : memref<128xf32, #tpu.memory_space<vmem>>) dst(%dma_wait3A_630 : memref<10240xf32, #tpu.memory_space<hbm>>)
      %dma_start3A_631 = arith.constant 1 : i32
      %dma_start3A_632 = arith.constant 1 : i32
      %dma_start3A_633 = arith.constant 0 : i32
      %dma_start3A_634 = tpu.memref_slice %arg16[%dma_start3A_631, %dma_start3A_633] : memref<2x128xi32, #tpu.memory_space<vmem>> -> memref<1x128xi32, #tpu.memory_space<vmem>>
      %dma_start3A_635 = tpu.memref_squeeze %dma_start3A_634 : memref<1x128xi32, #tpu.memory_space<vmem>> -> memref<128xi32, #tpu.memory_space<vmem>>
      %dma_start3A_636 = arith.constant 0 : i32
      %dma_start3A_637 = tpu.memref_slice %arg15[%dma_start3A_632, %dma_start3A_636] : memref<2x128xi32, #tpu.memory_space<vmem>> -> memref<1x128xi32, #tpu.memory_space<vmem>>
      %dma_start3A_638 = tpu.memref_squeeze %dma_start3A_637 : memref<1x128xi32, #tpu.memory_space<vmem>> -> memref<128xi32, #tpu.memory_space<vmem>>
      %dma_start3A_639 = arith.constant 0 : i32
      %dma_start3A_640 = tpu.memref_slice %arg9[%dma_start3A_639] : memref<10240xi32, #tpu.memory_space<hbm>> -> memref<10240xi32, #tpu.memory_space<hbm>>
      tpu.enqueue_indirect_dma source(%dma_start3A_635 : memref<128xi32, #tpu.memory_space<vmem>>) target(%dma_start3A_640 : memref<10240xi32, #tpu.memory_space<hbm>>) offsets(%dma_start3A_638 : memref<128xi32, #tpu.memory_space<vmem>>) semaphore(%arg20 : memref<!tpu.dma_semaphore, #tpu.memory_space<semaphore_mem>>)
      %dma_wait3A_641 = arith.constant 1 : i32
      %dma_wait3A_642 = arith.constant 1 : i32
      %dma_wait3A_643 = arith.constant 0 : i32
      %dma_wait3A_644 = tpu.memref_slice %arg16[%dma_wait3A_641, %dma_wait3A_643] : memref<2x128xi32, #tpu.memory_space<vmem>> -> memref<1x128xi32, #tpu.memory_space<vmem>>
      %dma_wait3A_645 = tpu.memref_squeeze %dma_wait3A_644 : memref<1x128xi32, #tpu.memory_space<vmem>> -> memref<128xi32, #tpu.memory_space<vmem>>
      %dma_wait3A_646 = arith.constant 0 : i32
      %dma_wait3A_647 = tpu.memref_slice %arg15[%dma_wait3A_642, %dma_wait3A_646] : memref<2x128xi32, #tpu.memory_space<vmem>> -> memref<1x128xi32, #tpu.memory_space<vmem>>
      %dma_wait3A_648 = tpu.memref_squeeze %dma_wait3A_647 : memref<1x128xi32, #tpu.memory_space<vmem>> -> memref<128xi32, #tpu.memory_space<vmem>>
      %dma_wait3A_649 = arith.constant 0 : i32
      %dma_wait3A_650 = tpu.memref_slice %arg9[%dma_wait3A_649] : memref<10240xi32, #tpu.memory_space<hbm>> -> memref<10240xi32, #tpu.memory_space<hbm>>
      tpu.wait_indirect_dma semaphore(%arg20 : memref<!tpu.dma_semaphore, #tpu.memory_space<semaphore_mem>>) src(%dma_wait3A_645 : memref<128xi32, #tpu.memory_space<vmem>>) dst(%dma_wait3A_650 : memref<10240xi32, #tpu.memory_space<hbm>>)
      %dma_start3A_651 = arith.constant 1 : i32
      %dma_start3A_652 = arith.constant 1 : i32
      %dma_start3A_653 = arith.constant 0 : i32
      %dma_start3A_654 = tpu.memref_slice %arg17[%dma_start3A_651, %dma_start3A_653] : memref<2x128xf32, #tpu.memory_space<vmem>> -> memref<1x128xf32, #tpu.memory_space<vmem>>
      %dma_start3A_655 = tpu.memref_squeeze %dma_start3A_654 : memref<1x128xf32, #tpu.memory_space<vmem>> -> memref<128xf32, #tpu.memory_space<vmem>>
      %dma_start3A_656 = arith.constant 0 : i32
      %dma_start3A_657 = tpu.memref_slice %arg15[%dma_start3A_652, %dma_start3A_656] : memref<2x128xi32, #tpu.memory_space<vmem>> -> memref<1x128xi32, #tpu.memory_space<vmem>>
      %dma_start3A_658 = tpu.memref_squeeze %dma_start3A_657 : memref<1x128xi32, #tpu.memory_space<vmem>> -> memref<128xi32, #tpu.memory_space<vmem>>
      %dma_start3A_659 = arith.constant 0 : i32
      %dma_start3A_660 = tpu.memref_slice %arg10[%dma_start3A_659] : memref<10240xf32, #tpu.memory_space<hbm>> -> memref<10240xf32, #tpu.memory_space<hbm>>
      tpu.enqueue_indirect_dma source(%dma_start3A_655 : memref<128xf32, #tpu.memory_space<vmem>>) target(%dma_start3A_660 : memref<10240xf32, #tpu.memory_space<hbm>>) offsets(%dma_start3A_658 : memref<128xi32, #tpu.memory_space<vmem>>) semaphore(%arg20 : memref<!tpu.dma_semaphore, #tpu.memory_space<semaphore_mem>>)
      %dma_wait3A_661 = arith.constant 1 : i32
      %dma_wait3A_662 = arith.constant 1 : i32
      %dma_wait3A_663 = arith.constant 0 : i32
      %dma_wait3A_664 = tpu.memref_slice %arg17[%dma_wait3A_661, %dma_wait3A_663] : memref<2x128xf32, #tpu.memory_space<vmem>> -> memref<1x128xf32, #tpu.memory_space<vmem>>
      %dma_wait3A_665 = tpu.memref_squeeze %dma_wait3A_664 : memref<1x128xf32, #tpu.memory_space<vmem>> -> memref<128xf32, #tpu.memory_space<vmem>>
      %dma_wait3A_666 = arith.constant 0 : i32
      %dma_wait3A_667 = tpu.memref_slice %arg15[%dma_wait3A_662, %dma_wait3A_666] : memref<2x128xi32, #tpu.memory_space<vmem>> -> memref<1x128xi32, #tpu.memory_space<vmem>>
      %dma_wait3A_668 = tpu.memref_squeeze %dma_wait3A_667 : memref<1x128xi32, #tpu.memory_space<vmem>> -> memref<128xi32, #tpu.memory_space<vmem>>
      %dma_wait3A_669 = arith.constant 0 : i32
      %dma_wait3A_670 = tpu.memref_slice %arg10[%dma_wait3A_669] : memref<10240xf32, #tpu.memory_space<hbm>> -> memref<10240xf32, #tpu.memory_space<hbm>>
      tpu.wait_indirect_dma semaphore(%arg20 : memref<!tpu.dma_semaphore, #tpu.memory_space<semaphore_mem>>) src(%dma_wait3A_665 : memref<128xf32, #tpu.memory_space<vmem>>) dst(%dma_wait3A_670 : memref<10240xf32, #tpu.memory_space<hbm>>)
      %scan3A_671 = arith.constant 0 : i32
      %scan3A_672 = arith.constant 16 : i32
      %scan3A_673 = arith.addi %scan3A_671, %scan3A_672 : i32
      %scan3A_674 = arith.constant 1 : i32
      %scan3A_675:8 = scf.for %scan3A_951 = %scan3A_671 to %scan3A_673 step %scan3A_674 iter_args(%scan3A_952 = %scan3A_397#0, %scan3A_953 = %scan3A_397#1, %scan3A_954 = %scan3A_397#2, %scan3A_955 = %scan3A_397#3, %scan3A_956 = %scan3A_397#4, %scan3A_957 = %scan3A_397#5, %scan3A_958 = %scan3A_397#6, %scan3A_959 = %scan3A_397#7) -> (i32, i32, i32, i32, i32, i32, i32, i32)  : i32 {
        %mul3A_960 = arith.constant 16 : i32
        %mul3A_961 = arith.muli %scan3A_951, %mul3A_960 : i32
        %get3A_962 = arith.index_cast %mul3A_961 : i32 to index
        %get3A_963 = tpu.vector_load %arg12[%get3A_962] {strides = array<i32>} : memref<256xi32, #tpu.memory_space<vmem>>, vector<16xi32>,
        %broadcast_in_dim3A_964 = arith.constant 0 : i32
        %broadcast_in_dim3A_965 = vector.broadcast %broadcast_in_dim3A_964 : i32 to vector<16xi32>
        %eq3A_966 = arith.constant 0 : i32
        %eq3A_967 = vector.broadcast %eq3A_966 : i32 to vector<16xi32>
        %eq3A_968 = arith.cmpi eq, %get3A_963, %eq3A_967 : vector<16xi32>
        %convert_element_type3A_969 = arith.extui %eq3A_968 : vector<16xi1> to vector<16xi32>
        %cumsum3A = arith.constant true
        %cumsum3A_970 = vector.broadcast %cumsum3A : i1 to vector<16xi1>
        %cumsum3A_971 = tpu.scan <sum>, %convert_element_type3A_969 masked %cumsum3A_970 : vector<16xi32>, vector<16xi1> -> vector<16xi32>
        %add3A_972 = vector.broadcast %scan3A_952 : i32 to vector<16xi32>
        %add3A_973 = arith.addi %add3A_972, %cumsum3A_971 : vector<16xi32>
        %sub3A_974 = arith.constant 1 : i32
        %sub3A_975 = vector.broadcast %sub3A_974 : i32 to vector<16xi32>
        %sub3A_976 = arith.subi %add3A_973, %sub3A_975 : vector<16xi32>
        %select_n3A_977 = arith.select %eq3A_968, %sub3A_976, %broadcast_in_dim3A_965 : vector<16xi1>, vector<16xi32>
        %reduce_sum3A = arith.constant true
        %reduce_sum3A_978 = vector.broadcast %reduce_sum3A : i1 to vector<16xi1>
        %reduce_sum3A_979 = tpu.scan <sum>, %convert_element_type3A_969 masked %reduce_sum3A_978 : vector<16xi32>, vector<16xi1> -> vector<16xi32>
        %reduce_sum3A_980 = vector.extract %reduce_sum3A_979[15] : i32 from vector<16xi32>
        %add3A_981 = arith.addi %scan3A_952, %reduce_sum3A_980 : i32
        %eq3A_982 = arith.constant 1 : i32
        %eq3A_983 = vector.broadcast %eq3A_982 : i32 to vector<16xi32>
        %eq3A_984 = arith.cmpi eq, %get3A_963, %eq3A_983 : vector<16xi32>
        %convert_element_type3A_985 = arith.extui %eq3A_984 : vector<16xi1> to vector<16xi32>
        %cumsum3A_986 = arith.constant true
        %cumsum3A_987 = vector.broadcast %cumsum3A_986 : i1 to vector<16xi1>
        %cumsum3A_988 = tpu.scan <sum>, %convert_element_type3A_985 masked %cumsum3A_987 : vector<16xi32>, vector<16xi1> -> vector<16xi32>
        %add3A_989 = vector.broadcast %scan3A_953 : i32 to vector<16xi32>
        %add3A_990 = arith.addi %add3A_989, %cumsum3A_988 : vector<16xi32>
        %sub3A_991 = arith.constant 1 : i32
        %sub3A_992 = vector.broadcast %sub3A_991 : i32 to vector<16xi32>
        %sub3A_993 = arith.subi %add3A_990, %sub3A_992 : vector<16xi32>
        %select_n3A_994 = arith.select %eq3A_984, %sub3A_993, %select_n3A_977 : vector<16xi1>, vector<16xi32>
        %reduce_sum3A_995 = arith.constant true
        %reduce_sum3A_996 = vector.broadcast %reduce_sum3A_995 : i1 to vector<16xi1>
        %reduce_sum3A_997 = tpu.scan <sum>, %convert_element_type3A_985 masked %reduce_sum3A_996 : vector<16xi32>, vector<16xi1> -> vector<16xi32>
        %reduce_sum3A_998 = vector.extract %reduce_sum3A_997[15] : i32 from vector<16xi32>
        %add3A_999 = arith.addi %scan3A_953, %reduce_sum3A_998 : i32
        %eq3A_1000 = arith.constant 2 : i32
        %eq3A_1001 = vector.broadcast %eq3A_1000 : i32 to vector<16xi32>
        %eq3A_1002 = arith.cmpi eq, %get3A_963, %eq3A_1001 : vector<16xi32>
        %convert_element_type3A_1003 = arith.extui %eq3A_1002 : vector<16xi1> to vector<16xi32>
        %cumsum3A_1004 = arith.constant true
        %cumsum3A_1005 = vector.broadcast %cumsum3A_1004 : i1 to vector<16xi1>
        %cumsum3A_1006 = tpu.scan <sum>, %convert_element_type3A_1003 masked %cumsum3A_1005 : vector<16xi32>, vector<16xi1> -> vector<16xi32>
        %add3A_1007 = vector.broadcast %scan3A_954 : i32 to vector<16xi32>
        %add3A_1008 = arith.addi %add3A_1007, %cumsum3A_1006 : vector<16xi32>
        %sub3A_1009 = arith.constant 1 : i32
        %sub3A_1010 = vector.broadcast %sub3A_1009 : i32 to vector<16xi32>
        %sub3A_1011 = arith.subi %add3A_1008, %sub3A_1010 : vector<16xi32>
        %select_n3A_1012 = arith.select %eq3A_1002, %sub3A_1011, %select_n3A_994 : vector<16xi1>, vector<16xi32>
        %reduce_sum3A_1013 = arith.constant true
        %reduce_sum3A_1014 = vector.broadcast %reduce_sum3A_1013 : i1 to vector<16xi1>
        %reduce_sum3A_1015 = tpu.scan <sum>, %convert_element_type3A_1003 masked %reduce_sum3A_1014 : vector<16xi32>, vector<16xi1> -> vector<16xi32>
        %reduce_sum3A_1016 = vector.extract %reduce_sum3A_1015[15] : i32 from vector<16xi32>
        %add3A_1017 = arith.addi %scan3A_954, %reduce_sum3A_1016 : i32
        %eq3A_1018 = arith.constant 3 : i32
        %eq3A_1019 = vector.broadcast %eq3A_1018 : i32 to vector<16xi32>
        %eq3A_1020 = arith.cmpi eq, %get3A_963, %eq3A_1019 : vector<16xi32>
        %convert_element_type3A_1021 = arith.extui %eq3A_1020 : vector<16xi1> to vector<16xi32>
        %cumsum3A_1022 = arith.constant true
        %cumsum3A_1023 = vector.broadcast %cumsum3A_1022 : i1 to vector<16xi1>
        %cumsum3A_1024 = tpu.scan <sum>, %convert_element_type3A_1021 masked %cumsum3A_1023 : vector<16xi32>, vector<16xi1> -> vector<16xi32>
        %add3A_1025 = vector.broadcast %scan3A_955 : i32 to vector<16xi32>
        %add3A_1026 = arith.addi %add3A_1025, %cumsum3A_1024 : vector<16xi32>
        %sub3A_1027 = arith.constant 1 : i32
        %sub3A_1028 = vector.broadcast %sub3A_1027 : i32 to vector<16xi32>
        %sub3A_1029 = arith.subi %add3A_1026, %sub3A_1028 : vector<16xi32>
        %select_n3A_1030 = arith.select %eq3A_1020, %sub3A_1029, %select_n3A_1012 : vector<16xi1>, vector<16xi32>
        %reduce_sum3A_1031 = arith.constant true
        %reduce_sum3A_1032 = vector.broadcast %reduce_sum3A_1031 : i1 to vector<16xi1>
        %reduce_sum3A_1033 = tpu.scan <sum>, %convert_element_type3A_1021 masked %reduce_sum3A_1032 : vector<16xi32>, vector<16xi1> -> vector<16xi32>
        %reduce_sum3A_1034 = vector.extract %reduce_sum3A_1033[15] : i32 from vector<16xi32>
        %add3A_1035 = arith.addi %scan3A_955, %reduce_sum3A_1034 : i32
        %eq3A_1036 = arith.constant 4 : i32
        %eq3A_1037 = vector.broadcast %eq3A_1036 : i32 to vector<16xi32>
        %eq3A_1038 = arith.cmpi eq, %get3A_963, %eq3A_1037 : vector<16xi32>
        %convert_element_type3A_1039 = arith.extui %eq3A_1038 : vector<16xi1> to vector<16xi32>
        %cumsum3A_1040 = arith.constant true
        %cumsum3A_1041 = vector.broadcast %cumsum3A_1040 : i1 to vector<16xi1>
        %cumsum3A_1042 = tpu.scan <sum>, %convert_element_type3A_1039 masked %cumsum3A_1041 : vector<16xi32>, vector<16xi1> -> vector<16xi32>
        %add3A_1043 = vector.broadcast %scan3A_956 : i32 to vector<16xi32>
        %add3A_1044 = arith.addi %add3A_1043, %cumsum3A_1042 : vector<16xi32>
        %sub3A_1045 = arith.constant 1 : i32
        %sub3A_1046 = vector.broadcast %sub3A_1045 : i32 to vector<16xi32>
        %sub3A_1047 = arith.subi %add3A_1044, %sub3A_1046 : vector<16xi32>
        %select_n3A_1048 = arith.select %eq3A_1038, %sub3A_1047, %select_n3A_1030 : vector<16xi1>, vector<16xi32>
        %reduce_sum3A_1049 = arith.constant true
        %reduce_sum3A_1050 = vector.broadcast %reduce_sum3A_1049 : i1 to vector<16xi1>
        %reduce_sum3A_1051 = tpu.scan <sum>, %convert_element_type3A_1039 masked %reduce_sum3A_1050 : vector<16xi32>, vector<16xi1> -> vector<16xi32>
        %reduce_sum3A_1052 = vector.extract %reduce_sum3A_1051[15] : i32 from vector<16xi32>
        %add3A_1053 = arith.addi %scan3A_956, %reduce_sum3A_1052 : i32
        %eq3A_1054 = arith.constant 5 : i32
        %eq3A_1055 = vector.broadcast %eq3A_1054 : i32 to vector<16xi32>
        %eq3A_1056 = arith.cmpi eq, %get3A_963, %eq3A_1055 : vector<16xi32>
        %convert_element_type3A_1057 = arith.extui %eq3A_1056 : vector<16xi1> to vector<16xi32>
        %cumsum3A_1058 = arith.constant true
        %cumsum3A_1059 = vector.broadcast %cumsum3A_1058 : i1 to vector<16xi1>
        %cumsum3A_1060 = tpu.scan <sum>, %convert_element_type3A_1057 masked %cumsum3A_1059 : vector<16xi32>, vector<16xi1> -> vector<16xi32>
        %add3A_1061 = vector.broadcast %scan3A_957 : i32 to vector<16xi32>
        %add3A_1062 = arith.addi %add3A_1061, %cumsum3A_1060 : vector<16xi32>
        %sub3A_1063 = arith.constant 1 : i32
        %sub3A_1064 = vector.broadcast %sub3A_1063 : i32 to vector<16xi32>
        %sub3A_1065 = arith.subi %add3A_1062, %sub3A_1064 : vector<16xi32>
        %select_n3A_1066 = arith.select %eq3A_1056, %sub3A_1065, %select_n3A_1048 : vector<16xi1>, vector<16xi32>
        %reduce_sum3A_1067 = arith.constant true
        %reduce_sum3A_1068 = vector.broadcast %reduce_sum3A_1067 : i1 to vector<16xi1>
        %reduce_sum3A_1069 = tpu.scan <sum>, %convert_element_type3A_1057 masked %reduce_sum3A_1068 : vector<16xi32>, vector<16xi1> -> vector<16xi32>
        %reduce_sum3A_1070 = vector.extract %reduce_sum3A_1069[15] : i32 from vector<16xi32>
        %add3A_1071 = arith.addi %scan3A_957, %reduce_sum3A_1070 : i32
        %eq3A_1072 = arith.constant 6 : i32
        %eq3A_1073 = vector.broadcast %eq3A_1072 : i32 to vector<16xi32>
        %eq3A_1074 = arith.cmpi eq, %get3A_963, %eq3A_1073 : vector<16xi32>
        %convert_element_type3A_1075 = arith.extui %eq3A_1074 : vector<16xi1> to vector<16xi32>
        %cumsum3A_1076 = arith.constant true
        %cumsum3A_1077 = vector.broadcast %cumsum3A_1076 : i1 to vector<16xi1>
        %cumsum3A_1078 = tpu.scan <sum>, %convert_element_type3A_1075 masked %cumsum3A_1077 : vector<16xi32>, vector<16xi1> -> vector<16xi32>
        %add3A_1079 = vector.broadcast %scan3A_958 : i32 to vector<16xi32>
        %add3A_1080 = arith.addi %add3A_1079, %cumsum3A_1078 : vector<16xi32>
        %sub3A_1081 = arith.constant 1 : i32
        %sub3A_1082 = vector.broadcast %sub3A_1081 : i32 to vector<16xi32>
        %sub3A_1083 = arith.subi %add3A_1080, %sub3A_1082 : vector<16xi32>
        %select_n3A_1084 = arith.select %eq3A_1074, %sub3A_1083, %select_n3A_1066 : vector<16xi1>, vector<16xi32>
        %reduce_sum3A_1085 = arith.constant true
        %reduce_sum3A_1086 = vector.broadcast %reduce_sum3A_1085 : i1 to vector<16xi1>
        %reduce_sum3A_1087 = tpu.scan <sum>, %convert_element_type3A_1075 masked %reduce_sum3A_1086 : vector<16xi32>, vector<16xi1> -> vector<16xi32>
        %reduce_sum3A_1088 = vector.extract %reduce_sum3A_1087[15] : i32 from vector<16xi32>
        %add3A_1089 = arith.addi %scan3A_958, %reduce_sum3A_1088 : i32
        %eq3A_1090 = arith.constant 7 : i32
        %eq3A_1091 = vector.broadcast %eq3A_1090 : i32 to vector<16xi32>
        %eq3A_1092 = arith.cmpi eq, %get3A_963, %eq3A_1091 : vector<16xi32>
        %convert_element_type3A_1093 = arith.extui %eq3A_1092 : vector<16xi1> to vector<16xi32>
        %cumsum3A_1094 = arith.constant true
        %cumsum3A_1095 = vector.broadcast %cumsum3A_1094 : i1 to vector<16xi1>
        %cumsum3A_1096 = tpu.scan <sum>, %convert_element_type3A_1093 masked %cumsum3A_1095 : vector<16xi32>, vector<16xi1> -> vector<16xi32>
        %add3A_1097 = vector.broadcast %scan3A_959 : i32 to vector<16xi32>
        %add3A_1098 = arith.addi %add3A_1097, %cumsum3A_1096 : vector<16xi32>
        %sub3A_1099 = arith.constant 1 : i32
        %sub3A_1100 = vector.broadcast %sub3A_1099 : i32 to vector<16xi32>
        %sub3A_1101 = arith.subi %add3A_1098, %sub3A_1100 : vector<16xi32>
        %select_n3A_1102 = arith.select %eq3A_1092, %sub3A_1101, %select_n3A_1084 : vector<16xi1>, vector<16xi32>
        %reduce_sum3A_1103 = arith.constant true
        %reduce_sum3A_1104 = vector.broadcast %reduce_sum3A_1103 : i1 to vector<16xi1>
        %reduce_sum3A_1105 = tpu.scan <sum>, %convert_element_type3A_1093 masked %reduce_sum3A_1104 : vector<16xi32>, vector<16xi1> -> vector<16xi32>
        %reduce_sum3A_1106 = vector.extract %reduce_sum3A_1105[15] : i32 from vector<16xi32>
        %add3A_1107 = arith.addi %scan3A_959, %reduce_sum3A_1106 : i32
        %mul3A_1108 = arith.constant 16 : i32
        %mul3A_1109 = arith.muli %scan3A_951, %mul3A_1108 : i32
        %swap3A_1110 = arith.index_cast %mul3A_1109 : i32 to index
        %swap3A_1111 = tpu.vector_load %arg14[%swap3A_1110] {strides = array<i32>} : memref<256xi32, #tpu.memory_space<vmem>>, vector<16xi32>,
        tpu.vector_store %arg14[%swap3A_1110], %select_n3A_1102 {strides = array<i32>} : memref<256xi32, #tpu.memory_space<vmem>>, vector<16xi32>,
        scf.yield %add3A_981, %add3A_999, %add3A_1017, %add3A_1035, %add3A_1053, %add3A_1071, %add3A_1089, %add3A_1107 : i32, i32, i32, i32, i32, i32, i32, i32
      }
      %scan3A_676 = arith.constant 16 : i32
      %get3A_677 = arith.constant 0 : index
      %get3A_678 = tpu.vector_load %arg14[%get3A_677] {strides = array<i32>} : memref<256xi32, #tpu.memory_space<vmem>>, vector<16xi32>,
      %swap3A_679 = arith.constant 0 : i32
      %swap3A_680 = arith.index_cast %swap3A_679 : i32 to index
      %swap3A_681 = arith.constant 0 : index
      %swap3A_682 = tpu.vector_load %arg15[%swap3A_680, %swap3A_681] {strides = array<i32>} : memref<2x128xi32, #tpu.memory_space<vmem>>, vector<16xi32>,
      tpu.vector_store %arg15[%swap3A_680, %swap3A_681], %get3A_678 {strides = array<i32>} : memref<2x128xi32, #tpu.memory_space<vmem>>, vector<16xi32>,
      %get3A_683 = arith.constant 16 : index
      %get3A_684 = tpu.vector_load %arg14[%get3A_683] {strides = array<i32>} : memref<256xi32, #tpu.memory_space<vmem>>, vector<16xi32>,
      %swap3A_685 = arith.constant 0 : i32
      %swap3A_686 = arith.index_cast %swap3A_685 : i32 to index
      %swap3A_687 = arith.constant 16 : index
      %swap3A_688 = tpu.vector_load %arg15[%swap3A_686, %swap3A_687] {strides = array<i32>} : memref<2x128xi32, #tpu.memory_space<vmem>>, vector<16xi32>,
      tpu.vector_store %arg15[%swap3A_686, %swap3A_687], %get3A_684 {strides = array<i32>} : memref<2x128xi32, #tpu.memory_space<vmem>>, vector<16xi32>,
      %get3A_689 = arith.constant 32 : index
      %get3A_690 = tpu.vector_load %arg14[%get3A_689] {strides = array<i32>} : memref<256xi32, #tpu.memory_space<vmem>>, vector<16xi32>,
      %swap3A_691 = arith.constant 0 : i32
      %swap3A_692 = arith.index_cast %swap3A_691 : i32 to index
      %swap3A_693 = arith.constant 32 : index
      %swap3A_694 = tpu.vector_load %arg15[%swap3A_692, %swap3A_693] {strides = array<i32>} : memref<2x128xi32, #tpu.memory_space<vmem>>, vector<16xi32>,
      tpu.vector_store %arg15[%swap3A_692, %swap3A_693], %get3A_690 {strides = array<i32>} : memref<2x128xi32, #tpu.memory_space<vmem>>, vector<16xi32>,
      %get3A_695 = arith.constant 48 : index
      %get3A_696 = tpu.vector_load %arg14[%get3A_695] {strides = array<i32>} : memref<256xi32, #tpu.memory_space<vmem>>, vector<16xi32>,
      %swap3A_697 = arith.constant 0 : i32
      %swap3A_698 = arith.index_cast %swap3A_697 : i32 to index
      %swap3A_699 = arith.constant 48 : index
      %swap3A_700 = tpu.vector_load %arg15[%swap3A_698, %swap3A_699] {strides = array<i32>} : memref<2x128xi32, #tpu.memory_space<vmem>>, vector<16xi32>,
      tpu.vector_store %arg15[%swap3A_698, %swap3A_699], %get3A_696 {strides = array<i32>} : memref<2x128xi32, #tpu.memory_space<vmem>>, vector<16xi32>,
      %get3A_701 = arith.constant 64 : index
      %get3A_702 = tpu.vector_load %arg14[%get3A_701] {strides = array<i32>} : memref<256xi32, #tpu.memory_space<vmem>>, vector<16xi32>,
      %swap3A_703 = arith.constant 0 : i32
      %swap3A_704 = arith.index_cast %swap3A_703 : i32 to index
      %swap3A_705 = arith.constant 64 : index
      %swap3A_706 = tpu.vector_load %arg15[%swap3A_704, %swap3A_705] {strides = array<i32>} : memref<2x128xi32, #tpu.memory_space<vmem>>, vector<16xi32>,
      tpu.vector_store %arg15[%swap3A_704, %swap3A_705], %get3A_702 {strides = array<i32>} : memref<2x128xi32, #tpu.memory_space<vmem>>, vector<16xi32>,
      %get3A_707 = arith.constant 80 : index
      %get3A_708 = tpu.vector_load %arg14[%get3A_707] {strides = array<i32>} : memref<256xi32, #tpu.memory_space<vmem>>, vector<16xi32>,
      %swap3A_709 = arith.constant 0 : i32
      %swap3A_710 = arith.index_cast %swap3A_709 : i32 to index
      %swap3A_711 = arith.constant 80 : index
      %swap3A_712 = tpu.vector_load %arg15[%swap3A_710, %swap3A_711] {strides = array<i32>} : memref<2x128xi32, #tpu.memory_space<vmem>>, vector<16xi32>,
      tpu.vector_store %arg15[%swap3A_710, %swap3A_711], %get3A_708 {strides = array<i32>} : memref<2x128xi32, #tpu.memory_space<vmem>>, vector<16xi32>,
      %get3A_713 = arith.constant 96 : index
      %get3A_714 = tpu.vector_load %arg14[%get3A_713] {strides = array<i32>} : memref<256xi32, #tpu.memory_space<vmem>>, vector<16xi32>,
      %swap3A_715 = arith.constant 0 : i32
      %swap3A_716 = arith.index_cast %swap3A_715 : i32 to index
      %swap3A_717 = arith.constant 96 : index
      %swap3A_718 = tpu.vector_load %arg15[%swap3A_716, %swap3A_717] {strides = array<i32>} : memref<2x128xi32, #tpu.memory_space<vmem>>, vector<16xi32>,
      tpu.vector_store %arg15[%swap3A_716, %swap3A_717], %get3A_714 {strides = array<i32>} : memref<2x128xi32, #tpu.memory_space<vmem>>, vector<16xi32>,
      %get3A_719 = arith.constant 112 : index
      %get3A_720 = tpu.vector_load %arg14[%get3A_719] {strides = array<i32>} : memref<256xi32, #tpu.memory_space<vmem>>, vector<16xi32>,
      %swap3A_721 = arith.constant 0 : i32
      %swap3A_722 = arith.index_cast %swap3A_721 : i32 to index
      %swap3A_723 = arith.constant 112 : index
      %swap3A_724 = tpu.vector_load %arg15[%swap3A_722, %swap3A_723] {strides = array<i32>} : memref<2x128xi32, #tpu.memory_space<vmem>>, vector<16xi32>,
      tpu.vector_store %arg15[%swap3A_722, %swap3A_723], %get3A_720 {strides = array<i32>} : memref<2x128xi32, #tpu.memory_space<vmem>>, vector<16xi32>,
      %get3A_725 = arith.constant 128 : index
      %get3A_726 = tpu.vector_load %arg14[%get3A_725] {strides = array<i32>} : memref<256xi32, #tpu.memory_space<vmem>>, vector<16xi32>,
      %swap3A_727 = arith.constant 1 : i32
      %swap3A_728 = arith.index_cast %swap3A_727 : i32 to index
      %swap3A_729 = arith.constant 0 : index
      %swap3A_730 = tpu.vector_load %arg15[%swap3A_728, %swap3A_729] {strides = array<i32>} : memref<2x128xi32, #tpu.memory_space<vmem>>, vector<16xi32>,
      tpu.vector_store %arg15[%swap3A_728, %swap3A_729], %get3A_726 {strides = array<i32>} : memref<2x128xi32, #tpu.memory_space<vmem>>, vector<16xi32>,
      %get3A_731 = arith.constant 144 : index
      %get3A_732 = tpu.vector_load %arg14[%get3A_731] {strides = array<i32>} : memref<256xi32, #tpu.memory_space<vmem>>, vector<16xi32>,
      %swap3A_733 = arith.constant 1 : i32
      %swap3A_734 = arith.index_cast %swap3A_733 : i32 to index
      %swap3A_735 = arith.constant 16 : index
      %swap3A_736 = tpu.vector_load %arg15[%swap3A_734, %swap3A_735] {strides = array<i32>} : memref<2x128xi32, #tpu.memory_space<vmem>>, vector<16xi32>,
      tpu.vector_store %arg15[%swap3A_734, %swap3A_735], %get3A_732 {strides = array<i32>} : memref<2x128xi32, #tpu.memory_space<vmem>>, vector<16xi32>,
      %get3A_737 = arith.constant 160 : index
      %get3A_738 = tpu.vector_load %arg14[%get3A_737] {strides = array<i32>} : memref<256xi32, #tpu.memory_space<vmem>>, vector<16xi32>,
      %swap3A_739 = arith.constant 1 : i32
      %swap3A_740 = arith.index_cast %swap3A_739 : i32 to index
      %swap3A_741 = arith.constant 32 : index
      %swap3A_742 = tpu.vector_load %arg15[%swap3A_740, %swap3A_741] {strides = array<i32>} : memref<2x128xi32, #tpu.memory_space<vmem>>, vector<16xi32>,
      tpu.vector_store %arg15[%swap3A_740, %swap3A_741], %get3A_738 {strides = array<i32>} : memref<2x128xi32, #tpu.memory_space<vmem>>, vector<16xi32>,
      %get3A_743 = arith.constant 176 : index
      %get3A_744 = tpu.vector_load %arg14[%get3A_743] {strides = array<i32>} : memref<256xi32, #tpu.memory_space<vmem>>, vector<16xi32>,
      %swap3A_745 = arith.constant 1 : i32
      %swap3A_746 = arith.index_cast %swap3A_745 : i32 to index
      %swap3A_747 = arith.constant 48 : index
      %swap3A_748 = tpu.vector_load %arg15[%swap3A_746, %swap3A_747] {strides = array<i32>} : memref<2x128xi32, #tpu.memory_space<vmem>>, vector<16xi32>,
      tpu.vector_store %arg15[%swap3A_746, %swap3A_747], %get3A_744 {strides = array<i32>} : memref<2x128xi32, #tpu.memory_space<vmem>>, vector<16xi32>,
      %get3A_749 = arith.constant 192 : index
      %get3A_750 = tpu.vector_load %arg14[%get3A_749] {strides = array<i32>} : memref<256xi32, #tpu.memory_space<vmem>>, vector<16xi32>,
      %swap3A_751 = arith.constant 1 : i32
      %swap3A_752 = arith.index_cast %swap3A_751 : i32 to index
      %swap3A_753 = arith.constant 64 : index
      %swap3A_754 = tpu.vector_load %arg15[%swap3A_752, %swap3A_753] {strides = array<i32>} : memref<2x128xi32, #tpu.memory_space<vmem>>, vector<16xi32>,
      tpu.vector_store %arg15[%swap3A_752, %swap3A_753], %get3A_750 {strides = array<i32>} : memref<2x128xi32, #tpu.memory_space<vmem>>, vector<16xi32>,
      %get3A_755 = arith.constant 208 : index
      %get3A_756 = tpu.vector_load %arg14[%get3A_755] {strides = array<i32>} : memref<256xi32, #tpu.memory_space<vmem>>, vector<16xi32>,
      %swap3A_757 = arith.constant 1 : i32
      %swap3A_758 = arith.index_cast %swap3A_757 : i32 to index
      %swap3A_759 = arith.constant 80 : index
      %swap3A_760 = tpu.vector_load %arg15[%swap3A_758, %swap3A_759] {strides = array<i32>} : memref<2x128xi32, #tpu.memory_space<vmem>>, vector<16xi32>,
      tpu.vector_store %arg15[%swap3A_758, %swap3A_759], %get3A_756 {strides = array<i32>} : memref<2x128xi32, #tpu.memory_space<vmem>>, vector<16xi32>,
      %get3A_761 = arith.constant 224 : index
      %get3A_762 = tpu.vector_load %arg14[%get3A_761] {strides = array<i32>} : memref<256xi32, #tpu.memory_space<vmem>>, vector<16xi32>,
      %swap3A_763 = arith.constant 1 : i32
      %swap3A_764 = arith.index_cast %swap3A_763 : i32 to index
      %swap3A_765 = arith.constant 96 : index
      %swap3A_766 = tpu.vector_load %arg15[%swap3A_764, %swap3A_765] {strides = array<i32>} : memref<2x128xi32, #tpu.memory_space<vmem>>, vector<16xi32>,
      tpu.vector_store %arg15[%swap3A_764, %swap3A_765], %get3A_762 {strides = array<i32>} : memref<2x128xi32, #tpu.memory_space<vmem>>, vector<16xi32>,
      %get3A_767 = arith.constant 240 : index
      %get3A_768 = tpu.vector_load %arg14[%get3A_767] {strides = array<i32>} : memref<256xi32, #tpu.memory_space<vmem>>, vector<16xi32>,
      %swap3A_769 = arith.constant 1 : i32
      %swap3A_770 = arith.index_cast %swap3A_769 : i32 to index
      %swap3A_771 = arith.constant 112 : index
      %swap3A_772 = tpu.vector_load %arg15[%swap3A_770, %swap3A_771] {strides = array<i32>} : memref<2x128xi32, #tpu.memory_space<vmem>>, vector<16xi32>,
      tpu.vector_store %arg15[%swap3A_770, %swap3A_771], %get3A_768 {strides = array<i32>} : memref<2x128xi32, #tpu.memory_space<vmem>>, vector<16xi32>,
      %mul3A_773 = arith.constant 2 : i32
      %mul3A_774 = arith.muli %arg1, %mul3A_773 : i32
      "tpu.region"() ({
        %run_scoped3A = tpu.sem_alloc : memref<!tpu.dma_semaphore, #tpu.memory_space<semaphore_mem>>
        %dma_start3A_951 = arith.constant 0 : i32
        %dma_start3A_952 = tpu.memref_slice %arg8[%mul3A_774, %dma_start3A_951] : memref<32x128xi32, #tpu.memory_space<hbm>> -> memref<2x128xi32, #tpu.memory_space<hbm>>
        %dma_start3A_953 = arith.constant 0 : i32
        %dma_start3A_954 = tpu.memref_slice %arg8[%mul3A_774, %dma_start3A_953] : memref<32x128xi32, #tpu.memory_space<hbm>> -> memref<2x128xi32, #tpu.memory_space<hbm>>
        tpu.enqueue_dma source(%arg15 : memref<2x128xi32, #tpu.memory_space<vmem>>) target(%dma_start3A_954 : memref<2x128xi32, #tpu.memory_space<hbm>>) target_semaphore(%run_scoped3A : memref<!tpu.dma_semaphore, #tpu.memory_space<semaphore_mem>>)
        %dma_wait3A_955 = arith.constant 0 : i32
        %dma_wait3A_956 = tpu.memref_slice %arg8[%mul3A_774, %dma_wait3A_955] : memref<32x128xi32, #tpu.memory_space<hbm>> -> memref<2x128xi32, #tpu.memory_space<hbm>>
        %dma_wait3A_957 = arith.constant 0 : i32
        %dma_wait3A_958 = tpu.memref_slice %arg8[%mul3A_774, %dma_wait3A_957] : memref<32x128xi32, #tpu.memory_space<hbm>> -> memref<2x128xi32, #tpu.memory_space<hbm>>
        tpu.wait_dma2 semaphore(%run_scoped3A : memref<!tpu.dma_semaphore, #tpu.memory_space<semaphore_mem>>) src(%arg15 : memref<2x128xi32, #tpu.memory_space<vmem>>) dst(%dma_wait3A_958 : memref<2x128xi32, #tpu.memory_space<hbm>>)
        tpu.yield
      }) : () -> ()
      "tpu.region"() ({
        %run_scoped3A = tpu.sem_alloc : memref<!tpu.dma_semaphore, #tpu.memory_space<semaphore_mem>>
        %dma_start3A_951 = tpu.memref_slice %arg5[%mul3A_2] : memref<4096xf32, #tpu.memory_space<hbm>> -> memref<256xf32, #tpu.memory_space<hbm>>
        %dma_start3A_952 = tpu.memref_slice %arg5[%mul3A_2] : memref<4096xf32, #tpu.memory_space<hbm>> -> memref<256xf32, #tpu.memory_space<hbm>>
        tpu.enqueue_dma source(%dma_start3A_952 : memref<256xf32, #tpu.memory_space<hbm>>) target(%arg13 : memref<256xf32, #tpu.memory_space<vmem>>) target_semaphore(%run_scoped3A : memref<!tpu.dma_semaphore, #tpu.memory_space<semaphore_mem>>)
        %dma_wait3A_953 = tpu.memref_slice %arg5[%mul3A_2] : memref<4096xf32, #tpu.memory_space<hbm>> -> memref<256xf32, #tpu.memory_space<hbm>>
        %dma_wait3A_954 = tpu.memref_slice %arg5[%mul3A_2] : memref<4096xf32, #tpu.memory_space<hbm>> -> memref<256xf32, #tpu.memory_space<hbm>>
        tpu.wait_dma2 semaphore(%run_scoped3A : memref<!tpu.dma_semaphore, #tpu.memory_space<semaphore_mem>>) src(%dma_wait3A_954 : memref<256xf32, #tpu.memory_space<hbm>>) dst(%arg13 : memref<256xf32, #tpu.memory_space<vmem>>)
        tpu.yield
      }) : () -> ()
      %get3A_775 = arith.constant 0 : index
      %get3A_776 = tpu.vector_load %arg13[%get3A_775] {strides = array<i32>} : memref<256xf32, #tpu.memory_space<vmem>>, vector<16xf32>,
      %swap3A_777 = arith.constant 0 : i32
      %swap3A_778 = arith.index_cast %swap3A_777 : i32 to index
      %swap3A_779 = arith.constant 0 : index
      %swap3A_780 = tpu.vector_load %arg17[%swap3A_778, %swap3A_779] {strides = array<i32>} : memref<2x128xf32, #tpu.memory_space<vmem>>, vector<16xf32>,
      tpu.vector_store %arg17[%swap3A_778, %swap3A_779], %get3A_776 {strides = array<i32>} : memref<2x128xf32, #tpu.memory_space<vmem>>, vector<16xf32>,
      %get3A_781 = arith.constant 16 : index
      %get3A_782 = tpu.vector_load %arg13[%get3A_781] {strides = array<i32>} : memref<256xf32, #tpu.memory_space<vmem>>, vector<16xf32>,
      %swap3A_783 = arith.constant 0 : i32
      %swap3A_784 = arith.index_cast %swap3A_783 : i32 to index
      %swap3A_785 = arith.constant 16 : index
      %swap3A_786 = tpu.vector_load %arg17[%swap3A_784, %swap3A_785] {strides = array<i32>} : memref<2x128xf32, #tpu.memory_space<vmem>>, vector<16xf32>,
      tpu.vector_store %arg17[%swap3A_784, %swap3A_785], %get3A_782 {strides = array<i32>} : memref<2x128xf32, #tpu.memory_space<vmem>>, vector<16xf32>,
      %get3A_787 = arith.constant 32 : index
      %get3A_788 = tpu.vector_load %arg13[%get3A_787] {strides = array<i32>} : memref<256xf32, #tpu.memory_space<vmem>>, vector<16xf32>,
      %swap3A_789 = arith.constant 0 : i32
      %swap3A_790 = arith.index_cast %swap3A_789 : i32 to index
      %swap3A_791 = arith.constant 32 : index
      %swap3A_792 = tpu.vector_load %arg17[%swap3A_790, %swap3A_791] {strides = array<i32>} : memref<2x128xf32, #tpu.memory_space<vmem>>, vector<16xf32>,
      tpu.vector_store %arg17[%swap3A_790, %swap3A_791], %get3A_788 {strides = array<i32>} : memref<2x128xf32, #tpu.memory_space<vmem>>, vector<16xf32>,
      %get3A_793 = arith.constant 48 : index
      %get3A_794 = tpu.vector_load %arg13[%get3A_793] {strides = array<i32>} : memref<256xf32, #tpu.memory_space<vmem>>, vector<16xf32>,
      %swap3A_795 = arith.constant 0 : i32
      %swap3A_796 = arith.index_cast %swap3A_795 : i32 to index
      %swap3A_797 = arith.constant 48 : index
      %swap3A_798 = tpu.vector_load %arg17[%swap3A_796, %swap3A_797] {strides = array<i32>} : memref<2x128xf32, #tpu.memory_space<vmem>>, vector<16xf32>,
      tpu.vector_store %arg17[%swap3A_796, %swap3A_797], %get3A_794 {strides = array<i32>} : memref<2x128xf32, #tpu.memory_space<vmem>>, vector<16xf32>,
      %get3A_799 = arith.constant 64 : index
      %get3A_800 = tpu.vector_load %arg13[%get3A_799] {strides = array<i32>} : memref<256xf32, #tpu.memory_space<vmem>>, vector<16xf32>,
      %swap3A_801 = arith.constant 0 : i32
      %swap3A_802 = arith.index_cast %swap3A_801 : i32 to index
      %swap3A_803 = arith.constant 64 : index
      %swap3A_804 = tpu.vector_load %arg17[%swap3A_802, %swap3A_803] {strides = array<i32>} : memref<2x128xf32, #tpu.memory_space<vmem>>, vector<16xf32>,
      tpu.vector_store %arg17[%swap3A_802, %swap3A_803], %get3A_800 {strides = array<i32>} : memref<2x128xf32, #tpu.memory_space<vmem>>, vector<16xf32>,
      %get3A_805 = arith.constant 80 : index
      %get3A_806 = tpu.vector_load %arg13[%get3A_805] {strides = array<i32>} : memref<256xf32, #tpu.memory_space<vmem>>, vector<16xf32>,
      %swap3A_807 = arith.constant 0 : i32
      %swap3A_808 = arith.index_cast %swap3A_807 : i32 to index
      %swap3A_809 = arith.constant 80 : index
      %swap3A_810 = tpu.vector_load %arg17[%swap3A_808, %swap3A_809] {strides = array<i32>} : memref<2x128xf32, #tpu.memory_space<vmem>>, vector<16xf32>,
      tpu.vector_store %arg17[%swap3A_808, %swap3A_809], %get3A_806 {strides = array<i32>} : memref<2x128xf32, #tpu.memory_space<vmem>>, vector<16xf32>,
      %get3A_811 = arith.constant 96 : index
      %get3A_812 = tpu.vector_load %arg13[%get3A_811] {strides = array<i32>} : memref<256xf32, #tpu.memory_space<vmem>>, vector<16xf32>,
      %swap3A_813 = arith.constant 0 : i32
      %swap3A_814 = arith.index_cast %swap3A_813 : i32 to index
      %swap3A_815 = arith.constant 96 : index
      %swap3A_816 = tpu.vector_load %arg17[%swap3A_814, %swap3A_815] {strides = array<i32>} : memref<2x128xf32, #tpu.memory_space<vmem>>, vector<16xf32>,
      tpu.vector_store %arg17[%swap3A_814, %swap3A_815], %get3A_812 {strides = array<i32>} : memref<2x128xf32, #tpu.memory_space<vmem>>, vector<16xf32>,
      %get3A_817 = arith.constant 112 : index
      %get3A_818 = tpu.vector_load %arg13[%get3A_817] {strides = array<i32>} : memref<256xf32, #tpu.memory_space<vmem>>, vector<16xf32>,
      %swap3A_819 = arith.constant 0 : i32
      %swap3A_820 = arith.index_cast %swap3A_819 : i32 to index
      %swap3A_821 = arith.constant 112 : index
      %swap3A_822 = tpu.vector_load %arg17[%swap3A_820, %swap3A_821] {strides = array<i32>} : memref<2x128xf32, #tpu.memory_space<vmem>>, vector<16xf32>,
      tpu.vector_store %arg17[%swap3A_820, %swap3A_821], %get3A_818 {strides = array<i32>} : memref<2x128xf32, #tpu.memory_space<vmem>>, vector<16xf32>,
      %get3A_823 = arith.constant 128 : index
      %get3A_824 = tpu.vector_load %arg13[%get3A_823] {strides = array<i32>} : memref<256xf32, #tpu.memory_space<vmem>>, vector<16xf32>,
      %swap3A_825 = arith.constant 1 : i32
      %swap3A_826 = arith.index_cast %swap3A_825 : i32 to index
      %swap3A_827 = arith.constant 0 : index
      %swap3A_828 = tpu.vector_load %arg17[%swap3A_826, %swap3A_827] {strides = array<i32>} : memref<2x128xf32, #tpu.memory_space<vmem>>, vector<16xf32>,
      tpu.vector_store %arg17[%swap3A_826, %swap3A_827], %get3A_824 {strides = array<i32>} : memref<2x128xf32, #tpu.memory_space<vmem>>, vector<16xf32>,
      %get3A_829 = arith.constant 144 : index
      %get3A_830 = tpu.vector_load %arg13[%get3A_829] {strides = array<i32>} : memref<256xf32, #tpu.memory_space<vmem>>, vector<16xf32>,
      %swap3A_831 = arith.constant 1 : i32
      %swap3A_832 = arith.index_cast %swap3A_831 : i32 to index
      %swap3A_833 = arith.constant 16 : index
      %swap3A_834 = tpu.vector_load %arg17[%swap3A_832, %swap3A_833] {strides = array<i32>} : memref<2x128xf32, #tpu.memory_space<vmem>>, vector<16xf32>,
      tpu.vector_store %arg17[%swap3A_832, %swap3A_833], %get3A_830 {strides = array<i32>} : memref<2x128xf32, #tpu.memory_space<vmem>>, vector<16xf32>,
      %get3A_835 = arith.constant 160 : index
      %get3A_836 = tpu.vector_load %arg13[%get3A_835] {strides = array<i32>} : memref<256xf32, #tpu.memory_space<vmem>>, vector<16xf32>,
      %swap3A_837 = arith.constant 1 : i32
      %swap3A_838 = arith.index_cast %swap3A_837 : i32 to index
      %swap3A_839 = arith.constant 32 : index
      %swap3A_840 = tpu.vector_load %arg17[%swap3A_838, %swap3A_839] {strides = array<i32>} : memref<2x128xf32, #tpu.memory_space<vmem>>, vector<16xf32>,
      tpu.vector_store %arg17[%swap3A_838, %swap3A_839], %get3A_836 {strides = array<i32>} : memref<2x128xf32, #tpu.memory_space<vmem>>, vector<16xf32>,
      %get3A_841 = arith.constant 176 : index
      %get3A_842 = tpu.vector_load %arg13[%get3A_841] {strides = array<i32>} : memref<256xf32, #tpu.memory_space<vmem>>, vector<16xf32>,
      %swap3A_843 = arith.constant 1 : i32
      %swap3A_844 = arith.index_cast %swap3A_843 : i32 to index
      %swap3A_845 = arith.constant 48 : index
      %swap3A_846 = tpu.vector_load %arg17[%swap3A_844, %swap3A_845] {strides = array<i32>} : memref<2x128xf32, #tpu.memory_space<vmem>>, vector<16xf32>,
      tpu.vector_store %arg17[%swap3A_844, %swap3A_845], %get3A_842 {strides = array<i32>} : memref<2x128xf32, #tpu.memory_space<vmem>>, vector<16xf32>,
      %get3A_847 = arith.constant 192 : index
      %get3A_848 = tpu.vector_load %arg13[%get3A_847] {strides = array<i32>} : memref<256xf32, #tpu.memory_space<vmem>>, vector<16xf32>,
      %swap3A_849 = arith.constant 1 : i32
      %swap3A_850 = arith.index_cast %swap3A_849 : i32 to index
      %swap3A_851 = arith.constant 64 : index
      %swap3A_852 = tpu.vector_load %arg17[%swap3A_850, %swap3A_851] {strides = array<i32>} : memref<2x128xf32, #tpu.memory_space<vmem>>, vector<16xf32>,
      tpu.vector_store %arg17[%swap3A_850, %swap3A_851], %get3A_848 {strides = array<i32>} : memref<2x128xf32, #tpu.memory_space<vmem>>, vector<16xf32>,
      %get3A_853 = arith.constant 208 : index
      %get3A_854 = tpu.vector_load %arg13[%get3A_853] {strides = array<i32>} : memref<256xf32, #tpu.memory_space<vmem>>, vector<16xf32>,
      %swap3A_855 = arith.constant 1 : i32
      %swap3A_856 = arith.index_cast %swap3A_855 : i32 to index
      %swap3A_857 = arith.constant 80 : index
      %swap3A_858 = tpu.vector_load %arg17[%swap3A_856, %swap3A_857] {strides = array<i32>} : memref<2x128xf32, #tpu.memory_space<vmem>>, vector<16xf32>,
      tpu.vector_store %arg17[%swap3A_856, %swap3A_857], %get3A_854 {strides = array<i32>} : memref<2x128xf32, #tpu.memory_space<vmem>>, vector<16xf32>,
      %get3A_859 = arith.constant 224 : index
      %get3A_860 = tpu.vector_load %arg13[%get3A_859] {strides = array<i32>} : memref<256xf32, #tpu.memory_space<vmem>>, vector<16xf32>,
      %swap3A_861 = arith.constant 1 : i32
      %swap3A_862 = arith.index_cast %swap3A_861 : i32 to index
      %swap3A_863 = arith.constant 96 : index
      %swap3A_864 = tpu.vector_load %arg17[%swap3A_862, %swap3A_863] {strides = array<i32>} : memref<2x128xf32, #tpu.memory_space<vmem>>, vector<16xf32>,
      tpu.vector_store %arg17[%swap3A_862, %swap3A_863], %get3A_860 {strides = array<i32>} : memref<2x128xf32, #tpu.memory_space<vmem>>, vector<16xf32>,
      %get3A_865 = arith.constant 240 : index
      %get3A_866 = tpu.vector_load %arg13[%get3A_865] {strides = array<i32>} : memref<256xf32, #tpu.memory_space<vmem>>, vector<16xf32>,
      %swap3A_867 = arith.constant 1 : i32
      %swap3A_868 = arith.index_cast %swap3A_867 : i32 to index
      %swap3A_869 = arith.constant 112 : index
      %swap3A_870 = tpu.vector_load %arg17[%swap3A_868, %swap3A_869] {strides = array<i32>} : memref<2x128xf32, #tpu.memory_space<vmem>>, vector<16xf32>,
      tpu.vector_store %arg17[%swap3A_868, %swap3A_869], %get3A_866 {strides = array<i32>} : memref<2x128xf32, #tpu.memory_space<vmem>>, vector<16xf32>,
      %dma_start3A_871 = arith.constant 0 : i32
      %dma_start3A_872 = arith.constant 0 : i32
      %dma_start3A_873 = arith.constant 0 : i32
      %dma_start3A_874 = tpu.memref_slice %arg16[%dma_start3A_871, %dma_start3A_873] : memref<2x128xi32, #tpu.memory_space<vmem>> -> memref<1x128xi32, #tpu.memory_space<vmem>>
      %dma_start3A_875 = tpu.memref_squeeze %dma_start3A_874 : memref<1x128xi32, #tpu.memory_space<vmem>> -> memref<128xi32, #tpu.memory_space<vmem>>
      %dma_start3A_876 = arith.constant 0 : i32
      %dma_start3A_877 = tpu.memref_slice %arg15[%dma_start3A_872, %dma_start3A_876] : memref<2x128xi32, #tpu.memory_space<vmem>> -> memref<1x128xi32, #tpu.memory_space<vmem>>
      %dma_start3A_878 = tpu.memref_squeeze %dma_start3A_877 : memref<1x128xi32, #tpu.memory_space<vmem>> -> memref<128xi32, #tpu.memory_space<vmem>>
      %dma_start3A_879 = arith.constant 0 : i32
      %dma_start3A_880 = tpu.memref_slice %arg9[%dma_start3A_879] : memref<10240xi32, #tpu.memory_space<hbm>> -> memref<10240xi32, #tpu.memory_space<hbm>>
      tpu.enqueue_indirect_dma source(%dma_start3A_875 : memref<128xi32, #tpu.memory_space<vmem>>) target(%dma_start3A_880 : memref<10240xi32, #tpu.memory_space<hbm>>) offsets(%dma_start3A_878 : memref<128xi32, #tpu.memory_space<vmem>>) semaphore(%arg20 : memref<!tpu.dma_semaphore, #tpu.memory_space<semaphore_mem>>)
      %dma_wait3A_881 = arith.constant 0 : i32
      %dma_wait3A_882 = arith.constant 0 : i32
      %dma_wait3A_883 = arith.constant 0 : i32
      %dma_wait3A_884 = tpu.memref_slice %arg16[%dma_wait3A_881, %dma_wait3A_883] : memref<2x128xi32, #tpu.memory_space<vmem>> -> memref<1x128xi32, #tpu.memory_space<vmem>>
      %dma_wait3A_885 = tpu.memref_squeeze %dma_wait3A_884 : memref<1x128xi32, #tpu.memory_space<vmem>> -> memref<128xi32, #tpu.memory_space<vmem>>
      %dma_wait3A_886 = arith.constant 0 : i32
      %dma_wait3A_887 = tpu.memref_slice %arg15[%dma_wait3A_882, %dma_wait3A_886] : memref<2x128xi32, #tpu.memory_space<vmem>> -> memref<1x128xi32, #tpu.memory_space<vmem>>
      %dma_wait3A_888 = tpu.memref_squeeze %dma_wait3A_887 : memref<1x128xi32, #tpu.memory_space<vmem>> -> memref<128xi32, #tpu.memory_space<vmem>>
      %dma_wait3A_889 = arith.constant 0 : i32
      %dma_wait3A_890 = tpu.memref_slice %arg9[%dma_wait3A_889] : memref<10240xi32, #tpu.memory_space<hbm>> -> memref<10240xi32, #tpu.memory_space<hbm>>
      tpu.wait_indirect_dma semaphore(%arg20 : memref<!tpu.dma_semaphore, #tpu.memory_space<semaphore_mem>>) src(%dma_wait3A_885 : memref<128xi32, #tpu.memory_space<vmem>>) dst(%dma_wait3A_890 : memref<10240xi32, #tpu.memory_space<hbm>>)
      %dma_start3A_891 = arith.constant 0 : i32
      %dma_start3A_892 = arith.constant 0 : i32
      %dma_start3A_893 = arith.constant 0 : i32
      %dma_start3A_894 = tpu.memref_slice %arg17[%dma_start3A_891, %dma_start3A_893] : memref<2x128xf32, #tpu.memory_space<vmem>> -> memref<1x128xf32, #tpu.memory_space<vmem>>
      %dma_start3A_895 = tpu.memref_squeeze %dma_start3A_894 : memref<1x128xf32, #tpu.memory_space<vmem>> -> memref<128xf32, #tpu.memory_space<vmem>>
      %dma_start3A_896 = arith.constant 0 : i32
      %dma_start3A_897 = tpu.memref_slice %arg15[%dma_start3A_892, %dma_start3A_896] : memref<2x128xi32, #tpu.memory_space<vmem>> -> memref<1x128xi32, #tpu.memory_space<vmem>>
      %dma_start3A_898 = tpu.memref_squeeze %dma_start3A_897 : memref<1x128xi32, #tpu.memory_space<vmem>> -> memref<128xi32, #tpu.memory_space<vmem>>
      %dma_start3A_899 = arith.constant 0 : i32
      %dma_start3A_900 = tpu.memref_slice %arg10[%dma_start3A_899] : memref<10240xf32, #tpu.memory_space<hbm>> -> memref<10240xf32, #tpu.memory_space<hbm>>
      tpu.enqueue_indirect_dma source(%dma_start3A_895 : memref<128xf32, #tpu.memory_space<vmem>>) target(%dma_start3A_900 : memref<10240xf32, #tpu.memory_space<hbm>>) offsets(%dma_start3A_898 : memref<128xi32, #tpu.memory_space<vmem>>) semaphore(%arg20 : memref<!tpu.dma_semaphore, #tpu.memory_space<semaphore_mem>>)
      %dma_wait3A_901 = arith.constant 0 : i32
      %dma_wait3A_902 = arith.constant 0 : i32
      %dma_wait3A_903 = arith.constant 0 : i32
      %dma_wait3A_904 = tpu.memref_slice %arg17[%dma_wait3A_901, %dma_wait3A_903] : memref<2x128xf32, #tpu.memory_space<vmem>> -> memref<1x128xf32, #tpu.memory_space<vmem>>
      %dma_wait3A_905 = tpu.memref_squeeze %dma_wait3A_904 : memref<1x128xf32, #tpu.memory_space<vmem>> -> memref<128xf32, #tpu.memory_space<vmem>>
      %dma_wait3A_906 = arith.constant 0 : i32
      %dma_wait3A_907 = tpu.memref_slice %arg15[%dma_wait3A_902, %dma_wait3A_906] : memref<2x128xi32, #tpu.memory_space<vmem>> -> memref<1x128xi32, #tpu.memory_space<vmem>>
      %dma_wait3A_908 = tpu.memref_squeeze %dma_wait3A_907 : memref<1x128xi32, #tpu.memory_space<vmem>> -> memref<128xi32, #tpu.memory_space<vmem>>
      %dma_wait3A_909 = arith.constant 0 : i32
      %dma_wait3A_910 = tpu.memref_slice %arg10[%dma_wait3A_909] : memref<10240xf32, #tpu.memory_space<hbm>> -> memref<10240xf32, #tpu.memory_space<hbm>>
      tpu.wait_indirect_dma semaphore(%arg20 : memref<!tpu.dma_semaphore, #tpu.memory_space<semaphore_mem>>) src(%dma_wait3A_905 : memref<128xf32, #tpu.memory_space<vmem>>) dst(%dma_wait3A_910 : memref<10240xf32, #tpu.memory_space<hbm>>)
      %dma_start3A_911 = arith.constant 1 : i32
      %dma_start3A_912 = arith.constant 1 : i32
      %dma_start3A_913 = arith.constant 0 : i32
      %dma_start3A_914 = tpu.memref_slice %arg16[%dma_start3A_911, %dma_start3A_913] : memref<2x128xi32, #tpu.memory_space<vmem>> -> memref<1x128xi32, #tpu.memory_space<vmem>>
      %dma_start3A_915 = tpu.memref_squeeze %dma_start3A_914 : memref<1x128xi32, #tpu.memory_space<vmem>> -> memref<128xi32, #tpu.memory_space<vmem>>
      %dma_start3A_916 = arith.constant 0 : i32
      %dma_start3A_917 = tpu.memref_slice %arg15[%dma_start3A_912, %dma_start3A_916] : memref<2x128xi32, #tpu.memory_space<vmem>> -> memref<1x128xi32, #tpu.memory_space<vmem>>
      %dma_start3A_918 = tpu.memref_squeeze %dma_start3A_917 : memref<1x128xi32, #tpu.memory_space<vmem>> -> memref<128xi32, #tpu.memory_space<vmem>>
      %dma_start3A_919 = arith.constant 0 : i32
      %dma_start3A_920 = tpu.memref_slice %arg9[%dma_start3A_919] : memref<10240xi32, #tpu.memory_space<hbm>> -> memref<10240xi32, #tpu.memory_space<hbm>>
      tpu.enqueue_indirect_dma source(%dma_start3A_915 : memref<128xi32, #tpu.memory_space<vmem>>) target(%dma_start3A_920 : memref<10240xi32, #tpu.memory_space<hbm>>) offsets(%dma_start3A_918 : memref<128xi32, #tpu.memory_space<vmem>>) semaphore(%arg20 : memref<!tpu.dma_semaphore, #tpu.memory_space<semaphore_mem>>)
      %dma_wait3A_921 = arith.constant 1 : i32
      %dma_wait3A_922 = arith.constant 1 : i32
      %dma_wait3A_923 = arith.constant 0 : i32
      %dma_wait3A_924 = tpu.memref_slice %arg16[%dma_wait3A_921, %dma_wait3A_923] : memref<2x128xi32, #tpu.memory_space<vmem>> -> memref<1x128xi32, #tpu.memory_space<vmem>>
      %dma_wait3A_925 = tpu.memref_squeeze %dma_wait3A_924 : memref<1x128xi32, #tpu.memory_space<vmem>> -> memref<128xi32, #tpu.memory_space<vmem>>
      %dma_wait3A_926 = arith.constant 0 : i32
      %dma_wait3A_927 = tpu.memref_slice %arg15[%dma_wait3A_922, %dma_wait3A_926] : memref<2x128xi32, #tpu.memory_space<vmem>> -> memref<1x128xi32, #tpu.memory_space<vmem>>
      %dma_wait3A_928 = tpu.memref_squeeze %dma_wait3A_927 : memref<1x128xi32, #tpu.memory_space<vmem>> -> memref<128xi32, #tpu.memory_space<vmem>>
      %dma_wait3A_929 = arith.constant 0 : i32
      %dma_wait3A_930 = tpu.memref_slice %arg9[%dma_wait3A_929] : memref<10240xi32, #tpu.memory_space<hbm>> -> memref<10240xi32, #tpu.memory_space<hbm>>
      tpu.wait_indirect_dma semaphore(%arg20 : memref<!tpu.dma_semaphore, #tpu.memory_space<semaphore_mem>>) src(%dma_wait3A_925 : memref<128xi32, #tpu.memory_space<vmem>>) dst(%dma_wait3A_930 : memref<10240xi32, #tpu.memory_space<hbm>>)
      %dma_start3A_931 = arith.constant 1 : i32
      %dma_start3A_932 = arith.constant 1 : i32
      %dma_start3A_933 = arith.constant 0 : i32
      %dma_start3A_934 = tpu.memref_slice %arg17[%dma_start3A_931, %dma_start3A_933] : memref<2x128xf32, #tpu.memory_space<vmem>> -> memref<1x128xf32, #tpu.memory_space<vmem>>
      %dma_start3A_935 = tpu.memref_squeeze %dma_start3A_934 : memref<1x128xf32, #tpu.memory_space<vmem>> -> memref<128xf32, #tpu.memory_space<vmem>>
      %dma_start3A_936 = arith.constant 0 : i32
      %dma_start3A_937 = tpu.memref_slice %arg15[%dma_start3A_932, %dma_start3A_936] : memref<2x128xi32, #tpu.memory_space<vmem>> -> memref<1x128xi32, #tpu.memory_space<vmem>>
      %dma_start3A_938 = tpu.memref_squeeze %dma_start3A_937 : memref<1x128xi32, #tpu.memory_space<vmem>> -> memref<128xi32, #tpu.memory_space<vmem>>
      %dma_start3A_939 = arith.constant 0 : i32
      %dma_start3A_940 = tpu.memref_slice %arg10[%dma_start3A_939] : memref<10240xf32, #tpu.memory_space<hbm>> -> memref<10240xf32, #tpu.memory_space<hbm>>
      tpu.enqueue_indirect_dma source(%dma_start3A_935 : memref<128xf32, #tpu.memory_space<vmem>>) target(%dma_start3A_940 : memref<10240xf32, #tpu.memory_space<hbm>>) offsets(%dma_start3A_938 : memref<128xi32, #tpu.memory_space<vmem>>) semaphore(%arg20 : memref<!tpu.dma_semaphore, #tpu.memory_space<semaphore_mem>>)
      %dma_wait3A_941 = arith.constant 1 : i32
      %dma_wait3A_942 = arith.constant 1 : i32
      %dma_wait3A_943 = arith.constant 0 : i32
      %dma_wait3A_944 = tpu.memref_slice %arg17[%dma_wait3A_941, %dma_wait3A_943] : memref<2x128xf32, #tpu.memory_space<vmem>> -> memref<1x128xf32, #tpu.memory_space<vmem>>
      %dma_wait3A_945 = tpu.memref_squeeze %dma_wait3A_944 : memref<1x128xf32, #tpu.memory_space<vmem>> -> memref<128xf32, #tpu.memory_space<vmem>>
      %dma_wait3A_946 = arith.constant 0 : i32
      %dma_wait3A_947 = tpu.memref_slice %arg15[%dma_wait3A_942, %dma_wait3A_946] : memref<2x128xi32, #tpu.memory_space<vmem>> -> memref<1x128xi32, #tpu.memory_space<vmem>>
      %dma_wait3A_948 = tpu.memref_squeeze %dma_wait3A_947 : memref<1x128xi32, #tpu.memory_space<vmem>> -> memref<128xi32, #tpu.memory_space<vmem>>
      %dma_wait3A_949 = arith.constant 0 : i32
      %dma_wait3A_950 = tpu.memref_slice %arg10[%dma_wait3A_949] : memref<10240xf32, #tpu.memory_space<hbm>> -> memref<10240xf32, #tpu.memory_space<hbm>>
      tpu.wait_indirect_dma semaphore(%arg20 : memref<!tpu.dma_semaphore, #tpu.memory_space<semaphore_mem>>) src(%dma_wait3A_945 : memref<128xf32, #tpu.memory_space<vmem>>) dst(%dma_wait3A_950 : memref<10240xf32, #tpu.memory_space<hbm>>)
    } else {
    }
    return
  }
}

#map = affine_map<(d0, d1) -> (0, 0)>
module attributes {stable_mosaic.version = 14 : i64} {
  func.func @_combine_body(%arg0: i32, %arg1: i32, %arg2: memref<10240x1024xf32, #tpu.memory_space<hbm>>, %arg3: memref<32x128xi32, #tpu.memory_space<hbm>>, %arg4: memref<32x128xi32, #tpu.memory_space<hbm>>, %arg5: memref<4096x1024xf32, #tpu.memory_space<hbm>>, %arg6: memref<4096x1024xf32, #tpu.memory_space<hbm>>, %arg7: memref<1x128xi32, #tpu.memory_space<vmem>>, %arg8: memref<1x128xi32, #tpu.memory_space<vmem>>, %arg9: memref<16x1024xf32, #tpu.memory_space<vmem>>, %arg10: memref<16x1024xf32, #tpu.memory_space<vmem>>, %arg11: memref<16x1024xf32, #tpu.memory_space<vmem>>, %arg12: memref<16x1024xf32, #tpu.memory_space<vmem>>, %arg13: memref<!tpu.dma_semaphore, #tpu.memory_space<semaphore_mem>>, %arg14: memref<!tpu.dma_semaphore, #tpu.memory_space<semaphore_mem>>, %arg15: memref<!tpu.dma_semaphore, #tpu.memory_space<semaphore_mem>>, %arg16: memref<!tpu.dma_semaphore, #tpu.memory_space<semaphore_mem>>, %arg17: memref<!tpu.dma_semaphore, #tpu.memory_space<semaphore_mem>>, %arg18: memref<!tpu.dma_semaphore, #tpu.memory_space<semaphore_mem>>, %arg19: memref<!tpu.dma_semaphore, #tpu.memory_space<semaphore_mem>>, %arg20: memref<!tpu.dma_semaphore, #tpu.memory_space<semaphore_mem>>) attributes {dimension_semantics = [#tpu.dimension_semantics<core_parallel>, #tpu.dimension_semantics<subcore_parallel>], iteration_bounds = array<i64: 2, 16>, scalar_prefetch = 0 : i64, scratch_operands = 14 : i64, tpu.core_type = #tpu.core_type<sc_vector_subcore>, window_params = [{transform_indices = #map}, {transform_indices = #map}, {transform_indices = #map}, {transform_indices = #map}, {transform_indices = #map}]} {
    %mul3A = arith.constant 2 : i32
    %mul3A_0 = arith.muli %arg1, %mul3A : i32
    %add3A = arith.addi %mul3A_0, %arg0 : i32
    "tpu.region"() ({
      %run_scoped3A = tpu.sem_alloc : memref<!tpu.dma_semaphore, #tpu.memory_space<semaphore_mem>>
      %dma_start3A_383 = arith.constant 0 : i32
      %dma_start3A_384 = tpu.memref_slice %arg3[%add3A, %dma_start3A_383] : memref<32x128xi32, #tpu.memory_space<hbm>> -> memref<1x128xi32, #tpu.memory_space<hbm>>
      %dma_start3A_385 = arith.constant 0 : i32
      %dma_start3A_386 = tpu.memref_slice %arg3[%add3A, %dma_start3A_385] : memref<32x128xi32, #tpu.memory_space<hbm>> -> memref<1x128xi32, #tpu.memory_space<hbm>>
      tpu.enqueue_dma source(%dma_start3A_386 : memref<1x128xi32, #tpu.memory_space<hbm>>) target(%arg7 : memref<1x128xi32, #tpu.memory_space<vmem>>) target_semaphore(%run_scoped3A : memref<!tpu.dma_semaphore, #tpu.memory_space<semaphore_mem>>)
      %dma_wait3A_387 = arith.constant 0 : i32
      %dma_wait3A_388 = tpu.memref_slice %arg3[%add3A, %dma_wait3A_387] : memref<32x128xi32, #tpu.memory_space<hbm>> -> memref<1x128xi32, #tpu.memory_space<hbm>>
      %dma_wait3A_389 = arith.constant 0 : i32
      %dma_wait3A_390 = tpu.memref_slice %arg3[%add3A, %dma_wait3A_389] : memref<32x128xi32, #tpu.memory_space<hbm>> -> memref<1x128xi32, #tpu.memory_space<hbm>>
      tpu.wait_dma2 semaphore(%run_scoped3A : memref<!tpu.dma_semaphore, #tpu.memory_space<semaphore_mem>>) src(%dma_wait3A_390 : memref<1x128xi32, #tpu.memory_space<hbm>>) dst(%arg7 : memref<1x128xi32, #tpu.memory_space<vmem>>)
      tpu.yield
    }) : () -> ()
    "tpu.region"() ({
      %run_scoped3A = tpu.sem_alloc : memref<!tpu.dma_semaphore, #tpu.memory_space<semaphore_mem>>
      %dma_start3A_383 = arith.constant 0 : i32
      %dma_start3A_384 = tpu.memref_slice %arg4[%add3A, %dma_start3A_383] : memref<32x128xi32, #tpu.memory_space<hbm>> -> memref<1x128xi32, #tpu.memory_space<hbm>>
      %dma_start3A_385 = arith.constant 0 : i32
      %dma_start3A_386 = tpu.memref_slice %arg4[%add3A, %dma_start3A_385] : memref<32x128xi32, #tpu.memory_space<hbm>> -> memref<1x128xi32, #tpu.memory_space<hbm>>
      tpu.enqueue_dma source(%dma_start3A_386 : memref<1x128xi32, #tpu.memory_space<hbm>>) target(%arg8 : memref<1x128xi32, #tpu.memory_space<vmem>>) target_semaphore(%run_scoped3A : memref<!tpu.dma_semaphore, #tpu.memory_space<semaphore_mem>>)
      %dma_wait3A_387 = arith.constant 0 : i32
      %dma_wait3A_388 = tpu.memref_slice %arg4[%add3A, %dma_wait3A_387] : memref<32x128xi32, #tpu.memory_space<hbm>> -> memref<1x128xi32, #tpu.memory_space<hbm>>
      %dma_wait3A_389 = arith.constant 0 : i32
      %dma_wait3A_390 = tpu.memref_slice %arg4[%add3A, %dma_wait3A_389] : memref<32x128xi32, #tpu.memory_space<hbm>> -> memref<1x128xi32, #tpu.memory_space<hbm>>
      tpu.wait_dma2 semaphore(%run_scoped3A : memref<!tpu.dma_semaphore, #tpu.memory_space<semaphore_mem>>) src(%dma_wait3A_390 : memref<1x128xi32, #tpu.memory_space<hbm>>) dst(%arg8 : memref<1x128xi32, #tpu.memory_space<vmem>>)
      tpu.yield
    }) : () -> ()
    %dma_start3A = arith.constant 0 : i32
    %dma_start3A_1 = arith.constant 0 : i32
    %dma_start3A_2 = tpu.memref_slice %arg7[%dma_start3A, %dma_start3A_1] : memref<1x128xi32, #tpu.memory_space<vmem>> -> memref<1x16xi32, #tpu.memory_space<vmem>>
    %dma_start3A_3 = tpu.memref_squeeze %dma_start3A_2 : memref<1x16xi32, #tpu.memory_space<vmem>> -> memref<16xi32, #tpu.memory_space<vmem>>
    %dma_start3A_4 = arith.constant 0 : i32
    %dma_start3A_5 = arith.constant 0 : i32
    %dma_start3A_6 = tpu.memref_slice %arg2[%dma_start3A_4, %dma_start3A_5] : memref<10240x1024xf32, #tpu.memory_space<hbm>> -> memref<10240x1024xf32, #tpu.memory_space<hbm>>
    tpu.enqueue_indirect_dma source(%dma_start3A_6 : memref<10240x1024xf32, #tpu.memory_space<hbm>>) target(%arg9 : memref<16x1024xf32, #tpu.memory_space<vmem>>) offsets(%dma_start3A_3 : memref<16xi32, #tpu.memory_space<vmem>>) semaphore(%arg13 : memref<!tpu.dma_semaphore, #tpu.memory_space<semaphore_mem>>)
    %dma_start3A_7 = arith.constant 0 : i32
    %dma_start3A_8 = arith.constant 0 : i32
    %dma_start3A_9 = tpu.memref_slice %arg8[%dma_start3A_7, %dma_start3A_8] : memref<1x128xi32, #tpu.memory_space<vmem>> -> memref<1x16xi32, #tpu.memory_space<vmem>>
    %dma_start3A_10 = tpu.memref_squeeze %dma_start3A_9 : memref<1x16xi32, #tpu.memory_space<vmem>> -> memref<16xi32, #tpu.memory_space<vmem>>
    %dma_start3A_11 = arith.constant 0 : i32
    %dma_start3A_12 = arith.constant 0 : i32
    %dma_start3A_13 = tpu.memref_slice %arg2[%dma_start3A_11, %dma_start3A_12] : memref<10240x1024xf32, #tpu.memory_space<hbm>> -> memref<10240x1024xf32, #tpu.memory_space<hbm>>
    tpu.enqueue_indirect_dma source(%dma_start3A_13 : memref<10240x1024xf32, #tpu.memory_space<hbm>>) target(%arg11 : memref<16x1024xf32, #tpu.memory_space<vmem>>) offsets(%dma_start3A_10 : memref<16xi32, #tpu.memory_space<vmem>>) semaphore(%arg15 : memref<!tpu.dma_semaphore, #tpu.memory_space<semaphore_mem>>)
    %dma_start3A_14 = arith.constant 0 : i32
    %dma_start3A_15 = arith.constant 16 : i32
    %dma_start3A_16 = tpu.memref_slice %arg7[%dma_start3A_14, %dma_start3A_15] : memref<1x128xi32, #tpu.memory_space<vmem>> -> memref<1x16xi32, #tpu.memory_space<vmem>>
    %dma_start3A_17 = tpu.memref_squeeze %dma_start3A_16 : memref<1x16xi32, #tpu.memory_space<vmem>> -> memref<16xi32, #tpu.memory_space<vmem>>
    %dma_start3A_18 = arith.constant 0 : i32
    %dma_start3A_19 = arith.constant 0 : i32
    %dma_start3A_20 = tpu.memref_slice %arg2[%dma_start3A_18, %dma_start3A_19] : memref<10240x1024xf32, #tpu.memory_space<hbm>> -> memref<10240x1024xf32, #tpu.memory_space<hbm>>
    tpu.enqueue_indirect_dma source(%dma_start3A_20 : memref<10240x1024xf32, #tpu.memory_space<hbm>>) target(%arg10 : memref<16x1024xf32, #tpu.memory_space<vmem>>) offsets(%dma_start3A_17 : memref<16xi32, #tpu.memory_space<vmem>>) semaphore(%arg14 : memref<!tpu.dma_semaphore, #tpu.memory_space<semaphore_mem>>)
    %dma_start3A_21 = arith.constant 0 : i32
    %dma_start3A_22 = arith.constant 16 : i32
    %dma_start3A_23 = tpu.memref_slice %arg8[%dma_start3A_21, %dma_start3A_22] : memref<1x128xi32, #tpu.memory_space<vmem>> -> memref<1x16xi32, #tpu.memory_space<vmem>>
    %dma_start3A_24 = tpu.memref_squeeze %dma_start3A_23 : memref<1x16xi32, #tpu.memory_space<vmem>> -> memref<16xi32, #tpu.memory_space<vmem>>
    %dma_start3A_25 = arith.constant 0 : i32
    %dma_start3A_26 = arith.constant 0 : i32
    %dma_start3A_27 = tpu.memref_slice %arg2[%dma_start3A_25, %dma_start3A_26] : memref<10240x1024xf32, #tpu.memory_space<hbm>> -> memref<10240x1024xf32, #tpu.memory_space<hbm>>
    tpu.enqueue_indirect_dma source(%dma_start3A_27 : memref<10240x1024xf32, #tpu.memory_space<hbm>>) target(%arg12 : memref<16x1024xf32, #tpu.memory_space<vmem>>) offsets(%dma_start3A_24 : memref<16xi32, #tpu.memory_space<vmem>>) semaphore(%arg16 : memref<!tpu.dma_semaphore, #tpu.memory_space<semaphore_mem>>)
    %dma_wait3A = arith.constant 0 : i32
    %dma_wait3A_28 = arith.constant 0 : i32
    %dma_wait3A_29 = tpu.memref_slice %arg7[%dma_wait3A, %dma_wait3A_28] : memref<1x128xi32, #tpu.memory_space<vmem>> -> memref<1x16xi32, #tpu.memory_space<vmem>>
    %dma_wait3A_30 = tpu.memref_squeeze %dma_wait3A_29 : memref<1x16xi32, #tpu.memory_space<vmem>> -> memref<16xi32, #tpu.memory_space<vmem>>
    %dma_wait3A_31 = arith.constant 0 : i32
    %dma_wait3A_32 = arith.constant 0 : i32
    %dma_wait3A_33 = tpu.memref_slice %arg2[%dma_wait3A_31, %dma_wait3A_32] : memref<10240x1024xf32, #tpu.memory_space<hbm>> -> memref<10240x1024xf32, #tpu.memory_space<hbm>>
    tpu.wait_indirect_dma semaphore(%arg13 : memref<!tpu.dma_semaphore, #tpu.memory_space<semaphore_mem>>) src(%dma_wait3A_33 : memref<10240x1024xf32, #tpu.memory_space<hbm>>) dst(%arg9 : memref<16x1024xf32, #tpu.memory_space<vmem>>)
    %dma_wait3A_34 = arith.constant 0 : i32
    %dma_wait3A_35 = arith.constant 0 : i32
    %dma_wait3A_36 = tpu.memref_slice %arg8[%dma_wait3A_34, %dma_wait3A_35] : memref<1x128xi32, #tpu.memory_space<vmem>> -> memref<1x16xi32, #tpu.memory_space<vmem>>
    %dma_wait3A_37 = tpu.memref_squeeze %dma_wait3A_36 : memref<1x16xi32, #tpu.memory_space<vmem>> -> memref<16xi32, #tpu.memory_space<vmem>>
    %dma_wait3A_38 = arith.constant 0 : i32
    %dma_wait3A_39 = arith.constant 0 : i32
    %dma_wait3A_40 = tpu.memref_slice %arg2[%dma_wait3A_38, %dma_wait3A_39] : memref<10240x1024xf32, #tpu.memory_space<hbm>> -> memref<10240x1024xf32, #tpu.memory_space<hbm>>
    tpu.wait_indirect_dma semaphore(%arg15 : memref<!tpu.dma_semaphore, #tpu.memory_space<semaphore_mem>>) src(%dma_wait3A_40 : memref<10240x1024xf32, #tpu.memory_space<hbm>>) dst(%arg11 : memref<16x1024xf32, #tpu.memory_space<vmem>>)
    %mul3A_41 = arith.constant 128 : i32
    %mul3A_42 = arith.muli %add3A, %mul3A_41 : i32
    %add3A_43 = arith.constant 0 : i32
    %add3A_44 = arith.addi %mul3A_42, %add3A_43 : i32
    %dma_start3A_45 = arith.constant 0 : i32
    %dma_start3A_46 = tpu.memref_slice %arg5[%add3A_44, %dma_start3A_45] : memref<4096x1024xf32, #tpu.memory_space<hbm>> -> memref<16x1024xf32, #tpu.memory_space<hbm>>
    %dma_start3A_47 = arith.constant 0 : i32
    %dma_start3A_48 = tpu.memref_slice %arg5[%add3A_44, %dma_start3A_47] : memref<4096x1024xf32, #tpu.memory_space<hbm>> -> memref<16x1024xf32, #tpu.memory_space<hbm>>
    tpu.enqueue_dma source(%arg9 : memref<16x1024xf32, #tpu.memory_space<vmem>>) target(%dma_start3A_48 : memref<16x1024xf32, #tpu.memory_space<hbm>>) target_semaphore(%arg17 : memref<!tpu.dma_semaphore, #tpu.memory_space<semaphore_mem>>)
    %dma_start3A_49 = arith.constant 0 : i32
    %dma_start3A_50 = tpu.memref_slice %arg6[%add3A_44, %dma_start3A_49] : memref<4096x1024xf32, #tpu.memory_space<hbm>> -> memref<16x1024xf32, #tpu.memory_space<hbm>>
    %dma_start3A_51 = arith.constant 0 : i32
    %dma_start3A_52 = tpu.memref_slice %arg6[%add3A_44, %dma_start3A_51] : memref<4096x1024xf32, #tpu.memory_space<hbm>> -> memref<16x1024xf32, #tpu.memory_space<hbm>>
    tpu.enqueue_dma source(%arg11 : memref<16x1024xf32, #tpu.memory_space<vmem>>) target(%dma_start3A_52 : memref<16x1024xf32, #tpu.memory_space<hbm>>) target_semaphore(%arg19 : memref<!tpu.dma_semaphore, #tpu.memory_space<semaphore_mem>>)
    %dma_wait3A_53 = arith.constant 0 : i32
    %dma_wait3A_54 = tpu.memref_slice %arg5[%add3A_44, %dma_wait3A_53] : memref<4096x1024xf32, #tpu.memory_space<hbm>> -> memref<16x1024xf32, #tpu.memory_space<hbm>>
    %dma_wait3A_55 = arith.constant 0 : i32
    %dma_wait3A_56 = tpu.memref_slice %arg5[%add3A_44, %dma_wait3A_55] : memref<4096x1024xf32, #tpu.memory_space<hbm>> -> memref<16x1024xf32, #tpu.memory_space<hbm>>
    tpu.wait_dma2 semaphore(%arg17 : memref<!tpu.dma_semaphore, #tpu.memory_space<semaphore_mem>>) src(%arg9 : memref<16x1024xf32, #tpu.memory_space<vmem>>) dst(%dma_wait3A_56 : memref<16x1024xf32, #tpu.memory_space<hbm>>)
    %dma_wait3A_57 = arith.constant 0 : i32
    %dma_wait3A_58 = tpu.memref_slice %arg6[%add3A_44, %dma_wait3A_57] : memref<4096x1024xf32, #tpu.memory_space<hbm>> -> memref<16x1024xf32, #tpu.memory_space<hbm>>
    %dma_wait3A_59 = arith.constant 0 : i32
    %dma_wait3A_60 = tpu.memref_slice %arg6[%add3A_44, %dma_wait3A_59] : memref<4096x1024xf32, #tpu.memory_space<hbm>> -> memref<16x1024xf32, #tpu.memory_space<hbm>>
    tpu.wait_dma2 semaphore(%arg19 : memref<!tpu.dma_semaphore, #tpu.memory_space<semaphore_mem>>) src(%arg11 : memref<16x1024xf32, #tpu.memory_space<vmem>>) dst(%dma_wait3A_60 : memref<16x1024xf32, #tpu.memory_space<hbm>>)
    %dma_start3A_61 = arith.constant 0 : i32
    %dma_start3A_62 = arith.constant 32 : i32
    %dma_start3A_63 = tpu.memref_slice %arg7[%dma_start3A_61, %dma_start3A_62] : memref<1x128xi32, #tpu.memory_space<vmem>> -> memref<1x16xi32, #tpu.memory_space<vmem>>
    %dma_start3A_64 = tpu.memref_squeeze %dma_start3A_63 : memref<1x16xi32, #tpu.memory_space<vmem>> -> memref<16xi32, #tpu.memory_space<vmem>>
    %dma_start3A_65 = arith.constant 0 : i32
    %dma_start3A_66 = arith.constant 0 : i32
    %dma_start3A_67 = tpu.memref_slice %arg2[%dma_start3A_65, %dma_start3A_66] : memref<10240x1024xf32, #tpu.memory_space<hbm>> -> memref<10240x1024xf32, #tpu.memory_space<hbm>>
    tpu.enqueue_indirect_dma source(%dma_start3A_67 : memref<10240x1024xf32, #tpu.memory_space<hbm>>) target(%arg9 : memref<16x1024xf32, #tpu.memory_space<vmem>>) offsets(%dma_start3A_64 : memref<16xi32, #tpu.memory_space<vmem>>) semaphore(%arg13 : memref<!tpu.dma_semaphore, #tpu.memory_space<semaphore_mem>>)
    %dma_start3A_68 = arith.constant 0 : i32
    %dma_start3A_69 = arith.constant 32 : i32
    %dma_start3A_70 = tpu.memref_slice %arg8[%dma_start3A_68, %dma_start3A_69] : memref<1x128xi32, #tpu.memory_space<vmem>> -> memref<1x16xi32, #tpu.memory_space<vmem>>
    %dma_start3A_71 = tpu.memref_squeeze %dma_start3A_70 : memref<1x16xi32, #tpu.memory_space<vmem>> -> memref<16xi32, #tpu.memory_space<vmem>>
    %dma_start3A_72 = arith.constant 0 : i32
    %dma_start3A_73 = arith.constant 0 : i32
    %dma_start3A_74 = tpu.memref_slice %arg2[%dma_start3A_72, %dma_start3A_73] : memref<10240x1024xf32, #tpu.memory_space<hbm>> -> memref<10240x1024xf32, #tpu.memory_space<hbm>>
    tpu.enqueue_indirect_dma source(%dma_start3A_74 : memref<10240x1024xf32, #tpu.memory_space<hbm>>) target(%arg11 : memref<16x1024xf32, #tpu.memory_space<vmem>>) offsets(%dma_start3A_71 : memref<16xi32, #tpu.memory_space<vmem>>) semaphore(%arg15 : memref<!tpu.dma_semaphore, #tpu.memory_space<semaphore_mem>>)
    %dma_wait3A_75 = arith.constant 0 : i32
    %dma_wait3A_76 = arith.constant 16 : i32
    %dma_wait3A_77 = tpu.memref_slice %arg7[%dma_wait3A_75, %dma_wait3A_76] : memref<1x128xi32, #tpu.memory_space<vmem>> -> memref<1x16xi32, #tpu.memory_space<vmem>>
    %dma_wait3A_78 = tpu.memref_squeeze %dma_wait3A_77 : memref<1x16xi32, #tpu.memory_space<vmem>> -> memref<16xi32, #tpu.memory_space<vmem>>
    %dma_wait3A_79 = arith.constant 0 : i32
    %dma_wait3A_80 = arith.constant 0 : i32
    %dma_wait3A_81 = tpu.memref_slice %arg2[%dma_wait3A_79, %dma_wait3A_80] : memref<10240x1024xf32, #tpu.memory_space<hbm>> -> memref<10240x1024xf32, #tpu.memory_space<hbm>>
    tpu.wait_indirect_dma semaphore(%arg14 : memref<!tpu.dma_semaphore, #tpu.memory_space<semaphore_mem>>) src(%dma_wait3A_81 : memref<10240x1024xf32, #tpu.memory_space<hbm>>) dst(%arg10 : memref<16x1024xf32, #tpu.memory_space<vmem>>)
    %dma_wait3A_82 = arith.constant 0 : i32
    %dma_wait3A_83 = arith.constant 16 : i32
    %dma_wait3A_84 = tpu.memref_slice %arg8[%dma_wait3A_82, %dma_wait3A_83] : memref<1x128xi32, #tpu.memory_space<vmem>> -> memref<1x16xi32, #tpu.memory_space<vmem>>
    %dma_wait3A_85 = tpu.memref_squeeze %dma_wait3A_84 : memref<1x16xi32, #tpu.memory_space<vmem>> -> memref<16xi32, #tpu.memory_space<vmem>>
    %dma_wait3A_86 = arith.constant 0 : i32
    %dma_wait3A_87 = arith.constant 0 : i32
    %dma_wait3A_88 = tpu.memref_slice %arg2[%dma_wait3A_86, %dma_wait3A_87] : memref<10240x1024xf32, #tpu.memory_space<hbm>> -> memref<10240x1024xf32, #tpu.memory_space<hbm>>
    tpu.wait_indirect_dma semaphore(%arg16 : memref<!tpu.dma_semaphore, #tpu.memory_space<semaphore_mem>>) src(%dma_wait3A_88 : memref<10240x1024xf32, #tpu.memory_space<hbm>>) dst(%arg12 : memref<16x1024xf32, #tpu.memory_space<vmem>>)
    %mul3A_89 = arith.constant 128 : i32
    %mul3A_90 = arith.muli %add3A, %mul3A_89 : i32
    %add3A_91 = arith.constant 16 : i32
    %add3A_92 = arith.addi %mul3A_90, %add3A_91 : i32
    %dma_start3A_93 = arith.constant 0 : i32
    %dma_start3A_94 = tpu.memref_slice %arg5[%add3A_92, %dma_start3A_93] : memref<4096x1024xf32, #tpu.memory_space<hbm>> -> memref<16x1024xf32, #tpu.memory_space<hbm>>
    %dma_start3A_95 = arith.constant 0 : i32
    %dma_start3A_96 = tpu.memref_slice %arg5[%add3A_92, %dma_start3A_95] : memref<4096x1024xf32, #tpu.memory_space<hbm>> -> memref<16x1024xf32, #tpu.memory_space<hbm>>
    tpu.enqueue_dma source(%arg10 : memref<16x1024xf32, #tpu.memory_space<vmem>>) target(%dma_start3A_96 : memref<16x1024xf32, #tpu.memory_space<hbm>>) target_semaphore(%arg18 : memref<!tpu.dma_semaphore, #tpu.memory_space<semaphore_mem>>)
    %dma_start3A_97 = arith.constant 0 : i32
    %dma_start3A_98 = tpu.memref_slice %arg6[%add3A_92, %dma_start3A_97] : memref<4096x1024xf32, #tpu.memory_space<hbm>> -> memref<16x1024xf32, #tpu.memory_space<hbm>>
    %dma_start3A_99 = arith.constant 0 : i32
    %dma_start3A_100 = tpu.memref_slice %arg6[%add3A_92, %dma_start3A_99] : memref<4096x1024xf32, #tpu.memory_space<hbm>> -> memref<16x1024xf32, #tpu.memory_space<hbm>>
    tpu.enqueue_dma source(%arg12 : memref<16x1024xf32, #tpu.memory_space<vmem>>) target(%dma_start3A_100 : memref<16x1024xf32, #tpu.memory_space<hbm>>) target_semaphore(%arg20 : memref<!tpu.dma_semaphore, #tpu.memory_space<semaphore_mem>>)
    %dma_wait3A_101 = arith.constant 0 : i32
    %dma_wait3A_102 = tpu.memref_slice %arg5[%add3A_92, %dma_wait3A_101] : memref<4096x1024xf32, #tpu.memory_space<hbm>> -> memref<16x1024xf32, #tpu.memory_space<hbm>>
    %dma_wait3A_103 = arith.constant 0 : i32
    %dma_wait3A_104 = tpu.memref_slice %arg5[%add3A_92, %dma_wait3A_103] : memref<4096x1024xf32, #tpu.memory_space<hbm>> -> memref<16x1024xf32, #tpu.memory_space<hbm>>
    tpu.wait_dma2 semaphore(%arg18 : memref<!tpu.dma_semaphore, #tpu.memory_space<semaphore_mem>>) src(%arg10 : memref<16x1024xf32, #tpu.memory_space<vmem>>) dst(%dma_wait3A_104 : memref<16x1024xf32, #tpu.memory_space<hbm>>)
    %dma_wait3A_105 = arith.constant 0 : i32
    %dma_wait3A_106 = tpu.memref_slice %arg6[%add3A_92, %dma_wait3A_105] : memref<4096x1024xf32, #tpu.memory_space<hbm>> -> memref<16x1024xf32, #tpu.memory_space<hbm>>
    %dma_wait3A_107 = arith.constant 0 : i32
    %dma_wait3A_108 = tpu.memref_slice %arg6[%add3A_92, %dma_wait3A_107] : memref<4096x1024xf32, #tpu.memory_space<hbm>> -> memref<16x1024xf32, #tpu.memory_space<hbm>>
    tpu.wait_dma2 semaphore(%arg20 : memref<!tpu.dma_semaphore, #tpu.memory_space<semaphore_mem>>) src(%arg12 : memref<16x1024xf32, #tpu.memory_space<vmem>>) dst(%dma_wait3A_108 : memref<16x1024xf32, #tpu.memory_space<hbm>>)
    %dma_start3A_109 = arith.constant 0 : i32
    %dma_start3A_110 = arith.constant 48 : i32
    %dma_start3A_111 = tpu.memref_slice %arg7[%dma_start3A_109, %dma_start3A_110] : memref<1x128xi32, #tpu.memory_space<vmem>> -> memref<1x16xi32, #tpu.memory_space<vmem>>
    %dma_start3A_112 = tpu.memref_squeeze %dma_start3A_111 : memref<1x16xi32, #tpu.memory_space<vmem>> -> memref<16xi32, #tpu.memory_space<vmem>>
    %dma_start3A_113 = arith.constant 0 : i32
    %dma_start3A_114 = arith.constant 0 : i32
    %dma_start3A_115 = tpu.memref_slice %arg2[%dma_start3A_113, %dma_start3A_114] : memref<10240x1024xf32, #tpu.memory_space<hbm>> -> memref<10240x1024xf32, #tpu.memory_space<hbm>>
    tpu.enqueue_indirect_dma source(%dma_start3A_115 : memref<10240x1024xf32, #tpu.memory_space<hbm>>) target(%arg10 : memref<16x1024xf32, #tpu.memory_space<vmem>>) offsets(%dma_start3A_112 : memref<16xi32, #tpu.memory_space<vmem>>) semaphore(%arg14 : memref<!tpu.dma_semaphore, #tpu.memory_space<semaphore_mem>>)
    %dma_start3A_116 = arith.constant 0 : i32
    %dma_start3A_117 = arith.constant 48 : i32
    %dma_start3A_118 = tpu.memref_slice %arg8[%dma_start3A_116, %dma_start3A_117] : memref<1x128xi32, #tpu.memory_space<vmem>> -> memref<1x16xi32, #tpu.memory_space<vmem>>
    %dma_start3A_119 = tpu.memref_squeeze %dma_start3A_118 : memref<1x16xi32, #tpu.memory_space<vmem>> -> memref<16xi32, #tpu.memory_space<vmem>>
    %dma_start3A_120 = arith.constant 0 : i32
    %dma_start3A_121 = arith.constant 0 : i32
    %dma_start3A_122 = tpu.memref_slice %arg2[%dma_start3A_120, %dma_start3A_121] : memref<10240x1024xf32, #tpu.memory_space<hbm>> -> memref<10240x1024xf32, #tpu.memory_space<hbm>>
    tpu.enqueue_indirect_dma source(%dma_start3A_122 : memref<10240x1024xf32, #tpu.memory_space<hbm>>) target(%arg12 : memref<16x1024xf32, #tpu.memory_space<vmem>>) offsets(%dma_start3A_119 : memref<16xi32, #tpu.memory_space<vmem>>) semaphore(%arg16 : memref<!tpu.dma_semaphore, #tpu.memory_space<semaphore_mem>>)
    %dma_wait3A_123 = arith.constant 0 : i32
    %dma_wait3A_124 = arith.constant 32 : i32
    %dma_wait3A_125 = tpu.memref_slice %arg7[%dma_wait3A_123, %dma_wait3A_124] : memref<1x128xi32, #tpu.memory_space<vmem>> -> memref<1x16xi32, #tpu.memory_space<vmem>>
    %dma_wait3A_126 = tpu.memref_squeeze %dma_wait3A_125 : memref<1x16xi32, #tpu.memory_space<vmem>> -> memref<16xi32, #tpu.memory_space<vmem>>
    %dma_wait3A_127 = arith.constant 0 : i32
    %dma_wait3A_128 = arith.constant 0 : i32
    %dma_wait3A_129 = tpu.memref_slice %arg2[%dma_wait3A_127, %dma_wait3A_128] : memref<10240x1024xf32, #tpu.memory_space<hbm>> -> memref<10240x1024xf32, #tpu.memory_space<hbm>>
    tpu.wait_indirect_dma semaphore(%arg13 : memref<!tpu.dma_semaphore, #tpu.memory_space<semaphore_mem>>) src(%dma_wait3A_129 : memref<10240x1024xf32, #tpu.memory_space<hbm>>) dst(%arg9 : memref<16x1024xf32, #tpu.memory_space<vmem>>)
    %dma_wait3A_130 = arith.constant 0 : i32
    %dma_wait3A_131 = arith.constant 32 : i32
    %dma_wait3A_132 = tpu.memref_slice %arg8[%dma_wait3A_130, %dma_wait3A_131] : memref<1x128xi32, #tpu.memory_space<vmem>> -> memref<1x16xi32, #tpu.memory_space<vmem>>
    %dma_wait3A_133 = tpu.memref_squeeze %dma_wait3A_132 : memref<1x16xi32, #tpu.memory_space<vmem>> -> memref<16xi32, #tpu.memory_space<vmem>>
    %dma_wait3A_134 = arith.constant 0 : i32
    %dma_wait3A_135 = arith.constant 0 : i32
    %dma_wait3A_136 = tpu.memref_slice %arg2[%dma_wait3A_134, %dma_wait3A_135] : memref<10240x1024xf32, #tpu.memory_space<hbm>> -> memref<10240x1024xf32, #tpu.memory_space<hbm>>
    tpu.wait_indirect_dma semaphore(%arg15 : memref<!tpu.dma_semaphore, #tpu.memory_space<semaphore_mem>>) src(%dma_wait3A_136 : memref<10240x1024xf32, #tpu.memory_space<hbm>>) dst(%arg11 : memref<16x1024xf32, #tpu.memory_space<vmem>>)
    %mul3A_137 = arith.constant 128 : i32
    %mul3A_138 = arith.muli %add3A, %mul3A_137 : i32
    %add3A_139 = arith.constant 32 : i32
    %add3A_140 = arith.addi %mul3A_138, %add3A_139 : i32
    %dma_start3A_141 = arith.constant 0 : i32
    %dma_start3A_142 = tpu.memref_slice %arg5[%add3A_140, %dma_start3A_141] : memref<4096x1024xf32, #tpu.memory_space<hbm>> -> memref<16x1024xf32, #tpu.memory_space<hbm>>
    %dma_start3A_143 = arith.constant 0 : i32
    %dma_start3A_144 = tpu.memref_slice %arg5[%add3A_140, %dma_start3A_143] : memref<4096x1024xf32, #tpu.memory_space<hbm>> -> memref<16x1024xf32, #tpu.memory_space<hbm>>
    tpu.enqueue_dma source(%arg9 : memref<16x1024xf32, #tpu.memory_space<vmem>>) target(%dma_start3A_144 : memref<16x1024xf32, #tpu.memory_space<hbm>>) target_semaphore(%arg17 : memref<!tpu.dma_semaphore, #tpu.memory_space<semaphore_mem>>)
    %dma_start3A_145 = arith.constant 0 : i32
    %dma_start3A_146 = tpu.memref_slice %arg6[%add3A_140, %dma_start3A_145] : memref<4096x1024xf32, #tpu.memory_space<hbm>> -> memref<16x1024xf32, #tpu.memory_space<hbm>>
    %dma_start3A_147 = arith.constant 0 : i32
    %dma_start3A_148 = tpu.memref_slice %arg6[%add3A_140, %dma_start3A_147] : memref<4096x1024xf32, #tpu.memory_space<hbm>> -> memref<16x1024xf32, #tpu.memory_space<hbm>>
    tpu.enqueue_dma source(%arg11 : memref<16x1024xf32, #tpu.memory_space<vmem>>) target(%dma_start3A_148 : memref<16x1024xf32, #tpu.memory_space<hbm>>) target_semaphore(%arg19 : memref<!tpu.dma_semaphore, #tpu.memory_space<semaphore_mem>>)
    %dma_wait3A_149 = arith.constant 0 : i32
    %dma_wait3A_150 = tpu.memref_slice %arg5[%add3A_140, %dma_wait3A_149] : memref<4096x1024xf32, #tpu.memory_space<hbm>> -> memref<16x1024xf32, #tpu.memory_space<hbm>>
    %dma_wait3A_151 = arith.constant 0 : i32
    %dma_wait3A_152 = tpu.memref_slice %arg5[%add3A_140, %dma_wait3A_151] : memref<4096x1024xf32, #tpu.memory_space<hbm>> -> memref<16x1024xf32, #tpu.memory_space<hbm>>
    tpu.wait_dma2 semaphore(%arg17 : memref<!tpu.dma_semaphore, #tpu.memory_space<semaphore_mem>>) src(%arg9 : memref<16x1024xf32, #tpu.memory_space<vmem>>) dst(%dma_wait3A_152 : memref<16x1024xf32, #tpu.memory_space<hbm>>)
    %dma_wait3A_153 = arith.constant 0 : i32
    %dma_wait3A_154 = tpu.memref_slice %arg6[%add3A_140, %dma_wait3A_153] : memref<4096x1024xf32, #tpu.memory_space<hbm>> -> memref<16x1024xf32, #tpu.memory_space<hbm>>
    %dma_wait3A_155 = arith.constant 0 : i32
    %dma_wait3A_156 = tpu.memref_slice %arg6[%add3A_140, %dma_wait3A_155] : memref<4096x1024xf32, #tpu.memory_space<hbm>> -> memref<16x1024xf32, #tpu.memory_space<hbm>>
    tpu.wait_dma2 semaphore(%arg19 : memref<!tpu.dma_semaphore, #tpu.memory_space<semaphore_mem>>) src(%arg11 : memref<16x1024xf32, #tpu.memory_space<vmem>>) dst(%dma_wait3A_156 : memref<16x1024xf32, #tpu.memory_space<hbm>>)
    %dma_start3A_157 = arith.constant 0 : i32
    %dma_start3A_158 = arith.constant 64 : i32
    %dma_start3A_159 = tpu.memref_slice %arg7[%dma_start3A_157, %dma_start3A_158] : memref<1x128xi32, #tpu.memory_space<vmem>> -> memref<1x16xi32, #tpu.memory_space<vmem>>
    %dma_start3A_160 = tpu.memref_squeeze %dma_start3A_159 : memref<1x16xi32, #tpu.memory_space<vmem>> -> memref<16xi32, #tpu.memory_space<vmem>>
    %dma_start3A_161 = arith.constant 0 : i32
    %dma_start3A_162 = arith.constant 0 : i32
    %dma_start3A_163 = tpu.memref_slice %arg2[%dma_start3A_161, %dma_start3A_162] : memref<10240x1024xf32, #tpu.memory_space<hbm>> -> memref<10240x1024xf32, #tpu.memory_space<hbm>>
    tpu.enqueue_indirect_dma source(%dma_start3A_163 : memref<10240x1024xf32, #tpu.memory_space<hbm>>) target(%arg9 : memref<16x1024xf32, #tpu.memory_space<vmem>>) offsets(%dma_start3A_160 : memref<16xi32, #tpu.memory_space<vmem>>) semaphore(%arg13 : memref<!tpu.dma_semaphore, #tpu.memory_space<semaphore_mem>>)
    %dma_start3A_164 = arith.constant 0 : i32
    %dma_start3A_165 = arith.constant 64 : i32
    %dma_start3A_166 = tpu.memref_slice %arg8[%dma_start3A_164, %dma_start3A_165] : memref<1x128xi32, #tpu.memory_space<vmem>> -> memref<1x16xi32, #tpu.memory_space<vmem>>
    %dma_start3A_167 = tpu.memref_squeeze %dma_start3A_166 : memref<1x16xi32, #tpu.memory_space<vmem>> -> memref<16xi32, #tpu.memory_space<vmem>>
    %dma_start3A_168 = arith.constant 0 : i32
    %dma_start3A_169 = arith.constant 0 : i32
    %dma_start3A_170 = tpu.memref_slice %arg2[%dma_start3A_168, %dma_start3A_169] : memref<10240x1024xf32, #tpu.memory_space<hbm>> -> memref<10240x1024xf32, #tpu.memory_space<hbm>>
    tpu.enqueue_indirect_dma source(%dma_start3A_170 : memref<10240x1024xf32, #tpu.memory_space<hbm>>) target(%arg11 : memref<16x1024xf32, #tpu.memory_space<vmem>>) offsets(%dma_start3A_167 : memref<16xi32, #tpu.memory_space<vmem>>) semaphore(%arg15 : memref<!tpu.dma_semaphore, #tpu.memory_space<semaphore_mem>>)
    %dma_wait3A_171 = arith.constant 0 : i32
    %dma_wait3A_172 = arith.constant 48 : i32
    %dma_wait3A_173 = tpu.memref_slice %arg7[%dma_wait3A_171, %dma_wait3A_172] : memref<1x128xi32, #tpu.memory_space<vmem>> -> memref<1x16xi32, #tpu.memory_space<vmem>>
    %dma_wait3A_174 = tpu.memref_squeeze %dma_wait3A_173 : memref<1x16xi32, #tpu.memory_space<vmem>> -> memref<16xi32, #tpu.memory_space<vmem>>
    %dma_wait3A_175 = arith.constant 0 : i32
    %dma_wait3A_176 = arith.constant 0 : i32
    %dma_wait3A_177 = tpu.memref_slice %arg2[%dma_wait3A_175, %dma_wait3A_176] : memref<10240x1024xf32, #tpu.memory_space<hbm>> -> memref<10240x1024xf32, #tpu.memory_space<hbm>>
    tpu.wait_indirect_dma semaphore(%arg14 : memref<!tpu.dma_semaphore, #tpu.memory_space<semaphore_mem>>) src(%dma_wait3A_177 : memref<10240x1024xf32, #tpu.memory_space<hbm>>) dst(%arg10 : memref<16x1024xf32, #tpu.memory_space<vmem>>)
    %dma_wait3A_178 = arith.constant 0 : i32
    %dma_wait3A_179 = arith.constant 48 : i32
    %dma_wait3A_180 = tpu.memref_slice %arg8[%dma_wait3A_178, %dma_wait3A_179] : memref<1x128xi32, #tpu.memory_space<vmem>> -> memref<1x16xi32, #tpu.memory_space<vmem>>
    %dma_wait3A_181 = tpu.memref_squeeze %dma_wait3A_180 : memref<1x16xi32, #tpu.memory_space<vmem>> -> memref<16xi32, #tpu.memory_space<vmem>>
    %dma_wait3A_182 = arith.constant 0 : i32
    %dma_wait3A_183 = arith.constant 0 : i32
    %dma_wait3A_184 = tpu.memref_slice %arg2[%dma_wait3A_182, %dma_wait3A_183] : memref<10240x1024xf32, #tpu.memory_space<hbm>> -> memref<10240x1024xf32, #tpu.memory_space<hbm>>
    tpu.wait_indirect_dma semaphore(%arg16 : memref<!tpu.dma_semaphore, #tpu.memory_space<semaphore_mem>>) src(%dma_wait3A_184 : memref<10240x1024xf32, #tpu.memory_space<hbm>>) dst(%arg12 : memref<16x1024xf32, #tpu.memory_space<vmem>>)
    %mul3A_185 = arith.constant 128 : i32
    %mul3A_186 = arith.muli %add3A, %mul3A_185 : i32
    %add3A_187 = arith.constant 48 : i32
    %add3A_188 = arith.addi %mul3A_186, %add3A_187 : i32
    %dma_start3A_189 = arith.constant 0 : i32
    %dma_start3A_190 = tpu.memref_slice %arg5[%add3A_188, %dma_start3A_189] : memref<4096x1024xf32, #tpu.memory_space<hbm>> -> memref<16x1024xf32, #tpu.memory_space<hbm>>
    %dma_start3A_191 = arith.constant 0 : i32
    %dma_start3A_192 = tpu.memref_slice %arg5[%add3A_188, %dma_start3A_191] : memref<4096x1024xf32, #tpu.memory_space<hbm>> -> memref<16x1024xf32, #tpu.memory_space<hbm>>
    tpu.enqueue_dma source(%arg10 : memref<16x1024xf32, #tpu.memory_space<vmem>>) target(%dma_start3A_192 : memref<16x1024xf32, #tpu.memory_space<hbm>>) target_semaphore(%arg18 : memref<!tpu.dma_semaphore, #tpu.memory_space<semaphore_mem>>)
    %dma_start3A_193 = arith.constant 0 : i32
    %dma_start3A_194 = tpu.memref_slice %arg6[%add3A_188, %dma_start3A_193] : memref<4096x1024xf32, #tpu.memory_space<hbm>> -> memref<16x1024xf32, #tpu.memory_space<hbm>>
    %dma_start3A_195 = arith.constant 0 : i32
    %dma_start3A_196 = tpu.memref_slice %arg6[%add3A_188, %dma_start3A_195] : memref<4096x1024xf32, #tpu.memory_space<hbm>> -> memref<16x1024xf32, #tpu.memory_space<hbm>>
    tpu.enqueue_dma source(%arg12 : memref<16x1024xf32, #tpu.memory_space<vmem>>) target(%dma_start3A_196 : memref<16x1024xf32, #tpu.memory_space<hbm>>) target_semaphore(%arg20 : memref<!tpu.dma_semaphore, #tpu.memory_space<semaphore_mem>>)
    %dma_wait3A_197 = arith.constant 0 : i32
    %dma_wait3A_198 = tpu.memref_slice %arg5[%add3A_188, %dma_wait3A_197] : memref<4096x1024xf32, #tpu.memory_space<hbm>> -> memref<16x1024xf32, #tpu.memory_space<hbm>>
    %dma_wait3A_199 = arith.constant 0 : i32
    %dma_wait3A_200 = tpu.memref_slice %arg5[%add3A_188, %dma_wait3A_199] : memref<4096x1024xf32, #tpu.memory_space<hbm>> -> memref<16x1024xf32, #tpu.memory_space<hbm>>
    tpu.wait_dma2 semaphore(%arg18 : memref<!tpu.dma_semaphore, #tpu.memory_space<semaphore_mem>>) src(%arg10 : memref<16x1024xf32, #tpu.memory_space<vmem>>) dst(%dma_wait3A_200 : memref<16x1024xf32, #tpu.memory_space<hbm>>)
    %dma_wait3A_201 = arith.constant 0 : i32
    %dma_wait3A_202 = tpu.memref_slice %arg6[%add3A_188, %dma_wait3A_201] : memref<4096x1024xf32, #tpu.memory_space<hbm>> -> memref<16x1024xf32, #tpu.memory_space<hbm>>
    %dma_wait3A_203 = arith.constant 0 : i32
    %dma_wait3A_204 = tpu.memref_slice %arg6[%add3A_188, %dma_wait3A_203] : memref<4096x1024xf32, #tpu.memory_space<hbm>> -> memref<16x1024xf32, #tpu.memory_space<hbm>>
    tpu.wait_dma2 semaphore(%arg20 : memref<!tpu.dma_semaphore, #tpu.memory_space<semaphore_mem>>) src(%arg12 : memref<16x1024xf32, #tpu.memory_space<vmem>>) dst(%dma_wait3A_204 : memref<16x1024xf32, #tpu.memory_space<hbm>>)
    %dma_start3A_205 = arith.constant 0 : i32
    %dma_start3A_206 = arith.constant 80 : i32
    %dma_start3A_207 = tpu.memref_slice %arg7[%dma_start3A_205, %dma_start3A_206] : memref<1x128xi32, #tpu.memory_space<vmem>> -> memref<1x16xi32, #tpu.memory_space<vmem>>
    %dma_start3A_208 = tpu.memref_squeeze %dma_start3A_207 : memref<1x16xi32, #tpu.memory_space<vmem>> -> memref<16xi32, #tpu.memory_space<vmem>>
    %dma_start3A_209 = arith.constant 0 : i32
    %dma_start3A_210 = arith.constant 0 : i32
    %dma_start3A_211 = tpu.memref_slice %arg2[%dma_start3A_209, %dma_start3A_210] : memref<10240x1024xf32, #tpu.memory_space<hbm>> -> memref<10240x1024xf32, #tpu.memory_space<hbm>>
    tpu.enqueue_indirect_dma source(%dma_start3A_211 : memref<10240x1024xf32, #tpu.memory_space<hbm>>) target(%arg10 : memref<16x1024xf32, #tpu.memory_space<vmem>>) offsets(%dma_start3A_208 : memref<16xi32, #tpu.memory_space<vmem>>) semaphore(%arg14 : memref<!tpu.dma_semaphore, #tpu.memory_space<semaphore_mem>>)
    %dma_start3A_212 = arith.constant 0 : i32
    %dma_start3A_213 = arith.constant 80 : i32
    %dma_start3A_214 = tpu.memref_slice %arg8[%dma_start3A_212, %dma_start3A_213] : memref<1x128xi32, #tpu.memory_space<vmem>> -> memref<1x16xi32, #tpu.memory_space<vmem>>
    %dma_start3A_215 = tpu.memref_squeeze %dma_start3A_214 : memref<1x16xi32, #tpu.memory_space<vmem>> -> memref<16xi32, #tpu.memory_space<vmem>>
    %dma_start3A_216 = arith.constant 0 : i32
    %dma_start3A_217 = arith.constant 0 : i32
    %dma_start3A_218 = tpu.memref_slice %arg2[%dma_start3A_216, %dma_start3A_217] : memref<10240x1024xf32, #tpu.memory_space<hbm>> -> memref<10240x1024xf32, #tpu.memory_space<hbm>>
    tpu.enqueue_indirect_dma source(%dma_start3A_218 : memref<10240x1024xf32, #tpu.memory_space<hbm>>) target(%arg12 : memref<16x1024xf32, #tpu.memory_space<vmem>>) offsets(%dma_start3A_215 : memref<16xi32, #tpu.memory_space<vmem>>) semaphore(%arg16 : memref<!tpu.dma_semaphore, #tpu.memory_space<semaphore_mem>>)
    %dma_wait3A_219 = arith.constant 0 : i32
    %dma_wait3A_220 = arith.constant 64 : i32
    %dma_wait3A_221 = tpu.memref_slice %arg7[%dma_wait3A_219, %dma_wait3A_220] : memref<1x128xi32, #tpu.memory_space<vmem>> -> memref<1x16xi32, #tpu.memory_space<vmem>>
    %dma_wait3A_222 = tpu.memref_squeeze %dma_wait3A_221 : memref<1x16xi32, #tpu.memory_space<vmem>> -> memref<16xi32, #tpu.memory_space<vmem>>
    %dma_wait3A_223 = arith.constant 0 : i32
    %dma_wait3A_224 = arith.constant 0 : i32
    %dma_wait3A_225 = tpu.memref_slice %arg2[%dma_wait3A_223, %dma_wait3A_224] : memref<10240x1024xf32, #tpu.memory_space<hbm>> -> memref<10240x1024xf32, #tpu.memory_space<hbm>>
    tpu.wait_indirect_dma semaphore(%arg13 : memref<!tpu.dma_semaphore, #tpu.memory_space<semaphore_mem>>) src(%dma_wait3A_225 : memref<10240x1024xf32, #tpu.memory_space<hbm>>) dst(%arg9 : memref<16x1024xf32, #tpu.memory_space<vmem>>)
    %dma_wait3A_226 = arith.constant 0 : i32
    %dma_wait3A_227 = arith.constant 64 : i32
    %dma_wait3A_228 = tpu.memref_slice %arg8[%dma_wait3A_226, %dma_wait3A_227] : memref<1x128xi32, #tpu.memory_space<vmem>> -> memref<1x16xi32, #tpu.memory_space<vmem>>
    %dma_wait3A_229 = tpu.memref_squeeze %dma_wait3A_228 : memref<1x16xi32, #tpu.memory_space<vmem>> -> memref<16xi32, #tpu.memory_space<vmem>>
    %dma_wait3A_230 = arith.constant 0 : i32
    %dma_wait3A_231 = arith.constant 0 : i32
    %dma_wait3A_232 = tpu.memref_slice %arg2[%dma_wait3A_230, %dma_wait3A_231] : memref<10240x1024xf32, #tpu.memory_space<hbm>> -> memref<10240x1024xf32, #tpu.memory_space<hbm>>
    tpu.wait_indirect_dma semaphore(%arg15 : memref<!tpu.dma_semaphore, #tpu.memory_space<semaphore_mem>>) src(%dma_wait3A_232 : memref<10240x1024xf32, #tpu.memory_space<hbm>>) dst(%arg11 : memref<16x1024xf32, #tpu.memory_space<vmem>>)
    %mul3A_233 = arith.constant 128 : i32
    %mul3A_234 = arith.muli %add3A, %mul3A_233 : i32
    %add3A_235 = arith.constant 64 : i32
    %add3A_236 = arith.addi %mul3A_234, %add3A_235 : i32
    %dma_start3A_237 = arith.constant 0 : i32
    %dma_start3A_238 = tpu.memref_slice %arg5[%add3A_236, %dma_start3A_237] : memref<4096x1024xf32, #tpu.memory_space<hbm>> -> memref<16x1024xf32, #tpu.memory_space<hbm>>
    %dma_start3A_239 = arith.constant 0 : i32
    %dma_start3A_240 = tpu.memref_slice %arg5[%add3A_236, %dma_start3A_239] : memref<4096x1024xf32, #tpu.memory_space<hbm>> -> memref<16x1024xf32, #tpu.memory_space<hbm>>
    tpu.enqueue_dma source(%arg9 : memref<16x1024xf32, #tpu.memory_space<vmem>>) target(%dma_start3A_240 : memref<16x1024xf32, #tpu.memory_space<hbm>>) target_semaphore(%arg17 : memref<!tpu.dma_semaphore, #tpu.memory_space<semaphore_mem>>)
    %dma_start3A_241 = arith.constant 0 : i32
    %dma_start3A_242 = tpu.memref_slice %arg6[%add3A_236, %dma_start3A_241] : memref<4096x1024xf32, #tpu.memory_space<hbm>> -> memref<16x1024xf32, #tpu.memory_space<hbm>>
    %dma_start3A_243 = arith.constant 0 : i32
    %dma_start3A_244 = tpu.memref_slice %arg6[%add3A_236, %dma_start3A_243] : memref<4096x1024xf32, #tpu.memory_space<hbm>> -> memref<16x1024xf32, #tpu.memory_space<hbm>>
    tpu.enqueue_dma source(%arg11 : memref<16x1024xf32, #tpu.memory_space<vmem>>) target(%dma_start3A_244 : memref<16x1024xf32, #tpu.memory_space<hbm>>) target_semaphore(%arg19 : memref<!tpu.dma_semaphore, #tpu.memory_space<semaphore_mem>>)
    %dma_wait3A_245 = arith.constant 0 : i32
    %dma_wait3A_246 = tpu.memref_slice %arg5[%add3A_236, %dma_wait3A_245] : memref<4096x1024xf32, #tpu.memory_space<hbm>> -> memref<16x1024xf32, #tpu.memory_space<hbm>>
    %dma_wait3A_247 = arith.constant 0 : i32
    %dma_wait3A_248 = tpu.memref_slice %arg5[%add3A_236, %dma_wait3A_247] : memref<4096x1024xf32, #tpu.memory_space<hbm>> -> memref<16x1024xf32, #tpu.memory_space<hbm>>
    tpu.wait_dma2 semaphore(%arg17 : memref<!tpu.dma_semaphore, #tpu.memory_space<semaphore_mem>>) src(%arg9 : memref<16x1024xf32, #tpu.memory_space<vmem>>) dst(%dma_wait3A_248 : memref<16x1024xf32, #tpu.memory_space<hbm>>)
    %dma_wait3A_249 = arith.constant 0 : i32
    %dma_wait3A_250 = tpu.memref_slice %arg6[%add3A_236, %dma_wait3A_249] : memref<4096x1024xf32, #tpu.memory_space<hbm>> -> memref<16x1024xf32, #tpu.memory_space<hbm>>
    %dma_wait3A_251 = arith.constant 0 : i32
    %dma_wait3A_252 = tpu.memref_slice %arg6[%add3A_236, %dma_wait3A_251] : memref<4096x1024xf32, #tpu.memory_space<hbm>> -> memref<16x1024xf32, #tpu.memory_space<hbm>>
    tpu.wait_dma2 semaphore(%arg19 : memref<!tpu.dma_semaphore, #tpu.memory_space<semaphore_mem>>) src(%arg11 : memref<16x1024xf32, #tpu.memory_space<vmem>>) dst(%dma_wait3A_252 : memref<16x1024xf32, #tpu.memory_space<hbm>>)
    %dma_start3A_253 = arith.constant 0 : i32
    %dma_start3A_254 = arith.constant 96 : i32
    %dma_start3A_255 = tpu.memref_slice %arg7[%dma_start3A_253, %dma_start3A_254] : memref<1x128xi32, #tpu.memory_space<vmem>> -> memref<1x16xi32, #tpu.memory_space<vmem>>
    %dma_start3A_256 = tpu.memref_squeeze %dma_start3A_255 : memref<1x16xi32, #tpu.memory_space<vmem>> -> memref<16xi32, #tpu.memory_space<vmem>>
    %dma_start3A_257 = arith.constant 0 : i32
    %dma_start3A_258 = arith.constant 0 : i32
    %dma_start3A_259 = tpu.memref_slice %arg2[%dma_start3A_257, %dma_start3A_258] : memref<10240x1024xf32, #tpu.memory_space<hbm>> -> memref<10240x1024xf32, #tpu.memory_space<hbm>>
    tpu.enqueue_indirect_dma source(%dma_start3A_259 : memref<10240x1024xf32, #tpu.memory_space<hbm>>) target(%arg9 : memref<16x1024xf32, #tpu.memory_space<vmem>>) offsets(%dma_start3A_256 : memref<16xi32, #tpu.memory_space<vmem>>) semaphore(%arg13 : memref<!tpu.dma_semaphore, #tpu.memory_space<semaphore_mem>>)
    %dma_start3A_260 = arith.constant 0 : i32
    %dma_start3A_261 = arith.constant 96 : i32
    %dma_start3A_262 = tpu.memref_slice %arg8[%dma_start3A_260, %dma_start3A_261] : memref<1x128xi32, #tpu.memory_space<vmem>> -> memref<1x16xi32, #tpu.memory_space<vmem>>
    %dma_start3A_263 = tpu.memref_squeeze %dma_start3A_262 : memref<1x16xi32, #tpu.memory_space<vmem>> -> memref<16xi32, #tpu.memory_space<vmem>>
    %dma_start3A_264 = arith.constant 0 : i32
    %dma_start3A_265 = arith.constant 0 : i32
    %dma_start3A_266 = tpu.memref_slice %arg2[%dma_start3A_264, %dma_start3A_265] : memref<10240x1024xf32, #tpu.memory_space<hbm>> -> memref<10240x1024xf32, #tpu.memory_space<hbm>>
    tpu.enqueue_indirect_dma source(%dma_start3A_266 : memref<10240x1024xf32, #tpu.memory_space<hbm>>) target(%arg11 : memref<16x1024xf32, #tpu.memory_space<vmem>>) offsets(%dma_start3A_263 : memref<16xi32, #tpu.memory_space<vmem>>) semaphore(%arg15 : memref<!tpu.dma_semaphore, #tpu.memory_space<semaphore_mem>>)
    %dma_wait3A_267 = arith.constant 0 : i32
    %dma_wait3A_268 = arith.constant 80 : i32
    %dma_wait3A_269 = tpu.memref_slice %arg7[%dma_wait3A_267, %dma_wait3A_268] : memref<1x128xi32, #tpu.memory_space<vmem>> -> memref<1x16xi32, #tpu.memory_space<vmem>>
    %dma_wait3A_270 = tpu.memref_squeeze %dma_wait3A_269 : memref<1x16xi32, #tpu.memory_space<vmem>> -> memref<16xi32, #tpu.memory_space<vmem>>
    %dma_wait3A_271 = arith.constant 0 : i32
    %dma_wait3A_272 = arith.constant 0 : i32
    %dma_wait3A_273 = tpu.memref_slice %arg2[%dma_wait3A_271, %dma_wait3A_272] : memref<10240x1024xf32, #tpu.memory_space<hbm>> -> memref<10240x1024xf32, #tpu.memory_space<hbm>>
    tpu.wait_indirect_dma semaphore(%arg14 : memref<!tpu.dma_semaphore, #tpu.memory_space<semaphore_mem>>) src(%dma_wait3A_273 : memref<10240x1024xf32, #tpu.memory_space<hbm>>) dst(%arg10 : memref<16x1024xf32, #tpu.memory_space<vmem>>)
    %dma_wait3A_274 = arith.constant 0 : i32
    %dma_wait3A_275 = arith.constant 80 : i32
    %dma_wait3A_276 = tpu.memref_slice %arg8[%dma_wait3A_274, %dma_wait3A_275] : memref<1x128xi32, #tpu.memory_space<vmem>> -> memref<1x16xi32, #tpu.memory_space<vmem>>
    %dma_wait3A_277 = tpu.memref_squeeze %dma_wait3A_276 : memref<1x16xi32, #tpu.memory_space<vmem>> -> memref<16xi32, #tpu.memory_space<vmem>>
    %dma_wait3A_278 = arith.constant 0 : i32
    %dma_wait3A_279 = arith.constant 0 : i32
    %dma_wait3A_280 = tpu.memref_slice %arg2[%dma_wait3A_278, %dma_wait3A_279] : memref<10240x1024xf32, #tpu.memory_space<hbm>> -> memref<10240x1024xf32, #tpu.memory_space<hbm>>
    tpu.wait_indirect_dma semaphore(%arg16 : memref<!tpu.dma_semaphore, #tpu.memory_space<semaphore_mem>>) src(%dma_wait3A_280 : memref<10240x1024xf32, #tpu.memory_space<hbm>>) dst(%arg12 : memref<16x1024xf32, #tpu.memory_space<vmem>>)
    %mul3A_281 = arith.constant 128 : i32
    %mul3A_282 = arith.muli %add3A, %mul3A_281 : i32
    %add3A_283 = arith.constant 80 : i32
    %add3A_284 = arith.addi %mul3A_282, %add3A_283 : i32
    %dma_start3A_285 = arith.constant 0 : i32
    %dma_start3A_286 = tpu.memref_slice %arg5[%add3A_284, %dma_start3A_285] : memref<4096x1024xf32, #tpu.memory_space<hbm>> -> memref<16x1024xf32, #tpu.memory_space<hbm>>
    %dma_start3A_287 = arith.constant 0 : i32
    %dma_start3A_288 = tpu.memref_slice %arg5[%add3A_284, %dma_start3A_287] : memref<4096x1024xf32, #tpu.memory_space<hbm>> -> memref<16x1024xf32, #tpu.memory_space<hbm>>
    tpu.enqueue_dma source(%arg10 : memref<16x1024xf32, #tpu.memory_space<vmem>>) target(%dma_start3A_288 : memref<16x1024xf32, #tpu.memory_space<hbm>>) target_semaphore(%arg18 : memref<!tpu.dma_semaphore, #tpu.memory_space<semaphore_mem>>)
    %dma_start3A_289 = arith.constant 0 : i32
    %dma_start3A_290 = tpu.memref_slice %arg6[%add3A_284, %dma_start3A_289] : memref<4096x1024xf32, #tpu.memory_space<hbm>> -> memref<16x1024xf32, #tpu.memory_space<hbm>>
    %dma_start3A_291 = arith.constant 0 : i32
    %dma_start3A_292 = tpu.memref_slice %arg6[%add3A_284, %dma_start3A_291] : memref<4096x1024xf32, #tpu.memory_space<hbm>> -> memref<16x1024xf32, #tpu.memory_space<hbm>>
    tpu.enqueue_dma source(%arg12 : memref<16x1024xf32, #tpu.memory_space<vmem>>) target(%dma_start3A_292 : memref<16x1024xf32, #tpu.memory_space<hbm>>) target_semaphore(%arg20 : memref<!tpu.dma_semaphore, #tpu.memory_space<semaphore_mem>>)
    %dma_wait3A_293 = arith.constant 0 : i32
    %dma_wait3A_294 = tpu.memref_slice %arg5[%add3A_284, %dma_wait3A_293] : memref<4096x1024xf32, #tpu.memory_space<hbm>> -> memref<16x1024xf32, #tpu.memory_space<hbm>>
    %dma_wait3A_295 = arith.constant 0 : i32
    %dma_wait3A_296 = tpu.memref_slice %arg5[%add3A_284, %dma_wait3A_295] : memref<4096x1024xf32, #tpu.memory_space<hbm>> -> memref<16x1024xf32, #tpu.memory_space<hbm>>
    tpu.wait_dma2 semaphore(%arg18 : memref<!tpu.dma_semaphore, #tpu.memory_space<semaphore_mem>>) src(%arg10 : memref<16x1024xf32, #tpu.memory_space<vmem>>) dst(%dma_wait3A_296 : memref<16x1024xf32, #tpu.memory_space<hbm>>)
    %dma_wait3A_297 = arith.constant 0 : i32
    %dma_wait3A_298 = tpu.memref_slice %arg6[%add3A_284, %dma_wait3A_297] : memref<4096x1024xf32, #tpu.memory_space<hbm>> -> memref<16x1024xf32, #tpu.memory_space<hbm>>
    %dma_wait3A_299 = arith.constant 0 : i32
    %dma_wait3A_300 = tpu.memref_slice %arg6[%add3A_284, %dma_wait3A_299] : memref<4096x1024xf32, #tpu.memory_space<hbm>> -> memref<16x1024xf32, #tpu.memory_space<hbm>>
    tpu.wait_dma2 semaphore(%arg20 : memref<!tpu.dma_semaphore, #tpu.memory_space<semaphore_mem>>) src(%arg12 : memref<16x1024xf32, #tpu.memory_space<vmem>>) dst(%dma_wait3A_300 : memref<16x1024xf32, #tpu.memory_space<hbm>>)
    %dma_start3A_301 = arith.constant 0 : i32
    %dma_start3A_302 = arith.constant 112 : i32
    %dma_start3A_303 = tpu.memref_slice %arg7[%dma_start3A_301, %dma_start3A_302] : memref<1x128xi32, #tpu.memory_space<vmem>> -> memref<1x16xi32, #tpu.memory_space<vmem>>
    %dma_start3A_304 = tpu.memref_squeeze %dma_start3A_303 : memref<1x16xi32, #tpu.memory_space<vmem>> -> memref<16xi32, #tpu.memory_space<vmem>>
    %dma_start3A_305 = arith.constant 0 : i32
    %dma_start3A_306 = arith.constant 0 : i32
    %dma_start3A_307 = tpu.memref_slice %arg2[%dma_start3A_305, %dma_start3A_306] : memref<10240x1024xf32, #tpu.memory_space<hbm>> -> memref<10240x1024xf32, #tpu.memory_space<hbm>>
    tpu.enqueue_indirect_dma source(%dma_start3A_307 : memref<10240x1024xf32, #tpu.memory_space<hbm>>) target(%arg10 : memref<16x1024xf32, #tpu.memory_space<vmem>>) offsets(%dma_start3A_304 : memref<16xi32, #tpu.memory_space<vmem>>) semaphore(%arg14 : memref<!tpu.dma_semaphore, #tpu.memory_space<semaphore_mem>>)
    %dma_start3A_308 = arith.constant 0 : i32
    %dma_start3A_309 = arith.constant 112 : i32
    %dma_start3A_310 = tpu.memref_slice %arg8[%dma_start3A_308, %dma_start3A_309] : memref<1x128xi32, #tpu.memory_space<vmem>> -> memref<1x16xi32, #tpu.memory_space<vmem>>
    %dma_start3A_311 = tpu.memref_squeeze %dma_start3A_310 : memref<1x16xi32, #tpu.memory_space<vmem>> -> memref<16xi32, #tpu.memory_space<vmem>>
    %dma_start3A_312 = arith.constant 0 : i32
    %dma_start3A_313 = arith.constant 0 : i32
    %dma_start3A_314 = tpu.memref_slice %arg2[%dma_start3A_312, %dma_start3A_313] : memref<10240x1024xf32, #tpu.memory_space<hbm>> -> memref<10240x1024xf32, #tpu.memory_space<hbm>>
    tpu.enqueue_indirect_dma source(%dma_start3A_314 : memref<10240x1024xf32, #tpu.memory_space<hbm>>) target(%arg12 : memref<16x1024xf32, #tpu.memory_space<vmem>>) offsets(%dma_start3A_311 : memref<16xi32, #tpu.memory_space<vmem>>) semaphore(%arg16 : memref<!tpu.dma_semaphore, #tpu.memory_space<semaphore_mem>>)
    %dma_wait3A_315 = arith.constant 0 : i32
    %dma_wait3A_316 = arith.constant 96 : i32
    %dma_wait3A_317 = tpu.memref_slice %arg7[%dma_wait3A_315, %dma_wait3A_316] : memref<1x128xi32, #tpu.memory_space<vmem>> -> memref<1x16xi32, #tpu.memory_space<vmem>>
    %dma_wait3A_318 = tpu.memref_squeeze %dma_wait3A_317 : memref<1x16xi32, #tpu.memory_space<vmem>> -> memref<16xi32, #tpu.memory_space<vmem>>
    %dma_wait3A_319 = arith.constant 0 : i32
    %dma_wait3A_320 = arith.constant 0 : i32
    %dma_wait3A_321 = tpu.memref_slice %arg2[%dma_wait3A_319, %dma_wait3A_320] : memref<10240x1024xf32, #tpu.memory_space<hbm>> -> memref<10240x1024xf32, #tpu.memory_space<hbm>>
    tpu.wait_indirect_dma semaphore(%arg13 : memref<!tpu.dma_semaphore, #tpu.memory_space<semaphore_mem>>) src(%dma_wait3A_321 : memref<10240x1024xf32, #tpu.memory_space<hbm>>) dst(%arg9 : memref<16x1024xf32, #tpu.memory_space<vmem>>)
    %dma_wait3A_322 = arith.constant 0 : i32
    %dma_wait3A_323 = arith.constant 96 : i32
    %dma_wait3A_324 = tpu.memref_slice %arg8[%dma_wait3A_322, %dma_wait3A_323] : memref<1x128xi32, #tpu.memory_space<vmem>> -> memref<1x16xi32, #tpu.memory_space<vmem>>
    %dma_wait3A_325 = tpu.memref_squeeze %dma_wait3A_324 : memref<1x16xi32, #tpu.memory_space<vmem>> -> memref<16xi32, #tpu.memory_space<vmem>>
    %dma_wait3A_326 = arith.constant 0 : i32
    %dma_wait3A_327 = arith.constant 0 : i32
    %dma_wait3A_328 = tpu.memref_slice %arg2[%dma_wait3A_326, %dma_wait3A_327] : memref<10240x1024xf32, #tpu.memory_space<hbm>> -> memref<10240x1024xf32, #tpu.memory_space<hbm>>
    tpu.wait_indirect_dma semaphore(%arg15 : memref<!tpu.dma_semaphore, #tpu.memory_space<semaphore_mem>>) src(%dma_wait3A_328 : memref<10240x1024xf32, #tpu.memory_space<hbm>>) dst(%arg11 : memref<16x1024xf32, #tpu.memory_space<vmem>>)
    %mul3A_329 = arith.constant 128 : i32
    %mul3A_330 = arith.muli %add3A, %mul3A_329 : i32
    %add3A_331 = arith.constant 96 : i32
    %add3A_332 = arith.addi %mul3A_330, %add3A_331 : i32
    %dma_start3A_333 = arith.constant 0 : i32
    %dma_start3A_334 = tpu.memref_slice %arg5[%add3A_332, %dma_start3A_333] : memref<4096x1024xf32, #tpu.memory_space<hbm>> -> memref<16x1024xf32, #tpu.memory_space<hbm>>
    %dma_start3A_335 = arith.constant 0 : i32
    %dma_start3A_336 = tpu.memref_slice %arg5[%add3A_332, %dma_start3A_335] : memref<4096x1024xf32, #tpu.memory_space<hbm>> -> memref<16x1024xf32, #tpu.memory_space<hbm>>
    tpu.enqueue_dma source(%arg9 : memref<16x1024xf32, #tpu.memory_space<vmem>>) target(%dma_start3A_336 : memref<16x1024xf32, #tpu.memory_space<hbm>>) target_semaphore(%arg17 : memref<!tpu.dma_semaphore, #tpu.memory_space<semaphore_mem>>)
    %dma_start3A_337 = arith.constant 0 : i32
    %dma_start3A_338 = tpu.memref_slice %arg6[%add3A_332, %dma_start3A_337] : memref<4096x1024xf32, #tpu.memory_space<hbm>> -> memref<16x1024xf32, #tpu.memory_space<hbm>>
    %dma_start3A_339 = arith.constant 0 : i32
    %dma_start3A_340 = tpu.memref_slice %arg6[%add3A_332, %dma_start3A_339] : memref<4096x1024xf32, #tpu.memory_space<hbm>> -> memref<16x1024xf32, #tpu.memory_space<hbm>>
    tpu.enqueue_dma source(%arg11 : memref<16x1024xf32, #tpu.memory_space<vmem>>) target(%dma_start3A_340 : memref<16x1024xf32, #tpu.memory_space<hbm>>) target_semaphore(%arg19 : memref<!tpu.dma_semaphore, #tpu.memory_space<semaphore_mem>>)
    %dma_wait3A_341 = arith.constant 0 : i32
    %dma_wait3A_342 = arith.constant 112 : i32
    %dma_wait3A_343 = tpu.memref_slice %arg7[%dma_wait3A_341, %dma_wait3A_342] : memref<1x128xi32, #tpu.memory_space<vmem>> -> memref<1x16xi32, #tpu.memory_space<vmem>>
    %dma_wait3A_344 = tpu.memref_squeeze %dma_wait3A_343 : memref<1x16xi32, #tpu.memory_space<vmem>> -> memref<16xi32, #tpu.memory_space<vmem>>
    %dma_wait3A_345 = arith.constant 0 : i32
    %dma_wait3A_346 = arith.constant 0 : i32
    %dma_wait3A_347 = tpu.memref_slice %arg2[%dma_wait3A_345, %dma_wait3A_346] : memref<10240x1024xf32, #tpu.memory_space<hbm>> -> memref<10240x1024xf32, #tpu.memory_space<hbm>>
    tpu.wait_indirect_dma semaphore(%arg14 : memref<!tpu.dma_semaphore, #tpu.memory_space<semaphore_mem>>) src(%dma_wait3A_347 : memref<10240x1024xf32, #tpu.memory_space<hbm>>) dst(%arg10 : memref<16x1024xf32, #tpu.memory_space<vmem>>)
    %dma_wait3A_348 = arith.constant 0 : i32
    %dma_wait3A_349 = arith.constant 112 : i32
    %dma_wait3A_350 = tpu.memref_slice %arg8[%dma_wait3A_348, %dma_wait3A_349] : memref<1x128xi32, #tpu.memory_space<vmem>> -> memref<1x16xi32, #tpu.memory_space<vmem>>
    %dma_wait3A_351 = tpu.memref_squeeze %dma_wait3A_350 : memref<1x16xi32, #tpu.memory_space<vmem>> -> memref<16xi32, #tpu.memory_space<vmem>>
    %dma_wait3A_352 = arith.constant 0 : i32
    %dma_wait3A_353 = arith.constant 0 : i32
    %dma_wait3A_354 = tpu.memref_slice %arg2[%dma_wait3A_352, %dma_wait3A_353] : memref<10240x1024xf32, #tpu.memory_space<hbm>> -> memref<10240x1024xf32, #tpu.memory_space<hbm>>
    tpu.wait_indirect_dma semaphore(%arg16 : memref<!tpu.dma_semaphore, #tpu.memory_space<semaphore_mem>>) src(%dma_wait3A_354 : memref<10240x1024xf32, #tpu.memory_space<hbm>>) dst(%arg12 : memref<16x1024xf32, #tpu.memory_space<vmem>>)
    %mul3A_355 = arith.constant 128 : i32
    %mul3A_356 = arith.muli %add3A, %mul3A_355 : i32
    %add3A_357 = arith.constant 112 : i32
    %add3A_358 = arith.addi %mul3A_356, %add3A_357 : i32
    %dma_start3A_359 = arith.constant 0 : i32
    %dma_start3A_360 = tpu.memref_slice %arg5[%add3A_358, %dma_start3A_359] : memref<4096x1024xf32, #tpu.memory_space<hbm>> -> memref<16x1024xf32, #tpu.memory_space<hbm>>
    %dma_start3A_361 = arith.constant 0 : i32
    %dma_start3A_362 = tpu.memref_slice %arg5[%add3A_358, %dma_start3A_361] : memref<4096x1024xf32, #tpu.memory_space<hbm>> -> memref<16x1024xf32, #tpu.memory_space<hbm>>
    tpu.enqueue_dma source(%arg10 : memref<16x1024xf32, #tpu.memory_space<vmem>>) target(%dma_start3A_362 : memref<16x1024xf32, #tpu.memory_space<hbm>>) target_semaphore(%arg18 : memref<!tpu.dma_semaphore, #tpu.memory_space<semaphore_mem>>)
    %dma_start3A_363 = arith.constant 0 : i32
    %dma_start3A_364 = tpu.memref_slice %arg6[%add3A_358, %dma_start3A_363] : memref<4096x1024xf32, #tpu.memory_space<hbm>> -> memref<16x1024xf32, #tpu.memory_space<hbm>>
    %dma_start3A_365 = arith.constant 0 : i32
    %dma_start3A_366 = tpu.memref_slice %arg6[%add3A_358, %dma_start3A_365] : memref<4096x1024xf32, #tpu.memory_space<hbm>> -> memref<16x1024xf32, #tpu.memory_space<hbm>>
    tpu.enqueue_dma source(%arg12 : memref<16x1024xf32, #tpu.memory_space<vmem>>) target(%dma_start3A_366 : memref<16x1024xf32, #tpu.memory_space<hbm>>) target_semaphore(%arg20 : memref<!tpu.dma_semaphore, #tpu.memory_space<semaphore_mem>>)
    %dma_wait3A_367 = arith.constant 0 : i32
    %dma_wait3A_368 = tpu.memref_slice %arg5[%add3A_332, %dma_wait3A_367] : memref<4096x1024xf32, #tpu.memory_space<hbm>> -> memref<16x1024xf32, #tpu.memory_space<hbm>>
    %dma_wait3A_369 = arith.constant 0 : i32
    %dma_wait3A_370 = tpu.memref_slice %arg5[%add3A_332, %dma_wait3A_369] : memref<4096x1024xf32, #tpu.memory_space<hbm>> -> memref<16x1024xf32, #tpu.memory_space<hbm>>
    tpu.wait_dma2 semaphore(%arg17 : memref<!tpu.dma_semaphore, #tpu.memory_space<semaphore_mem>>) src(%arg9 : memref<16x1024xf32, #tpu.memory_space<vmem>>) dst(%dma_wait3A_370 : memref<16x1024xf32, #tpu.memory_space<hbm>>)
    %dma_wait3A_371 = arith.constant 0 : i32
    %dma_wait3A_372 = tpu.memref_slice %arg6[%add3A_332, %dma_wait3A_371] : memref<4096x1024xf32, #tpu.memory_space<hbm>> -> memref<16x1024xf32, #tpu.memory_space<hbm>>
    %dma_wait3A_373 = arith.constant 0 : i32
    %dma_wait3A_374 = tpu.memref_slice %arg6[%add3A_332, %dma_wait3A_373] : memref<4096x1024xf32, #tpu.memory_space<hbm>> -> memref<16x1024xf32, #tpu.memory_space<hbm>>
    tpu.wait_dma2 semaphore(%arg19 : memref<!tpu.dma_semaphore, #tpu.memory_space<semaphore_mem>>) src(%arg11 : memref<16x1024xf32, #tpu.memory_space<vmem>>) dst(%dma_wait3A_374 : memref<16x1024xf32, #tpu.memory_space<hbm>>)
    %dma_wait3A_375 = arith.constant 0 : i32
    %dma_wait3A_376 = tpu.memref_slice %arg5[%add3A_358, %dma_wait3A_375] : memref<4096x1024xf32, #tpu.memory_space<hbm>> -> memref<16x1024xf32, #tpu.memory_space<hbm>>
    %dma_wait3A_377 = arith.constant 0 : i32
    %dma_wait3A_378 = tpu.memref_slice %arg5[%add3A_358, %dma_wait3A_377] : memref<4096x1024xf32, #tpu.memory_space<hbm>> -> memref<16x1024xf32, #tpu.memory_space<hbm>>
    tpu.wait_dma2 semaphore(%arg18 : memref<!tpu.dma_semaphore, #tpu.memory_space<semaphore_mem>>) src(%arg10 : memref<16x1024xf32, #tpu.memory_space<vmem>>) dst(%dma_wait3A_378 : memref<16x1024xf32, #tpu.memory_space<hbm>>)
    %dma_wait3A_379 = arith.constant 0 : i32
    %dma_wait3A_380 = tpu.memref_slice %arg6[%add3A_358, %dma_wait3A_379] : memref<4096x1024xf32, #tpu.memory_space<hbm>> -> memref<16x1024xf32, #tpu.memory_space<hbm>>
    %dma_wait3A_381 = arith.constant 0 : i32
    %dma_wait3A_382 = tpu.memref_slice %arg6[%add3A_358, %dma_wait3A_381] : memref<4096x1024xf32, #tpu.memory_space<hbm>> -> memref<16x1024xf32, #tpu.memory_space<hbm>>
    tpu.wait_dma2 semaphore(%arg20 : memref<!tpu.dma_semaphore, #tpu.memory_space<semaphore_mem>>) src(%arg12 : memref<16x1024xf32, #tpu.memory_space<vmem>>) dst(%dma_wait3A_382 : memref<16x1024xf32, #tpu.memory_space<hbm>>)
    return
  }
}

module attributes {stable_mosaic.version = 14 : i64} {
  func.func @_gate_body(%arg0: i32, %arg1: memref<512x1024xf32, #tpu.memory_space<vmem>>, %arg2: memref<1024x8xf32, #tpu.memory_space<vmem>>, %arg3: memref<1x8xf32, #tpu.memory_space<vmem>>, %arg4: memref<512x1xi32, #tpu.memory_space<vmem>>, %arg5: memref<512x1xi32, #tpu.memory_space<vmem>>, %arg6: memref<512x1xf32, #tpu.memory_space<vmem>>, %arg7: memref<512x1xf32, #tpu.memory_space<vmem>>, %arg8: memref<1x128xi32, #tpu.memory_space<vmem>>, %arg9: memref<1x128xi32, #tpu.memory_space<vmem>>, %arg10: memref<1x1xf32, #tpu.memory_space<vmem>>, %arg11: memref<1x2x16xi32, #tpu.memory_space<vmem>>, %arg12: memref<1x8xf32, #tpu.memory_space<vmem>>) attributes {dimension_semantics = [#tpu.dimension_semantics<arbitrary>], iteration_bounds = array<i64: 8>, scalar_prefetch = 0 : i64, scratch_operands = 1 : i64, tpu.core_type = #tpu.core_type<tc>, window_params = [{transform_indices = @transform_0, window_bounds = array<i64: 512, 1024>}, {pipeline_mode = #tpu.pipeline_mode<synchronous>, transform_indices = @transform_1, window_bounds = array<i64: 1024, 8>}, {pipeline_mode = #tpu.pipeline_mode<synchronous>, transform_indices = @transform_2, window_bounds = array<i64: 1, 8>}, {transform_indices = @transform_3, window_bounds = array<i64: 512, 1>}, {transform_indices = @transform_4, window_bounds = array<i64: 512, 1>}, {transform_indices = @transform_5, window_bounds = array<i64: 512, 1>}, {transform_indices = @transform_6, window_bounds = array<i64: 512, 1>}, {pipeline_mode = #tpu.pipeline_mode<synchronous>, transform_indices = @transform_7, window_bounds = array<i64: 1, 128>}, {pipeline_mode = #tpu.pipeline_mode<synchronous>, transform_indices = @transform_8, window_bounds = array<i64: 1, 128>}, {pipeline_mode = #tpu.pipeline_mode<synchronous>, transform_indices = @transform_9, window_bounds = array<i64: 1, 1>}, {transform_indices = @transform_10, window_bounds = array<i64: 1, 2, 16>}]} {
    %get3A = arith.constant 0 : index
    %get3A_0 = arith.constant 0 : index
    %get3A_1 = vector.load %arg1[%get3A, %get3A_0] : memref<512x1024xf32, #tpu.memory_space<vmem>>, vector<512x1024xf32>
    %convert_element_type3A = arith.truncf %get3A_1 : vector<512x1024xf32> to vector<512x1024xbf16>
    %get3A_2 = arith.constant 0 : index
    %get3A_3 = arith.constant 0 : index
    %get3A_4 = vector.load %arg2[%get3A_2, %get3A_3] : memref<1024x8xf32, #tpu.memory_space<vmem>>, vector<1024x8xf32>
    %convert_element_type3A_5 = arith.truncf %get3A_4 : vector<1024x8xf32> to vector<1024x8xbf16>
    %dot_general3A = arith.constant dense<0.000000e+00> : vector<512x8xf32>
    %dot_general3A_6 = tpu.matmul %convert_element_type3A, %convert_element_type3A_5, %dot_general3A {dimension_numbers = #tpu.dot_dimension_numbers<[1], [0], [0], [1], [0, 0, 1, 1], [], []>, transpose_lhs_hint = false} : vector<512x1024xbf16>, vector<1024x8xbf16>, vector<512x8xf32> -> vector<512x8xf32>
    %get3A_7 = arith.constant 0 : index
    %get3A_8 = arith.constant 0 : index
    %get3A_9 = vector.load %arg3[%get3A_7, %get3A_8] : memref<1x8xf32, #tpu.memory_space<vmem>>, vector<1x8xf32>
    %add3A = vector.broadcast %get3A_9 : vector<1x8xf32> to vector<512x8xf32>
    %add3A_10 = arith.addf %dot_general3A_6, %add3A : vector<512x8xf32>
    %iota3A = tpu.iota {dimensions = array<i32: 1>} : vector<512x8xi32>
    %reduce_max3A = arith.constant dense<0xFF800000> : vector<512xf32>
    %reduce_max3A_11 = vector.multi_reduction <maximumf>, %add3A_10, %reduce_max3A [1] : vector<512x8xf32> to vector<512xf32>
    %broadcast_in_dim3A = vector.shape_cast %reduce_max3A_11 : vector<512xf32> to vector<512x1xf32>
    %eq3A = vector.broadcast %broadcast_in_dim3A : vector<512x1xf32> to vector<512x8xf32>
    %eq3A_12 = arith.cmpf oeq, %add3A_10, %eq3A : vector<512x8xf32>
    %jit3A = arith.constant 8 : i32
    %broadcast_in_dim3A_13 = vector.broadcast %jit3A : i32 to vector<512x8xi32>
    %select_n3A = arith.select %eq3A_12, %iota3A, %broadcast_in_dim3A_13 : vector<512x8xi1>, vector<512x8xi32>
    %reduce_min3A = arith.constant dense<2147483647> : vector<512xi32>
    %reduce_min3A_14 = vector.multi_reduction <minsi>, %select_n3A, %reduce_min3A [1] : vector<512x8xi32> to vector<512xi32>
    %broadcast_in_dim3A_15 = vector.shape_cast %reduce_min3A_14 : vector<512xi32> to vector<512x1xi32>
    %eq3A_16 = vector.broadcast %broadcast_in_dim3A_15 : vector<512x1xi32> to vector<512x8xi32>
    %eq3A_17 = arith.cmpi eq, %iota3A, %eq3A_16 : vector<512x8xi32>
    %jit3A_18 = arith.constant 0xFF800000 : f32
    %broadcast_in_dim3A_19 = vector.broadcast %jit3A_18 : f32 to vector<512x8xf32>
    %select_n3A_20 = arith.select %eq3A_17, %broadcast_in_dim3A_19, %add3A_10 : vector<512x8xi1>, vector<512x8xf32>
    %reduce_max3A_21 = arith.constant dense<0xFF800000> : vector<512xf32>
    %reduce_max3A_22 = vector.multi_reduction <maximumf>, %select_n3A_20, %reduce_max3A_21 [1] : vector<512x8xf32> to vector<512xf32>
    %broadcast_in_dim3A_23 = vector.shape_cast %reduce_max3A_22 : vector<512xf32> to vector<512x1xf32>
    %eq3A_24 = vector.broadcast %broadcast_in_dim3A_23 : vector<512x1xf32> to vector<512x8xf32>
    %eq3A_25 = arith.cmpf oeq, %select_n3A_20, %eq3A_24 : vector<512x8xf32>
    %jit3A_26 = arith.constant 8 : i32
    %broadcast_in_dim3A_27 = vector.broadcast %jit3A_26 : i32 to vector<512x8xi32>
    %select_n3A_28 = arith.select %eq3A_25, %iota3A, %broadcast_in_dim3A_27 : vector<512x8xi1>, vector<512x8xi32>
    %reduce_min3A_29 = arith.constant dense<2147483647> : vector<512xi32>
    %reduce_min3A_30 = vector.multi_reduction <minsi>, %select_n3A_28, %reduce_min3A_29 [1] : vector<512x8xi32> to vector<512xi32>
    %broadcast_in_dim3A_31 = vector.shape_cast %reduce_min3A_30 : vector<512xi32> to vector<512x1xi32>
    %sub3A = arith.subf %broadcast_in_dim3A_23, %broadcast_in_dim3A : vector<512x1xf32>
    %exp3A = math.exp %sub3A : vector<512x1xf32>
    %add3A_32 = arith.constant 1.000000e+00 : f32
    %add3A_33 = vector.broadcast %add3A_32 : f32 to vector<512x1xf32>
    %add3A_34 = arith.addf %add3A_33, %exp3A : vector<512x1xf32>
    %div3A = arith.constant 1.000000e+00 : f32
    %div3A_35 = vector.broadcast %div3A : f32 to vector<512x1xf32>
    %div3A_36 = arith.divf %div3A_35, %add3A_34 : vector<512x1xf32>
    %add3A_37 = arith.constant 1.000000e+00 : f32
    %add3A_38 = vector.broadcast %add3A_37 : f32 to vector<512x1xf32>
    %add3A_39 = arith.addf %add3A_38, %exp3A : vector<512x1xf32>
    %div3A_40 = arith.divf %exp3A, %add3A_39 : vector<512x1xf32>
    %swap3A = arith.constant 0 : index
    %swap3A_41 = arith.constant 0 : index
    %swap3A_42 = vector.load %arg4[%swap3A, %swap3A_41] : memref<512x1xi32, #tpu.memory_space<vmem>>, vector<512x1xi32>
    tpu.vector_store %arg4[%swap3A, %swap3A_41], %broadcast_in_dim3A_15 {strides = array<i32>} : memref<512x1xi32, #tpu.memory_space<vmem>>, vector<512x1xi32>,
    %swap3A_43 = arith.constant 0 : index
    %swap3A_44 = arith.constant 0 : index
    %swap3A_45 = vector.load %arg5[%swap3A_43, %swap3A_44] : memref<512x1xi32, #tpu.memory_space<vmem>>, vector<512x1xi32>
    tpu.vector_store %arg5[%swap3A_43, %swap3A_44], %broadcast_in_dim3A_31 {strides = array<i32>} : memref<512x1xi32, #tpu.memory_space<vmem>>, vector<512x1xi32>,
    %swap3A_46 = arith.constant 0 : index
    %swap3A_47 = arith.constant 0 : index
    %swap3A_48 = vector.load %arg6[%swap3A_46, %swap3A_47] : memref<512x1xf32, #tpu.memory_space<vmem>>, vector<512x1xf32>
    tpu.vector_store %arg6[%swap3A_46, %swap3A_47], %div3A_36 {strides = array<i32>} : memref<512x1xf32, #tpu.memory_space<vmem>>, vector<512x1xf32>,
    %swap3A_49 = arith.constant 0 : index
    %swap3A_50 = arith.constant 0 : index
    %swap3A_51 = vector.load %arg7[%swap3A_49, %swap3A_50] : memref<512x1xf32, #tpu.memory_space<vmem>>, vector<512x1xf32>
    tpu.vector_store %arg7[%swap3A_49, %swap3A_50], %div3A_40 {strides = array<i32>} : memref<512x1xf32, #tpu.memory_space<vmem>>, vector<512x1xf32>,
    %eq3A_52 = vector.broadcast %broadcast_in_dim3A_15 : vector<512x1xi32> to vector<512x8xi32>
    %eq3A_53 = arith.cmpi eq, %iota3A, %eq3A_52 : vector<512x8xi32>
    %convert_element_type3A_54 = arith.extui %eq3A_53 : vector<512x8xi1> to vector<512x8xi32>
    %convert_element_type3A_55 = arith.sitofp %convert_element_type3A_54 : vector<512x8xi32> to vector<512x8xf32>
    %eq3A_56 = vector.broadcast %broadcast_in_dim3A_31 : vector<512x1xi32> to vector<512x8xi32>
    %eq3A_57 = arith.cmpi eq, %iota3A, %eq3A_56 : vector<512x8xi32>
    %convert_element_type3A_58 = arith.extui %eq3A_57 : vector<512x8xi1> to vector<512x8xi32>
    %convert_element_type3A_59 = arith.sitofp %convert_element_type3A_58 : vector<512x8xi32> to vector<512x8xf32>
    %add3A_60 = arith.addf %convert_element_type3A_55, %convert_element_type3A_59 : vector<512x8xf32>
    %reduce_sum3A = arith.constant dense<0.000000e+00> : vector<8xf32>
    %reduce_sum3A_61 = vector.multi_reduction <add>, %add3A_60, %reduce_sum3A [0] : vector<512x8xf32> to vector<8xf32>
    %broadcast_in_dim3A_62 = vector.shape_cast %reduce_sum3A_61 : vector<8xf32> to vector<1x8xf32>
    %eq3A_63 = arith.constant 0 : i32
    %eq3A_64 = arith.cmpi eq, %arg0, %eq3A_63 : i32
    %get3A_65 = arith.constant 0 : index
    %get3A_66 = arith.constant 0 : index
    %get3A_67 = vector.load %arg12[%get3A_65, %get3A_66] : memref<1x8xf32, #tpu.memory_space<vmem>>, vector<1x8xf32>
    %add3A_68 = arith.addf %get3A_67, %broadcast_in_dim3A_62 : vector<1x8xf32>
    %select_n3A_69 = arith.select %eq3A_64, %broadcast_in_dim3A_62, %add3A_68 : vector<1x8xf32>
    %swap3A_70 = arith.constant 0 : index
    %swap3A_71 = arith.constant 0 : index
    %swap3A_72 = vector.load %arg12[%swap3A_70, %swap3A_71] : memref<1x8xf32, #tpu.memory_space<vmem>>, vector<1x8xf32>
    tpu.vector_store %arg12[%swap3A_70, %swap3A_71], %select_n3A_69 {strides = array<i32>} : memref<1x8xf32, #tpu.memory_space<vmem>>, vector<1x8xf32>,
    %broadcast_in_dim3A_73 = arith.constant 0.000000e+00 : f32
    %broadcast_in_dim3A_74 = vector.broadcast %broadcast_in_dim3A_73 : f32 to vector<1x8xf32>
    %slice3A = vector.extract_strided_slice %add3A_60 {offsets = [0, 0], sizes = [256, 8], strides = [1, 1]} : vector<512x8xf32> to vector<256x8xf32>
    %reduce_sum3A_75 = arith.constant dense<0.000000e+00> : vector<8xf32>
    %reduce_sum3A_76 = vector.multi_reduction <add>, %slice3A, %reduce_sum3A_75 [0] : vector<256x8xf32> to vector<8xf32>
    %broadcast_in_dim3A_77 = vector.shape_cast %reduce_sum3A_76 : vector<8xf32> to vector<1x8xf32>
    %slice3A_78 = vector.extract_strided_slice %add3A_60 {offsets = [256, 0], sizes = [256, 8], strides = [1, 1]} : vector<512x8xf32> to vector<256x8xf32>
    %reduce_sum3A_79 = arith.constant dense<0.000000e+00> : vector<8xf32>
    %reduce_sum3A_80 = vector.multi_reduction <add>, %slice3A_78, %reduce_sum3A_79 [0] : vector<256x8xf32> to vector<8xf32>
    %broadcast_in_dim3A_81 = vector.shape_cast %reduce_sum3A_80 : vector<8xf32> to vector<1x8xf32>
    %concatenate3A = tpu.concatenate %broadcast_in_dim3A_77, %broadcast_in_dim3A_74 in 1 : vector<1x8xf32>, vector<1x8xf32> -> vector<1x16xf32>
    %convert_element_type3A_82 = arith.fptosi %concatenate3A : vector<1x16xf32> to vector<1x16xi32>
    %swap3A_83 = arith.constant 0 : index
    %swap3A_84 = arith.constant 0 : index
    %swap3A_85 = arith.constant 0 : index
    %swap3A_86 = vector.load %arg11[%swap3A_83, %swap3A_84, %swap3A_85] : memref<1x2x16xi32, #tpu.memory_space<vmem>>, vector<1x1x16xi32>
    %swap3A_87 = vector.shape_cast %swap3A_86 : vector<1x1x16xi32> to vector<1x16xi32>
    %swap3A_88 = vector.shape_cast %convert_element_type3A_82 : vector<1x16xi32> to vector<1x1x16xi32>
    tpu.vector_store %arg11[%swap3A_83, %swap3A_84, %swap3A_85], %swap3A_88 {strides = array<i32>} : memref<1x2x16xi32, #tpu.memory_space<vmem>>, vector<1x1x16xi32>,
    %concatenate3A_89 = tpu.concatenate %broadcast_in_dim3A_81, %broadcast_in_dim3A_74 in 1 : vector<1x8xf32>, vector<1x8xf32> -> vector<1x16xf32>
    %convert_element_type3A_90 = arith.fptosi %concatenate3A_89 : vector<1x16xf32> to vector<1x16xi32>
    %swap3A_91 = arith.constant 0 : index
    %swap3A_92 = arith.constant 1 : index
    %swap3A_93 = arith.constant 0 : index
    %swap3A_94 = vector.load %arg11[%swap3A_91, %swap3A_92, %swap3A_93] : memref<1x2x16xi32, #tpu.memory_space<vmem>>, vector<1x1x16xi32>
    %swap3A_95 = vector.shape_cast %swap3A_94 : vector<1x1x16xi32> to vector<1x16xi32>
    %swap3A_96 = vector.shape_cast %convert_element_type3A_90 : vector<1x16xi32> to vector<1x1x16xi32>
    tpu.vector_store %arg11[%swap3A_91, %swap3A_92, %swap3A_93], %swap3A_96 {strides = array<i32>} : memref<1x2x16xi32, #tpu.memory_space<vmem>>, vector<1x1x16xi32>,
    %eq3A_97 = arith.constant 7 : i32
    %eq3A_98 = arith.cmpi eq, %arg0, %eq3A_97 : i32
    %convert_element_type3A_99 = arith.extui %eq3A_98 : i1 to i32
    %cond3A = arith.constant 0 : i32
    %cond3A_100 = arith.cmpi ne, %convert_element_type3A_99, %cond3A : i32
    scf.if %cond3A_100 {
      %get3A_101 = arith.constant 0 : index
      %get3A_102 = arith.constant 0 : index
      %get3A_103 = vector.load %arg12[%get3A_101, %get3A_102] : memref<1x8xf32, #tpu.memory_space<vmem>>, vector<1x8xf32>
      %div3A_104 = arith.constant 8.192000e+03 : f32
      %div3A_105 = vector.broadcast %div3A_104 : f32 to vector<1x8xf32>
      %div3A_106 = arith.divf %get3A_103, %div3A_105 : vector<1x8xf32>
      %sub3A_107 = arith.constant 1.250000e-01 : f32
      %sub3A_108 = vector.broadcast %sub3A_107 : f32 to vector<1x8xf32>
      %sub3A_109 = arith.subf %div3A_106, %sub3A_108 : vector<1x8xf32>
      %integer_pow3A = arith.mulf %sub3A_109, %sub3A_109 : vector<1x8xf32>
      %reduce_sum3A_110 = arith.constant dense<0.000000e+00> : vector<1xf32>
      %reduce_sum3A_111 = vector.multi_reduction <add>, %integer_pow3A, %reduce_sum3A_110 [1] : vector<1x8xf32> to vector<1xf32>
      %broadcast_in_dim3A_112 = vector.shape_cast %reduce_sum3A_111 : vector<1xf32> to vector<1x1xf32>
      %swap3A_113 = arith.constant 0 : index
      %swap3A_114 = arith.constant 0 : index
      %swap3A_115 = vector.load %arg10[%swap3A_113, %swap3A_114] : memref<1x1xf32, #tpu.memory_space<vmem>>, vector<1x1xf32>
      tpu.vector_store %arg10[%swap3A_113, %swap3A_114], %broadcast_in_dim3A_112 {strides = array<i32>} : memref<1x1xf32, #tpu.memory_space<vmem>>, vector<1x1xf32>,
      %convert_element_type3A_116 = arith.fptosi %get3A_103 : vector<1x8xf32> to vector<1x8xi32>
      %add3A_117 = arith.constant 255 : i32
      %add3A_118 = vector.broadcast %add3A_117 : i32 to vector<1x8xi32>
      %add3A_119 = arith.addi %convert_element_type3A_116, %add3A_118 : vector<1x8xi32>
      %jit3A_120 = arith.constant 256 : i32
      %div3A_121 = vector.broadcast %jit3A_120 : i32 to vector<1x8xi32>
      %div3A_122 = arith.divsi %add3A_119, %div3A_121 : vector<1x8xi32>
      %sign3A = arith.constant 0 : i32
      %sign3A_123 = vector.broadcast %sign3A : i32 to vector<1x8xi32>
      %sign3A_124 = arith.cmpi sgt, %add3A_119, %sign3A_123 : vector<1x8xi32>
      %sign3A_125 = arith.extui %sign3A_124 : vector<1x8xi1> to vector<1x8xi32>
      %sign3A_126 = arith.constant 0 : i32
      %sign3A_127 = vector.broadcast %sign3A_126 : i32 to vector<1x8xi32>
      %sign3A_128 = arith.cmpi slt, %add3A_119, %sign3A_127 : vector<1x8xi32>
      %sign3A_129 = arith.extui %sign3A_128 : vector<1x8xi1> to vector<1x8xi32>
      %sign3A_130 = arith.subi %sign3A_125, %sign3A_129 : vector<1x8xi32>
      %sign3A_131 = arith.constant 0 : i32
      %sign3A_132 = arith.cmpi sgt, %jit3A_120, %sign3A_131 : i32
      %sign3A_133 = arith.extui %sign3A_132 : i1 to i32
      %sign3A_134 = arith.constant 0 : i32
      %sign3A_135 = arith.cmpi slt, %jit3A_120, %sign3A_134 : i32
      %sign3A_136 = arith.extui %sign3A_135 : i1 to i32
      %sign3A_137 = arith.subi %sign3A_133, %sign3A_136 : i32
      %ne3A = vector.broadcast %sign3A_137 : i32 to vector<1x8xi32>
      %ne3A_138 = arith.cmpi ne, %sign3A_130, %ne3A : vector<1x8xi32>
      %rem3A = vector.broadcast %jit3A_120 : i32 to vector<1x8xi32>
      %rem3A_139 = arith.remsi %add3A_119, %rem3A : vector<1x8xi32>
      %ne3A_140 = arith.constant 0 : i32
      %ne3A_141 = vector.broadcast %ne3A_140 : i32 to vector<1x8xi32>
      %ne3A_142 = arith.cmpi ne, %rem3A_139, %ne3A_141 : vector<1x8xi32>
      %and3A = arith.andi %ne3A_138, %ne3A_142 : vector<1x8xi1>
      %sub3A_143 = arith.constant 1 : i32
      %sub3A_144 = vector.broadcast %sub3A_143 : i32 to vector<1x8xi32>
      %sub3A_145 = arith.subi %div3A_122, %sub3A_144 : vector<1x8xi32>
      %select_n3A_146 = arith.select %and3A, %sub3A_145, %div3A_122 : vector<1x8xi1>, vector<1x8xi32>
      %broadcast_in_dim3A_147 = vector.shape_cast %select_n3A_146 : vector<1x8xi32> to vector<1x8xi32>
      %broadcast_in_dim3A_148 = vector.broadcast %broadcast_in_dim3A_147 : vector<1x8xi32> to vector<8x8xi32>
      %iota3A_149 = tpu.iota {dimensions = array<i32: 0>} : vector<8x8xi32>
      %iota3A_150 = tpu.iota {dimensions = array<i32: 1>} : vector<8x8xi32>
      %le3A = arith.cmpi sle, %iota3A_150, %iota3A_149 : vector<8x8xi32>
      %jit3A_151 = arith.constant 0 : i32
      %broadcast_in_dim3A_152 = vector.broadcast %jit3A_151 : i32 to vector<8x8xi32>
      %select_n3A_153 = arith.select %le3A, %broadcast_in_dim3A_148, %broadcast_in_dim3A_152 : vector<8x8xi1>, vector<8x8xi32>
      %reduce_sum3A_154 = arith.constant dense<0> : vector<8xi32>
      %reduce_sum3A_155 = vector.multi_reduction <add>, %select_n3A_153, %reduce_sum3A_154 [1] : vector<8x8xi32> to vector<8xi32>
      %broadcast_in_dim3A_156 = vector.shape_cast %reduce_sum3A_155 : vector<8xi32> to vector<8x1xi32>
      %eq3A_157 = arith.cmpi eq, %iota3A_150, %iota3A_149 : vector<8x8xi32>
      %jit3A_158 = arith.constant 0 : i32
      %broadcast_in_dim3A_159 = vector.broadcast %jit3A_158 : i32 to vector<8x8xi32>
      %select_n3A_160 = arith.select %eq3A_157, %broadcast_in_dim3A_148, %broadcast_in_dim3A_159 : vector<8x8xi1>, vector<8x8xi32>
      %reduce_sum3A_161 = arith.constant dense<0> : vector<8xi32>
      %reduce_sum3A_162 = vector.multi_reduction <add>, %select_n3A_160, %reduce_sum3A_161 [1] : vector<8x8xi32> to vector<8xi32>
      %broadcast_in_dim3A_163 = vector.shape_cast %reduce_sum3A_162 : vector<8xi32> to vector<8x1xi32>
      %iota3A_164 = tpu.iota {dimensions = array<i32: 0>} : vector<8x1xi32>
      %reduce_max3A_165 = arith.constant dense<-2147483648> : vector<1xi32>
      %reduce_max3A_166 = vector.multi_reduction <maxsi>, %broadcast_in_dim3A_156, %reduce_max3A_165 [0] : vector<8x1xi32> to vector<1xi32>
      %broadcast_in_dim3A_167 = vector.shape_cast %reduce_max3A_166 : vector<1xi32> to vector<1x1xi32>
      %gt3A = arith.constant 0 : i32
      %gt3A_168 = vector.broadcast %gt3A : i32 to vector<8x1xi32>
      %gt3A_169 = arith.cmpi sgt, %broadcast_in_dim3A_163, %gt3A_168 : vector<8x1xi32>
      %jit3A_170 = arith.constant 0 : i32
      %broadcast_in_dim3A_171 = vector.broadcast %jit3A_170 : i32 to vector<8x1xi32>
      %select_n3A_172 = arith.select %gt3A_169, %iota3A_164, %broadcast_in_dim3A_171 : vector<8x1xi1>, vector<8x1xi32>
      %reduce_max3A_173 = arith.constant dense<-2147483648> : vector<1xi32>
      %reduce_max3A_174 = vector.multi_reduction <maxsi>, %select_n3A_172, %reduce_max3A_173 [0] : vector<8x1xi32> to vector<1xi32>
      %broadcast_in_dim3A_175 = vector.shape_cast %reduce_max3A_174 : vector<1xi32> to vector<1x1xi32>
      %iota3A_176 = tpu.iota {dimensions = array<i32: 1>} : vector<8x128xi32>
      %ge3A = vector.broadcast %broadcast_in_dim3A_156 : vector<8x1xi32> to vector<8x128xi32>
      %ge3A_177 = arith.cmpi sge, %iota3A_176, %ge3A : vector<8x128xi32>
      %convert_element_type3A_178 = arith.extui %ge3A_177 : vector<8x128xi1> to vector<8x128xi32>
      %reduce_sum3A_179 = arith.constant dense<0> : vector<128xi32>
      %reduce_sum3A_180 = vector.multi_reduction <add>, %convert_element_type3A_178, %reduce_sum3A_179 [0] : vector<8x128xi32> to vector<128xi32>
      %broadcast_in_dim3A_181 = vector.shape_cast %reduce_sum3A_180 : vector<128xi32> to vector<1x128xi32>
      %iota3A_182 = tpu.iota {dimensions = array<i32: 1>} : vector<1x128xi32>
      %lt3A = vector.broadcast %broadcast_in_dim3A_167 : vector<1x1xi32> to vector<1x128xi32>
      %lt3A_183 = arith.cmpi slt, %iota3A_182, %lt3A : vector<1x128xi32>
      %min3A = arith.constant 7 : i32
      %min3A_184 = vector.broadcast %min3A : i32 to vector<1x128xi32>
      %min3A_185 = arith.minsi %broadcast_in_dim3A_181, %min3A_184 : vector<1x128xi32>
      %broadcast_in_dim3A_186 = vector.shape_cast %broadcast_in_dim3A_175 : vector<1x1xi32> to vector<1x1xi32>
      %broadcast_in_dim3A_187 = vector.broadcast %broadcast_in_dim3A_186 : vector<1x1xi32> to vector<1x128xi32>
      %select_n3A_188 = arith.select %lt3A_183, %min3A_185, %broadcast_in_dim3A_187 : vector<1x128xi1>, vector<1x128xi32>
      %swap3A_189 = arith.constant 0 : index
      %swap3A_190 = arith.constant 0 : index
      %swap3A_191 = vector.load %arg8[%swap3A_189, %swap3A_190] : memref<1x128xi32, #tpu.memory_space<vmem>>, vector<1x128xi32>
      tpu.vector_store %arg8[%swap3A_189, %swap3A_190], %select_n3A_188 {strides = array<i32>} : memref<1x128xi32, #tpu.memory_space<vmem>>, vector<1x128xi32>,
      %convert_element_type3A_192 = arith.extui %lt3A_183 : vector<1x128xi1> to vector<1x128xi32>
      %swap3A_193 = arith.constant 0 : index
      %swap3A_194 = arith.constant 0 : index
      %swap3A_195 = vector.load %arg9[%swap3A_193, %swap3A_194] : memref<1x128xi32, #tpu.memory_space<vmem>>, vector<1x128xi32>
      tpu.vector_store %arg9[%swap3A_193, %swap3A_194], %convert_element_type3A_192 {strides = array<i32>} : memref<1x128xi32, #tpu.memory_space<vmem>>, vector<1x128xi32>,
    } else {
    }
    return
  }
  func.func @transform_0(%arg0: i32) -> (i32, i32) {
    %c0_i32 = arith.constant 0 : i32
    %c0_i32_0 = arith.constant 0 : i32
    return %arg0, %c0_i32 : i32, i32
  }
  func.func @transform_1(%arg0: i32) -> (i32, i32) {
    %c0_i32 = arith.constant 0 : i32
    %c0_i32_0 = arith.constant 0 : i32
    %c0_i32_1 = arith.constant 0 : i32
    return %c0_i32, %c0_i32_0 : i32, i32
  }
  func.func @transform_2(%arg0: i32) -> (i32, i32) {
    %c0_i32 = arith.constant 0 : i32
    %c0_i32_0 = arith.constant 0 : i32
    %c0_i32_1 = arith.constant 0 : i32
    return %c0_i32, %c0_i32_0 : i32, i32
  }
  func.func @transform_3(%arg0: i32) -> (i32, i32) {
    %c0_i32 = arith.constant 0 : i32
    %c0_i32_0 = arith.constant 0 : i32
    return %arg0, %c0_i32 : i32, i32
  }
  func.func @transform_4(%arg0: i32) -> (i32, i32) {
    %c0_i32 = arith.constant 0 : i32
    %c0_i32_0 = arith.constant 0 : i32
    return %arg0, %c0_i32 : i32, i32
  }
  func.func @transform_5(%arg0: i32) -> (i32, i32) {
    %c0_i32 = arith.constant 0 : i32
    %c0_i32_0 = arith.constant 0 : i32
    return %arg0, %c0_i32 : i32, i32
  }
  func.func @transform_6(%arg0: i32) -> (i32, i32) {
    %c0_i32 = arith.constant 0 : i32
    %c0_i32_0 = arith.constant 0 : i32
    return %arg0, %c0_i32 : i32, i32
  }
  func.func @transform_7(%arg0: i32) -> (i32, i32) {
    %c0_i32 = arith.constant 0 : i32
    %c0_i32_0 = arith.constant 0 : i32
    %c0_i32_1 = arith.constant 0 : i32
    return %c0_i32, %c0_i32_0 : i32, i32
  }
  func.func @transform_8(%arg0: i32) -> (i32, i32) {
    %c0_i32 = arith.constant 0 : i32
    %c0_i32_0 = arith.constant 0 : i32
    %c0_i32_1 = arith.constant 0 : i32
    return %c0_i32, %c0_i32_0 : i32, i32
  }
  func.func @transform_9(%arg0: i32) -> (i32, i32) {
    %c0_i32 = arith.constant 0 : i32
    %c0_i32_0 = arith.constant 0 : i32
    %c0_i32_1 = arith.constant 0 : i32
    return %c0_i32, %c0_i32_0 : i32, i32
  }
  func.func @transform_10(%arg0: i32) -> (i32, i32, i32) {
    %c0_i32 = arith.constant 0 : i32
    %c0_i32_0 = arith.constant 0 : i32
    %c0_i32_1 = arith.constant 0 : i32
    return %arg0, %c0_i32, %c0_i32_0 : i32, i32, i32
  }
}

module attributes {stable_mosaic.version = 14 : i64} {
  func.func @_ffn_body(%arg0: i32, %arg1: i32, %arg2: memref<40xi32, #tpu.memory_space<smem>>, %arg3: memref<40xi32, #tpu.memory_space<smem>>, %arg4: memref<256x1024xf32, #tpu.memory_space<vmem>>, %arg5: memref<256x1xf32, #tpu.memory_space<vmem>>, %arg6: memref<1x1024x1024xf32, #tpu.memory_space<vmem>>, %arg7: memref<1x1024x1024xf32, #tpu.memory_space<vmem>>, %arg8: memref<1x1024x1024xf32, #tpu.memory_space<vmem>>, %arg9: memref<1x1x1024xf32, #tpu.memory_space<vmem>>, %arg10: memref<1x1x1024xf32, #tpu.memory_space<vmem>>, %arg11: memref<1x1x1024xf32, #tpu.memory_space<vmem>>, %arg12: memref<256x1024xf32, #tpu.memory_space<vmem>>, %arg13: memref<256x1024xf32, #tpu.memory_space<vmem>>) attributes {dimension_semantics = [#tpu.dimension_semantics<arbitrary>, #tpu.dimension_semantics<arbitrary>], iteration_bounds = array<i64: 4, 40>, scalar_prefetch = 2 : i64, scratch_operands = 0 : i64, tpu.core_type = #tpu.core_type<tc>, window_params = [{transform_indices = @transform_0, window_bounds = array<i64: 256, 1024>}, {transform_indices = @transform_1, window_bounds = array<i64: 256, 1>}, {transform_indices = @transform_2, window_bounds = array<i64: 1, 1024, 1024>}, {transform_indices = @transform_3, window_bounds = array<i64: 1, 1024, 1024>}, {transform_indices = @transform_4, window_bounds = array<i64: 1, 1024, 1024>}, {transform_indices = @transform_5, window_bounds = array<i64: 1, 1, 1024>}, {transform_indices = @transform_6, window_bounds = array<i64: 1, 1, 1024>}, {transform_indices = @transform_7, window_bounds = array<i64: 1, 1, 1024>}, {transform_indices = @transform_8, window_bounds = array<i64: 256, 1024>}, {transform_indices = @transform_9, window_bounds = array<i64: 256, 1024>}]} {
    %get3A = arith.index_cast %arg1 : i32 to index
    %get3A_0 = memref.load %arg3[%get3A] : memref<40xi32, #tpu.memory_space<smem>>
    %eq3A = arith.constant 1 : i32
    %eq3A_1 = arith.cmpi eq, %get3A_0, %eq3A : i32
    %convert_element_type3A = arith.extui %eq3A_1 : i1 to i32
    %cond3A = arith.constant 0 : i32
    %cond3A_2 = arith.cmpi ne, %convert_element_type3A, %cond3A : i32
    scf.if %cond3A_2 {
      %get3A_3 = arith.constant 0 : index
      %get3A_4 = arith.constant 0 : index
      %get3A_5 = vector.load %arg4[%get3A_3, %get3A_4] : memref<256x1024xf32, #tpu.memory_space<vmem>>, vector<256x1024xf32>
      %convert_element_type3A_6 = arith.truncf %get3A_5 : vector<256x1024xf32> to vector<256x1024xbf16>
      %get3A_7 = arith.constant 0 : index
      %get3A_8 = arith.constant 0 : index
      %get3A_9 = arith.constant 0 : index
      %get3A_10 = vector.load %arg6[%get3A_7, %get3A_8, %get3A_9] : memref<1x1024x1024xf32, #tpu.memory_space<vmem>>, vector<1x1024x1024xf32>
      %get3A_11 = vector.shape_cast %get3A_10 : vector<1x1024x1024xf32> to vector<1024x1024xf32>
      %convert_element_type3A_12 = arith.truncf %get3A_11 : vector<1024x1024xf32> to vector<1024x1024xbf16>
      %dot_general3A = arith.constant dense<0.000000e+00> : vector<256x1024xf32>
      %dot_general3A_13 = tpu.matmul %convert_element_type3A_6, %convert_element_type3A_12, %dot_general3A {dimension_numbers = #tpu.dot_dimension_numbers<[1], [0], [0], [1], [0, 0, 1, 1], [], []>, transpose_lhs_hint = false} : vector<256x1024xbf16>, vector<1024x1024xbf16>, vector<256x1024xf32> -> vector<256x1024xf32>
      %get3A_14 = arith.constant 0 : index
      %get3A_15 = arith.constant 0 : index
      %get3A_16 = arith.constant 0 : index
      %get3A_17 = vector.load %arg9[%get3A_14, %get3A_15, %get3A_16] : memref<1x1x1024xf32, #tpu.memory_space<vmem>>, vector<1x1x1024xf32>
      %get3A_18 = vector.shape_cast %get3A_17 : vector<1x1x1024xf32> to vector<1x1024xf32>
      %add3A = vector.broadcast %get3A_18 : vector<1x1024xf32> to vector<256x1024xf32>
      %add3A_19 = arith.addf %dot_general3A_13, %add3A : vector<256x1024xf32>
      %get3A_20 = arith.constant 0 : index
      %get3A_21 = arith.constant 0 : index
      %get3A_22 = arith.constant 0 : index
      %get3A_23 = vector.load %arg7[%get3A_20, %get3A_21, %get3A_22] : memref<1x1024x1024xf32, #tpu.memory_space<vmem>>, vector<1x1024x1024xf32>
      %get3A_24 = vector.shape_cast %get3A_23 : vector<1x1024x1024xf32> to vector<1024x1024xf32>
      %convert_element_type3A_25 = arith.truncf %get3A_24 : vector<1024x1024xf32> to vector<1024x1024xbf16>
      %dot_general3A_26 = arith.constant dense<0.000000e+00> : vector<256x1024xf32>
      %dot_general3A_27 = tpu.matmul %convert_element_type3A_6, %convert_element_type3A_25, %dot_general3A_26 {dimension_numbers = #tpu.dot_dimension_numbers<[1], [0], [0], [1], [0, 0, 1, 1], [], []>, transpose_lhs_hint = false} : vector<256x1024xbf16>, vector<1024x1024xbf16>, vector<256x1024xf32> -> vector<256x1024xf32>
      %get3A_28 = arith.constant 0 : index
      %get3A_29 = arith.constant 0 : index
      %get3A_30 = arith.constant 0 : index
      %get3A_31 = vector.load %arg10[%get3A_28, %get3A_29, %get3A_30] : memref<1x1x1024xf32, #tpu.memory_space<vmem>>, vector<1x1x1024xf32>
      %get3A_32 = vector.shape_cast %get3A_31 : vector<1x1x1024xf32> to vector<1x1024xf32>
      %add3A_33 = vector.broadcast %get3A_32 : vector<1x1024xf32> to vector<256x1024xf32>
      %add3A_34 = arith.addf %dot_general3A_27, %add3A_33 : vector<256x1024xf32>
      %logistic3A = arith.negf %add3A_19 : vector<256x1024xf32>
      %logistic3A_35 = math.exp %logistic3A : vector<256x1024xf32>
      %logistic3A_36 = arith.constant 1.000000e+00 : f32
      %logistic3A_37 = vector.broadcast %logistic3A_36 : f32 to vector<256x1024xf32>
      %logistic3A_38 = arith.addf %logistic3A_37, %logistic3A_35 : vector<256x1024xf32>
      %logistic3A_39 = arith.divf %logistic3A_37, %logistic3A_38 : vector<256x1024xf32>
      %mul3A = arith.mulf %add3A_19, %logistic3A_39 : vector<256x1024xf32>
      %mul3A_40 = arith.mulf %mul3A, %add3A_34 : vector<256x1024xf32>
      %convert_element_type3A_41 = arith.truncf %mul3A_40 : vector<256x1024xf32> to vector<256x1024xbf16>
      %get3A_42 = arith.constant 0 : index
      %get3A_43 = arith.constant 0 : index
      %get3A_44 = arith.constant 0 : index
      %get3A_45 = vector.load %arg8[%get3A_42, %get3A_43, %get3A_44] : memref<1x1024x1024xf32, #tpu.memory_space<vmem>>, vector<1x1024x1024xf32>
      %get3A_46 = vector.shape_cast %get3A_45 : vector<1x1024x1024xf32> to vector<1024x1024xf32>
      %convert_element_type3A_47 = arith.truncf %get3A_46 : vector<1024x1024xf32> to vector<1024x1024xbf16>
      %dot_general3A_48 = arith.constant dense<0.000000e+00> : vector<256x1024xf32>
      %dot_general3A_49 = tpu.matmul %convert_element_type3A_41, %convert_element_type3A_47, %dot_general3A_48 {dimension_numbers = #tpu.dot_dimension_numbers<[1], [0], [0], [1], [0, 0, 1, 1], [], []>, transpose_lhs_hint = false} : vector<256x1024xbf16>, vector<1024x1024xbf16>, vector<256x1024xf32> -> vector<256x1024xf32>
      %get3A_50 = arith.constant 0 : index
      %get3A_51 = arith.constant 0 : index
      %get3A_52 = vector.load %arg12[%get3A_50, %get3A_51] : memref<256x1024xf32, #tpu.memory_space<vmem>>, vector<256x1024xf32>
      %add3A_53 = arith.addf %get3A_52, %dot_general3A_49 : vector<256x1024xf32>
      %get3A_54 = arith.constant 0 : index
      %get3A_55 = arith.constant 0 : index
      %get3A_56 = arith.constant 0 : index
      %get3A_57 = vector.load %arg11[%get3A_54, %get3A_55, %get3A_56] : memref<1x1x1024xf32, #tpu.memory_space<vmem>>, vector<1x1x1024xf32>
      %get3A_58 = vector.shape_cast %get3A_57 : vector<1x1x1024xf32> to vector<1x1024xf32>
      %add3A_59 = vector.broadcast %get3A_58 : vector<1x1024xf32> to vector<256x1024xf32>
      %add3A_60 = arith.addf %add3A_53, %add3A_59 : vector<256x1024xf32>
      %get3A_61 = arith.constant 0 : index
      %get3A_62 = arith.constant 0 : index
      %get3A_63 = vector.load %arg5[%get3A_61, %get3A_62] : memref<256x1xf32, #tpu.memory_space<vmem>>, vector<256x1xf32>
      %mul3A_64 = vector.broadcast %get3A_63 : vector<256x1xf32> to vector<256x1024xf32>
      %mul3A_65 = arith.mulf %add3A_60, %mul3A_64 : vector<256x1024xf32>
      %eq3A_66 = arith.constant 3 : i32
      %eq3A_67 = arith.cmpi eq, %arg0, %eq3A_66 : i32
      %select_n3A = arith.select %eq3A_67, %mul3A_65, %add3A_53 : vector<256x1024xf32>
      %swap3A = arith.constant 0 : index
      %swap3A_68 = arith.constant 0 : index
      %swap3A_69 = vector.load %arg13[%swap3A, %swap3A_68] : memref<256x1024xf32, #tpu.memory_space<vmem>>, vector<256x1024xf32>
      tpu.vector_store %arg13[%swap3A, %swap3A_68], %select_n3A {strides = array<i32>} : memref<256x1024xf32, #tpu.memory_space<vmem>>, vector<256x1024xf32>,
    } else {
    }
    return
  }
  func.func @transform_0(%arg0: i32, %arg1: i32, %arg2: memref<40xi32, #tpu.memory_space<smem>>, %arg3: memref<40xi32, #tpu.memory_space<smem>>) -> (i32, i32) {
    %c0_i32 = arith.constant 0 : i32
    %c0_i32_0 = arith.constant 0 : i32
    return %arg1, %c0_i32 : i32, i32
  }
  func.func @transform_1(%arg0: i32, %arg1: i32, %arg2: memref<40xi32, #tpu.memory_space<smem>>, %arg3: memref<40xi32, #tpu.memory_space<smem>>) -> (i32, i32) {
    %c0_i32 = arith.constant 0 : i32
    %c0_i32_0 = arith.constant 0 : i32
    return %arg1, %c0_i32 : i32, i32
  }
  func.func @transform_2(%arg0: i32, %arg1: i32, %arg2: memref<40xi32, #tpu.memory_space<smem>>, %arg3: memref<40xi32, #tpu.memory_space<smem>>) -> (i32, i32, i32) {
    %get3A = arith.index_cast %arg1 : i32 to index
    %get3A_0 = memref.load %arg2[%get3A] : memref<40xi32, #tpu.memory_space<smem>>
    %c0_i32 = arith.constant 0 : i32
    %c0_i32_1 = arith.constant 0 : i32
    return %get3A_0, %c0_i32, %arg0 : i32, i32, i32
  }
  func.func @transform_3(%arg0: i32, %arg1: i32, %arg2: memref<40xi32, #tpu.memory_space<smem>>, %arg3: memref<40xi32, #tpu.memory_space<smem>>) -> (i32, i32, i32) {
    %get3A = arith.index_cast %arg1 : i32 to index
    %get3A_0 = memref.load %arg2[%get3A] : memref<40xi32, #tpu.memory_space<smem>>
    %c0_i32 = arith.constant 0 : i32
    %c0_i32_1 = arith.constant 0 : i32
    return %get3A_0, %c0_i32, %arg0 : i32, i32, i32
  }
  func.func @transform_4(%arg0: i32, %arg1: i32, %arg2: memref<40xi32, #tpu.memory_space<smem>>, %arg3: memref<40xi32, #tpu.memory_space<smem>>) -> (i32, i32, i32) {
    %get3A = arith.index_cast %arg1 : i32 to index
    %get3A_0 = memref.load %arg2[%get3A] : memref<40xi32, #tpu.memory_space<smem>>
    %c0_i32 = arith.constant 0 : i32
    %c0_i32_1 = arith.constant 0 : i32
    return %get3A_0, %arg0, %c0_i32 : i32, i32, i32
  }
  func.func @transform_5(%arg0: i32, %arg1: i32, %arg2: memref<40xi32, #tpu.memory_space<smem>>, %arg3: memref<40xi32, #tpu.memory_space<smem>>) -> (i32, i32, i32) {
    %get3A = arith.index_cast %arg1 : i32 to index
    %get3A_0 = memref.load %arg2[%get3A] : memref<40xi32, #tpu.memory_space<smem>>
    %c0_i32 = arith.constant 0 : i32
    %c0_i32_1 = arith.constant 0 : i32
    return %get3A_0, %c0_i32, %arg0 : i32, i32, i32
  }
  func.func @transform_6(%arg0: i32, %arg1: i32, %arg2: memref<40xi32, #tpu.memory_space<smem>>, %arg3: memref<40xi32, #tpu.memory_space<smem>>) -> (i32, i32, i32) {
    %get3A = arith.index_cast %arg1 : i32 to index
    %get3A_0 = memref.load %arg2[%get3A] : memref<40xi32, #tpu.memory_space<smem>>
    %c0_i32 = arith.constant 0 : i32
    %c0_i32_1 = arith.constant 0 : i32
    return %get3A_0, %c0_i32, %arg0 : i32, i32, i32
  }
  func.func @transform_7(%arg0: i32, %arg1: i32, %arg2: memref<40xi32, #tpu.memory_space<smem>>, %arg3: memref<40xi32, #tpu.memory_space<smem>>) -> (i32, i32, i32) {
    %get3A = arith.index_cast %arg1 : i32 to index
    %get3A_0 = memref.load %arg2[%get3A] : memref<40xi32, #tpu.memory_space<smem>>
    %c0_i32 = arith.constant 0 : i32
    %c0_i32_1 = arith.constant 0 : i32
    %c0_i32_2 = arith.constant 0 : i32
    return %get3A_0, %c0_i32, %c0_i32_1 : i32, i32, i32
  }
  func.func @transform_8(%arg0: i32, %arg1: i32, %arg2: memref<40xi32, #tpu.memory_space<smem>>, %arg3: memref<40xi32, #tpu.memory_space<smem>>) -> (i32, i32) {
    %c0_i32 = arith.constant 0 : i32
    %c0_i32_0 = arith.constant 0 : i32
    return %arg1, %c0_i32 : i32, i32
  }
  func.func @transform_9(%arg0: i32, %arg1: i32, %arg2: memref<40xi32, #tpu.memory_space<smem>>, %arg3: memref<40xi32, #tpu.memory_space<smem>>) -> (i32, i32) {
    %c0_i32 = arith.constant 0 : i32
    %c0_i32_0 = arith.constant 0 : i32
    return %arg1, %c0_i32 : i32, i32
  }
}

module attributes {stable_mosaic.version = 14 : i64} {
  func.func @_add_body(%arg0: i32, %arg1: memref<512x1024xf32, #tpu.memory_space<vmem>>, %arg2: memref<512x1024xf32, #tpu.memory_space<vmem>>, %arg3: memref<512x1024xf32, #tpu.memory_space<vmem>>) attributes {dimension_semantics = [#tpu.dimension_semantics<arbitrary>], iteration_bounds = array<i64: 8>, scalar_prefetch = 0 : i64, scratch_operands = 0 : i64, tpu.core_type = #tpu.core_type<tc>, window_params = [{transform_indices = @transform_0, window_bounds = array<i64: 512, 1024>}, {transform_indices = @transform_1, window_bounds = array<i64: 512, 1024>}, {transform_indices = @transform_2, window_bounds = array<i64: 512, 1024>}]} {
    %get3A = arith.constant 0 : index
    %get3A_0 = arith.constant 0 : index
    %get3A_1 = vector.load %arg1[%get3A, %get3A_0] : memref<512x1024xf32, #tpu.memory_space<vmem>>, vector<512x1024xf32>
    %get3A_2 = arith.constant 0 : index
    %get3A_3 = arith.constant 0 : index
    %get3A_4 = vector.load %arg2[%get3A_2, %get3A_3] : memref<512x1024xf32, #tpu.memory_space<vmem>>, vector<512x1024xf32>
    %add3A = arith.addf %get3A_1, %get3A_4 : vector<512x1024xf32>
    %swap3A = arith.constant 0 : index
    %swap3A_5 = arith.constant 0 : index
    %swap3A_6 = vector.load %arg3[%swap3A, %swap3A_5] : memref<512x1024xf32, #tpu.memory_space<vmem>>, vector<512x1024xf32>
    tpu.vector_store %arg3[%swap3A, %swap3A_5], %add3A {strides = array<i32>} : memref<512x1024xf32, #tpu.memory_space<vmem>>, vector<512x1024xf32>,
    return
  }
  func.func @transform_0(%arg0: i32) -> (i32, i32) {
    %c0_i32 = arith.constant 0 : i32
    %c0_i32_0 = arith.constant 0 : i32
    return %arg0, %c0_i32 : i32, i32
  }
  func.func @transform_1(%arg0: i32) -> (i32, i32) {
    %c0_i32 = arith.constant 0 : i32
    %c0_i32_0 = arith.constant 0 : i32
    return %arg0, %c0_i32 : i32, i32
  }
  func.func @transform_2(%arg0: i32) -> (i32, i32) {
    %c0_i32 = arith.constant 0 : i32
    %c0_i32_0 = arith.constant 0 : i32
    return %arg0, %c0_i32 : i32, i32
  }
}

</mosaic_0001>

<sc_bundles>
// kernel: kernel.11.cloned.1.call-start
scs
__scs_entry_jumppad:
0x0: {  	(pc) =	sbr.rel $0x88, $3  }
0x1: {  	(tag) =	ssettag $0x0;
	lr =	simm.s32 $0x1  }
0x2: {  	[smem:$0x3F98] =	sst lr;
	_ =	strace $0xD0000000  }
0x3: {  	_ = 	snop  }
0x4: {  	_ = 	snop  }
0x5: {  	_ = 	snop  }
0x6: {  	_ = 	snop  }
0x7: {  	_ = 	snop  }
__scs_overlays_trampoline_lowered:
0x8: {  	[smem:$0x3FA7] =	sst s0  }
0x9: {  	[smem:$0x3FA8] =	sst s1  }
0xa: {  	[smem:$0x3FA9] =	sst s2  }
0xb: {  	[smem:$0x3FAA] =	sst s3  }
0xc: {  	[smem:$0x3FAB] =	sst s4  }
0xd: {  	[smem:$0x3FAC] =	sst s5  }
0xe: {  	[smem:$0x3FAD] =	sst s6  }
0xf: {  	[smem:$0x3FAE] =	sst s7  }
0x10: {  	[smem:$0x3FAF] =	sst s8  }
0x11: {  	[smem:$0x3FB0] =	sst s9;
	s0 =	simm.s32 @!p0 $0x0  }
0x12: {  	s1 =	sld [smem:$0x3F96];
	s0 =	simm.s32 @p0 $0x1  }
0x13: {  	[smem:$0x3FB1] =	sst s0;
	s0 =	simm.s32 @!p1 $0x0  }
0x14: {  	s2 =	sld [smem:$0x3F95];
	s0 =	simm.s32 @p1 $0x1  }
0x15: {  	[smem:$0x3FB2] =	sst s0;
	s0 =	simm.s32 @!p2 $0x0  }
0x16: {  	s3 =	sld [smem:$0x3FDB];
	s0 =	simm.s32 @p2 $0x1  }
0x17: {  	s4 =	simm.s32 $0x1BF5;
	[smem:$0x3FB4] =	sst s0  }
0x18: {  	s0 =	sld [smem:$0x3F97];
	_ =	swait.ge [sflag:s4], $0x0  }
0x19: {  	s7 =	sld [smem:$0x3F98]  }
0x1a: {  	s8 =	sadd.s32 $0xFFFFE003, lr  }
0x1b: {  	s9 =	sadd.s32 $0xFFFFFEF7, lr;
	s5 =	simm.s32 $0xFFFFFFFF;
	p2 =	slt.u32 s8, $0xFFFFF086  }
0x1c: {  	p1 =	slt.u32 s9, $0xF7A;
	s5 =	simm.s32 @!p2 $0x0  }
0x1d: {  	s5 =	simm.s32 @p1 $0x1;
	p0 =	seq.s32 s7, s2  }
0x1e: {  	s7 =	smul.u32 @!p0 $0xF7A, s2;
	p2 =	seq.s32 @!p0 s5, $0x0  }
0x1f: {  	s9 =	smul.u32 $0xF7A, s1;
	s8 =	simm.s32 @!p0 $0x1BF5;
	p2 =	por !p2, p0  }
0x20: {  	[sflag:s8] =	ssyncset.s32 @!p0 $0xFFFFF086;
	s6 =	sadd.s32 @!p0 s3, s7;
	s7 =	simm.s32 @!p0 $0x108  }
0x21: {  	s3 =	sadd.s32 s3, s9;
	s6 =	sadd.s32 @!p0 $0x88, s6;
	s7 =	simm.s32 @p2 $0x1082  }
0x22: {  	[simem:s7], [sflag:s8] =	dma.local @!p0 [hbm:s6], $0xF7A  }
0x23: {  	s9 =	sor.u32 $0xD0000000, s2;
	s6 =	simm.s32 $0x108;
	_ =	swait.ge @!p0 [sflag:s8], $0x0  }
0x24: {  	s3 =	sadd.s32 $0x88, s3;
	s6 =	simm.s32 @!p1 $0x1082;
	[sflag:s4] =	ssyncset.s32 $0xFFFFF086  }
0x25: {  	[simem:s6], [sflag:s4] =	dma.local [hbm:s3], $0xF7A  }
0x26: {  	[smem:$0x3F98] =	sst s1;
	(tag) =	ssettag s2;
	_ =	strace s9  }
0x27: {  	s1 =	sld [smem:$0x3FA8]  }
0x28: {  	s2 =	sld [smem:$0x3FA9]  }
0x29: {  	s4 =	sld [smem:$0x3FAB]  }
0x2a: {  	p0 =	seq.s32 s5, $0x0;
	s5 =	sld [smem:$0x3FAC]  }
0x2b: {  	s6 =	sld [smem:$0x3FAD]  }
0x2c: {  	s7 =	sld [smem:$0x3FAE]  }
0x2d: {  	s3 =	simm.s32 $0x108;
	s8 =	sld [smem:$0x3FAF]  }
0x2e: {  	s3 =	simm.s32 @!p0 $0x1082;
	s9 =	sld [smem:$0x3FB0]  }
0x2f: {  	lr =	sadd.s32 s0, s3;
	s0 =	sld [smem:$0x3FA7]  }
0x30: {  	s3 =	sld [smem:$0x3FAA]  }
0x31: {  	[smem:$0x3FB3] =	sst s10  }
0x32: {  	s10 =	sld [smem:$0x3FB1];
	_ =	sdelay $0x3  }
0x33: {  	p0 =	seq.s32 s10, $0x1;
	s10 =	sld [smem:$0x3FB3];
	_ =	sdelay $0x3  }
0x34: {  	[smem:$0x3FB3] =	sst s10  }
0x35: {  	s10 =	sld [smem:$0x3FB2];
	_ =	sdelay $0x3  }
0x36: {  	p1 =	seq.s32 s10, $0x1;
	s10 =	sld [smem:$0x3FB3];
	_ =	sdelay $0x3  }
0x37: {  	[smem:$0x3FB3] =	sst s10  }
0x38: {  	s10 =	sld [smem:$0x3FB4]  }
0x39: {  	_ = 	snop;
	(pc) =	sbr.ind lr, $3  }
0x3a: {  	_ = 	snop  }
0x3b: {  	_ = 	snop  }
0x3c: {  	p2 =	seq.s32 s10, $0x1;
	s10 =	sld [smem:$0x3FB3]  }
0x3d: {  	_ =	shalt  }
0x3e: {  	_ =	shalt  }
0x3f: {  	_ =	shalt  }
0x40: {  	_ =	shalt  }
0x41: {  	_ =	shalt  }
0x42: {  	_ =	shalt  }
0x43: {  	_ =	shalt  }
0x44: {  	_ =	shalt  }
0x45: {  	_ =	shalt  }
0x46: {  	_ =	shalt  }
0x47: {  	_ =	shalt  }
0x48: {  	_ =	shalt  }
0x49: {  	_ =	shalt  }
0x4a: {  	_ =	shalt  }
0x4b: {  	_ =	shalt  }
0x4c: {  	_ =	shalt  }
0x4d: {  	_ =	shalt  }
0x4e: {  	_ =	shalt  }
0x4f: {  	_ =	shalt  }
0x50: {  	_ =	shalt  }
0x51: {  	_ =	shalt  }
0x52: {  	_ =	shalt  }
0x53: {  	_ =	shalt  }
0x54: {  	_ =	shalt  }
0x55: {  	_ =	shalt  }
0x56: {  	_ =	shalt  }
0x57: {  	_ =	shalt  }
0x58: {  	_ =	shalt  }
0x59: {  	_ =	shalt  }
0x5a: {  	_ =	shalt  }
0x5b: {  	_ =	shalt  }
0x5c: {  	_ =	shalt  }
0x5d: {  	_ =	shalt  }
0x5e: {  	_ =	shalt  }
0x5f: {  	_ =	shalt  }
0x60: {  	_ =	shalt  }
0x61: {  	_ =	shalt  }
0x62: {  	_ =	shalt  }
0x63: {  	_ =	shalt  }
0x64: {  	_ =	shalt  }
0x65: {  	_ =	shalt  }
0x66: {  	_ =	shalt  }
0x67: {  	_ =	shalt  }
0x68: {  	_ =	shalt  }
0x69: {  	_ =	shalt  }
0x6a: {  	_ =	shalt  }
0x6b: {  	_ =	shalt  }
0x6c: {  	_ =	shalt  }
0x6d: {  	_ =	shalt  }
0x6e: {  	_ =	shalt  }
0x6f: {  	_ =	shalt  }
0x70: {  	_ =	shalt  }
0x71: {  	_ =	shalt  }
0x72: {  	_ =	shalt  }
0x73: {  	_ =	shalt  }
0x74: {  	_ =	shalt  }
0x75: {  	_ =	shalt  }
0x76: {  	_ =	shalt  }
0x77: {  	_ =	shalt  }
0x78: {  	_ =	shalt  }
0x79: {  	_ =	shalt  }
0x7a: {  	_ =	shalt  }
0x7b: {  	_ =	shalt  }
0x7c: {  	_ =	shalt  }
0x7d: {  	_ =	shalt  }
0x7e: {  	_ =	shalt  }
0x7f: {  	_ =	shalt  }
0x80: {  	_ =	shalt  }
0x81: {  	_ =	shalt  }
0x82: {  	_ =	shalt  }
0x83: {  	_ =	shalt  }
0x84: {  	_ =	shalt  }
0x85: {  	_ =	shalt  }
0x86: {  	_ =	shalt  }
0x87: {  	_ =	shalt  }
.Lfunc_end0:
.L_simem_size_0:
called_computation.1_lowered:
.L_overlay_start_0:
0x88: {  	s2 =	sld [smem:$0x3FD9]  }
0x89: {  	s3 =	sld [smem:$0x3FFE];
	_ =	sdelay $0x1  }
0x8a: {  	s1 =	srdreg.scid  }
0x8b: {  	s0 =	sand.u32 $0x1, s1  }
0x8c: {  	s14 =	sshll.u32 s0, $0xA;
	s2 =	sadd.s32 s3, s2  }
0x8d: {  	s2 =	sadd.s32 s2, s14  }
0x8e: {  	[smem:$0x3FBF] =	sst s2  }
0x8f: {  	_ = 	snop  }
0x90: {  	s2 =	sld [smem:$0x3FD0];
	_ =	sdelay $0x2  }
0x91: {  	s4 =	simm.s32 $0xA;
	s5 =	simm.s32 $0x10;
	s15 =	sld [smem:$0x3FC9]  }
0x92: {  	[smem:s5], [sflag:s4] =	dma.local [hbm:s2], $0x1  }
0x93: {  	_ =	swait.eq [sflag:s4], $0x1  }
0x94: {  	[sflag:s4] =	ssyncset.done $0x0  }
0x95: {  	[sflag:s4] =	ssyncadd.s32 $0xFFFFFFFF  }
0x96: {  	s16 =	sld [smem:$0x10];
	(tm) =	ssettm $0x1  }
0x97: {  	s17 =	sld [smem:$0x3FFB];
	_ =	sdelay $0x3  }
0x98: {  	_ =	strace s17  }
0x99: {  	s4 =	sld [smem:$0x3FFC];
	_ =	sdelay $0x3  }
0x9a: {  	_ =	strace s4  }
0x9b: {  	s4 =	sld [smem:$0x3FFD];
	_ =	sdelay $0x3  }
0x9c: {  	_ =	strace s4  }
0x9d: {  	_ =	strace $0x8FFFFFFF  }
0x9e: {  	s18 =	sld [smem:$0x3FDB];
	_ =	sdelay $0x1  }
0x9f: {  	s19 =	simm.s32 $_scs_section_size  }
0xa0: {  	s6 =	simm.s32 $_size__tile_overlayer_lowered;
	s7 =	simm.s32 $_tile_overlayer_lowered  }
0xa1: {  	s22 =	simm.s32 $0x1BFF;
	s21 =	sshll.u32 s7, $0x1;
	s4 =	sadd.s32 s19, s18  }
0xa2: {  	s8 =	simm.s32 $0x0;
	s20 =	sshll.u32 s6, $0x1;
	s6 =	sadd.s32 s21, s4  }
0xa3: {  	[timem:s8], [sflag:s22] =	dma.local [hbm:s6], s20  }
0xa4: {  	_ =	swait.ge [sflag:s22], s20  }
0xa5: {  	s5 =	ssub.s32 $0x0, s20;
	[sflag:s22] =	ssyncset.done $0x0  }
0xa6: {  	[sflag:s22] =	ssyncadd.s32 s5;
	_ =	sdelay $0x1  }
0xa7: {  	s23 =	simm.s32 $0x1B8B  }
0xa8: {  	_ =	swait.ge [sflag:s23], $0x1  }
0xa9: {  	[sflag:s23] =	ssyncset.done $0x0  }
0xaa: {  	s25 =	simm.s32 $0x1B8E;
	s24 =	sld [smem:$0x3FFE];
	[sflag:s23] =	ssyncadd.s32 $0xFFFFFFFF  }
0xab: {  	s26 =	simm.s32 $execute0_lowered;
	[smem:$0x3FD2] =	sst s25  }
0xac: {  	s6 =	sshll.u32 s26, $0x1;
	_ =	strace $0x80000049;
	[dreg:$0x1] =	wrdreg $0xFFFFFFFF  }
0xad: {  	s28 =	simm.s32 $_size_execute0_lowered;
	s4 =	sadd.s32 s4, s6;
	[dreg:$0x0] =	wrdreg $0x0  }
0xae: {  	s6 =	sshll.u32 s28, $0x1;
	[dreg:$0x2] =	wrdreg s4  }
0xaf: {  	[dreg:$0x3] =	wrdreg s6  }
0xb0: {  	[dreg:$0x4] =	wrdreg $0xC0  }
0xb1: {  	_ =	task [dreg:s8], $0x5FFFF  }
0xb2: {  	[dreg:$0x1] =	wrdreg $0xFFFFFFFF  }
0xb3: {  	[dreg:$0x0] =	wrdreg $0x60  }
0xb4: {  	[dreg:$0x2] =	wrdreg s15  }
0xb5: {  	[dreg:$0x3] =	wrdreg s16  }
0xb6: {  	[dreg:$0x4] =	wrdreg s24  }
0xb7: {  	[dreg:$0x5] =	wrdreg $0x9  }
0xb8: {  	_ =	task.clear_ibuf [dreg:s8], $0x6FFFF;
	_ =	strace $0x90000049  }
0xb9: {  	s29 =	simm.s32 $0x9;
	_ =	strace $0x8000004B  }
0xba: {  	_ =	swait.ge [sflag:s29], $0x1  }
0xbb: {  	[sflag:s29] =	ssyncadd.s32 $0xFFFFFFFF  }
0xbc: {  	_ =	strace $0x9000004B  }
0xbd: {  	_ =	sfence  }
0xbe: {  	s30 =	sld [smem:$0x0];
	_ =	sdelay $0x2  }
0xbf: {  	s31 =	sshll.u32 s1, $0xD;
	s1 =	sshrl.u32 s1, $0x2  }
0xc0: {  	s3 =	sand.u32 $0x4000, s31;
	s1 =	sadd.s32 s1, s30  }
0xc1: {  	s0 =	sor.u32 s3, s0;
	s1 =	sshll.u32 s1, $0x11  }
0xc2: {  	s0 =	sor.u32 s1, s0  }
0xc3: {  	s0 =	sadd.s32 $0x8F2B, s0  }
0xc4: {  	[sflag:s0] =	ssyncadd.remote.s32 $0x1  }
0xc5: {  	_ =	sfence.sel $0xFFFF  }
0xc6: {  	[dreg:$0x0] =	wrdreg $0xFFFFFFFF;
	(pc) =	sbr.abs _section_cstart, $3  }
0xc7: {  	[dreg:$0x1] =	wrdreg $0xFFFFFFFF  }
0xc8: {  	_ =	task.clear_ibuf [dreg:s8], $0x2FFFF;
	_ =	strace $0x9FFFFFFF  }
0xc9: {  	(tm) =	ssettm $0x7FFFFFFF  }
tec
execute0_lowered:
.L_overlay_start_1:
0x0: {  	(tag) =	ssettag $0x1  }
0x1: {  	s0 =	srdreg.scid;
	s2 =	stileid.u32  }
0x2: {  	s1 =	rddreg [dreg:$0x0];
	s0 =	sand.u32 $0x1, s0;
	s2 =	sshll.u32 s2, $0x1  }
0x3: {  	s4 =	rddreg [dreg:$0x1];
	s2 =	sor.u32 s0, s2  }
0x4: {  	s5 =	rddreg [dreg:$0x2];
	s3 =	simm.s32 $0x0;
	s6 =	smul.u32 $0x28, s2  }
0x5: {  	s29 =	simm.s32 $0x180;
	s18 =	simm.s32 $0x1;
	s7 =	smul.u32 $0xA000, s2  }
0x6: {  	s19 =	simm.s32 $0x3;
	[smem:$0x7FF] =	sst s3;
	s2 =	smul.u32 $0x50000, s2  }
0x7: {  	s5 =	sadd.s32 $0x2200, s5;
	_ =	strace $0x8000004A;
	s4 =	sadd.s32 s4, s6  }
0x8: {  	s20 =	sadd.s32 s5, s7;
	s2 =	sshrl.u32 s2, $0x3;
	[dreg:$0x4] =	wrdreg s4  }
0x9: {  	[dreg:$0xe] =	wrdreg s20;
	s21 =	sadd.s32 $0x1000, s20;
	s2 =	sadd.s32 s5, s2  }
0xa: {  	s0 =	ssub.s32 $0x2, s0;
	[dreg:$0x5] =	wrdreg s21;
	s22 =	sadd.s32 $0x2000, s2  }
0xb: {  	s25 =	sshrl.u32 s0, $0x1;
	s23 =	sadd.s32 $0x3000, s2;
	[dreg:$0x6] =	wrdreg s22  }
0xc: {  	s0 =	ssub.s32 s0, s25;
	s24 =	sadd.s32 $0x4000, s2;
	[dreg:$0x7] =	wrdreg s23  }
0xd: {  	s6 =	sadd.s32 $0x200, s1;
	s26 =	sadd.s32 $0x5000, s2;
	[dreg:$0x8] =	wrdreg s24  }
0xe: {  	s7 =	sadd.s32 $0x300, s1;
	s28 =	sadd.s32 $0x6000, s2;
	[dreg:$0x9] =	wrdreg s26  }
0xf: {  	s8 =	smax.u32 s0, $0x1;
	s30 =	sadd.s32 $0x7000, s2;
	[dreg:$0xa] =	wrdreg s28  }
0x10: {  	v2 =	vlaneseq.u32;
	s5 =	sadd.s32 $0x100, s1;
	s31 =	sadd.s32 $0x8000, s2;
	[dreg:$0xb] =	wrdreg s30  }
0x11: {  	vm0 =	vmmov $0xffff;
	v1 =	vshrl.u32 v2, $0x3;
	s20 =	simm.s32 $0x2;
	s2 =	sadd.s32 $0x9000, s2;
	[dreg:$0xc] =	wrdreg s31  }
0x12: {  	v0 =	vand.u32 $0x7, v2;
	v2 =	vor.u32 $0x8, v2;
	v1 =	vmul.u32 $0x8, v1;
	s21 =	simm.s32 $0x4;
	[dreg:$0xd] =	wrdreg s2;
	s26 =	simm.s32 $0x8180  }
.LBB2_1:
0x13: {  	s22 =	rddreg [dreg:$0x4];
	s9 =	simm.s32 $0x5  }
0x14: {  	[tilespmem:s3], [sflag:$0x5] =	stream.linear.gather [hbm4b:s22+s3], $0x140, $0x38;
	[tilespmem:$0x10180] =	vst v63  }
0x15: {  	_ =	swait.ge [sflag:s9], $0x140  }
0x16: {  	[sflag:s9] =	ssyncset.done $0x0  }
0x17: {  	[sflag:s9] =	ssyncadd.s32 $0xFFFFFEC0  }
0x18: {  	v3 =	vld [tilespmem:$0x0];
	_ =	sdelay $0x4  }
0x19: {  	v4 =	vshll.u32 v3, $0x3  }
0x1a: {  	v3 =	vand.u32 $0x7, v3;
	v4 =	vand.u32 $0xFFFFFFC0, v4  }
0x1b: {  	v3 =	vor.u32 v3, v4  }
0x1c: {  	v4 =	vperm.xlane v3, v0;
	_ =	sdelay $0x1  }
0x1d: {  	v4 =	vadd.s32 v1, v4;
	_ =	sdelay $0x4  }
0x1e: {  	[tilespmem:s29], [sflag:$0x1] =	stream.indirect_vreg.gather [hbm4b:s1+s3], $0x80, v4, vm0, $0xb8;
	[tilespmem:$0x10180] =	vst v63  }
0x1f: {  	s0 =	simm.s32 $0x980;
	v3 =	vperm.xlane v3, v2  }
0x20: {  	[tilespmem:s0], [sflag:$0x1] =	stream.indirect_vreg.gather [hbm4b:s5+s3], $0x80, v4, vm0, $0xb8;
	[tilespmem:$0x10180] =	vst v63  }
0x21: {  	s10 =	simm.s32 $0x1180;
	v3 =	vadd.s32 v1, v3  }
0x22: {  	[tilespmem:s10], [sflag:$0x1] =	stream.indirect_vreg.gather [hbm4b:s6+s3], $0x80, v4, vm0, $0xb8;
	[tilespmem:$0x10180] =	vst v63  }
0x23: {  	s11 =	simm.s32 $0x1980  }
0x24: {  	[tilespmem:s11], [sflag:$0x1] =	stream.indirect_vreg.gather [hbm4b:s7+s3], $0x80, v4, vm0, $0xb8;
	[tilespmem:$0x10180] =	vst v63  }
0x25: {  	s12 =	simm.s32 $0x2180  }
0x26: {  	[tilespmem:s12], [sflag:$0x1] =	stream.indirect_vreg.gather [hbm4b:s1+s3], $0x80, v3, vm0, $0xb8;
	[tilespmem:$0x10180] =	vst v63  }
0x27: {  	s13 =	simm.s32 $0x2980  }
0x28: {  	[tilespmem:s13], [sflag:$0x1] =	stream.indirect_vreg.gather [hbm4b:s5+s3], $0x80, v3, vm0, $0xb8;
	[tilespmem:$0x10180] =	vst v63  }
0x29: {  	s14 =	simm.s32 $0x3180  }
0x2a: {  	[tilespmem:s14], [sflag:$0x1] =	stream.indirect_vreg.gather [hbm4b:s6+s3], $0x80, v3, vm0, $0xb8;
	[tilespmem:$0x10180] =	vst v63  }
0x2b: {  	s15 =	simm.s32 $0x3980  }
0x2c: {  	[tilespmem:s15], [sflag:$0x1] =	stream.indirect_vreg.gather [hbm4b:s7+s3], $0x80, v3, vm0, $0xb8;
	[tilespmem:$0x10180] =	vst v63  }
0x2d: {  	v3 =	vld [tilespmem:$0x10];
	_ =	sdelay $0x4  }
0x2e: {  	v45 =	vshll.u32 v3, $0x3  }
0x2f: {  	v3 =	vand.u32 $0x7, v3;
	v4 =	vand.u32 $0xFFFFFFC0, v45  }
0x30: {  	v3 =	vor.u32 v3, v4  }
0x31: {  	v4 =	vperm.xlane v3, v0;
	_ =	sdelay $0x1  }
0x32: {  	v4 =	vadd.s32 v1, v4;
	_ =	sdelay $0x3  }
0x33: {  	s16 =	simm.s32 $0x4180  }
0x34: {  	[tilespmem:s16], [sflag:$0x1] =	stream.indirect_vreg.gather [hbm4b:s1+s3], $0x80, v4, vm0, $0xb8;
	[tilespmem:$0x10180] =	vst v63  }
0x35: {  	s17 =	simm.s32 $0x4980;
	v3 =	vperm.xlane v3, v2  }
0x36: {  	[tilespmem:s17], [sflag:$0x1] =	stream.indirect_vreg.gather [hbm4b:s5+s3], $0x80, v4, vm0, $0xb8;
	[tilespmem:$0x10180] =	vst v63  }
0x37: {  	s22 =	simm.s32 $0x5180;
	v3 =	vadd.s32 v1, v3  }
0x38: {  	[tilespmem:s22], [sflag:$0x1] =	stream.indirect_vreg.gather [hbm4b:s6+s3], $0x80, v4, vm0, $0xb8;
	[tilespmem:$0x10180] =	vst v63  }
0x39: {  	s23 =	simm.s32 $0x5980  }
0x3a: {  	[tilespmem:s23], [sflag:$0x1] =	stream.indirect_vreg.gather [hbm4b:s7+s3], $0x80, v4, vm0, $0xb8;
	[tilespmem:$0x10180] =	vst v63  }
0x3b: {  	s24 =	simm.s32 $0x6180  }
0x3c: {  	[tilespmem:s24], [sflag:$0x1] =	stream.indirect_vreg.gather [hbm4b:s1+s3], $0x80, v3, vm0, $0xb8;
	[tilespmem:$0x10180] =	vst v63  }
0x3d: {  	s25 =	simm.s32 $0x6980  }
0x3e: {  	[tilespmem:s25], [sflag:$0x1] =	stream.indirect_vreg.gather [hbm4b:s5+s3], $0x80, v3, vm0, $0xb8;
	[tilespmem:$0x10180] =	vst v63  }
0x3f: {  	s28 =	simm.s32 $0x7180  }
0x40: {  	[tilespmem:s28], [sflag:$0x1] =	stream.indirect_vreg.gather [hbm4b:s6+s3], $0x80, v3, vm0, $0xb8;
	[tilespmem:$0x10180] =	vst v63  }
0x41: {  	s30 =	simm.s32 $0x7980  }
0x42: {  	[tilespmem:s30], [sflag:$0x1] =	stream.indirect_vreg.gather [hbm4b:s7+s3], $0x80, v3, vm0, $0xb8;
	[tilespmem:$0x10180] =	vst v63  }
0x43: {  	v3 =	vld [tilespmem:$0x20];
	_ =	sdelay $0x4  }
0x44: {  	v46 =	vshll.u32 v3, $0x3  }
0x45: {  	v3 =	vand.u32 $0x7, v3;
	v4 =	vand.u32 $0xFFFFFFC0, v46  }
0x46: {  	v3 =	vor.u32 v3, v4  }
0x47: {  	v4 =	vperm.xlane v3, v0;
	_ =	sdelay $0x1  }
0x48: {  	v4 =	vadd.s32 v1, v4;
	_ =	sdelay $0x4  }
0x49: {  	[tilespmem:s26], [sflag:$0x2] =	stream.indirect_vreg.gather [hbm4b:s1+s3], $0x80, v4, vm0, $0xb8;
	[tilespmem:$0x10180] =	vst v63  }
0x4a: {  	s31 =	simm.s32 $0x8980;
	v3 =	vperm.xlane v3, v2  }
0x4b: {  	[tilespmem:s31], [sflag:$0x2] =	stream.indirect_vreg.gather [hbm4b:s5+s3], $0x80, v4, vm0, $0xb8;
	[tilespmem:$0x10180] =	vst v63  }
0x4c: {  	s10 =	simm.s32 $0x9180;
	v3 =	vadd.s32 v1, v3  }
0x4d: {  	[tilespmem:s10], [sflag:$0x2] =	stream.indirect_vreg.gather [hbm4b:s6+s3], $0x80, v4, vm0, $0xb8;
	[tilespmem:$0x10180] =	vst v63  }
0x4e: {  	s15 =	simm.s32 $0x9980  }
0x4f: {  	[tilespmem:s15], [sflag:$0x2] =	stream.indirect_vreg.gather [hbm4b:s7+s3], $0x80, v4, vm0, $0xb8;
	[tilespmem:$0x10180] =	vst v63  }
0x50: {  	s16 =	simm.s32 $0xA180  }
0x51: {  	[tilespmem:s16], [sflag:$0x2] =	stream.indirect_vreg.gather [hbm4b:s1+s3], $0x80, v3, vm0, $0xb8;
	[tilespmem:$0x10180] =	vst v63  }
0x52: {  	s17 =	simm.s32 $0xA980  }
0x53: {  	[tilespmem:s17], [sflag:$0x2] =	stream.indirect_vreg.gather [hbm4b:s5+s3], $0x80, v3, vm0, $0xb8;
	[tilespmem:$0x10180] =	vst v63  }
0x54: {  	s23 =	simm.s32 $0xB180  }
0x55: {  	[tilespmem:s23], [sflag:$0x2] =	stream.indirect_vreg.gather [hbm4b:s6+s3], $0x80, v3, vm0, $0xb8;
	[tilespmem:$0x10180] =	vst v63  }
0x56: {  	s24 =	simm.s32 $0xB980  }
0x57: {  	[tilespmem:s24], [sflag:$0x2] =	stream.indirect_vreg.gather [hbm4b:s7+s3], $0x80, v3, vm0, $0xb8;
	[tilespmem:$0x10180] =	vst v63  }
0x58: {  	v3 =	vld [tilespmem:$0x30];
	_ =	sdelay $0x4  }
0x59: {  	v47 =	vshll.u32 v3, $0x3  }
0x5a: {  	v3 =	vand.u32 $0x7, v3;
	v4 =	vand.u32 $0xFFFFFFC0, v47  }
0x5b: {  	v3 =	vor.u32 v3, v4  }
0x5c: {  	v4 =	vperm.xlane v3, v0;
	_ =	sdelay $0x1  }
0x5d: {  	v4 =	vadd.s32 v1, v4;
	_ =	sdelay $0x3  }
0x5e: {  	s25 =	simm.s32 $0xC180  }
0x5f: {  	[tilespmem:s25], [sflag:$0x2] =	stream.indirect_vreg.gather [hbm4b:s1+s3], $0x80, v4, vm0, $0xb8;
	[tilespmem:$0x10180] =	vst v63  }
0x60: {  	s28 =	simm.s32 $0xC980;
	v3 =	vperm.xlane v3, v2  }
0x61: {  	[tilespmem:s28], [sflag:$0x2] =	stream.indirect_vreg.gather [hbm4b:s5+s3], $0x80, v4, vm0, $0xb8;
	[tilespmem:$0x10180] =	vst v63  }
0x62: {  	s30 =	simm.s32 $0xD180;
	v3 =	vadd.s32 v1, v3  }
0x63: {  	[tilespmem:s30], [sflag:$0x2] =	stream.indirect_vreg.gather [hbm4b:s6+s3], $0x80, v4, vm0, $0xb8;
	[tilespmem:$0x10180] =	vst v63  }
0x64: {  	s31 =	simm.s32 $0xD980  }
0x65: {  	[tilespmem:s31], [sflag:$0x2] =	stream.indirect_vreg.gather [hbm4b:s7+s3], $0x80, v4, vm0, $0xb8;
	[tilespmem:$0x10180] =	vst v63  }
0x66: {  	s0 =	simm.s32 $0xE180  }
0x67: {  	[tilespmem:s0], [sflag:$0x2] =	stream.indirect_vreg.gather [hbm4b:s1+s3], $0x80, v3, vm0, $0xb8;
	[tilespmem:$0x10180] =	vst v63  }
0x68: {  	s10 =	simm.s32 $0xE980  }
0x69: {  	[tilespmem:s10], [sflag:$0x2] =	stream.indirect_vreg.gather [hbm4b:s5+s3], $0x80, v3, vm0, $0xb8;
	[tilespmem:$0x10180] =	vst v63  }
0x6a: {  	s15 =	simm.s32 $0xF180  }
0x6b: {  	[tilespmem:s15], [sflag:$0x2] =	stream.indirect_vreg.gather [hbm4b:s6+s3], $0x80, v3, vm0, $0xb8;
	[tilespmem:$0x10180] =	vst v63  }
0x6c: {  	s24 =	simm.s32 $0xF980  }
0x6d: {  	[tilespmem:s24], [sflag:$0x2] =	stream.indirect_vreg.gather [hbm4b:s7+s3], $0x80, v3, vm0, $0xb8;
	[tilespmem:$0x10180] =	vst v63  }
0x6e: {  	_ =	swait.ge [sflag:s18], $0x8000  }
0x6f: {  	[sflag:s18] =	ssyncset.done $0x0  }
0x70: {  	s0 =	rddreg [dreg:$0xe];
	[sflag:s18] =	ssyncadd.s32 $0xFFFF8000  }
0x71: {  	[hbm4b:s0+s3] =	stream.linear.scatter [tilespmem:s29], [sflag:$0x3], $0x8000, $0x38;
	[tilespmem:$0x10180] =	vst v63  }
0x72: {  	_ =	swait.ge [sflag:s19], $0x8000  }
0x73: {  	[sflag:s19] =	ssyncset.done $0x0  }
0x74: {  	[sflag:s19] =	ssyncadd.s32 $0xFFFF8000  }
0x75: {  	v3 =	vld [tilespmem:$0x40];
	_ =	sdelay $0x4  }
0x76: {  	v48 =	vshll.u32 v3, $0x3  }
0x77: {  	v3 =	vand.u32 $0x7, v3;
	v4 =	vand.u32 $0xFFFFFFC0, v48  }
0x78: {  	v3 =	vor.u32 v3, v4  }
0x79: {  	v4 =	vperm.xlane v3, v0;
	_ =	sdelay $0x1  }
0x7a: {  	v4 =	vadd.s32 v1, v4;
	_ =	sdelay $0x4  }
0x7b: {  	[tilespmem:s29], [sflag:$0x1] =	stream.indirect_vreg.gather [hbm4b:s1+s3], $0x80, v4, vm0, $0xb8;
	[tilespmem:$0x10180] =	vst v63  }
0x7c: {  	s4 =	simm.s32 $0x980;
	v3 =	vperm.xlane v3, v2  }
0x7d: {  	[tilespmem:s4], [sflag:$0x1] =	stream.indirect_vreg.gather [hbm4b:s5+s3], $0x80, v4, vm0, $0xb8;
	[tilespmem:$0x10180] =	vst v63  }
0x7e: {  	s2 =	simm.s32 $0x1180;
	v3 =	vadd.s32 v1, v3  }
0x7f: {  	[tilespmem:s2], [sflag:$0x1] =	stream.indirect_vreg.gather [hbm4b:s6+s3], $0x80, v4, vm0, $0xb8;
	[tilespmem:$0x10180] =	vst v63  }
0x80: {  	s10 =	simm.s32 $0x1980  }
0x81: {  	[tilespmem:s10], [sflag:$0x1] =	stream.indirect_vreg.gather [hbm4b:s7+s3], $0x80, v4, vm0, $0xb8;
	[tilespmem:$0x10180] =	vst v63  }
0x82: {  	s4 =	simm.s32 $0x2180  }
0x83: {  	[tilespmem:s4], [sflag:$0x1] =	stream.indirect_vreg.gather [hbm4b:s1+s3], $0x80, v3, vm0, $0xb8;
	[tilespmem:$0x10180] =	vst v63  }
0x84: {  	s9 =	simm.s32 $0x2980  }
0x85: {  	[tilespmem:s9], [sflag:$0x1] =	stream.indirect_vreg.gather [hbm4b:s5+s3], $0x80, v3, vm0, $0xb8;
	[tilespmem:$0x10180] =	vst v63  }
0x86: {  	s11 =	simm.s32 $0x3180  }
0x87: {  	[tilespmem:s11], [sflag:$0x1] =	stream.indirect_vreg.gather [hbm4b:s6+s3], $0x80, v3, vm0, $0xb8;
	[tilespmem:$0x10180] =	vst v63  }
0x88: {  	s14 =	simm.s32 $0x3980  }
0x89: {  	[tilespmem:s14], [sflag:$0x1] =	stream.indirect_vreg.gather [hbm4b:s7+s3], $0x80, v3, vm0, $0xb8;
	[tilespmem:$0x10180] =	vst v63  }
0x8a: {  	v3 =	vld [tilespmem:$0x50];
	_ =	sdelay $0x4  }
0x8b: {  	v49 =	vshll.u32 v3, $0x3  }
0x8c: {  	v3 =	vand.u32 $0x7, v3;
	v4 =	vand.u32 $0xFFFFFFC0, v49  }
0x8d: {  	v3 =	vor.u32 v3, v4  }
0x8e: {  	v4 =	vperm.xlane v3, v0;
	_ =	sdelay $0x1  }
0x8f: {  	v4 =	vadd.s32 v1, v4;
	_ =	sdelay $0x3  }
0x90: {  	s12 =	simm.s32 $0x4180  }
0x91: {  	[tilespmem:s12], [sflag:$0x1] =	stream.indirect_vreg.gather [hbm4b:s1+s3], $0x80, v4, vm0, $0xb8;
	[tilespmem:$0x10180] =	vst v63  }
0x92: {  	s13 =	simm.s32 $0x4980;
	v3 =	vperm.xlane v3, v2  }
0x93: {  	[tilespmem:s13], [sflag:$0x1] =	stream.indirect_vreg.gather [hbm4b:s5+s3], $0x80, v4, vm0, $0xb8;
	[tilespmem:$0x10180] =	vst v63  }
0x94: {  	s9 =	simm.s32 $0x5180;
	v3 =	vadd.s32 v1, v3  }
0x95: {  	[tilespmem:s9], [sflag:$0x1] =	stream.indirect_vreg.gather [hbm4b:s6+s3], $0x80, v4, vm0, $0xb8;
	[tilespmem:$0x10180] =	vst v63  }
0x96: {  	s11 =	simm.s32 $0x5980  }
0x97: {  	[tilespmem:s11], [sflag:$0x1] =	stream.indirect_vreg.gather [hbm4b:s7+s3], $0x80, v4, vm0, $0xb8;
	[tilespmem:$0x10180] =	vst v63  }
0x98: {  	s12 =	simm.s32 $0x6180  }
0x99: {  	[tilespmem:s12], [sflag:$0x1] =	stream.indirect_vreg.gather [hbm4b:s1+s3], $0x80, v3, vm0, $0xb8;
	[tilespmem:$0x10180] =	vst v63  }
0x9a: {  	s13 =	simm.s32 $0x6980  }
0x9b: {  	[tilespmem:s13], [sflag:$0x1] =	stream.indirect_vreg.gather [hbm4b:s5+s3], $0x80, v3, vm0, $0xb8;
	[tilespmem:$0x10180] =	vst v63  }
0x9c: {  	s14 =	simm.s32 $0x7180  }
0x9d: {  	[tilespmem:s14], [sflag:$0x1] =	stream.indirect_vreg.gather [hbm4b:s6+s3], $0x80, v3, vm0, $0xb8;
	[tilespmem:$0x10180] =	vst v63  }
0x9e: {  	s15 =	simm.s32 $0x7980  }
0x9f: {  	[tilespmem:s15], [sflag:$0x1] =	stream.indirect_vreg.gather [hbm4b:s7+s3], $0x80, v3, vm0, $0xb8;
	[tilespmem:$0x10180] =	vst v63  }
0xa0: {  	_ =	swait.ge [sflag:s20], $0x8000  }
0xa1: {  	[sflag:s20] =	ssyncset.done $0x0  }
0xa2: {  	s2 =	rddreg [dreg:$0x5];
	[sflag:s20] =	ssyncadd.s32 $0xFFFF8000  }
0xa3: {  	[hbm4b:s2+s3] =	stream.linear.scatter [tilespmem:s26], [sflag:$0x4], $0x8000, $0x38;
	[tilespmem:$0x10180] =	vst v63  }
0xa4: {  	_ =	swait.ge [sflag:s21], $0x8000  }
0xa5: {  	[sflag:s21] =	ssyncset.done $0x0  }
0xa6: {  	[sflag:s21] =	ssyncadd.s32 $0xFFFF8000  }
0xa7: {  	v3 =	vld [tilespmem:$0x60];
	_ =	sdelay $0x4  }
0xa8: {  	v50 =	vshll.u32 v3, $0x3  }
0xa9: {  	v3 =	vand.u32 $0x7, v3;
	v4 =	vand.u32 $0xFFFFFFC0, v50  }
0xaa: {  	v3 =	vor.u32 v3, v4  }
0xab: {  	v4 =	vperm.xlane v3, v0;
	_ =	sdelay $0x1  }
0xac: {  	v4 =	vadd.s32 v1, v4;
	_ =	sdelay $0x4  }
0xad: {  	[tilespmem:s26], [sflag:$0x2] =	stream.indirect_vreg.gather [hbm4b:s1+s3], $0x80, v4, vm0, $0xb8;
	[tilespmem:$0x10180] =	vst v63  }
0xae: {  	s2 =	simm.s32 $0x8980;
	v3 =	vperm.xlane v3, v2  }
0xaf: {  	[tilespmem:s2], [sflag:$0x2] =	stream.indirect_vreg.gather [hbm4b:s5+s3], $0x80, v4, vm0, $0xb8;
	[tilespmem:$0x10180] =	vst v63  }
0xb0: {  	s0 =	simm.s32 $0x9180;
	v3 =	vadd.s32 v1, v3  }
0xb1: {  	[tilespmem:s0], [sflag:$0x2] =	stream.indirect_vreg.gather [hbm4b:s6+s3], $0x80, v4, vm0, $0xb8;
	[tilespmem:$0x10180] =	vst v63  }
0xb2: {  	s22 =	simm.s32 $0x9980  }
0xb3: {  	[tilespmem:s22], [sflag:$0x2] =	stream.indirect_vreg.gather [hbm4b:s7+s3], $0x80, v4, vm0, $0xb8;
	[tilespmem:$0x10180] =	vst v63  }
0xb4: {  	s22 =	simm.s32 $0xA180  }
0xb5: {  	[tilespmem:s22], [sflag:$0x2] =	stream.indirect_vreg.gather [hbm4b:s1+s3], $0x80, v3, vm0, $0xb8;
	[tilespmem:$0x10180] =	vst v63  }
0xb6: {  	s22 =	simm.s32 $0xA980  }
0xb7: {  	[tilespmem:s22], [sflag:$0x2] =	stream.indirect_vreg.gather [hbm4b:s5+s3], $0x80, v3, vm0, $0xb8;
	[tilespmem:$0x10180] =	vst v63  }
0xb8: {  	s22 =	simm.s32 $0xB180  }
0xb9: {  	[tilespmem:s22], [sflag:$0x2] =	stream.indirect_vreg.gather [hbm4b:s6+s3], $0x80, v3, vm0, $0xb8;
	[tilespmem:$0x10180] =	vst v63  }
0xba: {  	s16 =	simm.s32 $0xB980  }
0xbb: {  	[tilespmem:s16], [sflag:$0x2] =	stream.indirect_vreg.gather [hbm4b:s7+s3], $0x80, v3, vm0, $0xb8;
	[tilespmem:$0x10180] =	vst v63  }
0xbc: {  	v3 =	vld [tilespmem:$0x70];
	_ =	sdelay $0x4  }
0xbd: {  	v51 =	vshll.u32 v3, $0x3  }
0xbe: {  	v3 =	vand.u32 $0x7, v3;
	v4 =	vand.u32 $0xFFFFFFC0, v51  }
0xbf: {  	v3 =	vor.u32 v3, v4  }
0xc0: {  	v4 =	vperm.xlane v3, v0;
	_ =	sdelay $0x1  }
0xc1: {  	v4 =	vadd.s32 v1, v4;
	_ =	sdelay $0x3  }
0xc2: {  	s17 =	simm.s32 $0xC180  }
0xc3: {  	[tilespmem:s17], [sflag:$0x2] =	stream.indirect_vreg.gather [hbm4b:s1+s3], $0x80, v4, vm0, $0xb8;
	[tilespmem:$0x10180] =	vst v63  }
0xc4: {  	s23 =	simm.s32 $0xC980;
	v3 =	vperm.xlane v3, v2  }
0xc5: {  	[tilespmem:s23], [sflag:$0x2] =	stream.indirect_vreg.gather [hbm4b:s5+s3], $0x80, v4, vm0, $0xb8;
	[tilespmem:$0x10180] =	vst v63  }
0xc6: {  	v3 =	vadd.s32 v1, v3;
	s23 =	simm.s32 $0xD180  }
0xc7: {  	[tilespmem:s23], [sflag:$0x2] =	stream.indirect_vreg.gather [hbm4b:s6+s3], $0x80, v4, vm0, $0xb8;
	[tilespmem:$0x10180] =	vst v63  }
0xc8: {  	s25 =	simm.s32 $0xD980  }
0xc9: {  	[tilespmem:s25], [sflag:$0x2] =	stream.indirect_vreg.gather [hbm4b:s7+s3], $0x80, v4, vm0, $0xb8;
	[tilespmem:$0x10180] =	vst v63  }
0xca: {  	s28 =	simm.s32 $0xE180  }
0xcb: {  	[tilespmem:s28], [sflag:$0x2] =	stream.indirect_vreg.gather [hbm4b:s1+s3], $0x80, v3, vm0, $0xb8;
	[tilespmem:$0x10180] =	vst v63  }
0xcc: {  	s30 =	simm.s32 $0xE980  }
0xcd: {  	[tilespmem:s30], [sflag:$0x2] =	stream.indirect_vreg.gather [hbm4b:s5+s3], $0x80, v3, vm0, $0xb8;
	[tilespmem:$0x10180] =	vst v63  }
0xce: {  	s31 =	simm.s32 $0xF180  }
0xcf: {  	[tilespmem:s31], [sflag:$0x2] =	stream.indirect_vreg.gather [hbm4b:s6+s3], $0x80, v3, vm0, $0xb8;
	[tilespmem:$0x10180] =	vst v63  }
0xd0: {  	s24 =	simm.s32 $0xF980  }
0xd1: {  	[tilespmem:s24], [sflag:$0x2] =	stream.indirect_vreg.gather [hbm4b:s7+s3], $0x80, v3, vm0, $0xb8;
	[tilespmem:$0x10180] =	vst v63  }
0xd2: {  	_ =	swait.ge [sflag:s18], $0x8000  }
0xd3: {  	[sflag:s18] =	ssyncset.done $0x0  }
0xd4: {  	s30 =	rddreg [dreg:$0x6];
	[sflag:s18] =	ssyncadd.s32 $0xFFFF8000  }
0xd5: {  	[hbm4b:s30+s3] =	stream.linear.scatter [tilespmem:s29], [sflag:$0x3], $0x8000, $0x38;
	[tilespmem:$0x10180] =	vst v63  }
0xd6: {  	_ =	swait.ge [sflag:s19], $0x8000  }
0xd7: {  	[sflag:s19] =	ssyncset.done $0x0  }
0xd8: {  	[sflag:s19] =	ssyncadd.s32 $0xFFFF8000  }
0xd9: {  	v3 =	vld [tilespmem:$0x80];
	_ =	sdelay $0x4  }
0xda: {  	v52 =	vshll.u32 v3, $0x3  }
0xdb: {  	v3 =	vand.u32 $0x7, v3;
	v4 =	vand.u32 $0xFFFFFFC0, v52  }
0xdc: {  	v3 =	vor.u32 v3, v4  }
0xdd: {  	v4 =	vperm.xlane v3, v0;
	_ =	sdelay $0x1  }
0xde: {  	v4 =	vadd.s32 v1, v4;
	_ =	sdelay $0x4  }
0xdf: {  	[tilespmem:s29], [sflag:$0x1] =	stream.indirect_vreg.gather [hbm4b:s1+s3], $0x80, v4, vm0, $0xb8;
	[tilespmem:$0x10180] =	vst v63  }
0xe0: {  	s31 =	simm.s32 $0x980;
	v3 =	vperm.xlane v3, v2  }
0xe1: {  	[tilespmem:s31], [sflag:$0x1] =	stream.indirect_vreg.gather [hbm4b:s5+s3], $0x80, v4, vm0, $0xb8;
	[tilespmem:$0x10180] =	vst v63  }
0xe2: {  	s30 =	simm.s32 $0x1180;
	v3 =	vadd.s32 v1, v3  }
0xe3: {  	[tilespmem:s30], [sflag:$0x1] =	stream.indirect_vreg.gather [hbm4b:s6+s3], $0x80, v4, vm0, $0xb8;
	[tilespmem:$0x10180] =	vst v63  }
0xe4: {  	_ = 	snop  }
0xe5: {  	[tilespmem:s10], [sflag:$0x1] =	stream.indirect_vreg.gather [hbm4b:s7+s3], $0x80, v4, vm0, $0xb8;
	[tilespmem:$0x10180] =	vst v63  }
0xe6: {  	_ = 	snop  }
0xe7: {  	[tilespmem:s4], [sflag:$0x1] =	stream.indirect_vreg.gather [hbm4b:s1+s3], $0x80, v3, vm0, $0xb8;
	[tilespmem:$0x10180] =	vst v63  }
0xe8: {  	s31 =	simm.s32 $0x2980  }
0xe9: {  	[tilespmem:s31], [sflag:$0x1] =	stream.indirect_vreg.gather [hbm4b:s5+s3], $0x80, v3, vm0, $0xb8;
	[tilespmem:$0x10180] =	vst v63  }
0xea: {  	s30 =	simm.s32 $0x3180  }
0xeb: {  	[tilespmem:s30], [sflag:$0x1] =	stream.indirect_vreg.gather [hbm4b:s6+s3], $0x80, v3, vm0, $0xb8;
	[tilespmem:$0x10180] =	vst v63  }
0xec: {  	s31 =	simm.s32 $0x3980  }
0xed: {  	[tilespmem:s31], [sflag:$0x1] =	stream.indirect_vreg.gather [hbm4b:s7+s3], $0x80, v3, vm0, $0xb8;
	[tilespmem:$0x10180] =	vst v63  }
0xee: {  	v3 =	vld [tilespmem:$0x90];
	_ =	sdelay $0x4  }
0xef: {  	v53 =	vshll.u32 v3, $0x3  }
0xf0: {  	v3 =	vand.u32 $0x7, v3;
	v4 =	vand.u32 $0xFFFFFFC0, v53  }
0xf1: {  	v3 =	vor.u32 v3, v4  }
0xf2: {  	v4 =	vperm.xlane v3, v0;
	_ =	sdelay $0x1  }
0xf3: {  	v4 =	vadd.s32 v1, v4;
	_ =	sdelay $0x3  }
0xf4: {  	s30 =	simm.s32 $0x4180  }
0xf5: {  	[tilespmem:s30], [sflag:$0x1] =	stream.indirect_vreg.gather [hbm4b:s1+s3], $0x80, v4, vm0, $0xb8;
	[tilespmem:$0x10180] =	vst v63  }
0xf6: {  	s31 =	simm.s32 $0x4980;
	v3 =	vperm.xlane v3, v2  }
0xf7: {  	[tilespmem:s31], [sflag:$0x1] =	stream.indirect_vreg.gather [hbm4b:s5+s3], $0x80, v4, vm0, $0xb8;
	[tilespmem:$0x10180] =	vst v63  }
0xf8: {  	v3 =	vadd.s32 v1, v3  }
0xf9: {  	[tilespmem:s9], [sflag:$0x1] =	stream.indirect_vreg.gather [hbm4b:s6+s3], $0x80, v4, vm0, $0xb8;
	[tilespmem:$0x10180] =	vst v63  }
0xfa: {  	_ = 	snop  }
0xfb: {  	[tilespmem:s11], [sflag:$0x1] =	stream.indirect_vreg.gather [hbm4b:s7+s3], $0x80, v4, vm0, $0xb8;
	[tilespmem:$0x10180] =	vst v63  }
0xfc: {  	_ = 	snop  }
0xfd: {  	[tilespmem:s12], [sflag:$0x1] =	stream.indirect_vreg.gather [hbm4b:s1+s3], $0x80, v3, vm0, $0xb8;
	[tilespmem:$0x10180] =	vst v63  }
0xfe: {  	_ = 	snop  }
0xff: {  	[tilespmem:s13], [sflag:$0x1] =	stream.indirect_vreg.gather [hbm4b:s5+s3], $0x80, v3, vm0, $0xb8;
	[tilespmem:$0x10180] =	vst v63  }
0x100: {  	_ = 	snop  }
0x101: {  	[tilespmem:s14], [sflag:$0x1] =	stream.indirect_vreg.gather [hbm4b:s6+s3], $0x80, v3, vm0, $0xb8;
	[tilespmem:$0x10180] =	vst v63  }
0x102: {  	_ = 	snop  }
0x103: {  	[tilespmem:s15], [sflag:$0x1] =	stream.indirect_vreg.gather [hbm4b:s7+s3], $0x80, v3, vm0, $0xb8;
	[tilespmem:$0x10180] =	vst v63  }
0x104: {  	_ =	swait.ge [sflag:s20], $0x8000  }
0x105: {  	[sflag:s20] =	ssyncset.done $0x0  }
0x106: {  	s15 =	rddreg [dreg:$0x7];
	[sflag:s20] =	ssyncadd.s32 $0xFFFF8000  }
0x107: {  	[hbm4b:s15+s3] =	stream.linear.scatter [tilespmem:s26], [sflag:$0x4], $0x8000, $0x38;
	[tilespmem:$0x10180] =	vst v63  }
0x108: {  	_ =	swait.ge [sflag:s21], $0x8000  }
0x109: {  	[sflag:s21] =	ssyncset.done $0x0  }
0x10a: {  	[sflag:s21] =	ssyncadd.s32 $0xFFFF8000  }
0x10b: {  	v3 =	vld [tilespmem:$0xA0];
	_ =	sdelay $0x4  }
0x10c: {  	v54 =	vshll.u32 v3, $0x3  }
0x10d: {  	v3 =	vand.u32 $0x7, v3;
	v4 =	vand.u32 $0xFFFFFFC0, v54  }
0x10e: {  	v3 =	vor.u32 v3, v4  }
0x10f: {  	v4 =	vperm.xlane v3, v0;
	_ =	sdelay $0x1  }
0x110: {  	v4 =	vadd.s32 v1, v4;
	_ =	sdelay $0x4  }
0x111: {  	[tilespmem:s26], [sflag:$0x2] =	stream.indirect_vreg.gather [hbm4b:s1+s3], $0x80, v4, vm0, $0xb8;
	[tilespmem:$0x10180] =	vst v63  }
0x112: {  	v3 =	vperm.xlane v3, v2  }
0x113: {  	[tilespmem:s2], [sflag:$0x2] =	stream.indirect_vreg.gather [hbm4b:s5+s3], $0x80, v4, vm0, $0xb8;
	[tilespmem:$0x10180] =	vst v63  }
0x114: {  	v3 =	vadd.s32 v1, v3  }
0x115: {  	[tilespmem:s0], [sflag:$0x2] =	stream.indirect_vreg.gather [hbm4b:s6+s3], $0x80, v4, vm0, $0xb8;
	[tilespmem:$0x10180] =	vst v63  }
0x116: {  	s30 =	simm.s32 $0x9980  }
0x117: {  	[tilespmem:s30], [sflag:$0x2] =	stream.indirect_vreg.gather [hbm4b:s7+s3], $0x80, v4, vm0, $0xb8;
	[tilespmem:$0x10180] =	vst v63  }
0x118: {  	s12 =	simm.s32 $0xA180  }
0x119: {  	[tilespmem:s12], [sflag:$0x2] =	stream.indirect_vreg.gather [hbm4b:s1+s3], $0x80, v3, vm0, $0xb8;
	[tilespmem:$0x10180] =	vst v63  }
0x11a: {  	s22 =	simm.s32 $0xA980  }
0x11b: {  	[tilespmem:s22], [sflag:$0x2] =	stream.indirect_vreg.gather [hbm4b:s5+s3], $0x80, v3, vm0, $0xb8;
	[tilespmem:$0x10180] =	vst v63  }
0x11c: {  	s30 =	simm.s32 $0xB180  }
0x11d: {  	[tilespmem:s30], [sflag:$0x2] =	stream.indirect_vreg.gather [hbm4b:s6+s3], $0x80, v3, vm0, $0xb8;
	[tilespmem:$0x10180] =	vst v63  }
0x11e: {  	s22 =	simm.s32 $0xB980  }
0x11f: {  	[tilespmem:s22], [sflag:$0x2] =	stream.indirect_vreg.gather [hbm4b:s7+s3], $0x80, v3, vm0, $0xb8;
	[tilespmem:$0x10180] =	vst v63  }
0x120: {  	v3 =	vld [tilespmem:$0xB0];
	_ =	sdelay $0x4  }
0x121: {  	v55 =	vshll.u32 v3, $0x3  }
0x122: {  	v3 =	vand.u32 $0x7, v3;
	v4 =	vand.u32 $0xFFFFFFC0, v55  }
0x123: {  	v3 =	vor.u32 v3, v4  }
0x124: {  	v4 =	vperm.xlane v3, v0;
	_ =	sdelay $0x1  }
0x125: {  	v4 =	vadd.s32 v1, v4;
	_ =	sdelay $0x3  }
0x126: {  	s22 =	simm.s32 $0xC180  }
0x127: {  	[tilespmem:s22], [sflag:$0x2] =	stream.indirect_vreg.gather [hbm4b:s1+s3], $0x80, v4, vm0, $0xb8;
	[tilespmem:$0x10180] =	vst v63  }
0x128: {  	v3 =	vperm.xlane v3, v2;
	s22 =	simm.s32 $0xC980  }
0x129: {  	[tilespmem:s22], [sflag:$0x2] =	stream.indirect_vreg.gather [hbm4b:s5+s3], $0x80, v4, vm0, $0xb8;
	[tilespmem:$0x10180] =	vst v63  }
0x12a: {  	s16 =	simm.s32 $0xD180;
	v3 =	vadd.s32 v1, v3  }
0x12b: {  	[tilespmem:s16], [sflag:$0x2] =	stream.indirect_vreg.gather [hbm4b:s6+s3], $0x80, v4, vm0, $0xb8;
	[tilespmem:$0x10180] =	vst v63  }
0x12c: {  	s17 =	simm.s32 $0xD980  }
0x12d: {  	[tilespmem:s17], [sflag:$0x2] =	stream.indirect_vreg.gather [hbm4b:s7+s3], $0x80, v4, vm0, $0xb8;
	[tilespmem:$0x10180] =	vst v63  }
0x12e: {  	s23 =	simm.s32 $0xE180  }
0x12f: {  	[tilespmem:s23], [sflag:$0x2] =	stream.indirect_vreg.gather [hbm4b:s1+s3], $0x80, v3, vm0, $0xb8;
	[tilespmem:$0x10180] =	vst v63  }
0x130: {  	s28 =	simm.s32 $0xE980  }
0x131: {  	[tilespmem:s28], [sflag:$0x2] =	stream.indirect_vreg.gather [hbm4b:s5+s3], $0x80, v3, vm0, $0xb8;
	[tilespmem:$0x10180] =	vst v63  }
0x132: {  	s25 =	simm.s32 $0xF180  }
0x133: {  	[tilespmem:s25], [sflag:$0x2] =	stream.indirect_vreg.gather [hbm4b:s6+s3], $0x80, v3, vm0, $0xb8;
	[tilespmem:$0x10180] =	vst v63  }
0x134: {  	s24 =	simm.s32 $0xF980  }
0x135: {  	[tilespmem:s24], [sflag:$0x2] =	stream.indirect_vreg.gather [hbm4b:s7+s3], $0x80, v3, vm0, $0xb8;
	[tilespmem:$0x10180] =	vst v63  }
0x136: {  	_ =	swait.ge [sflag:s18], $0x8000  }
0x137: {  	[sflag:s18] =	ssyncset.done $0x0  }
0x138: {  	s24 =	rddreg [dreg:$0x8];
	[sflag:s18] =	ssyncadd.s32 $0xFFFF8000  }
0x139: {  	[hbm4b:s24+s3] =	stream.linear.scatter [tilespmem:s29], [sflag:$0x3], $0x8000, $0x38;
	[tilespmem:$0x10180] =	vst v63  }
0x13a: {  	_ =	swait.ge [sflag:s19], $0x8000  }
0x13b: {  	[sflag:s19] =	ssyncset.done $0x0  }
0x13c: {  	[sflag:s19] =	ssyncadd.s32 $0xFFFF8000  }
0x13d: {  	v3 =	vld [tilespmem:$0xC0];
	_ =	sdelay $0x4  }
0x13e: {  	v56 =	vshll.u32 v3, $0x3  }
0x13f: {  	v3 =	vand.u32 $0x7, v3;
	v4 =	vand.u32 $0xFFFFFFC0, v56  }
0x140: {  	v3 =	vor.u32 v3, v4  }
0x141: {  	v4 =	vperm.xlane v3, v0;
	_ =	sdelay $0x1  }
0x142: {  	v4 =	vadd.s32 v1, v4;
	_ =	sdelay $0x4  }
0x143: {  	[tilespmem:s29], [sflag:$0x1] =	stream.indirect_vreg.gather [hbm4b:s1+s3], $0x80, v4, vm0, $0xb8;
	[tilespmem:$0x10180] =	vst v63  }
0x144: {  	s28 =	simm.s32 $0x980;
	v3 =	vperm.xlane v3, v2  }
0x145: {  	[tilespmem:s28], [sflag:$0x1] =	stream.indirect_vreg.gather [hbm4b:s5+s3], $0x80, v4, vm0, $0xb8;
	[tilespmem:$0x10180] =	vst v63  }
0x146: {  	s17 =	simm.s32 $0x1180;
	v3 =	vadd.s32 v1, v3  }
0x147: {  	[tilespmem:s17], [sflag:$0x1] =	stream.indirect_vreg.gather [hbm4b:s6+s3], $0x80, v4, vm0, $0xb8;
	[tilespmem:$0x10180] =	vst v63  }
0x148: {  	s10 =	simm.s32 $0x1980  }
0x149: {  	[tilespmem:s10], [sflag:$0x1] =	stream.indirect_vreg.gather [hbm4b:s7+s3], $0x80, v4, vm0, $0xb8;
	[tilespmem:$0x10180] =	vst v63  }
0x14a: {  	s4 =	simm.s32 $0x2180  }
0x14b: {  	[tilespmem:s4], [sflag:$0x1] =	stream.indirect_vreg.gather [hbm4b:s1+s3], $0x80, v3, vm0, $0xb8;
	[tilespmem:$0x10180] =	vst v63  }
0x14c: {  	s22 =	simm.s32 $0x2980  }
0x14d: {  	[tilespmem:s22], [sflag:$0x1] =	stream.indirect_vreg.gather [hbm4b:s5+s3], $0x80, v3, vm0, $0xb8;
	[tilespmem:$0x10180] =	vst v63  }
0x14e: {  	s28 =	simm.s32 $0x3180  }
0x14f: {  	[tilespmem:s28], [sflag:$0x1] =	stream.indirect_vreg.gather [hbm4b:s6+s3], $0x80, v3, vm0, $0xb8;
	[tilespmem:$0x10180] =	vst v63  }
0x150: {  	s16 =	simm.s32 $0x3980  }
0x151: {  	[tilespmem:s16], [sflag:$0x1] =	stream.indirect_vreg.gather [hbm4b:s7+s3], $0x80, v3, vm0, $0xb8;
	[tilespmem:$0x10180] =	vst v63  }
0x152: {  	v3 =	vld [tilespmem:$0xD0];
	_ =	sdelay $0x4  }
0x153: {  	v57 =	vshll.u32 v3, $0x3  }
0x154: {  	v3 =	vand.u32 $0x7, v3;
	v4 =	vand.u32 $0xFFFFFFC0, v57  }
0x155: {  	v3 =	vor.u32 v3, v4  }
0x156: {  	v4 =	vperm.xlane v3, v0;
	_ =	sdelay $0x1  }
0x157: {  	v4 =	vadd.s32 v1, v4;
	_ =	sdelay $0x3  }
0x158: {  	s17 =	simm.s32 $0x4180  }
0x159: {  	[tilespmem:s17], [sflag:$0x1] =	stream.indirect_vreg.gather [hbm4b:s1+s3], $0x80, v4, vm0, $0xb8;
	[tilespmem:$0x10180] =	vst v63  }
0x15a: {  	s22 =	simm.s32 $0x4980;
	v3 =	vperm.xlane v3, v2  }
0x15b: {  	[tilespmem:s22], [sflag:$0x1] =	stream.indirect_vreg.gather [hbm4b:s5+s3], $0x80, v4, vm0, $0xb8;
	[tilespmem:$0x10180] =	vst v63  }
0x15c: {  	s9 =	simm.s32 $0x5180;
	v3 =	vadd.s32 v1, v3  }
0x15d: {  	[tilespmem:s9], [sflag:$0x1] =	stream.indirect_vreg.gather [hbm4b:s6+s3], $0x80, v4, vm0, $0xb8;
	[tilespmem:$0x10180] =	vst v63  }
0x15e: {  	s11 =	simm.s32 $0x5980  }
0x15f: {  	[tilespmem:s11], [sflag:$0x1] =	stream.indirect_vreg.gather [hbm4b:s7+s3], $0x80, v4, vm0, $0xb8;
	[tilespmem:$0x10180] =	vst v63  }
0x160: {  	s28 =	simm.s32 $0x6180  }
0x161: {  	[tilespmem:s28], [sflag:$0x1] =	stream.indirect_vreg.gather [hbm4b:s1+s3], $0x80, v3, vm0, $0xb8;
	[tilespmem:$0x10180] =	vst v63  }
0x162: {  	s13 =	simm.s32 $0x6980  }
0x163: {  	[tilespmem:s13], [sflag:$0x1] =	stream.indirect_vreg.gather [hbm4b:s5+s3], $0x80, v3, vm0, $0xb8;
	[tilespmem:$0x10180] =	vst v63  }
0x164: {  	s14 =	simm.s32 $0x7180  }
0x165: {  	[tilespmem:s14], [sflag:$0x1] =	stream.indirect_vreg.gather [hbm4b:s6+s3], $0x80, v3, vm0, $0xb8;
	[tilespmem:$0x10180] =	vst v63  }
0x166: {  	s31 =	simm.s32 $0x7980  }
0x167: {  	[tilespmem:s31], [sflag:$0x1] =	stream.indirect_vreg.gather [hbm4b:s7+s3], $0x80, v3, vm0, $0xb8;
	[tilespmem:$0x10180] =	vst v63  }
0x168: {  	_ =	swait.ge [sflag:s20], $0x8000  }
0x169: {  	[sflag:s20] =	ssyncset.done $0x0  }
0x16a: {  	s11 =	rddreg [dreg:$0x9];
	[sflag:s20] =	ssyncadd.s32 $0xFFFF8000  }
0x16b: {  	[hbm4b:s11+s3] =	stream.linear.scatter [tilespmem:s26], [sflag:$0x4], $0x8000, $0x38;
	[tilespmem:$0x10180] =	vst v63  }
0x16c: {  	_ =	swait.ge [sflag:s21], $0x8000  }
0x16d: {  	[sflag:s21] =	ssyncset.done $0x0  }
0x16e: {  	[sflag:s21] =	ssyncadd.s32 $0xFFFF8000  }
0x16f: {  	v3 =	vld [tilespmem:$0xE0];
	_ =	sdelay $0x4  }
0x170: {  	v58 =	vshll.u32 v3, $0x3  }
0x171: {  	v3 =	vand.u32 $0x7, v3;
	v4 =	vand.u32 $0xFFFFFFC0, v58  }
0x172: {  	v3 =	vor.u32 v3, v4  }
0x173: {  	v4 =	vperm.xlane v3, v0;
	_ =	sdelay $0x1  }
0x174: {  	v4 =	vadd.s32 v1, v4;
	_ =	sdelay $0x4  }
0x175: {  	[tilespmem:s26], [sflag:$0x2] =	stream.indirect_vreg.gather [hbm4b:s1+s3], $0x80, v4, vm0, $0xb8;
	[tilespmem:$0x10180] =	vst v63  }
0x176: {  	s2 =	simm.s32 $0x8980;
	v3 =	vperm.xlane v3, v2  }
0x177: {  	[tilespmem:s2], [sflag:$0x2] =	stream.indirect_vreg.gather [hbm4b:s5+s3], $0x80, v4, vm0, $0xb8;
	[tilespmem:$0x10180] =	vst v63  }
0x178: {  	s15 =	simm.s32 $0x9180;
	v3 =	vadd.s32 v1, v3  }
0x179: {  	[tilespmem:s15], [sflag:$0x2] =	stream.indirect_vreg.gather [hbm4b:s6+s3], $0x80, v4, vm0, $0xb8;
	[tilespmem:$0x10180] =	vst v63  }
0x17a: {  	s28 =	simm.s32 $0x9980  }
0x17b: {  	[tilespmem:s28], [sflag:$0x2] =	stream.indirect_vreg.gather [hbm4b:s7+s3], $0x80, v4, vm0, $0xb8;
	[tilespmem:$0x10180] =	vst v63  }
0x17c: {  	s12 =	simm.s32 $0xA180  }
0x17d: {  	[tilespmem:s12], [sflag:$0x2] =	stream.indirect_vreg.gather [hbm4b:s1+s3], $0x80, v3, vm0, $0xb8;
	[tilespmem:$0x10180] =	vst v63  }
0x17e: {  	s0 =	simm.s32 $0xA980  }
0x17f: {  	[tilespmem:s0], [sflag:$0x2] =	stream.indirect_vreg.gather [hbm4b:s5+s3], $0x80, v3, vm0, $0xb8;
	[tilespmem:$0x10180] =	vst v63  }
0x180: {  	s30 =	simm.s32 $0xB180  }
0x181: {  	[tilespmem:s30], [sflag:$0x2] =	stream.indirect_vreg.gather [hbm4b:s6+s3], $0x80, v3, vm0, $0xb8;
	[tilespmem:$0x10180] =	vst v63  }
0x182: {  	s30 =	simm.s32 $0xB980  }
0x183: {  	[tilespmem:s30], [sflag:$0x2] =	stream.indirect_vreg.gather [hbm4b:s7+s3], $0x80, v3, vm0, $0xb8;
	[tilespmem:$0x10180] =	vst v63  }
0x184: {  	v3 =	vld [tilespmem:$0xF0];
	_ =	sdelay $0x4  }
0x185: {  	v59 =	vshll.u32 v3, $0x3  }
0x186: {  	v3 =	vand.u32 $0x7, v3;
	v4 =	vand.u32 $0xFFFFFFC0, v59  }
0x187: {  	v3 =	vor.u32 v3, v4  }
0x188: {  	v4 =	vperm.xlane v3, v0;
	_ =	sdelay $0x1  }
0x189: {  	v4 =	vadd.s32 v1, v4;
	_ =	sdelay $0x3  }
0x18a: {  	s31 =	simm.s32 $0xC180  }
0x18b: {  	[tilespmem:s31], [sflag:$0x2] =	stream.indirect_vreg.gather [hbm4b:s1+s3], $0x80, v4, vm0, $0xb8;
	[tilespmem:$0x10180] =	vst v63  }
0x18c: {  	s22 =	simm.s32 $0xC980;
	v3 =	vperm.xlane v3, v2  }
0x18d: {  	[tilespmem:s22], [sflag:$0x2] =	stream.indirect_vreg.gather [hbm4b:s5+s3], $0x80, v4, vm0, $0xb8;
	[tilespmem:$0x10180] =	vst v63  }
0x18e: {  	s30 =	simm.s32 $0xD180;
	v3 =	vadd.s32 v1, v3  }
0x18f: {  	[tilespmem:s30], [sflag:$0x2] =	stream.indirect_vreg.gather [hbm4b:s6+s3], $0x80, v4, vm0, $0xb8;
	[tilespmem:$0x10180] =	vst v63  }
0x190: {  	s31 =	simm.s32 $0xD980  }
0x191: {  	[tilespmem:s31], [sflag:$0x2] =	stream.indirect_vreg.gather [hbm4b:s7+s3], $0x80, v4, vm0, $0xb8;
	[tilespmem:$0x10180] =	vst v63  }
0x192: {  	s23 =	simm.s32 $0xE180  }
0x193: {  	[tilespmem:s23], [sflag:$0x2] =	stream.indirect_vreg.gather [hbm4b:s1+s3], $0x80, v3, vm0, $0xb8;
	[tilespmem:$0x10180] =	vst v63  }
0x194: {  	s23 =	simm.s32 $0xE980  }
0x195: {  	[tilespmem:s23], [sflag:$0x2] =	stream.indirect_vreg.gather [hbm4b:s5+s3], $0x80, v3, vm0, $0xb8;
	[tilespmem:$0x10180] =	vst v63  }
0x196: {  	s25 =	simm.s32 $0xF180  }
0x197: {  	[tilespmem:s25], [sflag:$0x2] =	stream.indirect_vreg.gather [hbm4b:s6+s3], $0x80, v3, vm0, $0xb8;
	[tilespmem:$0x10180] =	vst v63  }
0x198: {  	s25 =	simm.s32 $0xF980  }
0x199: {  	[tilespmem:s25], [sflag:$0x2] =	stream.indirect_vreg.gather [hbm4b:s7+s3], $0x80, v3, vm0, $0xb8;
	[tilespmem:$0x10180] =	vst v63  }
0x19a: {  	_ =	swait.ge [sflag:s18], $0x8000  }
0x19b: {  	[sflag:s18] =	ssyncset.done $0x0  }
0x19c: {  	s22 =	rddreg [dreg:$0xa];
	[sflag:s18] =	ssyncadd.s32 $0xFFFF8000  }
0x19d: {  	[hbm4b:s22+s3] =	stream.linear.scatter [tilespmem:s29], [sflag:$0x3], $0x8000, $0x38;
	[tilespmem:$0x10180] =	vst v63  }
0x19e: {  	_ =	swait.ge [sflag:s19], $0x8000  }
0x19f: {  	[sflag:s19] =	ssyncset.done $0x0  }
0x1a0: {  	[sflag:s19] =	ssyncadd.s32 $0xFFFF8000  }
0x1a1: {  	v3 =	vld [tilespmem:$0x100];
	_ =	sdelay $0x4  }
0x1a2: {  	v60 =	vshll.u32 v3, $0x3  }
0x1a3: {  	v3 =	vand.u32 $0x7, v3;
	v4 =	vand.u32 $0xFFFFFFC0, v60  }
0x1a4: {  	v3 =	vor.u32 v3, v4  }
0x1a5: {  	v4 =	vperm.xlane v3, v0;
	_ =	sdelay $0x1  }
0x1a6: {  	v4 =	vadd.s32 v1, v4;
	_ =	sdelay $0x4  }
0x1a7: {  	[tilespmem:s29], [sflag:$0x1] =	stream.indirect_vreg.gather [hbm4b:s1+s3], $0x80, v4, vm0, $0xb8;
	[tilespmem:$0x10180] =	vst v63  }
0x1a8: {  	s22 =	simm.s32 $0x980;
	v3 =	vperm.xlane v3, v2  }
0x1a9: {  	[tilespmem:s22], [sflag:$0x1] =	stream.indirect_vreg.gather [hbm4b:s5+s3], $0x80, v4, vm0, $0xb8;
	[tilespmem:$0x10180] =	vst v63  }
0x1aa: {  	v3 =	vadd.s32 v1, v3;
	s22 =	simm.s32 $0x1180  }
0x1ab: {  	[tilespmem:s22], [sflag:$0x1] =	stream.indirect_vreg.gather [hbm4b:s6+s3], $0x80, v4, vm0, $0xb8;
	[tilespmem:$0x10180] =	vst v63  }
0x1ac: {  	s24 =	simm.s32 $0x1980  }
0x1ad: {  	[tilespmem:s24], [sflag:$0x1] =	stream.indirect_vreg.gather [hbm4b:s7+s3], $0x80, v4, vm0, $0xb8;
	[tilespmem:$0x10180] =	vst v63  }
0x1ae: {  	s10 =	simm.s32 $0x2180  }
0x1af: {  	[tilespmem:s10], [sflag:$0x1] =	stream.indirect_vreg.gather [hbm4b:s1+s3], $0x80, v3, vm0, $0xb8;
	[tilespmem:$0x10180] =	vst v63  }
0x1b0: {  	s24 =	simm.s32 $0x2980  }
0x1b1: {  	[tilespmem:s24], [sflag:$0x1] =	stream.indirect_vreg.gather [hbm4b:s5+s3], $0x80, v3, vm0, $0xb8;
	[tilespmem:$0x10180] =	vst v63  }
0x1b2: {  	s22 =	simm.s32 $0x3180  }
0x1b3: {  	[tilespmem:s22], [sflag:$0x1] =	stream.indirect_vreg.gather [hbm4b:s6+s3], $0x80, v3, vm0, $0xb8;
	[tilespmem:$0x10180] =	vst v63  }
0x1b4: {  	s24 =	simm.s32 $0x3980  }
0x1b5: {  	[tilespmem:s24], [sflag:$0x1] =	stream.indirect_vreg.gather [hbm4b:s7+s3], $0x80, v3, vm0, $0xb8;
	[tilespmem:$0x10180] =	vst v63  }
0x1b6: {  	v3 =	vld [tilespmem:$0x110];
	_ =	sdelay $0x4  }
0x1b7: {  	v61 =	vshll.u32 v3, $0x3  }
0x1b8: {  	v3 =	vand.u32 $0x7, v3;
	v4 =	vand.u32 $0xFFFFFFC0, v61  }
0x1b9: {  	v3 =	vor.u32 v3, v4  }
0x1ba: {  	v4 =	vperm.xlane v3, v0;
	_ =	sdelay $0x1  }
0x1bb: {  	v4 =	vadd.s32 v1, v4;
	_ =	sdelay $0x3  }
0x1bc: {  	s22 =	simm.s32 $0x4180  }
0x1bd: {  	[tilespmem:s22], [sflag:$0x1] =	stream.indirect_vreg.gather [hbm4b:s1+s3], $0x80, v4, vm0, $0xb8;
	[tilespmem:$0x10180] =	vst v63  }
0x1be: {  	s24 =	simm.s32 $0x4980;
	v3 =	vperm.xlane v3, v2  }
0x1bf: {  	[tilespmem:s24], [sflag:$0x1] =	stream.indirect_vreg.gather [hbm4b:s5+s3], $0x80, v4, vm0, $0xb8;
	[tilespmem:$0x10180] =	vst v63  }
0x1c0: {  	s4 =	simm.s32 $0x5180;
	v3 =	vadd.s32 v1, v3  }
0x1c1: {  	[tilespmem:s4], [sflag:$0x1] =	stream.indirect_vreg.gather [hbm4b:s6+s3], $0x80, v4, vm0, $0xb8;
	[tilespmem:$0x10180] =	vst v63  }
0x1c2: {  	s9 =	simm.s32 $0x5980  }
0x1c3: {  	[tilespmem:s9], [sflag:$0x1] =	stream.indirect_vreg.gather [hbm4b:s7+s3], $0x80, v4, vm0, $0xb8;
	[tilespmem:$0x10180] =	vst v63  }
0x1c4: {  	s17 =	simm.s32 $0x6180  }
0x1c5: {  	[tilespmem:s17], [sflag:$0x1] =	stream.indirect_vreg.gather [hbm4b:s1+s3], $0x80, v3, vm0, $0xb8;
	[tilespmem:$0x10180] =	vst v63  }
0x1c6: {  	s13 =	simm.s32 $0x6980  }
0x1c7: {  	[tilespmem:s13], [sflag:$0x1] =	stream.indirect_vreg.gather [hbm4b:s5+s3], $0x80, v3, vm0, $0xb8;
	[tilespmem:$0x10180] =	vst v63  }
0x1c8: {  	s14 =	simm.s32 $0x7180  }
0x1c9: {  	[tilespmem:s14], [sflag:$0x1] =	stream.indirect_vreg.gather [hbm4b:s6+s3], $0x80, v3, vm0, $0xb8;
	[tilespmem:$0x10180] =	vst v63  }
0x1ca: {  	s16 =	simm.s32 $0x7980  }
0x1cb: {  	[tilespmem:s16], [sflag:$0x1] =	stream.indirect_vreg.gather [hbm4b:s7+s3], $0x80, v3, vm0, $0xb8;
	[tilespmem:$0x10180] =	vst v63  }
0x1cc: {  	_ =	swait.ge [sflag:s20], $0x8000  }
0x1cd: {  	[sflag:s20] =	ssyncset.done $0x0  }
0x1ce: {  	s14 =	rddreg [dreg:$0xb];
	[sflag:s20] =	ssyncadd.s32 $0xFFFF8000  }
0x1cf: {  	[hbm4b:s14+s3] =	stream.linear.scatter [tilespmem:s26], [sflag:$0x4], $0x8000, $0x38;
	[tilespmem:$0x10180] =	vst v63  }
0x1d0: {  	_ =	swait.ge [sflag:s21], $0x8000  }
0x1d1: {  	[sflag:s21] =	ssyncset.done $0x0  }
0x1d2: {  	[sflag:s21] =	ssyncadd.s32 $0xFFFF8000  }
0x1d3: {  	v3 =	vld [tilespmem:$0x120];
	_ =	sdelay $0x4  }
0x1d4: {  	v62 =	vshll.u32 v3, $0x3  }
0x1d5: {  	v3 =	vand.u32 $0x7, v3;
	v4 =	vand.u32 $0xFFFFFFC0, v62  }
0x1d6: {  	v3 =	vor.u32 v3, v4  }
0x1d7: {  	v4 =	vperm.xlane v3, v0;
	_ =	sdelay $0x1  }
0x1d8: {  	v4 =	vadd.s32 v1, v4;
	_ =	sdelay $0x4  }
0x1d9: {  	[tilespmem:s26], [sflag:$0x2] =	stream.indirect_vreg.gather [hbm4b:s1+s3], $0x80, v4, vm0, $0xb8;
	[tilespmem:$0x10180] =	vst v63  }
0x1da: {  	s11 =	simm.s32 $0x8980;
	v3 =	vperm.xlane v3, v2  }
0x1db: {  	[tilespmem:s11], [sflag:$0x2] =	stream.indirect_vreg.gather [hbm4b:s5+s3], $0x80, v4, vm0, $0xb8;
	[tilespmem:$0x10180] =	vst v63  }
0x1dc: {  	s15 =	simm.s32 $0x9180;
	v3 =	vadd.s32 v1, v3  }
0x1dd: {  	[tilespmem:s15], [sflag:$0x2] =	stream.indirect_vreg.gather [hbm4b:s6+s3], $0x80, v4, vm0, $0xb8;
	[tilespmem:$0x10180] =	vst v63  }
0x1de: {  	s16 =	simm.s32 $0x9980  }
0x1df: {  	[tilespmem:s16], [sflag:$0x2] =	stream.indirect_vreg.gather [hbm4b:s7+s3], $0x80, v4, vm0, $0xb8;
	[tilespmem:$0x10180] =	vst v63  }
0x1e0: {  	s28 =	simm.s32 $0xA180  }
0x1e1: {  	[tilespmem:s28], [sflag:$0x2] =	stream.indirect_vreg.gather [hbm4b:s1+s3], $0x80, v3, vm0, $0xb8;
	[tilespmem:$0x10180] =	vst v63  }
0x1e2: {  	s2 =	simm.s32 $0xA980  }
0x1e3: {  	[tilespmem:s2], [sflag:$0x2] =	stream.indirect_vreg.gather [hbm4b:s5+s3], $0x80, v3, vm0, $0xb8;
	[tilespmem:$0x10180] =	vst v63  }
0x1e4: {  	s0 =	simm.s32 $0xB180  }
0x1e5: {  	[tilespmem:s0], [sflag:$0x2] =	stream.indirect_vreg.gather [hbm4b:s6+s3], $0x80, v3, vm0, $0xb8;
	[tilespmem:$0x10180] =	vst v63  }
0x1e6: {  	s17 =	simm.s32 $0xB980  }
0x1e7: {  	[tilespmem:s17], [sflag:$0x2] =	stream.indirect_vreg.gather [hbm4b:s7+s3], $0x80, v3, vm0, $0xb8;
	[tilespmem:$0x10180] =	vst v63  }
0x1e8: {  	v3 =	vld [tilespmem:$0x130];
	_ =	sdelay $0x4  }
0x1e9: {  	v63 =	vshll.u32 v3, $0x3  }
0x1ea: {  	v3 =	vand.u32 $0x7, v3;
	v4 =	vand.u32 $0xFFFFFFC0, v63  }
0x1eb: {  	v3 =	vor.u32 v3, v4  }
0x1ec: {  	v4 =	vperm.xlane v3, v0;
	_ =	sdelay $0x1  }
0x1ed: {  	v4 =	vadd.s32 v1, v4;
	_ =	sdelay $0x3  }
0x1ee: {  	s22 =	simm.s32 $0xC180  }
0x1ef: {  	[tilespmem:s22], [sflag:$0x2] =	stream.indirect_vreg.gather [hbm4b:s1+s3], $0x80, v4, vm0, $0xb8;
	[tilespmem:$0x10180] =	vst v63  }
0x1f0: {  	s24 =	simm.s32 $0xC980;
	v3 =	vperm.xlane v3, v2  }
0x1f1: {  	[tilespmem:s24], [sflag:$0x2] =	stream.indirect_vreg.gather [hbm4b:s5+s3], $0x80, v4, vm0, $0xb8;
	[tilespmem:$0x10180] =	vst v63  }
0x1f2: {  	s12 =	simm.s32 $0xD180;
	v3 =	vadd.s32 v1, v3  }
0x1f3: {  	[tilespmem:s12], [sflag:$0x2] =	stream.indirect_vreg.gather [hbm4b:s6+s3], $0x80, v4, vm0, $0xb8;
	[tilespmem:$0x10180] =	vst v63  }
0x1f4: {  	s30 =	simm.s32 $0xD980  }
0x1f5: {  	[tilespmem:s30], [sflag:$0x2] =	stream.indirect_vreg.gather [hbm4b:s7+s3], $0x80, v4, vm0, $0xb8;
	[tilespmem:$0x10180] =	vst v63  }
0x1f6: {  	s31 =	simm.s32 $0xE180  }
0x1f7: {  	[tilespmem:s31], [sflag:$0x2] =	stream.indirect_vreg.gather [hbm4b:s1+s3], $0x80, v3, vm0, $0xb8;
	[tilespmem:$0x10180] =	vst v63  }
0x1f8: {  	s28 =	simm.s32 $0xE980  }
0x1f9: {  	[tilespmem:s28], [sflag:$0x2] =	stream.indirect_vreg.gather [hbm4b:s5+s3], $0x80, v3, vm0, $0xb8;
	[tilespmem:$0x10180] =	vst v63  }
0x1fa: {  	s23 =	simm.s32 $0xF180  }
0x1fb: {  	[tilespmem:s23], [sflag:$0x2] =	stream.indirect_vreg.gather [hbm4b:s6+s3], $0x80, v3, vm0, $0xb8;
	[tilespmem:$0x10180] =	vst v63  }
0x1fc: {  	s25 =	simm.s32 $0xF980  }
0x1fd: {  	[tilespmem:s25], [sflag:$0x2] =	stream.indirect_vreg.gather [hbm4b:s7+s3], $0x80, v3, vm0, $0xb8;
	[tilespmem:$0x10180] =	vst v63  }
0x1fe: {  	_ =	swait.ge [sflag:s18], $0x8000  }
0x1ff: {  	[sflag:s18] =	ssyncset.done $0x0  }
0x200: {  	s30 =	rddreg [dreg:$0xc];
	[sflag:s18] =	ssyncadd.s32 $0xFFFF8000  }
0x201: {  	[hbm4b:s30+s3] =	stream.linear.scatter [tilespmem:s29], [sflag:$0x3], $0x8000, $0x38;
	[tilespmem:$0x10180] =	vst v63  }
0x202: {  	_ =	swait.ge [sflag:s20], $0x8000  }
0x203: {  	[sflag:s20] =	ssyncset.done $0x0  }
0x204: {  	s31 =	rddreg [dreg:$0xd];
	[sflag:s20] =	ssyncadd.s32 $0xFFFF8000  }
0x205: {  	[hbm4b:s31+s3] =	stream.linear.scatter [tilespmem:s26], [sflag:$0x4], $0x8000, $0x38;
	[tilespmem:$0x10180] =	vst v63  }
0x206: {  	p0 =	sne.s32 s8, $0x1;
	_ =	swait.ge [sflag:s19], $0x8000  }
.Ltmp0:
0x207: {  	[sflag:s19] =	ssyncset.done $0x0;
	(pc) =	sbr.rel @p0 .LBB2_1-.Ltmp0, $4  }
0x208: {  	[sflag:s19] =	ssyncadd.s32 $0xFFFF8000  }
0x209: {  	_ =	swait.ge [sflag:s21], $0x8000  }
0x20a: {  	[sflag:s21] =	ssyncset.done $0x0  }
0x20b: {  	s8 =	sadd.s32 $0xFFFFFFFF, s8;
	[sflag:s21] =	ssyncadd.s32 $0xFFFF8000  }
0x20c: {  	_ =	sfence.sel $0x180000  }
0x20d: {  	[bflag:$0x0] =	sbarrier.arrive $0xFFFF  }
0x20e: {  	_ =	strace $0x9000004A  }
0x20f: {  	s0 =	stileid.u32;
	[bflag:$0x2] =	sbarrier.arrive $0xFFFF  }
0x210: {  	p0 =	sne.s32 s0, $0x0;
	s0 =	rddreg [dreg:$0x3]  }
0x211: {  	s0 =	sadd.s32 @!p0 $0x100000, s0  }
0x212: {  	[sflag:s0] =	ssyncadd.tile.s32 @!p0 $0x1;
	_ =	shalt  }
.Lfunc_end2:
_tile_overlayer_lowered:
.L_overlay_start_2:
0x213: {  	(tag) =	ssettag $0x2  }
0x214: {  	s0 =	rddreg [dreg:$0x0];
	s2 =	stileid.u32  }
0x215: {  	s1 =	rddreg [dreg:$0x1];
	p0 =	sne.s32 s2, $0x0  }
0x216: {  	s3 =	rddreg [dreg:$0x2];
	[bflag:$0x3] =	sbarrier.arrive $0xFFFF;
	s2 =	simm.s32 @!p0 $0x1C05  }
0x217: {  	[timem:s3], [sflag:s2] =	dma.local @!p0 [hbm:s0], s1  }
0x218: {  	s0 =	simm.s32 @!p0 $0x5  }
0x219: {  	_ =	swait.ge @!p0 [sflag:s0], s1  }
0x21a: {  	s1 =	ssub.s32 @!p0 $0x0, s1;
	[sflag:s0] =	ssyncset.done @!p0 $0x0  }
0x21b: {  	[sflag:s0] =	ssyncadd.s32 @!p0 s1  }
0x21c: {  	[bflag:$0x3] =	sbarrier.arrive $0xFFFF  }
0x21d: {  	_ =	shalt  }

// kernel: kernel.14.cloned.1.call-start
scs
__scs_entry_jumppad:
0x0: {  	(pc) =	sbr.rel $0x88, $3  }
0x1: {  	(tag) =	ssettag $0x0;
	lr =	simm.s32 $0x1  }
0x2: {  	[smem:$0x3F98] =	sst lr;
	_ =	strace $0xD0000000  }
0x3: {  	_ = 	snop  }
0x4: {  	_ = 	snop  }
0x5: {  	_ = 	snop  }
0x6: {  	_ = 	snop  }
0x7: {  	_ = 	snop  }
__scs_overlays_trampoline_lowered:
0x8: {  	[smem:$0x3FA7] =	sst s0  }
0x9: {  	[smem:$0x3FA8] =	sst s1  }
0xa: {  	[smem:$0x3FA9] =	sst s2  }
0xb: {  	[smem:$0x3FAA] =	sst s3  }
0xc: {  	[smem:$0x3FAB] =	sst s4  }
0xd: {  	[smem:$0x3FAC] =	sst s5  }
0xe: {  	[smem:$0x3FAD] =	sst s6  }
0xf: {  	[smem:$0x3FAE] =	sst s7  }
0x10: {  	[smem:$0x3FAF] =	sst s8  }
0x11: {  	[smem:$0x3FB0] =	sst s9;
	s0 =	simm.s32 @!p0 $0x0  }
0x12: {  	s1 =	sld [smem:$0x3F96];
	s0 =	simm.s32 @p0 $0x1  }
0x13: {  	[smem:$0x3FB1] =	sst s0;
	s0 =	simm.s32 @!p1 $0x0  }
0x14: {  	s2 =	sld [smem:$0x3F95];
	s0 =	simm.s32 @p1 $0x1  }
0x15: {  	[smem:$0x3FB2] =	sst s0;
	s0 =	simm.s32 @!p2 $0x0  }
0x16: {  	s3 =	sld [smem:$0x3FDB];
	s0 =	simm.s32 @p2 $0x1  }
0x17: {  	s4 =	simm.s32 $0x1BF5;
	[smem:$0x3FB4] =	sst s0  }
0x18: {  	s0 =	sld [smem:$0x3F97];
	_ =	swait.ge [sflag:s4], $0x0  }
0x19: {  	s7 =	sld [smem:$0x3F98]  }
0x1a: {  	s8 =	sadd.s32 $0xFFFFE003, lr  }
0x1b: {  	s9 =	sadd.s32 $0xFFFFFEF7, lr;
	s5 =	simm.s32 $0xFFFFFFFF;
	p2 =	slt.u32 s8, $0xFFFFF086  }
0x1c: {  	p1 =	slt.u32 s9, $0xF7A;
	s5 =	simm.s32 @!p2 $0x0  }
0x1d: {  	s5 =	simm.s32 @p1 $0x1;
	p0 =	seq.s32 s7, s2  }
0x1e: {  	s7 =	smul.u32 @!p0 $0xF7A, s2;
	p2 =	seq.s32 @!p0 s5, $0x0  }
0x1f: {  	s9 =	smul.u32 $0xF7A, s1;
	s8 =	simm.s32 @!p0 $0x1BF5;
	p2 =	por !p2, p0  }
0x20: {  	[sflag:s8] =	ssyncset.s32 @!p0 $0xFFFFF086;
	s6 =	sadd.s32 @!p0 s3, s7;
	s7 =	simm.s32 @!p0 $0x108  }
0x21: {  	s3 =	sadd.s32 s3, s9;
	s6 =	sadd.s32 @!p0 $0x88, s6;
	s7 =	simm.s32 @p2 $0x1082  }
0x22: {  	[simem:s7], [sflag:s8] =	dma.local @!p0 [hbm:s6], $0xF7A  }
0x23: {  	s9 =	sor.u32 $0xD0000000, s2;
	s6 =	simm.s32 $0x108;
	_ =	swait.ge @!p0 [sflag:s8], $0x0  }
0x24: {  	s3 =	sadd.s32 $0x88, s3;
	s6 =	simm.s32 @!p1 $0x1082;
	[sflag:s4] =	ssyncset.s32 $0xFFFFF086  }
0x25: {  	[simem:s6], [sflag:s4] =	dma.local [hbm:s3], $0xF7A  }
0x26: {  	[smem:$0x3F98] =	sst s1;
	(tag) =	ssettag s2;
	_ =	strace s9  }
0x27: {  	s1 =	sld [smem:$0x3FA8]  }
0x28: {  	s2 =	sld [smem:$0x3FA9]  }
0x29: {  	s4 =	sld [smem:$0x3FAB]  }
0x2a: {  	p0 =	seq.s32 s5, $0x0;
	s5 =	sld [smem:$0x3FAC]  }
0x2b: {  	s6 =	sld [smem:$0x3FAD]  }
0x2c: {  	s7 =	sld [smem:$0x3FAE]  }
0x2d: {  	s3 =	simm.s32 $0x108;
	s8 =	sld [smem:$0x3FAF]  }
0x2e: {  	s3 =	simm.s32 @!p0 $0x1082;
	s9 =	sld [smem:$0x3FB0]  }
0x2f: {  	lr =	sadd.s32 s0, s3;
	s0 =	sld [smem:$0x3FA7]  }
0x30: {  	s3 =	sld [smem:$0x3FAA]  }
0x31: {  	[smem:$0x3FB3] =	sst s10  }
0x32: {  	s10 =	sld [smem:$0x3FB1];
	_ =	sdelay $0x3  }
0x33: {  	p0 =	seq.s32 s10, $0x1;
	s10 =	sld [smem:$0x3FB3];
	_ =	sdelay $0x3  }
0x34: {  	[smem:$0x3FB3] =	sst s10  }
0x35: {  	s10 =	sld [smem:$0x3FB2];
	_ =	sdelay $0x3  }
0x36: {  	p1 =	seq.s32 s10, $0x1;
	s10 =	sld [smem:$0x3FB3];
	_ =	sdelay $0x3  }
0x37: {  	[smem:$0x3FB3] =	sst s10  }
0x38: {  	s10 =	sld [smem:$0x3FB4]  }
0x39: {  	_ = 	snop;
	(pc) =	sbr.ind lr, $3  }
0x3a: {  	_ = 	snop  }
0x3b: {  	_ = 	snop  }
0x3c: {  	p2 =	seq.s32 s10, $0x1;
	s10 =	sld [smem:$0x3FB3]  }
0x3d: {  	_ =	shalt  }
0x3e: {  	_ =	shalt  }
0x3f: {  	_ =	shalt  }
0x40: {  	_ =	shalt  }
0x41: {  	_ =	shalt  }
0x42: {  	_ =	shalt  }
0x43: {  	_ =	shalt  }
0x44: {  	_ =	shalt  }
0x45: {  	_ =	shalt  }
0x46: {  	_ =	shalt  }
0x47: {  	_ =	shalt  }
0x48: {  	_ =	shalt  }
0x49: {  	_ =	shalt  }
0x4a: {  	_ =	shalt  }
0x4b: {  	_ =	shalt  }
0x4c: {  	_ =	shalt  }
0x4d: {  	_ =	shalt  }
0x4e: {  	_ =	shalt  }
0x4f: {  	_ =	shalt  }
0x50: {  	_ =	shalt  }
0x51: {  	_ =	shalt  }
0x52: {  	_ =	shalt  }
0x53: {  	_ =	shalt  }
0x54: {  	_ =	shalt  }
0x55: {  	_ =	shalt  }
0x56: {  	_ =	shalt  }
0x57: {  	_ =	shalt  }
0x58: {  	_ =	shalt  }
0x59: {  	_ =	shalt  }
0x5a: {  	_ =	shalt  }
0x5b: {  	_ =	shalt  }
0x5c: {  	_ =	shalt  }
0x5d: {  	_ =	shalt  }
0x5e: {  	_ =	shalt  }
0x5f: {  	_ =	shalt  }
0x60: {  	_ =	shalt  }
0x61: {  	_ =	shalt  }
0x62: {  	_ =	shalt  }
0x63: {  	_ =	shalt  }
0x64: {  	_ =	shalt  }
0x65: {  	_ =	shalt  }
0x66: {  	_ =	shalt  }
0x67: {  	_ =	shalt  }
0x68: {  	_ =	shalt  }
0x69: {  	_ =	shalt  }
0x6a: {  	_ =	shalt  }
0x6b: {  	_ =	shalt  }
0x6c: {  	_ =	shalt  }
0x6d: {  	_ =	shalt  }
0x6e: {  	_ =	shalt  }
0x6f: {  	_ =	shalt  }
0x70: {  	_ =	shalt  }
0x71: {  	_ =	shalt  }
0x72: {  	_ =	shalt  }
0x73: {  	_ =	shalt  }
0x74: {  	_ =	shalt  }
0x75: {  	_ =	shalt  }
0x76: {  	_ =	shalt  }
0x77: {  	_ =	shalt  }
0x78: {  	_ =	shalt  }
0x79: {  	_ =	shalt  }
0x7a: {  	_ =	shalt  }
0x7b: {  	_ =	shalt  }
0x7c: {  	_ =	shalt  }
0x7d: {  	_ =	shalt  }
0x7e: {  	_ =	shalt  }
0x7f: {  	_ =	shalt  }
0x80: {  	_ =	shalt  }
0x81: {  	_ =	shalt  }
0x82: {  	_ =	shalt  }
0x83: {  	_ =	shalt  }
0x84: {  	_ =	shalt  }
0x85: {  	_ =	shalt  }
0x86: {  	_ =	shalt  }
0x87: {  	_ =	shalt  }
.Lfunc_end0:
.L_simem_size_0:
called_computation.2_lowered:
.L_overlay_start_0:
0x88: {  	s2 =	sld [smem:$0x3FD9]  }
0x89: {  	s3 =	sld [smem:$0x3FFE];
	_ =	sdelay $0x1  }
0x8a: {  	s1 =	srdreg.scid  }
0x8b: {  	s0 =	sand.u32 $0x1, s1  }
0x8c: {  	s14 =	sshll.u32 s0, $0xA;
	s2 =	sadd.s32 s3, s2  }
0x8d: {  	s2 =	sadd.s32 s2, s14  }
0x8e: {  	[smem:$0x3FBF] =	sst s2  }
0x8f: {  	_ = 	snop  }
0x90: {  	s2 =	sld [smem:$0x3FD0];
	_ =	sdelay $0x2  }
0x91: {  	s15 =	simm.s32 $0xA;
	s4 =	simm.s32 $0x10  }
0x92: {  	[smem:s4], [sflag:s15] =	dma.local [hbm:s2], $0x1  }
0x93: {  	_ =	swait.eq [sflag:s15], $0x1  }
0x94: {  	[sflag:s15] =	ssyncset.done $0x0  }
0x95: {  	[sflag:s15] =	ssyncadd.s32 $0xFFFFFFFF  }
0x96: {  	s16 =	sld [smem:$0x10];
	(tm) =	ssettm $0x1  }
0x97: {  	s17 =	sld [smem:$0x3FFB];
	_ =	sdelay $0x3  }
0x98: {  	_ =	strace s17  }
0x99: {  	s3 =	sld [smem:$0x3FFC];
	_ =	sdelay $0x3  }
0x9a: {  	_ =	strace s3  }
0x9b: {  	s3 =	sld [smem:$0x3FFD];
	_ =	sdelay $0x3  }
0x9c: {  	_ =	strace s3  }
0x9d: {  	_ =	strace $0x8FFFFFFF  }
0x9e: {  	s18 =	sld [smem:$0x3FDB];
	_ =	sdelay $0x1  }
0x9f: {  	s19 =	simm.s32 $_scs_section_size  }
0xa0: {  	s5 =	simm.s32 $_size__tile_overlayer_lowered;
	s6 =	simm.s32 $_tile_overlayer_lowered  }
0xa1: {  	s22 =	simm.s32 $0x1BFF;
	s21 =	sshll.u32 s6, $0x1;
	s3 =	sadd.s32 s19, s18  }
0xa2: {  	s7 =	simm.s32 $0x0;
	s20 =	sshll.u32 s5, $0x1;
	s5 =	sadd.s32 s21, s3  }
0xa3: {  	[timem:s7], [sflag:s22] =	dma.local [hbm:s5], s20  }
0xa4: {  	_ =	swait.ge [sflag:s22], s20  }
0xa5: {  	s4 =	ssub.s32 $0x0, s20;
	[sflag:s22] =	ssyncset.done $0x0  }
0xa6: {  	[sflag:s22] =	ssyncadd.s32 s4;
	_ =	sdelay $0x1  }
0xa7: {  	s23 =	simm.s32 $0x1B8B  }
0xa8: {  	_ =	swait.ge [sflag:s23], $0x1  }
0xa9: {  	[sflag:s23] =	ssyncset.done $0x0  }
0xaa: {  	s25 =	simm.s32 $0x1B8E;
	s24 =	sld [smem:$0x3FFE];
	[sflag:s23] =	ssyncadd.s32 $0xFFFFFFFF  }
0xab: {  	s26 =	simm.s32 $execute0_lowered;
	[smem:$0x3FD2] =	sst s25  }
0xac: {  	s5 =	sshll.u32 s26, $0x1;
	_ =	strace $0x8000004C;
	[dreg:$0x1] =	wrdreg $0xFFFFFFFF  }
0xad: {  	s28 =	simm.s32 $_size_execute0_lowered;
	s3 =	sadd.s32 s3, s5;
	[dreg:$0x0] =	wrdreg $0x0  }
0xae: {  	s5 =	sshll.u32 s28, $0x1;
	[dreg:$0x2] =	wrdreg s3  }
0xaf: {  	[dreg:$0x3] =	wrdreg s5  }
0xb0: {  	[dreg:$0x4] =	wrdreg $0xC0  }
0xb1: {  	_ =	task [dreg:s7], $0x5FFFF  }
0xb2: {  	[dreg:$0x1] =	wrdreg $0xFFFFFFFF  }
0xb3: {  	[dreg:$0x0] =	wrdreg $0x60  }
0xb4: {  	[dreg:$0x2] =	wrdreg s24  }
0xb5: {  	[dreg:$0x3] =	wrdreg s16  }
0xb6: {  	[dreg:$0x4] =	wrdreg $0x9  }
0xb7: {  	_ =	task.clear_ibuf [dreg:s7], $0x5FFFF;
	_ =	strace $0x9000004C  }
0xb8: {  	s29 =	simm.s32 $0x9;
	_ =	strace $0x8000004E  }
0xb9: {  	_ =	swait.ge [sflag:s29], $0x1  }
0xba: {  	[sflag:s29] =	ssyncadd.s32 $0xFFFFFFFF  }
0xbb: {  	_ =	strace $0x9000004E  }
0xbc: {  	_ =	sfence  }
0xbd: {  	s30 =	sld [smem:$0x0];
	_ =	sdelay $0x2  }
0xbe: {  	s31 =	sshll.u32 s1, $0xD;
	s1 =	sshrl.u32 s1, $0x2  }
0xbf: {  	s3 =	sand.u32 $0x4000, s31;
	s1 =	sadd.s32 s1, s30  }
0xc0: {  	s0 =	sor.u32 s3, s0;
	s1 =	sshll.u32 s1, $0x11  }
0xc1: {  	s0 =	sor.u32 s1, s0  }
0xc2: {  	s0 =	sadd.s32 $0x8F2B, s0  }
0xc3: {  	[sflag:s0] =	ssyncadd.remote.s32 $0x1  }
0xc4: {  	_ =	sfence.sel $0xFFFF  }
0xc5: {  	[dreg:$0x0] =	wrdreg $0xFFFFFFFF;
	(pc) =	sbr.abs _section_cstart, $3  }
0xc6: {  	[dreg:$0x1] =	wrdreg $0xFFFFFFFF  }
0xc7: {  	_ =	task.clear_ibuf [dreg:s7], $0x2FFFF;
	_ =	strace $0x9FFFFFFF  }
0xc8: {  	(tm) =	ssettm $0x7FFFFFFF  }
0xc9: {  	_ =	shalt  }
tec
execute0_lowered:
.L_overlay_start_1:
0x0: {  	(tag) =	ssettag $0x1  }
0x1: {  	s0 =	srdreg.scid;
	s2 =	stileid.u32  }
0x2: {  	s1 =	rddreg [dreg:$0x0];
	s0 =	sand.u32 $0x1, s0;
	s2 =	sshll.u32 s2, $0x1  }
0x3: {  	s6 =	rddreg [dreg:$0x1];
	s3 =	sor.u32 s0, s2;
	s2 =	simm.s32 $0x0  }
0x4: {  	s7 =	sadd.s32 $0x2200, s1;
	s4 =	sshll.u32 s3, $0x4;
	[smem:$0x7FF] =	sst s2  }
0x5: {  	s30 =	sshll.u32 s3, $0xE;
	s4 =	sadd.s32 s4, s1;
	_ =	strace $0x8000004D  }
0x6: {  	s3 =	sadd.s32 s6, s30;
	s9 =	sadd.s32 s7, s30;
	s10 =	sor.u32 $0x800, s30  }
0x7: {  	s8 =	sor.u32 $0x1000, s30;
	s14 =	sor.u32 $0x1800, s30;
	s17 =	sor.u32 $0x2000, s30  }
0x8: {  	s20 =	sor.u32 $0x2800, s30;
	s22 =	sor.u32 $0x3000, s30;
	[dreg:$0x5] =	wrdreg s3  }
0x9: {  	s25 =	sor.u32 $0x3800, s30;
	s30 =	simm.s32 $0x80;
	[dreg:$0x6] =	wrdreg s9  }
0xa: {  	s5 =	sadd.s32 $0x1E00, s4;
	[dreg:$0x15] =	wrdreg s30  }
0xb: {  	s4 =	sadd.s32 $0x2000, s4;
	[dreg:$0x3] =	wrdreg s5  }
0xc: {  	s11 =	sadd.s32 s6, s10;
	[dreg:$0x4] =	wrdreg s4  }
0xd: {  	s12 =	sadd.s32 s6, s8;
	[dreg:$0x7] =	wrdreg s11  }
0xe: {  	s31 =	simm.s32 $0x100;
	s13 =	sadd.s32 s7, s8;
	[dreg:$0x9] =	wrdreg s12  }
0xf: {  	s28 =	simm.s32 $0x8;
	s15 =	sadd.s32 s6, s14;
	[dreg:$0xa] =	wrdreg s13  }
0x10: {  	s0 =	ssub.s32 $0x2, s0;
	s16 =	sadd.s32 s7, s14;
	[dreg:$0xb] =	wrdreg s15  }
0x11: {  	s3 =	sadd.s32 $0x142200, s1;
	s18 =	sadd.s32 s6, s17;
	[dreg:$0xc] =	wrdreg s16  }
0x12: {  	s9 =	sshrl.u32 s0, $0x1;
	s19 =	sadd.s32 s7, s17;
	[dreg:$0xd] =	wrdreg s18  }
0x13: {  	s21 =	sadd.s32 s6, s20;
	s8 =	sadd.s32 s7, s20;
	[dreg:$0xe] =	wrdreg s19  }
0x14: {  	s23 =	sadd.s32 s6, s22;
	s24 =	sadd.s32 s7, s22;
	[dreg:$0xf] =	wrdreg s21  }
0x15: {  	s26 =	sadd.s32 s6, s25;
	s6 =	sadd.s32 $0x142500, s1;
	[dreg:$0x10] =	wrdreg s8  }
0x16: {  	s29 =	sadd.s32 s7, s25;
	s17 =	simm.s32 $0x8100;
	[dreg:$0x11] =	wrdreg s23  }
0x17: {  	s25 =	simm.s32 $0x4100;
	s20 =	simm.s32 $0x3;
	[dreg:$0x12] =	wrdreg s24  }
0x18: {  	s22 =	simm.s32 $0x7;
	s4 =	sadd.s32 s7, s10;
	[dreg:$0x13] =	wrdreg s26  }
0x19: {  	s0 =	ssub.s32 s0, s9;
	s5 =	sadd.s32 $0x142400, s1;
	[dreg:$0x14] =	wrdreg s29  }
0x1a: {  	v2 =	vlaneseq.u32;
	s10 =	simm.s32 $0xC100;
	s19 =	simm.s32 $0x1;
	s21 =	simm.s32 $0x5  }
0x1b: {  	vm0 =	vmmov $0xffff;
	v1 =	vshrl.u32 v2, $0x3;
	s23 =	simm.s32 $0x2;
	s24 =	simm.s32 $0x4;
	s26 =	simm.s32 $0x6  }
0x1c: {  	v0 =	vand.u32 $0x7, v2;
	v2 =	vor.u32 $0x8, v2;
	v1 =	vmul.u32 $0x8, v1;
	[dreg:$0x8] =	wrdreg s4;
	s4 =	sadd.s32 $0x142300, s1;
	s7 =	smax.u32 s0, $0x1  }
.LBB2_1:
0x1d: {  	s29 =	rddreg [dreg:$0x3];
	s0 =	simm.s32 $0x9  }
0x1e: {  	[tilespmem:s2], [sflag:$0x9] =	stream.linear.gather [hbm4b:s29+s2], $0x80, $0x38;
	[tilespmem:$0x10100] =	vst v63  }
0x1f: {  	_ =	swait.ge [sflag:s0], $0x80  }
0x20: {  	s18 =	rddreg [dreg:$0x4];
	[sflag:s0] =	ssyncset.done $0x0  }
0x21: {  	s30 =	rddreg [dreg:$0x15];
	[sflag:s0] =	ssyncadd.s32 $0xFFFFFF80  }
0x22: {  	[tilespmem:s30], [sflag:$0x9] =	stream.linear.gather [hbm4b:s18+s2], $0x80, $0x38;
	[tilespmem:$0x10100] =	vst v63  }
0x23: {  	_ =	swait.ge [sflag:s0], $0x80  }
0x24: {  	[sflag:s0] =	ssyncset.done $0x0  }
0x25: {  	[sflag:s0] =	ssyncadd.s32 $0xFFFFFF80  }
0x26: {  	v3 =	vld [tilespmem:$0x0];
	_ =	sdelay $0x4  }
0x27: {  	v4 =	vshll.u32 v3, $0x3  }
0x28: {  	v3 =	vand.u32 $0x7, v3;
	v4 =	vand.u32 $0xFFFFFFC0, v4  }
0x29: {  	v3 =	vor.u32 v3, v4  }
0x2a: {  	v4 =	vperm.xlane v3, v0;
	_ =	sdelay $0x1  }
0x2b: {  	v4 =	vadd.s32 v1, v4;
	_ =	sdelay $0x4  }
0x2c: {  	[tilespmem:s31], [sflag:$0x1] =	stream.indirect_vreg.gather [hbm4b:s3+s2], $0x80, v4, vm0, $0xb8;
	[tilespmem:$0x10100] =	vst v63  }
0x2d: {  	s1 =	simm.s32 $0x900;
	v3 =	vperm.xlane v3, v2  }
0x2e: {  	[tilespmem:s1], [sflag:$0x1] =	stream.indirect_vreg.gather [hbm4b:s4+s2], $0x80, v4, vm0, $0xb8;
	[tilespmem:$0x10100] =	vst v63  }
0x2f: {  	s8 =	simm.s32 $0x1100;
	v3 =	vadd.s32 v1, v3  }
0x30: {  	[tilespmem:s8], [sflag:$0x1] =	stream.indirect_vreg.gather [hbm4b:s5+s2], $0x80, v4, vm0, $0xb8;
	[tilespmem:$0x10100] =	vst v63  }
0x31: {  	s11 =	simm.s32 $0x1900  }
0x32: {  	[tilespmem:s11], [sflag:$0x1] =	stream.indirect_vreg.gather [hbm4b:s6+s2], $0x80, v4, vm0, $0xb8;
	[tilespmem:$0x10100] =	vst v63  }
0x33: {  	s12 =	simm.s32 $0x2100  }
0x34: {  	[tilespmem:s12], [sflag:$0x1] =	stream.indirect_vreg.gather [hbm4b:s3+s2], $0x80, v3, vm0, $0xb8;
	[tilespmem:$0x10100] =	vst v63  }
0x35: {  	s13 =	simm.s32 $0x2900  }
0x36: {  	[tilespmem:s13], [sflag:$0x1] =	stream.indirect_vreg.gather [hbm4b:s4+s2], $0x80, v3, vm0, $0xb8;
	[tilespmem:$0x10100] =	vst v63  }
0x37: {  	s14 =	simm.s32 $0x3100  }
0x38: {  	[tilespmem:s14], [sflag:$0x1] =	stream.indirect_vreg.gather [hbm4b:s5+s2], $0x80, v3, vm0, $0xb8;
	[tilespmem:$0x10100] =	vst v63  }
0x39: {  	s15 =	simm.s32 $0x3900  }
0x3a: {  	[tilespmem:s15], [sflag:$0x1] =	stream.indirect_vreg.gather [hbm4b:s6+s2], $0x80, v3, vm0, $0xb8;
	[tilespmem:$0x10100] =	vst v63  }
0x3b: {  	v3 =	vld [tilespmem:$0x80];
	_ =	sdelay $0x4  }
0x3c: {  	v49 =	vshll.u32 v3, $0x3  }
0x3d: {  	v3 =	vand.u32 $0x7, v3;
	v4 =	vand.u32 $0xFFFFFFC0, v49  }
0x3e: {  	v3 =	vor.u32 v3, v4  }
0x3f: {  	v4 =	vperm.xlane v3, v0;
	_ =	sdelay $0x1  }
0x40: {  	v4 =	vadd.s32 v1, v4;
	_ =	sdelay $0x4  }
0x41: {  	[tilespmem:s17], [sflag:$0x3] =	stream.indirect_vreg.gather [hbm4b:s3+s2], $0x80, v4, vm0, $0xb8;
	[tilespmem:$0x10100] =	vst v63  }
0x42: {  	s16 =	simm.s32 $0x8900;
	v3 =	vperm.xlane v3, v2  }
0x43: {  	[tilespmem:s16], [sflag:$0x3] =	stream.indirect_vreg.gather [hbm4b:s4+s2], $0x80, v4, vm0, $0xb8;
	[tilespmem:$0x10100] =	vst v63  }
0x44: {  	s18 =	simm.s32 $0x9100;
	v3 =	vadd.s32 v1, v3  }
0x45: {  	[tilespmem:s18], [sflag:$0x3] =	stream.indirect_vreg.gather [hbm4b:s5+s2], $0x80, v4, vm0, $0xb8;
	[tilespmem:$0x10100] =	vst v63  }
0x46: {  	s29 =	simm.s32 $0x9900  }
0x47: {  	[tilespmem:s29], [sflag:$0x3] =	stream.indirect_vreg.gather [hbm4b:s6+s2], $0x80, v4, vm0, $0xb8;
	[tilespmem:$0x10100] =	vst v63  }
0x48: {  	s30 =	simm.s32 $0xA100  }
0x49: {  	[tilespmem:s30], [sflag:$0x3] =	stream.indirect_vreg.gather [hbm4b:s3+s2], $0x80, v3, vm0, $0xb8;
	[tilespmem:$0x10100] =	vst v63  }
0x4a: {  	s0 =	simm.s32 $0xA900  }
0x4b: {  	[tilespmem:s0], [sflag:$0x3] =	stream.indirect_vreg.gather [hbm4b:s4+s2], $0x80, v3, vm0, $0xb8;
	[tilespmem:$0x10100] =	vst v63  }
0x4c: {  	s1 =	simm.s32 $0xB100  }
0x4d: {  	[tilespmem:s1], [sflag:$0x3] =	stream.indirect_vreg.gather [hbm4b:s5+s2], $0x80, v3, vm0, $0xb8;
	[tilespmem:$0x10100] =	vst v63  }
0x4e: {  	s12 =	simm.s32 $0xB900  }
0x4f: {  	[tilespmem:s12], [sflag:$0x3] =	stream.indirect_vreg.gather [hbm4b:s6+s2], $0x80, v3, vm0, $0xb8;
	[tilespmem:$0x10100] =	vst v63  }
0x50: {  	v3 =	vld [tilespmem:$0x10];
	_ =	sdelay $0x4  }
0x51: {  	v50 =	vshll.u32 v3, $0x3  }
0x52: {  	v3 =	vand.u32 $0x7, v3;
	v4 =	vand.u32 $0xFFFFFFC0, v50  }
0x53: {  	v3 =	vor.u32 v3, v4  }
0x54: {  	v4 =	vperm.xlane v3, v0;
	_ =	sdelay $0x1  }
0x55: {  	v4 =	vadd.s32 v1, v4;
	_ =	sdelay $0x4  }
0x56: {  	[tilespmem:s25], [sflag:$0x2] =	stream.indirect_vreg.gather [hbm4b:s3+s2], $0x80, v4, vm0, $0xb8;
	[tilespmem:$0x10100] =	vst v63  }
0x57: {  	s13 =	simm.s32 $0x4900;
	v3 =	vperm.xlane v3, v2  }
0x58: {  	[tilespmem:s13], [sflag:$0x2] =	stream.indirect_vreg.gather [hbm4b:s4+s2], $0x80, v4, vm0, $0xb8;
	[tilespmem:$0x10100] =	vst v63  }
0x59: {  	s15 =	simm.s32 $0x5100;
	v3 =	vadd.s32 v1, v3  }
0x5a: {  	[tilespmem:s15], [sflag:$0x2] =	stream.indirect_vreg.gather [hbm4b:s5+s2], $0x80, v4, vm0, $0xb8;
	[tilespmem:$0x10100] =	vst v63  }
0x5b: {  	s18 =	simm.s32 $0x5900  }
0x5c: {  	[tilespmem:s18], [sflag:$0x2] =	stream.indirect_vreg.gather [hbm4b:s6+s2], $0x80, v4, vm0, $0xb8;
	[tilespmem:$0x10100] =	vst v63  }
0x5d: {  	s30 =	simm.s32 $0x6100  }
0x5e: {  	[tilespmem:s30], [sflag:$0x2] =	stream.indirect_vreg.gather [hbm4b:s3+s2], $0x80, v3, vm0, $0xb8;
	[tilespmem:$0x10100] =	vst v63  }
0x5f: {  	s12 =	simm.s32 $0x6900  }
0x60: {  	[tilespmem:s12], [sflag:$0x2] =	stream.indirect_vreg.gather [hbm4b:s4+s2], $0x80, v3, vm0, $0xb8;
	[tilespmem:$0x10100] =	vst v63  }
0x61: {  	s13 =	simm.s32 $0x7100  }
0x62: {  	[tilespmem:s13], [sflag:$0x2] =	stream.indirect_vreg.gather [hbm4b:s5+s2], $0x80, v3, vm0, $0xb8;
	[tilespmem:$0x10100] =	vst v63  }
0x63: {  	s15 =	simm.s32 $0x7900  }
0x64: {  	[tilespmem:s15], [sflag:$0x2] =	stream.indirect_vreg.gather [hbm4b:s6+s2], $0x80, v3, vm0, $0xb8;
	[tilespmem:$0x10100] =	vst v63  }
0x65: {  	v3 =	vld [tilespmem:$0x90];
	_ =	sdelay $0x4  }
0x66: {  	v51 =	vshll.u32 v3, $0x3  }
0x67: {  	v3 =	vand.u32 $0x7, v3;
	v4 =	vand.u32 $0xFFFFFFC0, v51  }
0x68: {  	v3 =	vor.u32 v3, v4  }
0x69: {  	v4 =	vperm.xlane v3, v0;
	_ =	sdelay $0x1  }
0x6a: {  	v4 =	vadd.s32 v1, v4;
	_ =	sdelay $0x4  }
0x6b: {  	[tilespmem:s10], [sflag:$0x4] =	stream.indirect_vreg.gather [hbm4b:s3+s2], $0x80, v4, vm0, $0xb8;
	[tilespmem:$0x10100] =	vst v63  }
0x6c: {  	s18 =	simm.s32 $0xC900;
	v3 =	vperm.xlane v3, v2  }
0x6d: {  	[tilespmem:s18], [sflag:$0x4] =	stream.indirect_vreg.gather [hbm4b:s4+s2], $0x80, v4, vm0, $0xb8;
	[tilespmem:$0x10100] =	vst v63  }
0x6e: {  	s30 =	simm.s32 $0xD100;
	v3 =	vadd.s32 v1, v3  }
0x6f: {  	[tilespmem:s30], [sflag:$0x4] =	stream.indirect_vreg.gather [hbm4b:s5+s2], $0x80, v4, vm0, $0xb8;
	[tilespmem:$0x10100] =	vst v63  }
0x70: {  	s12 =	simm.s32 $0xD900  }
0x71: {  	[tilespmem:s12], [sflag:$0x4] =	stream.indirect_vreg.gather [hbm4b:s6+s2], $0x80, v4, vm0, $0xb8;
	[tilespmem:$0x10100] =	vst v63  }
0x72: {  	s13 =	simm.s32 $0xE100  }
0x73: {  	[tilespmem:s13], [sflag:$0x4] =	stream.indirect_vreg.gather [hbm4b:s3+s2], $0x80, v3, vm0, $0xb8;
	[tilespmem:$0x10100] =	vst v63  }
0x74: {  	s15 =	simm.s32 $0xE900  }
0x75: {  	[tilespmem:s15], [sflag:$0x4] =	stream.indirect_vreg.gather [hbm4b:s4+s2], $0x80, v3, vm0, $0xb8;
	[tilespmem:$0x10100] =	vst v63  }
0x76: {  	s18 =	simm.s32 $0xF100  }
0x77: {  	[tilespmem:s18], [sflag:$0x4] =	stream.indirect_vreg.gather [hbm4b:s5+s2], $0x80, v3, vm0, $0xb8;
	[tilespmem:$0x10100] =	vst v63  }
0x78: {  	s30 =	simm.s32 $0xF900  }
0x79: {  	[tilespmem:s30], [sflag:$0x4] =	stream.indirect_vreg.gather [hbm4b:s6+s2], $0x80, v3, vm0, $0xb8;
	[tilespmem:$0x10100] =	vst v63  }
0x7a: {  	_ =	swait.ge [sflag:s19], $0x4000  }
0x7b: {  	[sflag:s19] =	ssyncset.done $0x0  }
0x7c: {  	[sflag:s19] =	ssyncadd.s32 $0xFFFFC000  }
0x7d: {  	_ =	swait.ge [sflag:s20], $0x4000  }
0x7e: {  	[sflag:s20] =	ssyncset.done $0x0  }
0x7f: {  	s12 =	rddreg [dreg:$0x5];
	[sflag:s20] =	ssyncadd.s32 $0xFFFFC000  }
0x80: {  	[hbm4b:s12+s2] =	stream.linear.scatter [tilespmem:s31], [sflag:$0x5], $0x4000, $0x38;
	[tilespmem:$0x10100] =	vst v63  }
0x81: {  	s13 =	rddreg [dreg:$0x6]  }
0x82: {  	[hbm4b:s13+s2] =	stream.linear.scatter [tilespmem:s17], [sflag:$0x7], $0x4000, $0x38;
	[tilespmem:$0x10100] =	vst v63  }
0x83: {  	_ =	swait.ge [sflag:s21], $0x4000  }
0x84: {  	[sflag:s21] =	ssyncset.done $0x0  }
0x85: {  	[sflag:s21] =	ssyncadd.s32 $0xFFFFC000  }
0x86: {  	_ =	swait.ge [sflag:s22], $0x4000  }
0x87: {  	[sflag:s22] =	ssyncset.done $0x0  }
0x88: {  	[sflag:s22] =	ssyncadd.s32 $0xFFFFC000  }
0x89: {  	v3 =	vld [tilespmem:$0x20];
	_ =	sdelay $0x4  }
0x8a: {  	v52 =	vshll.u32 v3, $0x3  }
0x8b: {  	v3 =	vand.u32 $0x7, v3;
	v4 =	vand.u32 $0xFFFFFFC0, v52  }
0x8c: {  	v3 =	vor.u32 v3, v4  }
0x8d: {  	v4 =	vperm.xlane v3, v0;
	_ =	sdelay $0x1  }
0x8e: {  	v4 =	vadd.s32 v1, v4;
	_ =	sdelay $0x4  }
0x8f: {  	[tilespmem:s31], [sflag:$0x1] =	stream.indirect_vreg.gather [hbm4b:s3+s2], $0x80, v4, vm0, $0xb8;
	[tilespmem:$0x10100] =	vst v63  }
0x90: {  	s9 =	simm.s32 $0x900;
	v3 =	vperm.xlane v3, v2  }
0x91: {  	[tilespmem:s9], [sflag:$0x1] =	stream.indirect_vreg.gather [hbm4b:s4+s2], $0x80, v4, vm0, $0xb8;
	[tilespmem:$0x10100] =	vst v63  }
0x92: {  	v3 =	vadd.s32 v1, v3;
	s9 =	simm.s32 $0x1100  }
0x93: {  	[tilespmem:s9], [sflag:$0x1] =	stream.indirect_vreg.gather [hbm4b:s5+s2], $0x80, v4, vm0, $0xb8;
	[tilespmem:$0x10100] =	vst v63  }
0x94: {  	s8 =	simm.s32 $0x1900  }
0x95: {  	[tilespmem:s8], [sflag:$0x1] =	stream.indirect_vreg.gather [hbm4b:s6+s2], $0x80, v4, vm0, $0xb8;
	[tilespmem:$0x10100] =	vst v63  }
0x96: {  	s8 =	simm.s32 $0x2100  }
0x97: {  	[tilespmem:s8], [sflag:$0x1] =	stream.indirect_vreg.gather [hbm4b:s3+s2], $0x80, v3, vm0, $0xb8;
	[tilespmem:$0x10100] =	vst v63  }
0x98: {  	s12 =	simm.s32 $0x2900  }
0x99: {  	[tilespmem:s12], [sflag:$0x1] =	stream.indirect_vreg.gather [hbm4b:s4+s2], $0x80, v3, vm0, $0xb8;
	[tilespmem:$0x10100] =	vst v63  }
0x9a: {  	s13 =	simm.s32 $0x3100  }
0x9b: {  	[tilespmem:s13], [sflag:$0x1] =	stream.indirect_vreg.gather [hbm4b:s5+s2], $0x80, v3, vm0, $0xb8;
	[tilespmem:$0x10100] =	vst v63  }
0x9c: {  	s15 =	simm.s32 $0x3900  }
0x9d: {  	[tilespmem:s15], [sflag:$0x1] =	stream.indirect_vreg.gather [hbm4b:s6+s2], $0x80, v3, vm0, $0xb8;
	[tilespmem:$0x10100] =	vst v63  }
0x9e: {  	v3 =	vld [tilespmem:$0xA0];
	_ =	sdelay $0x4  }
0x9f: {  	v53 =	vshll.u32 v3, $0x3  }
0xa0: {  	v3 =	vand.u32 $0x7, v3;
	v4 =	vand.u32 $0xFFFFFFC0, v53  }
0xa1: {  	v3 =	vor.u32 v3, v4  }
0xa2: {  	v4 =	vperm.xlane v3, v0;
	_ =	sdelay $0x1  }
0xa3: {  	v4 =	vadd.s32 v1, v4;
	_ =	sdelay $0x4  }
0xa4: {  	[tilespmem:s17], [sflag:$0x3] =	stream.indirect_vreg.gather [hbm4b:s3+s2], $0x80, v4, vm0, $0xb8;
	[tilespmem:$0x10100] =	vst v63  }
0xa5: {  	s16 =	simm.s32 $0x8900;
	v3 =	vperm.xlane v3, v2  }
0xa6: {  	[tilespmem:s16], [sflag:$0x3] =	stream.indirect_vreg.gather [hbm4b:s4+s2], $0x80, v4, vm0, $0xb8;
	[tilespmem:$0x10100] =	vst v63  }
0xa7: {  	v3 =	vadd.s32 v1, v3;
	s16 =	simm.s32 $0x9100  }
0xa8: {  	[tilespmem:s16], [sflag:$0x3] =	stream.indirect_vreg.gather [hbm4b:s5+s2], $0x80, v4, vm0, $0xb8;
	[tilespmem:$0x10100] =	vst v63  }
0xa9: {  	s18 =	simm.s32 $0x9900  }
0xaa: {  	[tilespmem:s18], [sflag:$0x3] =	stream.indirect_vreg.gather [hbm4b:s6+s2], $0x80, v4, vm0, $0xb8;
	[tilespmem:$0x10100] =	vst v63  }
0xab: {  	s11 =	simm.s32 $0xA100  }
0xac: {  	[tilespmem:s11], [sflag:$0x3] =	stream.indirect_vreg.gather [hbm4b:s3+s2], $0x80, v3, vm0, $0xb8;
	[tilespmem:$0x10100] =	vst v63  }
0xad: {  	s0 =	simm.s32 $0xA900  }
0xae: {  	[tilespmem:s0], [sflag:$0x3] =	stream.indirect_vreg.gather [hbm4b:s4+s2], $0x80, v3, vm0, $0xb8;
	[tilespmem:$0x10100] =	vst v63  }
0xaf: {  	s1 =	simm.s32 $0xB100  }
0xb0: {  	[tilespmem:s1], [sflag:$0x3] =	stream.indirect_vreg.gather [hbm4b:s5+s2], $0x80, v3, vm0, $0xb8;
	[tilespmem:$0x10100] =	vst v63  }
0xb1: {  	s14 =	simm.s32 $0xB900  }
0xb2: {  	[tilespmem:s14], [sflag:$0x3] =	stream.indirect_vreg.gather [hbm4b:s6+s2], $0x80, v3, vm0, $0xb8;
	[tilespmem:$0x10100] =	vst v63  }
0xb3: {  	_ =	swait.ge [sflag:s23], $0x4000  }
0xb4: {  	[sflag:s23] =	ssyncset.done $0x0  }
0xb5: {  	[sflag:s23] =	ssyncadd.s32 $0xFFFFC000  }
0xb6: {  	_ =	swait.ge [sflag:s24], $0x4000  }
0xb7: {  	[sflag:s24] =	ssyncset.done $0x0  }
0xb8: {  	s14 =	rddreg [dreg:$0x7];
	[sflag:s24] =	ssyncadd.s32 $0xFFFFC000  }
0xb9: {  	[hbm4b:s14+s2] =	stream.linear.scatter [tilespmem:s25], [sflag:$0x6], $0x4000, $0x38;
	[tilespmem:$0x10100] =	vst v63  }
0xba: {  	s0 =	rddreg [dreg:$0x8]  }
0xbb: {  	[hbm4b:s0+s2] =	stream.linear.scatter [tilespmem:s10], [sflag:$0x8], $0x4000, $0x38;
	[tilespmem:$0x10100] =	vst v63  }
0xbc: {  	_ =	swait.ge [sflag:s26], $0x4000  }
0xbd: {  	[sflag:s26] =	ssyncset.done $0x0  }
0xbe: {  	[sflag:s26] =	ssyncadd.s32 $0xFFFFC000  }
0xbf: {  	_ =	swait.ge [sflag:s28], $0x4000  }
0xc0: {  	[sflag:s28] =	ssyncset.done $0x0  }
0xc1: {  	[sflag:s28] =	ssyncadd.s32 $0xFFFFC000  }
0xc2: {  	v3 =	vld [tilespmem:$0x30];
	_ =	sdelay $0x4  }
0xc3: {  	v54 =	vshll.u32 v3, $0x3  }
0xc4: {  	v3 =	vand.u32 $0x7, v3;
	v4 =	vand.u32 $0xFFFFFFC0, v54  }
0xc5: {  	v3 =	vor.u32 v3, v4  }
0xc6: {  	v4 =	vperm.xlane v3, v0;
	_ =	sdelay $0x1  }
0xc7: {  	v4 =	vadd.s32 v1, v4;
	_ =	sdelay $0x4  }
0xc8: {  	[tilespmem:s25], [sflag:$0x2] =	stream.indirect_vreg.gather [hbm4b:s3+s2], $0x80, v4, vm0, $0xb8;
	[tilespmem:$0x10100] =	vst v63  }
0xc9: {  	s1 =	simm.s32 $0x4900;
	v3 =	vperm.xlane v3, v2  }
0xca: {  	[tilespmem:s1], [sflag:$0x2] =	stream.indirect_vreg.gather [hbm4b:s4+s2], $0x80, v4, vm0, $0xb8;
	[tilespmem:$0x10100] =	vst v63  }
0xcb: {  	s11 =	simm.s32 $0x5100;
	v3 =	vadd.s32 v1, v3  }
0xcc: {  	[tilespmem:s11], [sflag:$0x2] =	stream.indirect_vreg.gather [hbm4b:s5+s2], $0x80, v4, vm0, $0xb8;
	[tilespmem:$0x10100] =	vst v63  }
0xcd: {  	s14 =	simm.s32 $0x5900  }
0xce: {  	[tilespmem:s14], [sflag:$0x2] =	stream.indirect_vreg.gather [hbm4b:s6+s2], $0x80, v4, vm0, $0xb8;
	[tilespmem:$0x10100] =	vst v63  }
0xcf: {  	s29 =	simm.s32 $0x6100  }
0xd0: {  	[tilespmem:s29], [sflag:$0x2] =	stream.indirect_vreg.gather [hbm4b:s3+s2], $0x80, v3, vm0, $0xb8;
	[tilespmem:$0x10100] =	vst v63  }
0xd1: {  	s30 =	simm.s32 $0x6900  }
0xd2: {  	[tilespmem:s30], [sflag:$0x2] =	stream.indirect_vreg.gather [hbm4b:s4+s2], $0x80, v3, vm0, $0xb8;
	[tilespmem:$0x10100] =	vst v63  }
0xd3: {  	s14 =	simm.s32 $0x7100  }
0xd4: {  	[tilespmem:s14], [sflag:$0x2] =	stream.indirect_vreg.gather [hbm4b:s5+s2], $0x80, v3, vm0, $0xb8;
	[tilespmem:$0x10100] =	vst v63  }
0xd5: {  	s29 =	simm.s32 $0x7900  }
0xd6: {  	[tilespmem:s29], [sflag:$0x2] =	stream.indirect_vreg.gather [hbm4b:s6+s2], $0x80, v3, vm0, $0xb8;
	[tilespmem:$0x10100] =	vst v63  }
0xd7: {  	v3 =	vld [tilespmem:$0xB0];
	_ =	sdelay $0x4  }
0xd8: {  	v55 =	vshll.u32 v3, $0x3  }
0xd9: {  	v3 =	vand.u32 $0x7, v3;
	v4 =	vand.u32 $0xFFFFFFC0, v55  }
0xda: {  	v3 =	vor.u32 v3, v4  }
0xdb: {  	v4 =	vperm.xlane v3, v0;
	_ =	sdelay $0x1  }
0xdc: {  	v4 =	vadd.s32 v1, v4;
	_ =	sdelay $0x4  }
0xdd: {  	[tilespmem:s10], [sflag:$0x4] =	stream.indirect_vreg.gather [hbm4b:s3+s2], $0x80, v4, vm0, $0xb8;
	[tilespmem:$0x10100] =	vst v63  }
0xde: {  	s30 =	simm.s32 $0xC900;
	v3 =	vperm.xlane v3, v2  }
0xdf: {  	[tilespmem:s30], [sflag:$0x4] =	stream.indirect_vreg.gather [hbm4b:s4+s2], $0x80, v4, vm0, $0xb8;
	[tilespmem:$0x10100] =	vst v63  }
0xe0: {  	s14 =	simm.s32 $0xD100;
	v3 =	vadd.s32 v1, v3  }
0xe1: {  	[tilespmem:s14], [sflag:$0x4] =	stream.indirect_vreg.gather [hbm4b:s5+s2], $0x80, v4, vm0, $0xb8;
	[tilespmem:$0x10100] =	vst v63  }
0xe2: {  	s29 =	simm.s32 $0xD900  }
0xe3: {  	[tilespmem:s29], [sflag:$0x4] =	stream.indirect_vreg.gather [hbm4b:s6+s2], $0x80, v4, vm0, $0xb8;
	[tilespmem:$0x10100] =	vst v63  }
0xe4: {  	s30 =	simm.s32 $0xE100  }
0xe5: {  	[tilespmem:s30], [sflag:$0x4] =	stream.indirect_vreg.gather [hbm4b:s3+s2], $0x80, v3, vm0, $0xb8;
	[tilespmem:$0x10100] =	vst v63  }
0xe6: {  	s14 =	simm.s32 $0xE900  }
0xe7: {  	[tilespmem:s14], [sflag:$0x4] =	stream.indirect_vreg.gather [hbm4b:s4+s2], $0x80, v3, vm0, $0xb8;
	[tilespmem:$0x10100] =	vst v63  }
0xe8: {  	s29 =	simm.s32 $0xF100  }
0xe9: {  	[tilespmem:s29], [sflag:$0x4] =	stream.indirect_vreg.gather [hbm4b:s5+s2], $0x80, v3, vm0, $0xb8;
	[tilespmem:$0x10100] =	vst v63  }
0xea: {  	s30 =	simm.s32 $0xF900  }
0xeb: {  	[tilespmem:s30], [sflag:$0x4] =	stream.indirect_vreg.gather [hbm4b:s6+s2], $0x80, v3, vm0, $0xb8;
	[tilespmem:$0x10100] =	vst v63  }
0xec: {  	_ =	swait.ge [sflag:s19], $0x4000  }
0xed: {  	[sflag:s19] =	ssyncset.done $0x0  }
0xee: {  	[sflag:s19] =	ssyncadd.s32 $0xFFFFC000  }
0xef: {  	_ =	swait.ge [sflag:s20], $0x4000  }
0xf0: {  	[sflag:s20] =	ssyncset.done $0x0  }
0xf1: {  	s1 =	rddreg [dreg:$0x9];
	[sflag:s20] =	ssyncadd.s32 $0xFFFFC000  }
0xf2: {  	[hbm4b:s1+s2] =	stream.linear.scatter [tilespmem:s31], [sflag:$0x5], $0x4000, $0x38;
	[tilespmem:$0x10100] =	vst v63  }
0xf3: {  	s14 =	rddreg [dreg:$0xa]  }
0xf4: {  	[hbm4b:s14+s2] =	stream.linear.scatter [tilespmem:s17], [sflag:$0x7], $0x4000, $0x38;
	[tilespmem:$0x10100] =	vst v63  }
0xf5: {  	_ =	swait.ge [sflag:s21], $0x4000  }
0xf6: {  	[sflag:s21] =	ssyncset.done $0x0  }
0xf7: {  	[sflag:s21] =	ssyncadd.s32 $0xFFFFC000  }
0xf8: {  	_ =	swait.ge [sflag:s22], $0x4000  }
0xf9: {  	[sflag:s22] =	ssyncset.done $0x0  }
0xfa: {  	[sflag:s22] =	ssyncadd.s32 $0xFFFFC000  }
0xfb: {  	v3 =	vld [tilespmem:$0x40];
	_ =	sdelay $0x4  }
0xfc: {  	v56 =	vshll.u32 v3, $0x3  }
0xfd: {  	v3 =	vand.u32 $0x7, v3;
	v4 =	vand.u32 $0xFFFFFFC0, v56  }
0xfe: {  	v3 =	vor.u32 v3, v4  }
0xff: {  	v4 =	vperm.xlane v3, v0;
	_ =	sdelay $0x1  }
0x100: {  	v4 =	vadd.s32 v1, v4;
	_ =	sdelay $0x4  }
0x101: {  	[tilespmem:s31], [sflag:$0x1] =	stream.indirect_vreg.gather [hbm4b:s3+s2], $0x80, v4, vm0, $0xb8;
	[tilespmem:$0x10100] =	vst v63  }
0x102: {  	s30 =	simm.s32 $0x900;
	v3 =	vperm.xlane v3, v2  }
0x103: {  	[tilespmem:s30], [sflag:$0x1] =	stream.indirect_vreg.gather [hbm4b:s4+s2], $0x80, v4, vm0, $0xb8;
	[tilespmem:$0x10100] =	vst v63  }
0x104: {  	v3 =	vadd.s32 v1, v3  }
0x105: {  	[tilespmem:s9], [sflag:$0x1] =	stream.indirect_vreg.gather [hbm4b:s5+s2], $0x80, v4, vm0, $0xb8;
	[tilespmem:$0x10100] =	vst v63  }
0x106: {  	s14 =	simm.s32 $0x1900  }
0x107: {  	[tilespmem:s14], [sflag:$0x1] =	stream.indirect_vreg.gather [hbm4b:s6+s2], $0x80, v4, vm0, $0xb8;
	[tilespmem:$0x10100] =	vst v63  }
0x108: {  	_ = 	snop  }
0x109: {  	[tilespmem:s8], [sflag:$0x1] =	stream.indirect_vreg.gather [hbm4b:s3+s2], $0x80, v3, vm0, $0xb8;
	[tilespmem:$0x10100] =	vst v63  }
0x10a: {  	_ = 	snop  }
0x10b: {  	[tilespmem:s12], [sflag:$0x1] =	stream.indirect_vreg.gather [hbm4b:s4+s2], $0x80, v3, vm0, $0xb8;
	[tilespmem:$0x10100] =	vst v63  }
0x10c: {  	_ = 	snop  }
0x10d: {  	[tilespmem:s13], [sflag:$0x1] =	stream.indirect_vreg.gather [hbm4b:s5+s2], $0x80, v3, vm0, $0xb8;
	[tilespmem:$0x10100] =	vst v63  }
0x10e: {  	_ = 	snop  }
0x10f: {  	[tilespmem:s15], [sflag:$0x1] =	stream.indirect_vreg.gather [hbm4b:s6+s2], $0x80, v3, vm0, $0xb8;
	[tilespmem:$0x10100] =	vst v63  }
0x110: {  	v3 =	vld [tilespmem:$0xC0];
	_ =	sdelay $0x4  }
0x111: {  	v57 =	vshll.u32 v3, $0x3  }
0x112: {  	v3 =	vand.u32 $0x7, v3;
	v4 =	vand.u32 $0xFFFFFFC0, v57  }
0x113: {  	v3 =	vor.u32 v3, v4  }
0x114: {  	v4 =	vperm.xlane v3, v0;
	_ =	sdelay $0x1  }
0x115: {  	v4 =	vadd.s32 v1, v4;
	_ =	sdelay $0x4  }
0x116: {  	[tilespmem:s17], [sflag:$0x3] =	stream.indirect_vreg.gather [hbm4b:s3+s2], $0x80, v4, vm0, $0xb8;
	[tilespmem:$0x10100] =	vst v63  }
0x117: {  	s29 =	simm.s32 $0x8900;
	v3 =	vperm.xlane v3, v2  }
0x118: {  	[tilespmem:s29], [sflag:$0x3] =	stream.indirect_vreg.gather [hbm4b:s4+s2], $0x80, v4, vm0, $0xb8;
	[tilespmem:$0x10100] =	vst v63  }
0x119: {  	v3 =	vadd.s32 v1, v3  }
0x11a: {  	[tilespmem:s16], [sflag:$0x3] =	stream.indirect_vreg.gather [hbm4b:s5+s2], $0x80, v4, vm0, $0xb8;
	[tilespmem:$0x10100] =	vst v63  }
0x11b: {  	_ = 	snop  }
0x11c: {  	[tilespmem:s18], [sflag:$0x3] =	stream.indirect_vreg.gather [hbm4b:s6+s2], $0x80, v4, vm0, $0xb8;
	[tilespmem:$0x10100] =	vst v63  }
0x11d: {  	s30 =	simm.s32 $0xA100  }
0x11e: {  	[tilespmem:s30], [sflag:$0x3] =	stream.indirect_vreg.gather [hbm4b:s3+s2], $0x80, v3, vm0, $0xb8;
	[tilespmem:$0x10100] =	vst v63  }
0x11f: {  	s18 =	simm.s32 $0xA900  }
0x120: {  	[tilespmem:s18], [sflag:$0x3] =	stream.indirect_vreg.gather [hbm4b:s4+s2], $0x80, v3, vm0, $0xb8;
	[tilespmem:$0x10100] =	vst v63  }
0x121: {  	s29 =	simm.s32 $0xB100  }
0x122: {  	[tilespmem:s29], [sflag:$0x3] =	stream.indirect_vreg.gather [hbm4b:s5+s2], $0x80, v3, vm0, $0xb8;
	[tilespmem:$0x10100] =	vst v63  }
0x123: {  	s30 =	simm.s32 $0xB900  }
0x124: {  	[tilespmem:s30], [sflag:$0x3] =	stream.indirect_vreg.gather [hbm4b:s6+s2], $0x80, v3, vm0, $0xb8;
	[tilespmem:$0x10100] =	vst v63  }
0x125: {  	_ =	swait.ge [sflag:s23], $0x4000  }
0x126: {  	[sflag:s23] =	ssyncset.done $0x0  }
0x127: {  	[sflag:s23] =	ssyncadd.s32 $0xFFFFC000  }
0x128: {  	_ =	swait.ge [sflag:s24], $0x4000  }
0x129: {  	[sflag:s24] =	ssyncset.done $0x0  }
0x12a: {  	s16 =	rddreg [dreg:$0xb];
	[sflag:s24] =	ssyncadd.s32 $0xFFFFC000  }
0x12b: {  	[hbm4b:s16+s2] =	stream.linear.scatter [tilespmem:s25], [sflag:$0x6], $0x4000, $0x38;
	[tilespmem:$0x10100] =	vst v63  }
0x12c: {  	s18 =	rddreg [dreg:$0xc]  }
0x12d: {  	[hbm4b:s18+s2] =	stream.linear.scatter [tilespmem:s10], [sflag:$0x8], $0x4000, $0x38;
	[tilespmem:$0x10100] =	vst v63  }
0x12e: {  	_ =	swait.ge [sflag:s26], $0x4000  }
0x12f: {  	[sflag:s26] =	ssyncset.done $0x0  }
0x130: {  	[sflag:s26] =	ssyncadd.s32 $0xFFFFC000  }
0x131: {  	_ =	swait.ge [sflag:s28], $0x4000  }
0x132: {  	[sflag:s28] =	ssyncset.done $0x0  }
0x133: {  	[sflag:s28] =	ssyncadd.s32 $0xFFFFC000  }
0x134: {  	v3 =	vld [tilespmem:$0x50];
	_ =	sdelay $0x4  }
0x135: {  	v58 =	vshll.u32 v3, $0x3  }
0x136: {  	v3 =	vand.u32 $0x7, v3;
	v4 =	vand.u32 $0xFFFFFFC0, v58  }
0x137: {  	v3 =	vor.u32 v3, v4  }
0x138: {  	v4 =	vperm.xlane v3, v0;
	_ =	sdelay $0x1  }
0x139: {  	v4 =	vadd.s32 v1, v4;
	_ =	sdelay $0x4  }
0x13a: {  	[tilespmem:s25], [sflag:$0x2] =	stream.indirect_vreg.gather [hbm4b:s3+s2], $0x80, v4, vm0, $0xb8;
	[tilespmem:$0x10100] =	vst v63  }
0x13b: {  	s30 =	simm.s32 $0x4900;
	v3 =	vperm.xlane v3, v2  }
0x13c: {  	[tilespmem:s30], [sflag:$0x2] =	stream.indirect_vreg.gather [hbm4b:s4+s2], $0x80, v4, vm0, $0xb8;
	[tilespmem:$0x10100] =	vst v63  }
0x13d: {  	s0 =	simm.s32 $0x5100;
	v3 =	vadd.s32 v1, v3  }
0x13e: {  	[tilespmem:s0], [sflag:$0x2] =	stream.indirect_vreg.gather [hbm4b:s5+s2], $0x80, v4, vm0, $0xb8;
	[tilespmem:$0x10100] =	vst v63  }
0x13f: {  	s11 =	simm.s32 $0x5900  }
0x140: {  	[tilespmem:s11], [sflag:$0x2] =	stream.indirect_vreg.gather [hbm4b:s6+s2], $0x80, v4, vm0, $0xb8;
	[tilespmem:$0x10100] =	vst v63  }
0x141: {  	s18 =	simm.s32 $0x6100  }
0x142: {  	[tilespmem:s18], [sflag:$0x2] =	stream.indirect_vreg.gather [hbm4b:s3+s2], $0x80, v3, vm0, $0xb8;
	[tilespmem:$0x10100] =	vst v63  }
0x143: {  	s29 =	simm.s32 $0x6900  }
0x144: {  	[tilespmem:s29], [sflag:$0x2] =	stream.indirect_vreg.gather [hbm4b:s4+s2], $0x80, v3, vm0, $0xb8;
	[tilespmem:$0x10100] =	vst v63  }
0x145: {  	s30 =	simm.s32 $0x7100  }
0x146: {  	[tilespmem:s30], [sflag:$0x2] =	stream.indirect_vreg.gather [hbm4b:s5+s2], $0x80, v3, vm0, $0xb8;
	[tilespmem:$0x10100] =	vst v63  }
0x147: {  	s30 =	simm.s32 $0x7900  }
0x148: {  	[tilespmem:s30], [sflag:$0x2] =	stream.indirect_vreg.gather [hbm4b:s6+s2], $0x80, v3, vm0, $0xb8;
	[tilespmem:$0x10100] =	vst v63  }
0x149: {  	v3 =	vld [tilespmem:$0xD0];
	_ =	sdelay $0x4  }
0x14a: {  	v59 =	vshll.u32 v3, $0x3  }
0x14b: {  	v3 =	vand.u32 $0x7, v3;
	v4 =	vand.u32 $0xFFFFFFC0, v59  }
0x14c: {  	v3 =	vor.u32 v3, v4  }
0x14d: {  	v4 =	vperm.xlane v3, v0;
	_ =	sdelay $0x1  }
0x14e: {  	v4 =	vadd.s32 v1, v4;
	_ =	sdelay $0x4  }
0x14f: {  	[tilespmem:s10], [sflag:$0x4] =	stream.indirect_vreg.gather [hbm4b:s3+s2], $0x80, v4, vm0, $0xb8;
	[tilespmem:$0x10100] =	vst v63  }
0x150: {  	s30 =	simm.s32 $0xC900;
	v3 =	vperm.xlane v3, v2  }
0x151: {  	[tilespmem:s30], [sflag:$0x4] =	stream.indirect_vreg.gather [hbm4b:s4+s2], $0x80, v4, vm0, $0xb8;
	[tilespmem:$0x10100] =	vst v63  }
0x152: {  	v3 =	vadd.s32 v1, v3;
	s30 =	simm.s32 $0xD100  }
0x153: {  	[tilespmem:s30], [sflag:$0x4] =	stream.indirect_vreg.gather [hbm4b:s5+s2], $0x80, v4, vm0, $0xb8;
	[tilespmem:$0x10100] =	vst v63  }
0x154: {  	s30 =	simm.s32 $0xD900  }
0x155: {  	[tilespmem:s30], [sflag:$0x4] =	stream.indirect_vreg.gather [hbm4b:s6+s2], $0x80, v4, vm0, $0xb8;
	[tilespmem:$0x10100] =	vst v63  }
0x156: {  	s30 =	simm.s32 $0xE100  }
0x157: {  	[tilespmem:s30], [sflag:$0x4] =	stream.indirect_vreg.gather [hbm4b:s3+s2], $0x80, v3, vm0, $0xb8;
	[tilespmem:$0x10100] =	vst v63  }
0x158: {  	s30 =	simm.s32 $0xE900  }
0x159: {  	[tilespmem:s30], [sflag:$0x4] =	stream.indirect_vreg.gather [hbm4b:s4+s2], $0x80, v3, vm0, $0xb8;
	[tilespmem:$0x10100] =	vst v63  }
0x15a: {  	s30 =	simm.s32 $0xF100  }
0x15b: {  	[tilespmem:s30], [sflag:$0x4] =	stream.indirect_vreg.gather [hbm4b:s5+s2], $0x80, v3, vm0, $0xb8;
	[tilespmem:$0x10100] =	vst v63  }
0x15c: {  	s30 =	simm.s32 $0xF900  }
0x15d: {  	[tilespmem:s30], [sflag:$0x4] =	stream.indirect_vreg.gather [hbm4b:s6+s2], $0x80, v3, vm0, $0xb8;
	[tilespmem:$0x10100] =	vst v63  }
0x15e: {  	_ =	swait.ge [sflag:s19], $0x4000  }
0x15f: {  	[sflag:s19] =	ssyncset.done $0x0  }
0x160: {  	[sflag:s19] =	ssyncadd.s32 $0xFFFFC000  }
0x161: {  	_ =	swait.ge [sflag:s20], $0x4000  }
0x162: {  	[sflag:s20] =	ssyncset.done $0x0  }
0x163: {  	s29 =	rddreg [dreg:$0xd];
	[sflag:s20] =	ssyncadd.s32 $0xFFFFC000  }
0x164: {  	[hbm4b:s29+s2] =	stream.linear.scatter [tilespmem:s31], [sflag:$0x5], $0x4000, $0x38;
	[tilespmem:$0x10100] =	vst v63  }
0x165: {  	s30 =	rddreg [dreg:$0xe]  }
0x166: {  	[hbm4b:s30+s2] =	stream.linear.scatter [tilespmem:s17], [sflag:$0x7], $0x4000, $0x38;
	[tilespmem:$0x10100] =	vst v63  }
0x167: {  	_ =	swait.ge [sflag:s21], $0x4000  }
0x168: {  	[sflag:s21] =	ssyncset.done $0x0  }
0x169: {  	[sflag:s21] =	ssyncadd.s32 $0xFFFFC000  }
0x16a: {  	_ =	swait.ge [sflag:s22], $0x4000  }
0x16b: {  	[sflag:s22] =	ssyncset.done $0x0  }
0x16c: {  	[sflag:s22] =	ssyncadd.s32 $0xFFFFC000  }
0x16d: {  	v3 =	vld [tilespmem:$0x60];
	_ =	sdelay $0x4  }
0x16e: {  	v60 =	vshll.u32 v3, $0x3  }
0x16f: {  	v3 =	vand.u32 $0x7, v3;
	v4 =	vand.u32 $0xFFFFFFC0, v60  }
0x170: {  	v3 =	vor.u32 v3, v4  }
0x171: {  	v4 =	vperm.xlane v3, v0;
	_ =	sdelay $0x1  }
0x172: {  	v4 =	vadd.s32 v1, v4;
	_ =	sdelay $0x4  }
0x173: {  	[tilespmem:s31], [sflag:$0x1] =	stream.indirect_vreg.gather [hbm4b:s3+s2], $0x80, v4, vm0, $0xb8;
	[tilespmem:$0x10100] =	vst v63  }
0x174: {  	s30 =	simm.s32 $0x900;
	v3 =	vperm.xlane v3, v2  }
0x175: {  	[tilespmem:s30], [sflag:$0x1] =	stream.indirect_vreg.gather [hbm4b:s4+s2], $0x80, v4, vm0, $0xb8;
	[tilespmem:$0x10100] =	vst v63  }
0x176: {  	s1 =	simm.s32 $0x1100;
	v3 =	vadd.s32 v1, v3  }
0x177: {  	[tilespmem:s1], [sflag:$0x1] =	stream.indirect_vreg.gather [hbm4b:s5+s2], $0x80, v4, vm0, $0xb8;
	[tilespmem:$0x10100] =	vst v63  }
0x178: {  	s30 =	simm.s32 $0x1900  }
0x179: {  	[tilespmem:s30], [sflag:$0x1] =	stream.indirect_vreg.gather [hbm4b:s6+s2], $0x80, v4, vm0, $0xb8;
	[tilespmem:$0x10100] =	vst v63  }
0x17a: {  	s8 =	simm.s32 $0x2100  }
0x17b: {  	[tilespmem:s8], [sflag:$0x1] =	stream.indirect_vreg.gather [hbm4b:s3+s2], $0x80, v3, vm0, $0xb8;
	[tilespmem:$0x10100] =	vst v63  }
0x17c: {  	s9 =	simm.s32 $0x2900  }
0x17d: {  	[tilespmem:s9], [sflag:$0x1] =	stream.indirect_vreg.gather [hbm4b:s4+s2], $0x80, v3, vm0, $0xb8;
	[tilespmem:$0x10100] =	vst v63  }
0x17e: {  	s12 =	simm.s32 $0x3100  }
0x17f: {  	[tilespmem:s12], [sflag:$0x1] =	stream.indirect_vreg.gather [hbm4b:s5+s2], $0x80, v3, vm0, $0xb8;
	[tilespmem:$0x10100] =	vst v63  }
0x180: {  	s13 =	simm.s32 $0x3900  }
0x181: {  	[tilespmem:s13], [sflag:$0x1] =	stream.indirect_vreg.gather [hbm4b:s6+s2], $0x80, v3, vm0, $0xb8;
	[tilespmem:$0x10100] =	vst v63  }
0x182: {  	v3 =	vld [tilespmem:$0xE0];
	_ =	sdelay $0x4  }
0x183: {  	v61 =	vshll.u32 v3, $0x3  }
0x184: {  	v3 =	vand.u32 $0x7, v3;
	v4 =	vand.u32 $0xFFFFFFC0, v61  }
0x185: {  	v3 =	vor.u32 v3, v4  }
0x186: {  	v4 =	vperm.xlane v3, v0;
	_ =	sdelay $0x1  }
0x187: {  	v4 =	vadd.s32 v1, v4;
	_ =	sdelay $0x4  }
0x188: {  	[tilespmem:s17], [sflag:$0x3] =	stream.indirect_vreg.gather [hbm4b:s3+s2], $0x80, v4, vm0, $0xb8;
	[tilespmem:$0x10100] =	vst v63  }
0x189: {  	s29 =	simm.s32 $0x8900;
	v3 =	vperm.xlane v3, v2  }
0x18a: {  	[tilespmem:s29], [sflag:$0x3] =	stream.indirect_vreg.gather [hbm4b:s4+s2], $0x80, v4, vm0, $0xb8;
	[tilespmem:$0x10100] =	vst v63  }
0x18b: {  	s14 =	simm.s32 $0x9100;
	v3 =	vadd.s32 v1, v3  }
0x18c: {  	[tilespmem:s14], [sflag:$0x3] =	stream.indirect_vreg.gather [hbm4b:s5+s2], $0x80, v4, vm0, $0xb8;
	[tilespmem:$0x10100] =	vst v63  }
0x18d: {  	s15 =	simm.s32 $0x9900  }
0x18e: {  	[tilespmem:s15], [sflag:$0x3] =	stream.indirect_vreg.gather [hbm4b:s6+s2], $0x80, v4, vm0, $0xb8;
	[tilespmem:$0x10100] =	vst v63  }
0x18f: {  	s30 =	simm.s32 $0xA100  }
0x190: {  	[tilespmem:s30], [sflag:$0x3] =	stream.indirect_vreg.gather [hbm4b:s3+s2], $0x80, v3, vm0, $0xb8;
	[tilespmem:$0x10100] =	vst v63  }
0x191: {  	s8 =	simm.s32 $0xA900  }
0x192: {  	[tilespmem:s8], [sflag:$0x3] =	stream.indirect_vreg.gather [hbm4b:s4+s2], $0x80, v3, vm0, $0xb8;
	[tilespmem:$0x10100] =	vst v63  }
0x193: {  	s9 =	simm.s32 $0xB100  }
0x194: {  	[tilespmem:s9], [sflag:$0x3] =	stream.indirect_vreg.gather [hbm4b:s5+s2], $0x80, v3, vm0, $0xb8;
	[tilespmem:$0x10100] =	vst v63  }
0x195: {  	s12 =	simm.s32 $0xB900  }
0x196: {  	[tilespmem:s12], [sflag:$0x3] =	stream.indirect_vreg.gather [hbm4b:s6+s2], $0x80, v3, vm0, $0xb8;
	[tilespmem:$0x10100] =	vst v63  }
0x197: {  	_ =	swait.ge [sflag:s23], $0x4000  }
0x198: {  	[sflag:s23] =	ssyncset.done $0x0  }
0x199: {  	[sflag:s23] =	ssyncadd.s32 $0xFFFFC000  }
0x19a: {  	_ =	swait.ge [sflag:s24], $0x4000  }
0x19b: {  	[sflag:s24] =	ssyncset.done $0x0  }
0x19c: {  	s13 =	rddreg [dreg:$0xf];
	[sflag:s24] =	ssyncadd.s32 $0xFFFFC000  }
0x19d: {  	[hbm4b:s13+s2] =	stream.linear.scatter [tilespmem:s25], [sflag:$0x6], $0x4000, $0x38;
	[tilespmem:$0x10100] =	vst v63  }
0x19e: {  	s14 =	rddreg [dreg:$0x10]  }
0x19f: {  	[hbm4b:s14+s2] =	stream.linear.scatter [tilespmem:s10], [sflag:$0x8], $0x4000, $0x38;
	[tilespmem:$0x10100] =	vst v63  }
0x1a0: {  	_ =	swait.ge [sflag:s26], $0x4000  }
0x1a1: {  	[sflag:s26] =	ssyncset.done $0x0  }
0x1a2: {  	[sflag:s26] =	ssyncadd.s32 $0xFFFFC000  }
0x1a3: {  	_ =	swait.ge [sflag:s28], $0x4000  }
0x1a4: {  	[sflag:s28] =	ssyncset.done $0x0  }
0x1a5: {  	[sflag:s28] =	ssyncadd.s32 $0xFFFFC000  }
0x1a6: {  	v3 =	vld [tilespmem:$0x70];
	_ =	sdelay $0x4  }
0x1a7: {  	v62 =	vshll.u32 v3, $0x3  }
0x1a8: {  	v3 =	vand.u32 $0x7, v3;
	v4 =	vand.u32 $0xFFFFFFC0, v62  }
0x1a9: {  	v3 =	vor.u32 v3, v4  }
0x1aa: {  	v4 =	vperm.xlane v3, v0;
	_ =	sdelay $0x1  }
0x1ab: {  	v4 =	vadd.s32 v1, v4;
	_ =	sdelay $0x4  }
0x1ac: {  	[tilespmem:s25], [sflag:$0x2] =	stream.indirect_vreg.gather [hbm4b:s3+s2], $0x80, v4, vm0, $0xb8;
	[tilespmem:$0x10100] =	vst v63  }
0x1ad: {  	s15 =	simm.s32 $0x4900;
	v3 =	vperm.xlane v3, v2  }
0x1ae: {  	[tilespmem:s15], [sflag:$0x2] =	stream.indirect_vreg.gather [hbm4b:s4+s2], $0x80, v4, vm0, $0xb8;
	[tilespmem:$0x10100] =	vst v63  }
0x1af: {  	s16 =	simm.s32 $0x5100;
	v3 =	vadd.s32 v1, v3  }
0x1b0: {  	[tilespmem:s16], [sflag:$0x2] =	stream.indirect_vreg.gather [hbm4b:s5+s2], $0x80, v4, vm0, $0xb8;
	[tilespmem:$0x10100] =	vst v63  }
0x1b1: {  	s0 =	simm.s32 $0x5900  }
0x1b2: {  	[tilespmem:s0], [sflag:$0x2] =	stream.indirect_vreg.gather [hbm4b:s6+s2], $0x80, v4, vm0, $0xb8;
	[tilespmem:$0x10100] =	vst v63  }
0x1b3: {  	s11 =	simm.s32 $0x6100  }
0x1b4: {  	[tilespmem:s11], [sflag:$0x2] =	stream.indirect_vreg.gather [hbm4b:s3+s2], $0x80, v3, vm0, $0xb8;
	[tilespmem:$0x10100] =	vst v63  }
0x1b5: {  	s18 =	simm.s32 $0x6900  }
0x1b6: {  	[tilespmem:s18], [sflag:$0x2] =	stream.indirect_vreg.gather [hbm4b:s4+s2], $0x80, v3, vm0, $0xb8;
	[tilespmem:$0x10100] =	vst v63  }
0x1b7: {  	s18 =	simm.s32 $0x7100  }
0x1b8: {  	[tilespmem:s18], [sflag:$0x2] =	stream.indirect_vreg.gather [hbm4b:s5+s2], $0x80, v3, vm0, $0xb8;
	[tilespmem:$0x10100] =	vst v63  }
0x1b9: {  	s29 =	simm.s32 $0x7900  }
0x1ba: {  	[tilespmem:s29], [sflag:$0x2] =	stream.indirect_vreg.gather [hbm4b:s6+s2], $0x80, v3, vm0, $0xb8;
	[tilespmem:$0x10100] =	vst v63  }
0x1bb: {  	v3 =	vld [tilespmem:$0xF0];
	_ =	sdelay $0x4  }
0x1bc: {  	v63 =	vshll.u32 v3, $0x3  }
0x1bd: {  	v3 =	vand.u32 $0x7, v3;
	v4 =	vand.u32 $0xFFFFFFC0, v63  }
0x1be: {  	v3 =	vor.u32 v3, v4  }
0x1bf: {  	v4 =	vperm.xlane v3, v0;
	_ =	sdelay $0x1  }
0x1c0: {  	v4 =	vadd.s32 v1, v4;
	_ =	sdelay $0x4  }
0x1c1: {  	[tilespmem:s10], [sflag:$0x4] =	stream.indirect_vreg.gather [hbm4b:s3+s2], $0x80, v4, vm0, $0xb8;
	[tilespmem:$0x10100] =	vst v63  }
0x1c2: {  	s30 =	simm.s32 $0xC900;
	v3 =	vperm.xlane v3, v2  }
0x1c3: {  	[tilespmem:s30], [sflag:$0x4] =	stream.indirect_vreg.gather [hbm4b:s4+s2], $0x80, v4, vm0, $0xb8;
	[tilespmem:$0x10100] =	vst v63  }
0x1c4: {  	s1 =	simm.s32 $0xD100;
	v3 =	vadd.s32 v1, v3  }
0x1c5: {  	[tilespmem:s1], [sflag:$0x4] =	stream.indirect_vreg.gather [hbm4b:s5+s2], $0x80, v4, vm0, $0xb8;
	[tilespmem:$0x10100] =	vst v63  }
0x1c6: {  	s8 =	simm.s32 $0xD900  }
0x1c7: {  	[tilespmem:s8], [sflag:$0x4] =	stream.indirect_vreg.gather [hbm4b:s6+s2], $0x80, v4, vm0, $0xb8;
	[tilespmem:$0x10100] =	vst v63  }
0x1c8: {  	s9 =	simm.s32 $0xE100  }
0x1c9: {  	[tilespmem:s9], [sflag:$0x4] =	stream.indirect_vreg.gather [hbm4b:s3+s2], $0x80, v3, vm0, $0xb8;
	[tilespmem:$0x10100] =	vst v63  }
0x1ca: {  	s11 =	simm.s32 $0xE900  }
0x1cb: {  	[tilespmem:s11], [sflag:$0x4] =	stream.indirect_vreg.gather [hbm4b:s4+s2], $0x80, v3, vm0, $0xb8;
	[tilespmem:$0x10100] =	vst v63  }
0x1cc: {  	s12 =	simm.s32 $0xF100  }
0x1cd: {  	[tilespmem:s12], [sflag:$0x4] =	stream.indirect_vreg.gather [hbm4b:s5+s2], $0x80, v3, vm0, $0xb8;
	[tilespmem:$0x10100] =	vst v63  }
0x1ce: {  	s13 =	simm.s32 $0xF900  }
0x1cf: {  	[tilespmem:s13], [sflag:$0x4] =	stream.indirect_vreg.gather [hbm4b:s6+s2], $0x80, v3, vm0, $0xb8;
	[tilespmem:$0x10100] =	vst v63  }
0x1d0: {  	_ =	swait.ge [sflag:s19], $0x4000  }
0x1d1: {  	[sflag:s19] =	ssyncset.done $0x0  }
0x1d2: {  	[sflag:s19] =	ssyncadd.s32 $0xFFFFC000  }
0x1d3: {  	_ =	swait.ge [sflag:s20], $0x4000  }
0x1d4: {  	[sflag:s20] =	ssyncset.done $0x0  }
0x1d5: {  	s14 =	rddreg [dreg:$0x11];
	[sflag:s20] =	ssyncadd.s32 $0xFFFFC000  }
0x1d6: {  	[hbm4b:s14+s2] =	stream.linear.scatter [tilespmem:s31], [sflag:$0x5], $0x4000, $0x38;
	[tilespmem:$0x10100] =	vst v63  }
0x1d7: {  	s15 =	rddreg [dreg:$0x12]  }
0x1d8: {  	[hbm4b:s15+s2] =	stream.linear.scatter [tilespmem:s17], [sflag:$0x7], $0x4000, $0x38;
	[tilespmem:$0x10100] =	vst v63  }
0x1d9: {  	_ =	swait.ge [sflag:s23], $0x4000  }
0x1da: {  	[sflag:s23] =	ssyncset.done $0x0  }
0x1db: {  	[sflag:s23] =	ssyncadd.s32 $0xFFFFC000  }
0x1dc: {  	_ =	swait.ge [sflag:s24], $0x4000  }
0x1dd: {  	[sflag:s24] =	ssyncset.done $0x0  }
0x1de: {  	s16 =	rddreg [dreg:$0x13];
	[sflag:s24] =	ssyncadd.s32 $0xFFFFC000  }
0x1df: {  	[hbm4b:s16+s2] =	stream.linear.scatter [tilespmem:s25], [sflag:$0x6], $0x4000, $0x38;
	[tilespmem:$0x10100] =	vst v63  }
0x1e0: {  	s18 =	rddreg [dreg:$0x14]  }
0x1e1: {  	[hbm4b:s18+s2] =	stream.linear.scatter [tilespmem:s10], [sflag:$0x8], $0x4000, $0x38;
	[tilespmem:$0x10100] =	vst v63  }
0x1e2: {  	_ =	swait.ge [sflag:s21], $0x4000  }
0x1e3: {  	[sflag:s21] =	ssyncset.done $0x0  }
0x1e4: {  	[sflag:s21] =	ssyncadd.s32 $0xFFFFC000  }
0x1e5: {  	_ =	swait.ge [sflag:s22], $0x4000  }
0x1e6: {  	[sflag:s22] =	ssyncset.done $0x0  }
0x1e7: {  	[sflag:s22] =	ssyncadd.s32 $0xFFFFC000  }
0x1e8: {  	p0 =	sne.s32 s7, $0x1;
	_ =	swait.ge [sflag:s26], $0x4000  }
.Ltmp0:
0x1e9: {  	[sflag:s26] =	ssyncset.done $0x0;
	(pc) =	sbr.rel @p0 .LBB2_1-.Ltmp0, $4  }
0x1ea: {  	[sflag:s26] =	ssyncadd.s32 $0xFFFFC000  }
0x1eb: {  	_ =	swait.ge [sflag:s28], $0x4000  }
0x1ec: {  	[sflag:s28] =	ssyncset.done $0x0  }
0x1ed: {  	s7 =	sadd.s32 $0xFFFFFFFF, s7;
	[sflag:s28] =	ssyncadd.s32 $0xFFFFC000  }
0x1ee: {  	_ =	sfence.sel $0x180000  }
0x1ef: {  	[bflag:$0x0] =	sbarrier.arrive $0xFFFF  }
0x1f0: {  	_ =	strace $0x9000004D  }
0x1f1: {  	s0 =	stileid.u32;
	[bflag:$0x2] =	sbarrier.arrive $0xFFFF  }
0x1f2: {  	p0 =	sne.s32 s0, $0x0;
	s0 =	rddreg [dreg:$0x2]  }
0x1f3: {  	s0 =	sadd.s32 @!p0 $0x100000, s0  }
0x1f4: {  	[sflag:s0] =	ssyncadd.tile.s32 @!p0 $0x1;
	_ =	shalt  }
.Lfunc_end2:
_tile_overlayer_lowered:
.L_overlay_start_2:
0x1f5: {  	(tag) =	ssettag $0x2  }
0x1f6: {  	s0 =	rddreg [dreg:$0x0];
	s2 =	stileid.u32  }
0x1f7: {  	s1 =	rddreg [dreg:$0x1];
	p0 =	sne.s32 s2, $0x0  }
0x1f8: {  	s3 =	rddreg [dreg:$0x2];
	[bflag:$0x3] =	sbarrier.arrive $0xFFFF;
	s2 =	simm.s32 @!p0 $0x1C09  }
0x1f9: {  	[timem:s3], [sflag:s2] =	dma.local @!p0 [hbm:s0], s1  }
0x1fa: {  	s0 =	simm.s32 @!p0 $0x9  }
0x1fb: {  	_ =	swait.ge @!p0 [sflag:s0], s1  }
0x1fc: {  	s1 =	ssub.s32 @!p0 $0x0, s1;
	[sflag:s0] =	ssyncset.done @!p0 $0x0  }
0x1fd: {  	[sflag:s0] =	ssyncadd.s32 @!p0 s1  }
0x1fe: {  	[bflag:$0x3] =	sbarrier.arrive $0xFFFF  }
0x1ff: {  	_ =	shalt  }

// kernel: kernel.8.cloned.1.call-start
scs
__scs_entry_jumppad:
0x0: {  	(pc) =	sbr.rel $0x88, $3  }
0x1: {  	(tag) =	ssettag $0x0;
	lr =	simm.s32 $0x1  }
0x2: {  	[smem:$0x3F98] =	sst lr;
	_ =	strace $0xD0000000  }
0x3: {  	_ = 	snop  }
0x4: {  	_ = 	snop  }
0x5: {  	_ = 	snop  }
0x6: {  	_ = 	snop  }
0x7: {  	_ = 	snop  }
__scs_overlays_trampoline_lowered:
0x8: {  	[smem:$0x3FA7] =	sst s0  }
0x9: {  	[smem:$0x3FA8] =	sst s1  }
0xa: {  	[smem:$0x3FA9] =	sst s2  }
0xb: {  	[smem:$0x3FAA] =	sst s3  }
0xc: {  	[smem:$0x3FAB] =	sst s4  }
0xd: {  	[smem:$0x3FAC] =	sst s5  }
0xe: {  	[smem:$0x3FAD] =	sst s6  }
0xf: {  	[smem:$0x3FAE] =	sst s7  }
0x10: {  	[smem:$0x3FAF] =	sst s8  }
0x11: {  	[smem:$0x3FB0] =	sst s9;
	s0 =	simm.s32 @!p0 $0x0  }
0x12: {  	s1 =	sld [smem:$0x3F96];
	s0 =	simm.s32 @p0 $0x1  }
0x13: {  	[smem:$0x3FB1] =	sst s0;
	s0 =	simm.s32 @!p1 $0x0  }
0x14: {  	s2 =	sld [smem:$0x3F95];
	s0 =	simm.s32 @p1 $0x1  }
0x15: {  	[smem:$0x3FB2] =	sst s0;
	s0 =	simm.s32 @!p2 $0x0  }
0x16: {  	s3 =	sld [smem:$0x3FDB];
	s0 =	simm.s32 @p2 $0x1  }
0x17: {  	s4 =	simm.s32 $0x1BF5;
	[smem:$0x3FB4] =	sst s0  }
0x18: {  	s0 =	sld [smem:$0x3F97];
	_ =	swait.ge [sflag:s4], $0x0  }
0x19: {  	s7 =	sld [smem:$0x3F98]  }
0x1a: {  	s8 =	sadd.s32 $0xFFFFE003, lr  }
0x1b: {  	s9 =	sadd.s32 $0xFFFFFEF7, lr;
	s5 =	simm.s32 $0xFFFFFFFF;
	p2 =	slt.u32 s8, $0xFFFFF086  }
0x1c: {  	p1 =	slt.u32 s9, $0xF7A;
	s5 =	simm.s32 @!p2 $0x0  }
0x1d: {  	s5 =	simm.s32 @p1 $0x1;
	p0 =	seq.s32 s7, s2  }
0x1e: {  	s7 =	smul.u32 @!p0 $0xF7A, s2;
	p2 =	seq.s32 @!p0 s5, $0x0  }
0x1f: {  	s9 =	smul.u32 $0xF7A, s1;
	s8 =	simm.s32 @!p0 $0x1BF5;
	p2 =	por !p2, p0  }
0x20: {  	[sflag:s8] =	ssyncset.s32 @!p0 $0xFFFFF086;
	s6 =	sadd.s32 @!p0 s3, s7;
	s7 =	simm.s32 @!p0 $0x108  }
0x21: {  	s3 =	sadd.s32 s3, s9;
	s6 =	sadd.s32 @!p0 $0x88, s6;
	s7 =	simm.s32 @p2 $0x1082  }
0x22: {  	[simem:s7], [sflag:s8] =	dma.local @!p0 [hbm:s6], $0xF7A  }
0x23: {  	s9 =	sor.u32 $0xD0000000, s2;
	s6 =	simm.s32 $0x108;
	_ =	swait.ge @!p0 [sflag:s8], $0x0  }
0x24: {  	s3 =	sadd.s32 $0x88, s3;
	s6 =	simm.s32 @!p1 $0x1082;
	[sflag:s4] =	ssyncset.s32 $0xFFFFF086  }
0x25: {  	[simem:s6], [sflag:s4] =	dma.local [hbm:s3], $0xF7A  }
0x26: {  	[smem:$0x3F98] =	sst s1;
	(tag) =	ssettag s2;
	_ =	strace s9  }
0x27: {  	s1 =	sld [smem:$0x3FA8]  }
0x28: {  	s2 =	sld [smem:$0x3FA9]  }
0x29: {  	s4 =	sld [smem:$0x3FAB]  }
0x2a: {  	p0 =	seq.s32 s5, $0x0;
	s5 =	sld [smem:$0x3FAC]  }
0x2b: {  	s6 =	sld [smem:$0x3FAD]  }
0x2c: {  	s7 =	sld [smem:$0x3FAE]  }
0x2d: {  	s3 =	simm.s32 $0x108;
	s8 =	sld [smem:$0x3FAF]  }
0x2e: {  	s3 =	simm.s32 @!p0 $0x1082;
	s9 =	sld [smem:$0x3FB0]  }
0x2f: {  	lr =	sadd.s32 s0, s3;
	s0 =	sld [smem:$0x3FA7]  }
0x30: {  	s3 =	sld [smem:$0x3FAA]  }
0x31: {  	[smem:$0x3FB3] =	sst s10  }
0x32: {  	s10 =	sld [smem:$0x3FB1];
	_ =	sdelay $0x3  }
0x33: {  	p0 =	seq.s32 s10, $0x1;
	s10 =	sld [smem:$0x3FB3];
	_ =	sdelay $0x3  }
0x34: {  	[smem:$0x3FB3] =	sst s10  }
0x35: {  	s10 =	sld [smem:$0x3FB2];
	_ =	sdelay $0x3  }
0x36: {  	p1 =	seq.s32 s10, $0x1;
	s10 =	sld [smem:$0x3FB3];
	_ =	sdelay $0x3  }
0x37: {  	[smem:$0x3FB3] =	sst s10  }
0x38: {  	s10 =	sld [smem:$0x3FB4]  }
0x39: {  	_ = 	snop;
	(pc) =	sbr.ind lr, $3  }
0x3a: {  	_ = 	snop  }
0x3b: {  	_ = 	snop  }
0x3c: {  	p2 =	seq.s32 s10, $0x1;
	s10 =	sld [smem:$0x3FB3]  }
0x3d: {  	_ =	shalt  }
0x3e: {  	_ =	shalt  }
0x3f: {  	_ =	shalt  }
0x40: {  	_ =	shalt  }
0x41: {  	_ =	shalt  }
0x42: {  	_ =	shalt  }
0x43: {  	_ =	shalt  }
0x44: {  	_ =	shalt  }
0x45: {  	_ =	shalt  }
0x46: {  	_ =	shalt  }
0x47: {  	_ =	shalt  }
0x48: {  	_ =	shalt  }
0x49: {  	_ =	shalt  }
0x4a: {  	_ =	shalt  }
0x4b: {  	_ =	shalt  }
0x4c: {  	_ =	shalt  }
0x4d: {  	_ =	shalt  }
0x4e: {  	_ =	shalt  }
0x4f: {  	_ =	shalt  }
0x50: {  	_ =	shalt  }
0x51: {  	_ =	shalt  }
0x52: {  	_ =	shalt  }
0x53: {  	_ =	shalt  }
0x54: {  	_ =	shalt  }
0x55: {  	_ =	shalt  }
0x56: {  	_ =	shalt  }
0x57: {  	_ =	shalt  }
0x58: {  	_ =	shalt  }
0x59: {  	_ =	shalt  }
0x5a: {  	_ =	shalt  }
0x5b: {  	_ =	shalt  }
0x5c: {  	_ =	shalt  }
0x5d: {  	_ =	shalt  }
0x5e: {  	_ =	shalt  }
0x5f: {  	_ =	shalt  }
0x60: {  	_ =	shalt  }
0x61: {  	_ =	shalt  }
0x62: {  	_ =	shalt  }
0x63: {  	_ =	shalt  }
0x64: {  	_ =	shalt  }
0x65: {  	_ =	shalt  }
0x66: {  	_ =	shalt  }
0x67: {  	_ =	shalt  }
0x68: {  	_ =	shalt  }
0x69: {  	_ =	shalt  }
0x6a: {  	_ =	shalt  }
0x6b: {  	_ =	shalt  }
0x6c: {  	_ =	shalt  }
0x6d: {  	_ =	shalt  }
0x6e: {  	_ =	shalt  }
0x6f: {  	_ =	shalt  }
0x70: {  	_ =	shalt  }
0x71: {  	_ =	shalt  }
0x72: {  	_ =	shalt  }
0x73: {  	_ =	shalt  }
0x74: {  	_ =	shalt  }
0x75: {  	_ =	shalt  }
0x76: {  	_ =	shalt  }
0x77: {  	_ =	shalt  }
0x78: {  	_ =	shalt  }
0x79: {  	_ =	shalt  }
0x7a: {  	_ =	shalt  }
0x7b: {  	_ =	shalt  }
0x7c: {  	_ =	shalt  }
0x7d: {  	_ =	shalt  }
0x7e: {  	_ =	shalt  }
0x7f: {  	_ =	shalt  }
0x80: {  	_ =	shalt  }
0x81: {  	_ =	shalt  }
0x82: {  	_ =	shalt  }
0x83: {  	_ =	shalt  }
0x84: {  	_ =	shalt  }
0x85: {  	_ =	shalt  }
0x86: {  	_ =	shalt  }
0x87: {  	_ =	shalt  }
.Lfunc_end0:
.L_simem_size_0:
called_computation_lowered:
.L_overlay_start_0:
0x88: {  	s2 =	sld [smem:$0x3FD9]  }
0x89: {  	s3 =	sld [smem:$0x3FFE];
	_ =	sdelay $0x1  }
0x8a: {  	s1 =	srdreg.scid  }
0x8b: {  	s0 =	sand.u32 $0x1, s1  }
0x8c: {  	s14 =	sshll.u32 s0, $0xA;
	s2 =	sadd.s32 s3, s2  }
0x8d: {  	s2 =	sadd.s32 s2, s14  }
0x8e: {  	[smem:$0x3FBF] =	sst s2  }
0x8f: {  	_ = 	snop  }
0x90: {  	s2 =	sld [smem:$0x3FD0];
	_ =	sdelay $0x2  }
0x91: {  	s15 =	simm.s32 $0xA;
	s4 =	simm.s32 $0x10  }
0x92: {  	[smem:s4], [sflag:s15] =	dma.local [hbm:s2], $0x1  }
0x93: {  	_ =	swait.eq [sflag:s15], $0x1  }
0x94: {  	[sflag:s15] =	ssyncset.done $0x0  }
0x95: {  	[sflag:s15] =	ssyncadd.s32 $0xFFFFFFFF  }
0x96: {  	s16 =	sld [smem:$0x10];
	(tm) =	ssettm $0x1  }
0x97: {  	s17 =	sld [smem:$0x3FFB];
	_ =	sdelay $0x3  }
0x98: {  	_ =	strace s17  }
0x99: {  	s3 =	sld [smem:$0x3FFC];
	_ =	sdelay $0x3  }
0x9a: {  	_ =	strace s3  }
0x9b: {  	s3 =	sld [smem:$0x3FFD];
	_ =	sdelay $0x3  }
0x9c: {  	_ =	strace s3  }
0x9d: {  	_ =	strace $0x8FFFFFFF  }
0x9e: {  	s18 =	sld [smem:$0x3FDB];
	_ =	sdelay $0x1  }
0x9f: {  	s19 =	simm.s32 $_scs_section_size  }
0xa0: {  	s5 =	simm.s32 $_size__tile_overlayer_lowered;
	s6 =	simm.s32 $_tile_overlayer_lowered  }
0xa1: {  	s22 =	simm.s32 $0x1BFF;
	s21 =	sshll.u32 s6, $0x1;
	s3 =	sadd.s32 s19, s18  }
0xa2: {  	s7 =	simm.s32 $0x0;
	s20 =	sshll.u32 s5, $0x1;
	s5 =	sadd.s32 s21, s3  }
0xa3: {  	[timem:s7], [sflag:s22] =	dma.local [hbm:s5], s20  }
0xa4: {  	_ =	swait.ge [sflag:s22], s20  }
0xa5: {  	s4 =	ssub.s32 $0x0, s20;
	[sflag:s22] =	ssyncset.done $0x0  }
0xa6: {  	[sflag:s22] =	ssyncadd.s32 s4;
	_ =	sdelay $0x1  }
0xa7: {  	s23 =	simm.s32 $0x1B8B  }
0xa8: {  	_ =	swait.ge [sflag:s23], $0x1  }
0xa9: {  	[sflag:s23] =	ssyncset.done $0x0  }
0xaa: {  	s25 =	simm.s32 $0x1B8E;
	s24 =	sld [smem:$0x3FFE];
	[sflag:s23] =	ssyncadd.s32 $0xFFFFFFFF  }
0xab: {  	s26 =	simm.s32 $execute0_lowered;
	[smem:$0x3FD2] =	sst s25  }
0xac: {  	s5 =	sshll.u32 s26, $0x1;
	_ =	strace $0x80000046;
	[dreg:$0x1] =	wrdreg $0xFFFFFFFF  }
0xad: {  	s28 =	simm.s32 $_size_execute0_lowered;
	s3 =	sadd.s32 s3, s5;
	[dreg:$0x0] =	wrdreg $0x0  }
0xae: {  	s5 =	sshll.u32 s28, $0x1;
	[dreg:$0x2] =	wrdreg s3  }
0xaf: {  	[dreg:$0x3] =	wrdreg s5  }
0xb0: {  	[dreg:$0x4] =	wrdreg $0xC0  }
0xb1: {  	_ =	task [dreg:s7], $0x5FFFF  }
0xb2: {  	[dreg:$0x1] =	wrdreg $0xFFFFFFFF  }
0xb3: {  	[dreg:$0x0] =	wrdreg $0x60  }
0xb4: {  	[dreg:$0x2] =	wrdreg s24  }
0xb5: {  	[dreg:$0x3] =	wrdreg s16  }
0xb6: {  	[dreg:$0x4] =	wrdreg $0x9  }
0xb7: {  	_ =	task.clear_ibuf [dreg:s7], $0x5FFFF;
	_ =	strace $0x90000046  }
0xb8: {  	s29 =	simm.s32 $0x9;
	_ =	strace $0x80000048  }
0xb9: {  	_ =	swait.ge [sflag:s29], $0x1  }
0xba: {  	[sflag:s29] =	ssyncadd.s32 $0xFFFFFFFF  }
0xbb: {  	_ =	strace $0x90000048  }
0xbc: {  	_ =	sfence  }
0xbd: {  	s30 =	sld [smem:$0x0];
	_ =	sdelay $0x2  }
0xbe: {  	s31 =	sshll.u32 s1, $0xD;
	s1 =	sshrl.u32 s1, $0x2  }
0xbf: {  	s3 =	sand.u32 $0x4000, s31;
	s1 =	sadd.s32 s1, s30  }
0xc0: {  	s0 =	sor.u32 s3, s0;
	s1 =	sshll.u32 s1, $0x11  }
0xc1: {  	s0 =	sor.u32 s1, s0  }
0xc2: {  	s0 =	sadd.s32 $0x8F2B, s0  }
0xc3: {  	[sflag:s0] =	ssyncadd.remote.s32 $0x1  }
0xc4: {  	_ =	sfence.sel $0xFFFF  }
0xc5: {  	[dreg:$0x0] =	wrdreg $0xFFFFFFFF;
	(pc) =	sbr.abs _section_cstart, $3  }
0xc6: {  	[dreg:$0x1] =	wrdreg $0xFFFFFFFF  }
0xc7: {  	_ =	task.clear_ibuf [dreg:s7], $0x2FFFF;
	_ =	strace $0x9FFFFFFF  }
0xc8: {  	(tm) =	ssettm $0x7FFFFFFF  }
0xc9: {  	_ =	shalt  }
tec
execute0_lowered:
.L_overlay_start_1:
0x0: {  	(tag) =	ssettag $0x1  }
0x1: {  	s1 =	srdreg.scid  }
0x2: {  	s1 =	sand.u32 $0x1, s1  }
0x3: {  	p0 =	seq.s32 s1, $0x1  }
.Ltmp0:
0x4: {  	_ = 	snop;
	(pc) =	sbr.rel @p0 .LBB2_8-.Ltmp0, $4  }
0x5: {  	s3 =	rddreg [dreg:$0x0]  }
0x6: {  	s2 =	rddreg [dreg:$0x1];
	s4 =	simm.s32 $0x0  }
0x7: {  	[smem:$0x7FF] =	sst s4  }
0x8: {  	s0 =	rddreg [dreg:$0x2];
	_ =	strace $0x80000047;
	s1 =	stileid.u32  }
0x9: {  	s4 =	sshll.u32 s1, $0x5  }
0xa: {  	s8 =	sadd.s32 $0xE00, s3;
	s5 =	sshll.u32 s1, $0x8;
	s11 =	smul.u32 $0x280, s1  }
0xb: {  	s31 =	smul.u32 $0x50, s1;
	s4 =	sadd.s32 s4, s3;
	s3 =	sadd.s32 $0x1800, s3  }
0xc: {  	s6 =	sor.u32 $0x10, s5;
	s7 =	sor.u32 $0x20, s5;
	s12 =	sor.u32 $0x30, s5  }
0xd: {  	v14 =	vmov s1;
	v0 =	vlaneseq.u32;
	s13 =	sor.u32 $0x40, s5;
	s14 =	sor.u32 $0x50, s5;
	s21 =	sor.u32 $0x60, s5  }
0xe: {  	s22 =	sor.u32 $0x70, s5;
	s23 =	sor.u32 $0x80, s5;
	s24 =	sor.u32 $0x90, s5;
	v17 =	vor.u32 s5, v0;
	v7 =	vor.u32 s6, v0;
	v4 =	vor.u32 s7, v0  }
0xf: {  	s25 =	sor.u32 $0xA0, s5;
	s26 =	sor.u32 $0xB0, s5;
	s28 =	sor.u32 $0xC0, s5;
	v1 =	vor.u32 s12, v0;
	v8 =	vor.u32 s13, v0;
	v5 =	vor.u32 s14, v0  }
0x10: {  	s29 =	sor.u32 $0xD0, s5;
	s15 =	sor.u32 $0xE0, s5;
	s30 =	sor.u32 $0xF0, s5;
	v2 =	vor.u32 s21, v0;
	v9 =	vor.u32 s22, v0;
	v6 =	vor.u32 s23, v0  }
0x11: {  	s10 =	sadd.s32 $0x1000, s4;
	s9 =	sadd.s32 $0x1200, s4;
	v3 =	vor.u32 s24, v0;
	v10 =	vor.u32 s25, v0;
	v11 =	vor.u32 s26, v0;
	s7 =	sadd.s32 $0x1E00, s4  }
0x12: {  	v12 =	vor.u32 s28, v0;
	v13 =	vor.u32 s29, v0;
	s6 =	sadd.s32 $0x1400, s4;
	s5 =	sadd.s32 $0x2000, s4;
	s4 =	sadd.s32 $0x1600, s4;
	v18 =	vor.u32 s11, v0  }
0x13: {  	v15 =	vor.u32 s15, v0;
	v16 =	vor.u32 s30, v0;
	s12 =	sadd.s32 s2, s31;
	s13 =	simm.s32 $0x40;
	s14 =	simm.s32 $0x0;
	v18 =	vand.u32 $0xFFF, v18  }
.LBB2_2:
0x14: {  	p0 =	sne.s32 s13, $0x9C0  }
0x15: {  	[tilespmem:s14+$0x800] =	vst v18;
	s11 =	sadd.s32 $0x10, s11;
	s14 =	smov.u32 s13;
	s13 =	sadd.s32 $0x40, s13  }
.Ltmp1:
0x16: {  	(pc) =	sbr.rel @p0 .LBB2_2-.Ltmp1, $3  }
0x17: {  	_ =	sdelay $0x1  }
0x18: {  	v18 =	vor.u32 s11, v0  }
0x19: {  	s14 =	sshra.s32 s14, $0x2;
	v18 =	vand.u32 $0xFFF, v18  }
0x1a: {  	[tilespmem:s14+$0x800] =	vst v18;
	s11 =	simm.s32 $0x0;
	s13 =	simm.s32 $0x800;
	s16 =	simm.s32 $0x2  }
0x1b: {  	[hbm4b:s12+s11] =	stream.linear.scatter [tilespmem:s13], [sflag:$0x2], $0x280, $0x38;
	[tilespmem:$0xA80] =	vst v63  }
0x1c: {  	_ =	swait.ge [sflag:s16], $0x280  }
0x1d: {  	[sflag:s16] =	ssyncset.done $0x0  }
0x1e: {  	[sflag:s16] =	ssyncadd.s32 $0xFFFFFD80  }
0x1f: {  	[bflag:$0x0] =	sbarrier.arrive $0xFFFF  }
0x20: {  	[tilespmem:s11], [sflag:$0x2] =	stream.linear.gather [hbm4b:s10+s11], $0x100, $0x38;
	[tilespmem:$0xA80] =	vst v63  }
0x21: {  	_ =	swait.ge [sflag:s16], $0x100  }
0x22: {  	[sflag:s16] =	ssyncset.done $0x0  }
0x23: {  	s17 =	simm.s32 $0x100;
	[sflag:s16] =	ssyncadd.s32 $0xFFFFFF00  }
0x24: {  	[tilespmem:s17], [sflag:$0x2] =	stream.linear.gather [hbm4b:s9+s11], $0x100, $0x38;
	[tilespmem:$0xA80] =	vst v63  }
0x25: {  	_ =	swait.ge [sflag:s16], $0x100  }
0x26: {  	[sflag:s16] =	ssyncset.done $0x0  }
0x27: {  	s18 =	simm.s32 $0x700;
	[sflag:s16] =	ssyncadd.s32 $0xFFFFFF00  }
0x28: {  	[tilespmem:s18], [sflag:$0x2] =	stream.linear.gather [hbm4b:s8+s11], $0x100, $0x38;
	[tilespmem:$0xA80] =	vst v63  }
0x29: {  	_ =	swait.ge [sflag:s16], $0x100  }
0x2a: {  	[sflag:s16] =	ssyncset.done $0x0  }
0x2b: {  	[sflag:s16] =	ssyncadd.s32 $0xFFFFFF00  }
0x2c: {  	v0 =	vld [tilespmem:$0x700]  }
0x2d: {  	v45 =	vld [tilespmem:$0x710]  }
0x2e: {  	v19 =	vld [tilespmem:$0x720]  }
0x2f: {  	v20 =	vld [tilespmem:$0x730]  }
0x30: {  	v21 =	vld [tilespmem:$0x740]  }
0x31: {  	v22 =	vld [tilespmem:$0x750]  }
0x32: {  	v23 =	vld [tilespmem:$0x760];
	v24 =	vadd.s32 v45, v0  }
0x33: {  	v25 =	vld [tilespmem:$0x770];
	v24 =	vadd.s32 v19, v24  }
0x34: {  	v26 =	vld [tilespmem:$0x780];
	v24 =	vadd.s32 v20, v24  }
0x35: {  	v27 =	vld [tilespmem:$0x790];
	v24 =	vadd.s32 v21, v24  }
0x36: {  	v28 =	vld [tilespmem:$0x7A0];
	v24 =	vadd.s32 v22, v24  }
0x37: {  	v29 =	vld [tilespmem:$0x7B0];
	v24 =	vadd.s32 v23, v24  }
0x38: {  	v30 =	vld [tilespmem:$0x7C0];
	v24 =	vadd.s32 v25, v24  }
0x39: {  	v31 =	vld [tilespmem:$0x7D0];
	v24 =	vadd.s32 v26, v24  }
0x3a: {  	vm0 =	vgt.u32 v14, $0x1;
	vm1 =	veq.s32 v14, $0x0;
	v32 =	vld [tilespmem:$0x7E0];
	v24 =	vadd.s32 v27, v24  }
0x3b: {  	v33 =	vld [tilespmem:$0x7F0];
	v0 =	vsel vm1, $0x0, v0;
	v18 =	vnsel vm0, $0x0, v45;
	v24 =	vadd.s32 v28, v24  }
0x3c: {  	vm0 =	vgt.u32 v14, $0x2;
	vm1 =	vgt.u32 v14, $0x7;
	v46 =	vadd.s32 v29, v24  }
0x3d: {  	v0 =	vadd.s32 v0, v18;
	v19 =	vnsel vm0, $0x0, v19;
	v18 =	vadd.s32 v30, v46  }
0x3e: {  	vm0 =	vgt.u32 v14, $0x3;
	v0 =	vadd.s32 v19, v0;
	v18 =	vadd.s32 v31, v18  }
0x3f: {  	v47 =	vnsel vm0, $0x0, v20;
	vm0 =	vgt.u32 v14, $0x4;
	v18 =	vadd.s32 v32, v18  }
0x40: {  	v0 =	vadd.s32 v47, v0;
	v48 =	vnsel vm0, $0x0, v21;
	v18 =	vadd.s32 v33, v18  }
0x41: {  	vm0 =	vgt.u32 v14, $0x5;
	v19 =	vadd.s32 v48, v0;
	v0 =	vadd.s32 $0xFF, v18  }
0x42: {  	v49 =	vnsel vm0, $0x0, v22;
	v50 =	vshra.s32 v0, $0x1F;
	v51 =	vand.u32 $0xFF, v0  }
0x43: {  	vm0 =	vlt.s32 v0, $0x1;
	v20 =	vshrl.u32 v50, $0x18;
	vm2 =	vne.s32 v51, $0x0  }
0x44: {  	[tilespmem:$0x500] =	vst v17;
	v20 =	vadd.s32 v20, v0;
	vm0 =	vmand vm0, vm2;
	v0 =	vimm.s32 $0x0  }
0x45: {  	[tilespmem:$0x510] =	vst v7;
	vm2 =	vgt.u32 v14, $0x6;
	v20 =	vshra.s32 v20, $0x8;
	v52 =	vsel vm0, $0xFFFFFFFF, v0  }
0x46: {  	[tilespmem:$0x520] =	vst v4;
	v18 =	vadd.s32 v49, v19;
	v53 =	vnsel vm2, $0x0, v23;
	v20 =	vadd.s32 v52, v20  }
0x47: {  	v54 =	vnsel vm1, $0x0, v25;
	vm0 =	vgt.u32 v14, $0x8;
	v18 =	vadd.s32 v53, v18;
	(xrf0) =	vadd.scan.msk.s32 $0xffff, v20  }
0x48: {  	[tilespmem:$0x530] =	vst v1;
	vm1 =	vgt.u32 v14, $0x9;
	v55 =	vnsel vm0, $0x0, v26;
	v18 =	vadd.s32 v54, v18  }
0x49: {  	[tilespmem:$0x540] =	vst v8;
	v56 =	vnsel vm1, $0x0, v27;
	vm0 =	vgt.u32 v14, $0xA;
	v18 =	vadd.s32 v55, v18  }
0x4a: {  	[tilespmem:$0x550] =	vst v5;
	vm1 =	vgt.u32 v14, $0xB;
	v57 =	vnsel vm0, $0x0, v28;
	v18 =	vadd.s32 v56, v18  }
0x4b: {  	[tilespmem:$0x560] =	vst v2;
	v58 =	vnsel vm1, $0x0, v29;
	vm0 =	vgt.u32 v14, $0xC;
	v18 =	vadd.s32 v57, v18  }
0x4c: {  	[tilespmem:$0x570] =	vst v9;
	vm1 =	vgt.u32 v14, $0xD;
	v59 =	vnsel vm0, $0x0, v30;
	v18 =	vadd.s32 v58, v18  }
0x4d: {  	[tilespmem:$0x580] =	vst v6;
	v60 =	vnsel vm1, $0x0, v31;
	vm0 =	veq.s32 v14, $0xF;
	v14 =	vadd.s32 v59, v18;
	v61, _, _ =	vpop (xrf0)  }
0x4e: {  	[tilespmem:$0x590] =	vst v3;
	v62 =	vnsel vm0, $0x0, v32;
	v14 =	vadd.s32 v60, v14;
	v19 =	vsub.s32 v61, v20  }
0x4f: {  	[tilespmem:$0x5A0] =	vst v10;
	v14 =	vadd.s32 v62, v14;
	v63 =	vshll.u32 v19, $0x8  }
0x50: {  	[tilespmem:$0x5B0] =	vst v11;
	v7 =	vadd.s32 v63, v14  }
0x51: {  	[tilespmem:$0x5C0] =	vst v12;
	(v2sf) =	vpush v7, $0x0  }
0x52: {  	[tilespmem:$0x5D0] =	vst v13;
	(v2sf) =	vpush v7, $0x1  }
0x53: {  	[tilespmem:$0x5E0] =	vst v15  }
0x54: {  	s8 =	simm.s32 $0x0;
	[tilespmem:$0x5F0] =	vst v16;
	(v2sf) =	vpush v7, $0x2  }
0x55: {  	v1 =	vld [tilespmem:s8+$0x0];
	(v2sf) =	vpush v7, $0x3  }
0x56: {  	(v2sf) =	vpush v7, $0x4  }
0x57: {  	(v2sf) =	vpush v7, $0x5  }
0x58: {  	(v2sf) =	vpush v7, $0x6;
	_ =	sdelay $0x1  }
0x59: {  	vm0 =	veq.s32 v1, $0x7  }
0x5a: {  	vm7 =	veq.s32 v1, $0x0;
	v2 =	vsel vm0, $0x1, v0;
	(v2sf) =	vpush v7, $0x7  }
0x5b: {  	vm6 =	veq.s32 v1, $0x1;
	v3 =	vsel vm7, $0x1, v0;
	(xrf0) =	vadd.scan.msk.s32 $0xffff, v2  }
0x5c: {  	vm5 =	veq.s32 v1, $0x2;
	v4 =	vsel vm6, $0x1, v0;
	(xrf0) =	vadd.scan.msk.s32 $0xffff, v3  }
0x5d: {  	vm4 =	veq.s32 v1, $0x3;
	vm1 =	veq.s32 v1, $0x4;
	v2 =	vsel vm5, $0x1, v0;
	(xrf0) =	vadd.scan.msk.s32 $0xffff, v4  }
0x5e: {  	vm3 =	veq.s32 v1, $0x5;
	v5 =	vsel vm1, $0x1, v0;
	v3 =	vsel vm4, $0x1, v0;
	(xrf0) =	vadd.scan.msk.s32 $0xffff, v2  }
0x5f: {  	v2 =	vsel vm3, $0x1, v0;
	(xrf0) =	vadd.scan.msk.s32 $0xffff, v3;
	s19 =	spop (v2sf)  }
0x60: {  	vm2 =	veq.s32 v1, $0x6;
	s20 =	spop (v2sf);
	v4 =	vmov s19  }
0x61: {  	v6 =	vsel vm2, $0x1, v0;
	(xrf0) =	vadd.scan.msk.s32 $0xffff, v5;
	v5, _, _ =	vpop (xrf0);
	v7 =	vmov s20;
	v3 =	vadd.s32 $0xFFFFFFFF, v4  }
0x62: {  	(xrf0) =	vadd.scan.msk.s32 $0xffff, v2;
	v2, _, _ =	vpop (xrf0);
	s21 =	spop (v2sf);
	(v2sf) =	vpush v5, $0xF;
	v4 =	vadd.s32 $0xFFFFFFFF, v7;
	v3 =	vbroadcast v3, $0x0  }
0x63: {  	v9, _, _ =	vpop (xrf0);
	s15 =	spop (v2sf);
	v7 =	vmov s21;
	(v2sf) =	vpush v2, $0xF;
	v4 =	vbroadcast v4, $0x0  }
0x64: {  	v10, _, _ =	vpop (xrf0);
	s22 =	spop (v2sf);
	v7 =	vadd.s32 $0xFFFFFFFF, v7;
	v8 =	vmov s15;
	(v2sf) =	vpush v9, $0xF  }
0x65: {  	s16 =	spop (v2sf);
	v7 =	vbroadcast v7, $0x0;
	(v2sf) =	vpush v10, $0xF;
	v4 =	vadd.s32 v9, v4;
	v9, _, _ =	vpop (xrf0)  }
0x66: {  	v8 =	vadd.s32 $0xFFFFFFFF, v8;
	v2 =	vadd.s32 v2, v3;
	s17 =	spop (v2sf);
	(v2sf) =	vpush v9, $0xF  }
0x67: {  	(xrf0) =	vadd.scan.msk.s32 $0xffff, v6;
	v3 =	vmov s22;
	v2 =	vnsel vm7, $0x0, v2;
	v6 =	vbroadcast v8, $0x0  }
0x68: {  	v3 =	vadd.s32 $0xFFFFFFFF, v3;
	v2 =	vsel vm6, v4, v2;
	v4 =	vmov s16  }
0x69: {  	s23 =	spop (v2sf);
	v7 =	vadd.s32 v10, v7;
	v3 =	vbroadcast v3, $0x0;
	v11 =	vmov s17;
	v8, _, _ =	vpop (xrf0)  }
0x6a: {  	s9 =	simm.s32 $0x10;
	v1 =	vmov s23;
	v4 =	vadd.s32 $0xFFFFFFFF, v4;
	(v2sf) =	vpush v8, $0xF  }
0x6b: {  	v2 =	vsel vm5, v7, v2;
	v6 =	vadd.s32 v9, v6;
	v7 =	vld [tilespmem:s9+$0x0];
	v9 =	vadd.s32 $0xFFFFFFFF, v11  }
0x6c: {  	v1 =	vadd.s32 $0xFFFFFFFF, v1;
	v10, _, _ =	vpop (xrf0);
	v4 =	vbroadcast v4, $0x0;
	v2 =	vsel vm4, v6, v2  }
0x6d: {  	v3 =	vadd.s32 v8, v3;
	v6 =	vbroadcast v9, $0x0;
	(v2sf) =	vpush v10, $0xF  }
0x6e: {  	v8, _, _ =	vpop (xrf0);
	v1 =	vbroadcast v1, $0x0;
	v2 =	vsel vm1, v3, v2;
	v3 =	vadd.s32 v10, v4  }
0x6f: {  	vm1 =	vmmov vm0;
	(v2sf) =	vpush v8, $0xF;
	v2 =	vsel vm3, v3, v2  }
0x70: {  	v3 =	vadd.s32 v8, v6;
	v1 =	vadd.s32 v5, v1;
	vm0 =	veq.s32 v7, $0x7  }
0x71: {  	v2 =	vsel vm2, v3, v2;
	vm8 =	veq.s32 v7, $0x0;
	v5 =	vsel vm0, $0x1, v0;
	s18 =	spop (v2sf)  }
0x72: {  	vm7 =	veq.s32 v7, $0x1;
	vm6 =	veq.s32 v7, $0x2;
	v3 =	vsel vm8, $0x1, v0;
	(xrf0) =	vadd.scan.msk.s32 $0xffff, v5;
	s24 =	spop (v2sf)  }
0x73: {  	vm4 =	veq.s32 v7, $0x3;
	vm2 =	veq.s32 v7, $0x4;
	v4 =	vsel vm7, $0x1, v0;
	(xrf0) =	vadd.scan.msk.s32 $0xffff, v3;
	s12 =	sadd.s32 s19, s24;
	s25 =	spop (v2sf)  }
0x74: {  	vm5 =	veq.s32 v7, $0x5;
	v5 =	vsel vm6, $0x1, v0;
	(xrf0) =	vadd.scan.msk.s32 $0xffff, v4;
	v4 =	vmov s12;
	s13 =	sadd.s32 s20, s25;
	s26 =	spop (v2sf)  }
0x75: {  	v6 =	vsel vm4, $0x1, v0;
	(xrf0) =	vadd.scan.msk.s32 $0xffff, v5;
	v4 =	vadd.s32 $0xFFFFFFFF, v4;
	v5 =	vmov s13;
	s28 =	spop (v2sf)  }
0x76: {  	vm3 =	veq.s32 v7, $0x6;
	(xrf0) =	vadd.scan.msk.s32 $0xffff, v6;
	v6 =	vbroadcast v4, $0x0;
	v4 =	vadd.s32 $0xFFFFFFFF, v5;
	s15 =	sadd.s32 s15, s28  }
0x77: {  	v8 =	vsel vm2, $0x1, v0;
	v7 =	vsel vm5, $0x1, v0;
	s11 =	sadd.s32 s23, s18;
	s14 =	sadd.s32 s21, s26;
	v10 =	vmov s15  }
0x78: {  	v9 =	vsel vm3, $0x1, v0;
	v3 =	vmov s11;
	(xrf0) =	vadd.scan.msk.s32 $0xffff, v8;
	v5 =	vmov s14  }
0x79: {  	v3 =	vadd.s32 $0xFFFFFFFF, v3;
	(xrf0) =	vadd.scan.msk.s32 $0xffff, v7;
	v8 =	vbroadcast v4, $0x0;
	v5 =	vadd.s32 $0xFFFFFFFF, v5;
	s29 =	spop (v2sf);
	v4, _, _ =	vpop (xrf0)  }
0x7a: {  	v7 =	vbroadcast v5, $0x0;
	s10 =	sadd.s32 s22, s29;
	v5 =	vadd.s32 $0xFFFFFFFF, v10;
	(xrf0) =	vadd.scan.msk.s32 $0xffff, v9;
	(v2sf) =	vpush v4, $0xF;
	v10, _, _ =	vpop (xrf0)  }
0x7b: {  	v9 =	vmov s10;
	v6 =	vadd.s32 v10, v6;
	(v2sf) =	vpush v10, $0xF;
	v10, _, _ =	vpop (xrf0)  }
0x7c: {  	s30 =	spop (v2sf);
	v6 =	vnsel vm8, $0x0, v6;
	v8 =	vadd.s32 v10, v8;
	(v2sf) =	vpush v10, $0xF;
	v10, _, _ =	vpop (xrf0)  }
0x7d: {  	s16 =	sadd.s32 s16, s30;
	v12 =	vbroadcast v5, $0x0;
	v9 =	vadd.s32 $0xFFFFFFFF, v9;
	(v2sf) =	vpush v10, $0xF;
	v13, _, _ =	vpop (xrf0)  }
0x7e: {  	s31 =	spop (v2sf);
	v14 =	vmov s16;
	v11 =	vsel vm7, v8, v6;
	(v2sf) =	vpush v13, $0xF;
	v5, _, _ =	vpop (xrf0)  }
0x7f: {  	s17 =	sadd.s32 s17, s31;
	v15 =	vadd.s32 v10, v7;
	v8 =	vbroadcast v9, $0x0;
	(v2sf) =	vpush v5, $0xF;
	v6, _, _ =	vpop (xrf0)  }
0x80: {  	v9 =	vadd.s32 $0xFFFFFFFF, v14;
	v10 =	vmov s17;
	(v2sf) =	vpush v6, $0xF;
	v7, _, _ =	vpop (xrf0)  }
0x81: {  	s18 =	simm.s32 $0xC0;
	s21 =	simm.s32 $0x20;
	v11 =	vsel vm6, v15, v11;
	v12 =	vadd.s32 v13, v12;
	(v2sf) =	vpush v7, $0xF  }
.LBB2_4:
0x82: {  	p0 =	sne.s32 s18, $0x3C0;
	v13 =	vld [tilespmem:s21+$0x0];
	v11 =	vsel vm4, v12, v11;
	v9 =	vbroadcast v9, $0x0;
	v10 =	vadd.s32 $0xFFFFFFFF, v10  }
0x83: {  	v5 =	vadd.s32 v5, v8;
	v3 =	vbroadcast v3, $0x0;
	v8 =	vbroadcast v10, $0x0  }
0x84: {  	v2 =	vsel vm1, v1, v2;
	v5 =	vsel vm2, v5, v11;
	v6 =	vadd.s32 v6, v9  }
0x85: {  	v1 =	vadd.s32 v4, v3;
	v5 =	vsel vm5, v6, v5;
	v6 =	vadd.s32 v7, v8;
	[tilespmem:s8+$0x300] =	vst v2;
	s8 =	smov.u32 s9;
	s9 =	smov.u32 s21  }
0x86: {  	vm1 =	vmmov vm0;
	v2 =	vsel vm3, v6, v5  }
0x87: {  	vm8 =	veq.s32 v13, $0x0;
	vm7 =	veq.s32 v13, $0x1;
	vm0 =	veq.s32 v13, $0x7  }
0x88: {  	v3 =	vsel vm8, $0x1, v0;
	v4 =	vsel vm7, $0x1, v0;
	v5 =	vsel vm0, $0x1, v0  }
0x89: {  	vm6 =	veq.s32 v13, $0x2;
	vm4 =	veq.s32 v13, $0x3;
	vm2 =	veq.s32 v13, $0x4;
	(xrf0) =	vadd.scan.msk.s32 $0xffff, v5;
	s19 =	spop (v2sf)  }
0x8a: {  	v6 =	vsel vm4, $0x1, v0;
	v7 =	vsel vm2, $0x1, v0;
	v5 =	vsel vm6, $0x1, v0;
	(xrf0) =	vadd.scan.msk.s32 $0xffff, v3;
	s11 =	sadd.s32 s11, s19;
	s19 =	spop (v2sf)  }
0x8b: {  	vm5 =	veq.s32 v13, $0x5;
	vm3 =	veq.s32 v13, $0x6;
	v3 =	vmov s11;
	(xrf0) =	vadd.scan.msk.s32 $0xffff, v4;
	s12 =	sadd.s32 s12, s19;
	s19 =	spop (v2sf)  }
0x8c: {  	v8 =	vsel vm5, $0x1, v0;
	v9 =	vsel vm3, $0x1, v0;
	v4 =	vmov s12;
	(xrf0) =	vadd.scan.msk.s32 $0xffff, v5;
	s13 =	sadd.s32 s13, s19;
	s19 =	spop (v2sf)  }
0x8d: {  	v3 =	vadd.s32 $0xFFFFFFFF, v3;
	v10 =	vadd.s32 $0xFFFFFFFF, v4;
	v5 =	vmov s13;
	(xrf0) =	vadd.scan.msk.s32 $0xffff, v6;
	s14 =	sadd.s32 s14, s19;
	s19 =	spop (v2sf)  }
0x8e: {  	v6 =	vbroadcast v10, $0x0;
	v11 =	vadd.s32 $0xFFFFFFFF, v5;
	v5 =	vmov s14;
	(xrf0) =	vadd.scan.msk.s32 $0xffff, v7;
	s15 =	sadd.s32 s15, s19;
	s19 =	spop (v2sf)  }
0x8f: {  	v7 =	vbroadcast v11, $0x0;
	v5 =	vadd.s32 $0xFFFFFFFF, v5;
	v11 =	vmov s15;
	(xrf0) =	vadd.scan.msk.s32 $0xffff, v8;
	v4, _, _ =	vpop (xrf0);
	s10 =	sadd.s32 s10, s19;
	s19 =	spop (v2sf)  }
0x90: {  	v8 =	vbroadcast v5, $0x0;
	v5 =	vadd.s32 $0xFFFFFFFF, v11;
	v10, _, _ =	vpop (xrf0);
	(xrf0) =	vadd.scan.msk.s32 $0xffff, v9;
	(v2sf) =	vpush v4, $0xF;
	s16 =	sadd.s32 s16, s19;
	s19 =	spop (v2sf)  }
0x91: {  	v9 =	vmov s10;
	v6 =	vadd.s32 v10, v6;
	(v2sf) =	vpush v10, $0xF;
	v10, _, _ =	vpop (xrf0);
	s17 =	sadd.s32 s17, s19  }
0x92: {  	v6 =	vnsel vm8, $0x0, v6;
	v7 =	vadd.s32 v10, v7;
	(v2sf) =	vpush v10, $0xF;
	v10, _, _ =	vpop (xrf0)  }
.Ltmp2:
0x93: {  	v12 =	vbroadcast v5, $0x0;
	v9 =	vadd.s32 $0xFFFFFFFF, v9;
	(v2sf) =	vpush v10, $0xF;
	v13, _, _ =	vpop (xrf0);
	(pc) =	sbr.rel @p0 .LBB2_4-.Ltmp2, $4  }
0x94: {  	v15 =	vmov s16;
	v11 =	vsel vm7, v7, v6;
	(v2sf) =	vpush v13, $0xF;
	v5, _, _ =	vpop (xrf0)  }
0x95: {  	v14 =	vadd.s32 v10, v8;
	v8 =	vbroadcast v9, $0x0;
	(v2sf) =	vpush v5, $0xF;
	v6, _, _ =	vpop (xrf0)  }
0x96: {  	v9 =	vadd.s32 $0xFFFFFFFF, v15;
	v10 =	vmov s17;
	(v2sf) =	vpush v6, $0xF;
	v7, _, _ =	vpop (xrf0)  }
0x97: {  	s21 =	sshra.s32 s18, $0x2;
	s18 =	sadd.s32 $0x40, s18;
	v11 =	vsel vm6, v14, v11;
	v12 =	vadd.s32 v13, v12;
	(v2sf) =	vpush v7, $0xF  }
0x98: {  	v13 =	vld [tilespmem:s21+$0x0]  }
0x99: {  	v9 =	vbroadcast v9, $0x0;
	v10 =	vadd.s32 $0xFFFFFFFF, v10  }
0x9a: {  	v11 =	vsel vm4, v12, v11;
	v5 =	vadd.s32 v5, v8;
	v3 =	vbroadcast v3, $0x0  }
0x9b: {  	v1 =	vsel vm1, v1, v2;
	vm0 =	vmmov vm0;
	v8 =	vbroadcast v10, $0x0  }
0x9c: {  	v5 =	vsel vm2, v5, v11;
	v6 =	vadd.s32 v6, v9;
	v3 =	vadd.s32 v4, v3  }
0x9d: {  	v2 =	vsel vm5, v6, v5;
	v5 =	vadd.s32 v7, v8;
	vm1 =	veq.s32 v13, $0x7  }
0x9e: {  	v2 =	vsel vm3, v5, v2;
	vm8 =	veq.s32 v13, $0x0;
	v4 =	vsel vm1, $0x1, v0  }
0x9f: {  	vm7 =	veq.s32 v13, $0x1;
	vm6 =	veq.s32 v13, $0x2;
	v5 =	vsel vm8, $0x1, v0;
	(xrf0) =	vadd.scan.msk.s32 $0xffff, v4;
	s18 =	spop (v2sf)  }
0xa0: {  	vm4 =	veq.s32 v13, $0x3;
	vm2 =	veq.s32 v13, $0x4;
	v6 =	vsel vm7, $0x1, v0;
	(xrf0) =	vadd.scan.msk.s32 $0xffff, v5;
	s31 =	spop (v2sf)  }
0xa1: {  	vm5 =	veq.s32 v13, $0x5;
	vm3 =	veq.s32 v13, $0x6;
	v4 =	vsel vm6, $0x1, v0;
	(xrf0) =	vadd.scan.msk.s32 $0xffff, v6;
	s19 =	sadd.s32 s12, s31;
	s12 =	spop (v2sf)  }
0xa2: {  	v7 =	vsel vm2, $0x1, v0;
	v5 =	vsel vm4, $0x1, v0;
	v8 =	vmov s19;
	(xrf0) =	vadd.scan.msk.s32 $0xffff, v4;
	s20 =	sadd.s32 s13, s12;
	s13 =	spop (v2sf)  }
0xa3: {  	v9 =	vsel vm5, $0x1, v0;
	v4 =	vadd.s32 $0xFFFFFFFF, v8;
	v8 =	vmov s20;
	s12 =	sadd.s32 s14, s13;
	s22 =	spop (v2sf);
	(xrf0) =	vadd.scan.msk.s32 $0xffff, v5  }
0xa4: {  	v0 =	vsel vm3, $0x1, v0;
	v5 =	vadd.s32 $0xFFFFFFFF, v8;
	v8 =	vmov s12;
	s14 =	sadd.s32 s15, s22  }
0xa5: {  	v4 =	vbroadcast v4, $0x0;
	s23 =	spop (v2sf);
	v10, _, _ =	vpop (xrf0);
	(xrf0) =	vadd.scan.msk.s32 $0xffff, v7;
	v7 =	vadd.s32 $0xFFFFFFFF, v8;
	v8 =	vmov s14  }
0xa6: {  	v5 =	vbroadcast v5, $0x0;
	s13 =	sadd.s32 s10, s23;
	s24 =	spop (v2sf);
	v11, _, _ =	vpop (xrf0);
	(xrf0) =	vadd.scan.msk.s32 $0xffff, v9;
	v7 =	vbroadcast v7, $0x0;
	v8 =	vadd.s32 $0xFFFFFFFF, v8  }
0xa7: {  	s25 =	spop (v2sf);
	v4 =	vadd.s32 v11, v4;
	v9, _, _ =	vpop (xrf0);
	(xrf0) =	vadd.scan.msk.s32 $0xffff, v0;
	v0 =	vmov s13;
	v8 =	vbroadcast v8, $0x0  }
0xa8: {  	s10 =	sadd.s32 s17, s25;
	v4 =	vnsel vm8, $0x0, v4;
	v5 =	vadd.s32 v9, v5;
	v12, _, _ =	vpop (xrf0);
	v0 =	vadd.s32 $0xFFFFFFFF, v0  }
0xa9: {  	s18 =	sadd.s32 s11, s18;
	s11 =	sadd.s32 s16, s24;
	v14 =	vmov s10;
	v4 =	vsel vm7, v5, v4;
	v7 =	vadd.s32 v12, v7;
	v13, _, _ =	vpop (xrf0)  }
0xaa: {  	v5 =	vmov s11;
	v4 =	vsel vm6, v7, v4;
	v8 =	vadd.s32 v13, v8  }
0xab: {  	v0 =	vbroadcast v0, $0x0;
	v5 =	vadd.s32 $0xFFFFFFFF, v5;
	v4 =	vsel vm4, v8, v4  }
0xac: {  	v6 =	vmov s18;
	v14 =	vadd.s32 $0xFFFFFFFF, v14;
	v5 =	vbroadcast v5, $0x0;
	v7, _, _ =	vpop (xrf0)  }
0xad: {  	v6 =	vadd.s32 $0xFFFFFFFF, v6;
	v14 =	vbroadcast v14, $0x0;
	v8, _, _ =	vpop (xrf0);
	v0 =	vadd.s32 v7, v0  }
0xae: {  	v6 =	vbroadcast v6, $0x0;
	v0 =	vsel vm2, v0, v4;
	v4, _, _ =	vpop (xrf0);
	v5 =	vadd.s32 v8, v5  }
0xaf: {  	v2 =	vsel vm0, v3, v2;
	v0 =	vsel vm5, v5, v0;
	v3 =	vadd.s32 v4, v14  }
0xb0: {  	[tilespmem:s8+$0x300] =	vst v1;
	vm0 =	vmmov vm1;
	v1 =	vadd.s32 v10, v6;
	v0 =	vsel vm3, v3, v0  }
0xb1: {  	[tilespmem:s9+$0x300] =	vst v2;
	v0 =	vsel vm0, v1, v0  }
0xb2: {  	(v2sf) =	vpush v10, $0xF;
	[tilespmem:s21+$0x300] =	vst v0  }
0xb3: {  	(v2sf) =	vpush v11, $0xF;
	v0 =	vld [tilespmem:$0x300]  }
0xb4: {  	(v2sf) =	vpush v9, $0xF;
	v1 =	vld [tilespmem:$0x310]  }
0xb5: {  	(v2sf) =	vpush v12, $0xF;
	v2 =	vld [tilespmem:$0x320]  }
0xb6: {  	(v2sf) =	vpush v13, $0xF;
	v3 =	vld [tilespmem:$0x330]  }
0xb7: {  	(v2sf) =	vpush v7, $0xF;
	v5 =	vld [tilespmem:$0x340]  }
0xb8: {  	(v2sf) =	vpush v8, $0xF;
	[tilespmem:$0x400] =	vst v0;
	v0 =	vld [tilespmem:$0x350]  }
0xb9: {  	(v2sf) =	vpush v4, $0xF;
	v4 =	vld [tilespmem:$0x390];
	[tilespmem:$0x410] =	vst v1  }
0xba: {  	v1 =	vld [tilespmem:$0x360];
	[tilespmem:$0x420] =	vst v2  }
0xbb: {  	v2 =	vld [tilespmem:$0x370];
	[tilespmem:$0x430] =	vst v3  }
0xbc: {  	v3 =	vld [tilespmem:$0x380];
	[tilespmem:$0x440] =	vst v5  }
0xbd: {  	[tilespmem:$0x450] =	vst v0;
	v0 =	vld [tilespmem:$0x3A0]  }
0xbe: {  	[tilespmem:$0x490] =	vst v4;
	v4 =	vld [tilespmem:$0x3E0]  }
0xbf: {  	[tilespmem:$0x460] =	vst v1;
	v1 =	vld [tilespmem:$0x3B0]  }
0xc0: {  	[tilespmem:$0x470] =	vst v2;
	v2 =	vld [tilespmem:$0x3C0]  }
0xc1: {  	s17 =	spop (v2sf);
	[tilespmem:$0x480] =	vst v3;
	v3 =	vld [tilespmem:$0x3D0]  }
0xc2: {  	s22 =	spop (v2sf);
	[tilespmem:$0x4A0] =	vst v0;
	v0 =	vld [tilespmem:$0x3F0]  }
0xc3: {  	s21 =	spop (v2sf);
	[tilespmem:$0x4E0] =	vst v4  }
0xc4: {  	s16 =	spop (v2sf);
	[tilespmem:$0x4B0] =	vst v1  }
0xc5: {  	s15 =	spop (v2sf);
	[tilespmem:$0x4C0] =	vst v2  }
0xc6: {  	s9 =	spop (v2sf);
	[tilespmem:$0x4D0] =	vst v3  }
0xc7: {  	s23 =	simm.s32 $0x0;
	s24 =	simm.s32 $0x400;
	s8 =	spop (v2sf);
	[tilespmem:$0x4F0] =	vst v0  }
0xc8: {  	[hbm4b:s7+s23] =	stream.linear.scatter [tilespmem:s24], [sflag:$0x2], $0x100, $0x38;
	[tilespmem:$0xA80] =	vst v63  }
0xc9: {  	s25 =	simm.s32 $0x2;
	s7 =	spop (v2sf)  }
0xca: {  	_ =	swait.ge [sflag:s25], $0x100  }
0xcb: {  	[sflag:s25] =	ssyncset.done $0x0  }
0xcc: {  	s26 =	simm.s32 $0x200;
	[sflag:s25] =	ssyncadd.s32 $0xFFFFFF00  }
0xcd: {  	[tilespmem:s26], [sflag:$0x2] =	stream.linear.gather [hbm4b:s6+s23], $0x100, $0x38;
	[tilespmem:$0xA80] =	vst v63  }
0xce: {  	_ =	swait.ge [sflag:s25], $0x100  }
0xcf: {  	[sflag:s25] =	ssyncset.done $0x0  }
0xd0: {  	[sflag:s25] =	ssyncadd.s32 $0xFFFFFF00  }
0xd1: {  	v0 =	vld [tilespmem:$0x200]  }
0xd2: {  	v1 =	vld [tilespmem:$0x210]  }
0xd3: {  	v2 =	vld [tilespmem:$0x220]  }
0xd4: {  	v3 =	vld [tilespmem:$0x230]  }
0xd5: {  	v4 =	vld [tilespmem:$0x240]  }
0xd6: {  	[tilespmem:$0x600] =	vst v0;
	v0 =	vld [tilespmem:$0x250]  }
0xd7: {  	[tilespmem:$0x610] =	vst v1;
	v1 =	vld [tilespmem:$0x260]  }
0xd8: {  	[tilespmem:$0x620] =	vst v2;
	v2 =	vld [tilespmem:$0x270]  }
0xd9: {  	[tilespmem:$0x630] =	vst v3;
	v3 =	vld [tilespmem:$0x280]  }
0xda: {  	[tilespmem:$0x640] =	vst v4;
	v4 =	vld [tilespmem:$0x290]  }
0xdb: {  	[tilespmem:$0x650] =	vst v0;
	v0 =	vld [tilespmem:$0x2A0]  }
0xdc: {  	[tilespmem:$0x660] =	vst v1;
	v1 =	vld [tilespmem:$0x2B0]  }
0xdd: {  	[tilespmem:$0x670] =	vst v2;
	v2 =	vld [tilespmem:$0x2C0]  }
0xde: {  	[tilespmem:$0x680] =	vst v3;
	v3 =	vld [tilespmem:$0x2D0]  }
0xdf: {  	[tilespmem:$0x690] =	vst v4;
	v4 =	vld [tilespmem:$0x2E0]  }
0xe0: {  	[tilespmem:$0x6A0] =	vst v0;
	v0 =	vld [tilespmem:$0x2F0]  }
0xe1: {  	[tilespmem:$0x6B0] =	vst v1  }
0xe2: {  	[tilespmem:$0x6C0] =	vst v2  }
0xe3: {  	[tilespmem:$0x6D0] =	vst v3  }
0xe4: {  	[tilespmem:$0x6E0] =	vst v4  }
0xe5: {  	s28 =	simm.s32 $0x1;
	s6 =	simm.s32 $0x80;
	s26 =	simm.s32 $0x500;
	[tilespmem:$0x6F0] =	vst v0  }
0xe6: {  	[hbm4b:s2+s6] =	stream.indirect.scatter [tilespmem:s26], [sflag:$0x1], $0x1, s24, s6, $0xb8;
	[tilespmem:$0xA80] =	vst v63  }
0xe7: {  	_ =	swait.ge [sflag:s28], $0x80  }
0xe8: {  	[sflag:s28] =	ssyncset.done $0x0  }
0xe9: {  	s29 =	simm.s32 $0x600;
	[sflag:s28] =	ssyncadd.s32 $0xFFFFFF80  }
0xea: {  	[hbm4b:s3+s6] =	stream.indirect.scatter [tilespmem:s29], [sflag:$0x1], $0x1, s24, s6, $0xb8;
	[tilespmem:$0xA80] =	vst v63  }
0xeb: {  	_ =	swait.ge [sflag:s28], $0x80  }
0xec: {  	[sflag:s28] =	ssyncset.done $0x0  }
0xed: {  	s30 =	simm.s32 $0x480;
	s31 =	simm.s32 $0x580;
	[sflag:s28] =	ssyncadd.s32 $0xFFFFFF80  }
0xee: {  	[hbm4b:s2+s6] =	stream.indirect.scatter [tilespmem:s31], [sflag:$0x1], $0x1, s30, s6, $0xb8;
	[tilespmem:$0xA80] =	vst v63  }
0xef: {  	_ =	swait.ge [sflag:s28], $0x80  }
0xf0: {  	[sflag:s28] =	ssyncset.done $0x0  }
0xf1: {  	s26 =	simm.s32 $0x680;
	[sflag:s28] =	ssyncadd.s32 $0xFFFFFF80  }
0xf2: {  	[hbm4b:s3+s6] =	stream.indirect.scatter [tilespmem:s26], [sflag:$0x1], $0x1, s30, s6, $0xb8;
	[tilespmem:$0xA80] =	vst v63  }
0xf3: {  	_ =	swait.ge [sflag:s28], $0x80  }
0xf4: {  	[sflag:s28] =	ssyncset.done $0x0  }
0xf5: {  	s6 =	simm.s32 $0x0;
	[sflag:s28] =	ssyncadd.s32 $0xFFFFFF80  }
0xf6: {  	v1 =	vld [tilespmem:s6+$0x100];
	_ =	sdelay $0x4  }
0xf7: {  	v0 =	vimm.s32 $0x0;
	vm0 =	veq.s32 v1, $0x7  }
0xf8: {  	vm7 =	veq.s32 v1, $0x0;
	v2 =	vsel vm0, $0x1, v0  }
0xf9: {  	vm6 =	veq.s32 v1, $0x1;
	v3 =	vsel vm7, $0x1, v0;
	(xrf0) =	vadd.scan.msk.s32 $0xffff, v2  }
0xfa: {  	vm5 =	veq.s32 v1, $0x2;
	v4 =	vsel vm6, $0x1, v0;
	(xrf0) =	vadd.scan.msk.s32 $0xffff, v3  }
0xfb: {  	vm2 =	veq.s32 v1, $0x3;
	vm1 =	veq.s32 v1, $0x4;
	v2 =	vsel vm5, $0x1, v0;
	(xrf0) =	vadd.scan.msk.s32 $0xffff, v4  }
0xfc: {  	s31 =	sadd.s32 s14, s15;
	vm3 =	veq.s32 v1, $0x5;
	v5 =	vsel vm1, $0x1, v0;
	v3 =	vsel vm2, $0x1, v0;
	(xrf0) =	vadd.scan.msk.s32 $0xffff, v2  }
0xfd: {  	v8 =	vmov s31;
	v2 =	vsel vm3, $0x1, v0;
	(xrf0) =	vadd.scan.msk.s32 $0xffff, v3  }
0xfe: {  	s29 =	sadd.s32 s19, s22;
	v8 =	vadd.s32 $0xFFFFFFFF, v8;
	s30 =	sadd.s32 s20, s21;
	s21 =	sadd.s32 s10, s7  }
0xff: {  	v7 =	vmov s30;
	v11 =	vmov s21;
	v4 =	vmov s29;
	(xrf0) =	vadd.scan.msk.s32 $0xffff, v5;
	v5, _, _ =	vpop (xrf0)  }
0x100: {  	v3 =	vadd.s32 $0xFFFFFFFF, v4;
	v4 =	vadd.s32 $0xFFFFFFFF, v7;
	(xrf0) =	vadd.scan.msk.s32 $0xffff, v2;
	v2, _, _ =	vpop (xrf0);
	(v2sf) =	vpush v5, $0xF  }
0x101: {  	s28 =	sadd.s32 s18, s17;
	vm4 =	veq.s32 v1, $0x6;
	v4 =	vbroadcast v4, $0x0;
	(v2sf) =	vpush v2, $0xF;
	v9, _, _ =	vpop (xrf0)  }
0x102: {  	v1 =	vmov s28;
	v6 =	vsel vm4, $0x1, v0;
	(v2sf) =	vpush v9, $0xF;
	v10, _, _ =	vpop (xrf0)  }
0x103: {  	s16 =	sadd.s32 s12, s16;
	v3 =	vbroadcast v3, $0x0;
	v4 =	vadd.s32 v9, v4;
	(v2sf) =	vpush v10, $0xF;
	v9, _, _ =	vpop (xrf0)  }
0x104: {  	v1 =	vadd.s32 $0xFFFFFFFF, v1;
	v7 =	vmov s16;
	(v2sf) =	vpush v9, $0xF  }
0x105: {  	s15 =	sadd.s32 s13, s9;
	v1 =	vbroadcast v1, $0x0;
	v7 =	vadd.s32 $0xFFFFFFFF, v7;
	v2 =	vadd.s32 v2, v3  }
0x106: {  	v7 =	vbroadcast v7, $0x0;
	v3 =	vmov s15;
	v2 =	vnsel vm7, $0x0, v2;
	(xrf0) =	vadd.scan.msk.s32 $0xffff, v6  }
0x107: {  	s20 =	sadd.s32 s11, s8;
	v3 =	vadd.s32 $0xFFFFFFFF, v3;
	v6 =	vbroadcast v8, $0x0;
	v2 =	vsel vm6, v4, v2;
	v8, _, _ =	vpop (xrf0)  }
0x108: {  	s7 =	simm.s32 $0x10;
	v4 =	vmov s20;
	v7 =	vadd.s32 v10, v7;
	(v2sf) =	vpush v8, $0xF  }
0x109: {  	v3 =	vbroadcast v3, $0x0;
	v4 =	vadd.s32 $0xFFFFFFFF, v4;
	v2 =	vsel vm5, v7, v2;
	v7 =	vld [tilespmem:s7+$0x100];
	v10, _, _ =	vpop (xrf0)  }
0x10a: {  	v6 =	vadd.s32 v9, v6;
	v4 =	vbroadcast v4, $0x0;
	(v2sf) =	vpush v10, $0xF  }
0x10b: {  	v9 =	vadd.s32 $0xFFFFFFFF, v11;
	v3 =	vadd.s32 v8, v3;
	v2 =	vsel vm2, v6, v2  }
0x10c: {  	v1 =	vadd.s32 v5, v1;
	v6 =	vbroadcast v9, $0x0;
	v2 =	vsel vm1, v3, v2;
	v8, _, _ =	vpop (xrf0)  }
0x10d: {  	v3 =	vadd.s32 v10, v4;
	vm1 =	vmmov vm0;
	(v2sf) =	vpush v8, $0xF  }
0x10e: {  	v2 =	vsel vm3, v3, v2;
	vm15 =	veq.s32 v7, $0x0;
	vm0 =	veq.s32 v7, $0x7  }
0x10f: {  	vm7 =	veq.s32 v7, $0x1;
	v3 =	vadd.s32 v8, v6;
	v5 =	vsel vm0, $0x1, v0;
	s22 =	spop (v2sf)  }
0x110: {  	vm6 =	veq.s32 v7, $0x2;
	v2 =	vsel vm4, v3, v2;
	v3 =	vsel vm15, $0x1, v0;
	(xrf0) =	vadd.scan.msk.s32 $0xffff, v5;
	s24 =	spop (v2sf)  }
0x111: {  	vm2 =	veq.s32 v7, $0x4;
	vm5 =	veq.s32 v7, $0x5;
	v4 =	vsel vm7, $0x1, v0;
	(xrf0) =	vadd.scan.msk.s32 $0xffff, v3;
	s9 =	sadd.s32 s29, s24;
	s25 =	spop (v2sf)  }
0x112: {  	vm4 =	veq.s32 v7, $0x3;
	v5 =	vsel vm6, $0x1, v0;
	(xrf0) =	vadd.scan.msk.s32 $0xffff, v4;
	v4 =	vmov s9;
	s10 =	sadd.s32 s30, s25;
	s26 =	spop (v2sf)  }
0x113: {  	v6 =	vsel vm4, $0x1, v0;
	(xrf0) =	vadd.scan.msk.s32 $0xffff, v5;
	s14 =	sadd.s32 s28, s22;
	v4 =	vadd.s32 $0xFFFFFFFF, v4;
	v5 =	vmov s10;
	s28 =	spop (v2sf)  }
0x114: {  	vm3 =	veq.s32 v7, $0x6;
	(xrf0) =	vadd.scan.msk.s32 $0xffff, v6;
	v6 =	vbroadcast v4, $0x0;
	v4 =	vadd.s32 $0xFFFFFFFF, v5;
	s12 =	sadd.s32 s31, s28  }
0x115: {  	v8 =	vsel vm2, $0x1, v0;
	v9 =	vsel vm3, $0x1, v0;
	s11 =	sadd.s32 s16, s26;
	v10 =	vmov s12  }
0x116: {  	v7 =	vsel vm5, $0x1, v0;
	(xrf0) =	vadd.scan.msk.s32 $0xffff, v8;
	v3 =	vmov s14;
	v5 =	vmov s11  }
0x117: {  	(xrf0) =	vadd.scan.msk.s32 $0xffff, v7;
	v3 =	vadd.s32 $0xFFFFFFFF, v3;
	s29 =	spop (v2sf);
	v8 =	vbroadcast v4, $0x0;
	v5 =	vadd.s32 $0xFFFFFFFF, v5;
	v4, _, _ =	vpop (xrf0)  }
0x118: {  	s8 =	sadd.s32 s15, s29;
	v7 =	vbroadcast v5, $0x0;
	v5 =	vadd.s32 $0xFFFFFFFF, v10;
	(xrf0) =	vadd.scan.msk.s32 $0xffff, v9;
	v10, _, _ =	vpop (xrf0);
	(v2sf) =	vpush v4, $0xF  }
0x119: {  	s30 =	spop (v2sf);
	v9 =	vmov s8;
	v6 =	vadd.s32 v10, v6;
	(v2sf) =	vpush v10, $0xF;
	v10, _, _ =	vpop (xrf0)  }
0x11a: {  	s13 =	sadd.s32 s20, s30;
	v6 =	vnsel vm15, $0x0, v6;
	v8 =	vadd.s32 v10, v8;
	(v2sf) =	vpush v10, $0xF;
	v10, _, _ =	vpop (xrf0)  }
0x11b: {  	v12 =	vbroadcast v5, $0x0;
	v14 =	vmov s13;
	(v2sf) =	vpush v10, $0xF;
	v13, _, _ =	vpop (xrf0)  }
0x11c: {  	v9 =	vadd.s32 $0xFFFFFFFF, v9;
	s31 =	spop (v2sf);
	v11 =	vsel vm7, v8, v6;
	(v2sf) =	vpush v13, $0xF;
	v5, _, _ =	vpop (xrf0)  }
0x11d: {  	s15 =	sadd.s32 s21, s31;
	v15 =	vadd.s32 v10, v7;
	v8 =	vbroadcast v9, $0x0;
	(v2sf) =	vpush v5, $0xF;
	v6, _, _ =	vpop (xrf0)  }
0x11e: {  	v9 =	vadd.s32 $0xFFFFFFFF, v14;
	v10 =	vmov s15;
	(v2sf) =	vpush v6, $0xF;
	v7, _, _ =	vpop (xrf0)  }
0x11f: {  	s17 =	simm.s32 $0xC0;
	s16 =	simm.s32 $0x20;
	v11 =	vsel vm6, v15, v11;
	v12 =	vadd.s32 v13, v12;
	(v2sf) =	vpush v7, $0xF  }
.LBB2_6:
0x120: {  	p0 =	sne.s32 s17, $0x3C0;
	v13 =	vld [tilespmem:s16+$0x100];
	v11 =	vsel vm4, v12, v11;
	v9 =	vbroadcast v9, $0x0;
	v10 =	vadd.s32 $0xFFFFFFFF, v10  }
0x121: {  	v5 =	vadd.s32 v5, v8;
	v3 =	vbroadcast v3, $0x0;
	v8 =	vbroadcast v10, $0x0  }
0x122: {  	v2 =	vsel vm1, v1, v2;
	v5 =	vsel vm2, v5, v11;
	v6 =	vadd.s32 v6, v9  }
0x123: {  	v1 =	vadd.s32 v4, v3;
	v5 =	vsel vm5, v6, v5;
	v6 =	vadd.s32 v7, v8;
	[tilespmem:s6+$0x300] =	vst v2;
	s6 =	smov.u32 s7;
	s7 =	smov.u32 s16  }
0x124: {  	vm1 =	vmmov vm0;
	v2 =	vsel vm3, v6, v5  }
0x125: {  	vm8 =	veq.s32 v13, $0x0;
	vm7 =	veq.s32 v13, $0x1;
	vm0 =	veq.s32 v13, $0x7  }
0x126: {  	v3 =	vsel vm8, $0x1, v0;
	v4 =	vsel vm7, $0x1, v0;
	v5 =	vsel vm0, $0x1, v0  }
0x127: {  	vm6 =	veq.s32 v13, $0x2;
	vm4 =	veq.s32 v13, $0x3;
	vm2 =	veq.s32 v13, $0x4;
	(xrf0) =	vadd.scan.msk.s32 $0xffff, v5;
	s16 =	spop (v2sf)  }
0x128: {  	v6 =	vsel vm4, $0x1, v0;
	v7 =	vsel vm2, $0x1, v0;
	v5 =	vsel vm6, $0x1, v0;
	(xrf0) =	vadd.scan.msk.s32 $0xffff, v3;
	s14 =	sadd.s32 s14, s16;
	s16 =	spop (v2sf)  }
0x129: {  	vm5 =	veq.s32 v13, $0x5;
	vm3 =	veq.s32 v13, $0x6;
	v3 =	vmov s14;
	(xrf0) =	vadd.scan.msk.s32 $0xffff, v4;
	s9 =	sadd.s32 s9, s16;
	s16 =	spop (v2sf)  }
0x12a: {  	v8 =	vsel vm5, $0x1, v0;
	v9 =	vsel vm3, $0x1, v0;
	v4 =	vmov s9;
	(xrf0) =	vadd.scan.msk.s32 $0xffff, v5;
	s10 =	sadd.s32 s10, s16;
	s16 =	spop (v2sf)  }
0x12b: {  	v3 =	vadd.s32 $0xFFFFFFFF, v3;
	v10 =	vadd.s32 $0xFFFFFFFF, v4;
	v5 =	vmov s10;
	(xrf0) =	vadd.scan.msk.s32 $0xffff, v6;
	s11 =	sadd.s32 s11, s16;
	s16 =	spop (v2sf)  }
0x12c: {  	v6 =	vbroadcast v10, $0x0;
	v11 =	vadd.s32 $0xFFFFFFFF, v5;
	v5 =	vmov s11;
	(xrf0) =	vadd.scan.msk.s32 $0xffff, v7;
	s12 =	sadd.s32 s12, s16;
	s16 =	spop (v2sf)  }
0x12d: {  	v7 =	vbroadcast v11, $0x0;
	v5 =	vadd.s32 $0xFFFFFFFF, v5;
	v11 =	vmov s12;
	(xrf0) =	vadd.scan.msk.s32 $0xffff, v8;
	v4, _, _ =	vpop (xrf0);
	s8 =	sadd.s32 s8, s16;
	s16 =	spop (v2sf)  }
0x12e: {  	v8 =	vbroadcast v5, $0x0;
	v5 =	vadd.s32 $0xFFFFFFFF, v11;
	v10, _, _ =	vpop (xrf0);
	(xrf0) =	vadd.scan.msk.s32 $0xffff, v9;
	(v2sf) =	vpush v4, $0xF;
	s13 =	sadd.s32 s13, s16;
	s16 =	spop (v2sf)  }
0x12f: {  	v9 =	vmov s8;
	v6 =	vadd.s32 v10, v6;
	(v2sf) =	vpush v10, $0xF;
	v10, _, _ =	vpop (xrf0);
	s15 =	sadd.s32 s15, s16  }
0x130: {  	v6 =	vnsel vm8, $0x0, v6;
	v7 =	vadd.s32 v10, v7;
	(v2sf) =	vpush v10, $0xF;
	v10, _, _ =	vpop (xrf0)  }
.Ltmp3:
0x131: {  	v12 =	vbroadcast v5, $0x0;
	v9 =	vadd.s32 $0xFFFFFFFF, v9;
	(v2sf) =	vpush v10, $0xF;
	v13, _, _ =	vpop (xrf0);
	(pc) =	sbr.rel @p0 .LBB2_6-.Ltmp3, $4  }
0x132: {  	v15 =	vmov s13;
	v11 =	vsel vm7, v7, v6;
	(v2sf) =	vpush v13, $0xF;
	v5, _, _ =	vpop (xrf0)  }
0x133: {  	v14 =	vadd.s32 v10, v8;
	v8 =	vbroadcast v9, $0x0;
	(v2sf) =	vpush v5, $0xF;
	v6, _, _ =	vpop (xrf0)  }
0x134: {  	v9 =	vadd.s32 $0xFFFFFFFF, v15;
	v10 =	vmov s15;
	(v2sf) =	vpush v6, $0xF;
	v7, _, _ =	vpop (xrf0)  }
0x135: {  	s16 =	sshra.s32 s17, $0x2;
	s17 =	sadd.s32 $0x40, s17;
	v11 =	vsel vm6, v14, v11;
	v12 =	vadd.s32 v13, v12;
	(v2sf) =	vpush v7, $0xF  }
0x136: {  	v13 =	vld [tilespmem:s16+$0x100];
	v9 =	vbroadcast v9, $0x0;
	v10 =	vadd.s32 $0xFFFFFFFF, v10  }
0x137: {  	v11 =	vsel vm4, v12, v11;
	v5 =	vadd.s32 v5, v8;
	v55 =	vbroadcast v10, $0x0  }
0x138: {  	v3 =	vbroadcast v3, $0x0;
	v5 =	vsel vm2, v5, v11;
	v6 =	vadd.s32 v6, v9  }
0x139: {  	v1 =	vsel vm1, v1, v2;
	v56 =	vsel vm5, v6, v5;
	v57 =	vadd.s32 v7, v55  }
0x13a: {  	vm0 =	vmmov vm0;
	v3 =	vadd.s32 v4, v3;
	v2 =	vsel vm3, v57, v56  }
0x13b: {  	vm15 =	veq.s32 v13, $0x7;
	vm8 =	veq.s32 v13, $0x0;
	vm6 =	veq.s32 v13, $0x1  }
0x13c: {  	vm7 =	veq.s32 v13, $0x2;
	vm11 =	veq.s32 v13, $0x3;
	v58 =	vsel vm15, $0x1, v0  }
0x13d: {  	vm12 =	veq.s32 v13, $0x4;
	vm13 =	veq.s32 v13, $0x5;
	v59 =	vsel vm8, $0x1, v0;
	(xrf0) =	vadd.scan.msk.s32 $0xffff, v58;
	s17 =	spop (v2sf)  }
0x13e: {  	vm14 =	veq.s32 v13, $0x6;
	v60 =	vsel vm6, $0x1, v0;
	v61 =	vsel vm7, $0x1, v0;
	(xrf0) =	vadd.scan.msk.s32 $0xffff, v59;
	s23 =	spop (v2sf)  }
0x13f: {  	v62 =	vsel vm11, $0x1, v0;
	v12 =	vsel vm12, $0x1, v0;
	v14 =	vsel vm13, $0x1, v0;
	s14 =	sadd.s32 s14, s17;
	(xrf0) =	vadd.scan.msk.s32 $0xffff, v60;
	s9 =	sadd.s32 s9, s23;
	s24 =	spop (v2sf)  }
0x140: {  	v15 =	vsel vm14, $0x1, v0;
	v63 =	vmov s14;
	v13 =	vmov s9;
	(xrf0) =	vadd.scan.msk.s32 $0xffff, v61;
	s25 =	sadd.s32 s10, s24;
	s26 =	spop (v2sf)  }
0x141: {  	v7 =	vadd.s32 $0xFFFFFFFF, v63;
	v16 =	vadd.s32 $0xFFFFFFFF, v13;
	v17 =	vmov s25;
	s28 =	sadd.s32 s11, s26;
	s29 =	spop (v2sf)  }
0x142: {  	(xrf0) =	vadd.scan.msk.s32 $0xffff, v62;
	v4 =	vbroadcast v16, $0x0;
	v18 =	vadd.s32 $0xFFFFFFFF, v17;
	v19 =	vmov s28;
	s30 =	sadd.s32 s12, s29;
	s31 =	spop (v2sf)  }
0x143: {  	v20, _, _ =	vpop (xrf0);
	(xrf0) =	vadd.scan.msk.s32 $0xffff, v12;
	v5 =	vbroadcast v18, $0x0;
	v21 =	vadd.s32 $0xFFFFFFFF, v19;
	v22 =	vmov s30;
	s8 =	sadd.s32 s8, s31  }
0x144: {  	s11 =	spop (v2sf);
	v23, _, _ =	vpop (xrf0);
	(xrf0) =	vadd.scan.msk.s32 $0xffff, v14;
	v6 =	vbroadcast v21, $0x0;
	v8 =	vadd.s32 $0xFFFFFFFF, v22;
	v25 =	vmov s8  }
0x145: {  	s12 =	sadd.s32 s13, s11;
	v4 =	vadd.s32 v23, v4;
	v24, _, _ =	vpop (xrf0);
	(xrf0) =	vadd.scan.msk.s32 $0xffff, v15;
	v8 =	vbroadcast v8, $0x0;
	v0 =	vadd.s32 $0xFFFFFFFF, v25  }
0x146: {  	s13 =	spop (v2sf);
	v27 =	vmov s12;
	v4 =	vnsel vm8, $0x0, v4;
	v5 =	vadd.s32 v24, v5;
	v26, _, _ =	vpop (xrf0)  }
0x147: {  	s9 =	sadd.s32 s15, s13;
	v0 =	vbroadcast v0, $0x0;
	v4 =	vsel vm6, v5, v4;
	v6 =	vadd.s32 v26, v6  }
0x148: {  	v29 =	vmov s9;
	v28, _, _ =	vpop (xrf0);
	v5 =	vadd.s32 $0xFFFFFFFF, v27;
	v4 =	vsel vm7, v6, v4  }
0x149: {  	v8 =	vadd.s32 v28, v8;
	v5 =	vbroadcast v5, $0x0;
	v6 =	vadd.s32 $0xFFFFFFFF, v29;
	v14, _, _ =	vpop (xrf0)  }
0x14a: {  	v4 =	vsel vm11, v8, v4;
	v6 =	vbroadcast v6, $0x0;
	v30, _, _ =	vpop (xrf0);
	v0 =	vadd.s32 v14, v0  }
0x14b: {  	v7 =	vbroadcast v7, $0x0;
	v0 =	vsel vm12, v0, v4;
	v31, _, _ =	vpop (xrf0);
	v5 =	vadd.s32 v30, v5  }
0x14c: {  	v2 =	vsel vm0, v3, v2;
	v0 =	vsel vm13, v5, v0;
	v32 =	vadd.s32 v31, v6  }
0x14d: {  	[tilespmem:s6+$0x300] =	vst v1;
	vm15 =	vmmov vm15;
	v33 =	vadd.s32 v20, v7;
	v0 =	vsel vm14, v32, v0  }
0x14e: {  	[tilespmem:s7+$0x300] =	vst v2;
	v0 =	vsel vm15, v33, v0  }
0x14f: {  	[tilespmem:s16+$0x300] =	vst v0  }
0x150: {  	v0 =	vld [tilespmem:$0x300]  }
0x151: {  	v34 =	vld [tilespmem:$0x310]  }
0x152: {  	(v2sf) =	vpush v20, $0xF;
	v2 =	vld [tilespmem:$0x320]  }
0x153: {  	(v2sf) =	vpush v23, $0xF;
	v35 =	vld [tilespmem:$0x330]  }
0x154: {  	(v2sf) =	vpush v24, $0xF;
	v36 =	vld [tilespmem:$0x340]  }
0x155: {  	(v2sf) =	vpush v26, $0xF;
	v37 =	vld [tilespmem:$0x350];
	[tilespmem:$0x400] =	vst v0  }
0x156: {  	v38 =	vld [tilespmem:$0x360];
	[tilespmem:$0x410] =	vst v34  }
0x157: {  	(v2sf) =	vpush v28, $0xF;
	v39 =	vld [tilespmem:$0x370];
	[tilespmem:$0x420] =	vst v2  }
0x158: {  	(v2sf) =	vpush v14, $0xF;
	v40 =	vld [tilespmem:$0x380];
	[tilespmem:$0x430] =	vst v35  }
0x159: {  	(v2sf) =	vpush v30, $0xF;
	v41 =	vld [tilespmem:$0x390];
	[tilespmem:$0x440] =	vst v36  }
0x15a: {  	(v2sf) =	vpush v31, $0xF;
	v42 =	vld [tilespmem:$0x3A0];
	[tilespmem:$0x450] =	vst v37  }
0x15b: {  	v43 =	vld [tilespmem:$0x3B0];
	[tilespmem:$0x460] =	vst v38  }
0x15c: {  	v44 =	vld [tilespmem:$0x3C0];
	[tilespmem:$0x470] =	vst v39  }
0x15d: {  	v45 =	vld [tilespmem:$0x3D0];
	[tilespmem:$0x480] =	vst v40  }
0x15e: {  	v46 =	vld [tilespmem:$0x3E0];
	[tilespmem:$0x490] =	vst v41  }
0x15f: {  	v47 =	vld [tilespmem:$0x3F0];
	[tilespmem:$0x4A0] =	vst v42  }
0x160: {  	[tilespmem:$0x4B0] =	vst v43  }
0x161: {  	s14 =	spop (v2sf);
	[tilespmem:$0x4C0] =	vst v44  }
0x162: {  	s15 =	spop (v2sf);
	[tilespmem:$0x4D0] =	vst v45  }
0x163: {  	s16 =	spop (v2sf);
	[tilespmem:$0x4E0] =	vst v46  }
0x164: {  	s21 =	simm.s32 $0x400;
	s6 =	simm.s32 $0x0;
	[tilespmem:$0x4F0] =	vst v47;
	s17 =	spop (v2sf)  }
0x165: {  	[hbm4b:s5+s6] =	stream.linear.scatter [tilespmem:s21], [sflag:$0x2], $0x100, $0x38;
	[tilespmem:$0xA80] =	vst v63  }
0x166: {  	s18 =	spop (v2sf)  }
0x167: {  	s19 =	spop (v2sf)  }
0x168: {  	s20 =	spop (v2sf)  }
0x169: {  	s5 =	simm.s32 $0x2;
	s22 =	spop (v2sf)  }
0x16a: {  	_ =	swait.ge [sflag:s5], $0x100  }
0x16b: {  	[sflag:s5] =	ssyncset.done $0x0  }
0x16c: {  	s23 =	simm.s32 $0x200;
	[sflag:s5] =	ssyncadd.s32 $0xFFFFFF00  }
0x16d: {  	[tilespmem:s23], [sflag:$0x2] =	stream.linear.gather [hbm4b:s4+s6], $0x100, $0x38;
	[tilespmem:$0xA80] =	vst v63  }
0x16e: {  	_ =	swait.ge [sflag:s5], $0x100  }
0x16f: {  	[sflag:s5] =	ssyncset.done $0x0  }
0x170: {  	[sflag:s5] =	ssyncadd.s32 $0xFFFFFF00  }
0x171: {  	v48 =	vld [tilespmem:$0x200]  }
0x172: {  	v49 =	vld [tilespmem:$0x210]  }
0x173: {  	v50 =	vld [tilespmem:$0x220]  }
0x174: {  	v51 =	vld [tilespmem:$0x230]  }
0x175: {  	v52 =	vld [tilespmem:$0x240]  }
0x176: {  	v53 =	vld [tilespmem:$0x250];
	[tilespmem:$0x600] =	vst v48  }
0x177: {  	v54 =	vld [tilespmem:$0x260];
	[tilespmem:$0x610] =	vst v49  }
0x178: {  	v55 =	vld [tilespmem:$0x270];
	[tilespmem:$0x620] =	vst v50  }
0x179: {  	v56 =	vld [tilespmem:$0x280];
	[tilespmem:$0x630] =	vst v51  }
0x17a: {  	v57 =	vld [tilespmem:$0x290];
	[tilespmem:$0x640] =	vst v52  }
0x17b: {  	v58 =	vld [tilespmem:$0x2A0];
	[tilespmem:$0x650] =	vst v53  }
0x17c: {  	v59 =	vld [tilespmem:$0x2B0];
	[tilespmem:$0x660] =	vst v54  }
0x17d: {  	v60 =	vld [tilespmem:$0x2C0];
	[tilespmem:$0x670] =	vst v55  }
0x17e: {  	v61 =	vld [tilespmem:$0x2D0];
	[tilespmem:$0x680] =	vst v56  }
0x17f: {  	v62 =	vld [tilespmem:$0x2E0];
	[tilespmem:$0x690] =	vst v57  }
0x180: {  	v63 =	vld [tilespmem:$0x2F0];
	[tilespmem:$0x6A0] =	vst v58  }
0x181: {  	[tilespmem:$0x6B0] =	vst v59  }
0x182: {  	[tilespmem:$0x6C0] =	vst v60  }
0x183: {  	[tilespmem:$0x6D0] =	vst v61  }
0x184: {  	[tilespmem:$0x6E0] =	vst v62  }
0x185: {  	s24 =	simm.s32 $0x80;
	s25 =	simm.s32 $0x500;
	s26 =	simm.s32 $0x1;
	[tilespmem:$0x6F0] =	vst v63  }
0x186: {  	[hbm4b:s2+s24] =	stream.indirect.scatter [tilespmem:s25], [sflag:$0x1], $0x1, s21, s24, $0xb8;
	[tilespmem:$0xA80] =	vst v63  }
0x187: {  	_ =	swait.ge [sflag:s26], $0x80  }
0x188: {  	[sflag:s26] =	ssyncset.done $0x0  }
0x189: {  	s28 =	simm.s32 $0x600;
	[sflag:s26] =	ssyncadd.s32 $0xFFFFFF80  }
0x18a: {  	[hbm4b:s3+s24] =	stream.indirect.scatter [tilespmem:s28], [sflag:$0x1], $0x1, s21, s24, $0xb8;
	[tilespmem:$0xA80] =	vst v63  }
0x18b: {  	_ =	swait.ge [sflag:s26], $0x80  }
0x18c: {  	[sflag:s26] =	ssyncset.done $0x0  }
0x18d: {  	s29 =	simm.s32 $0x480;
	s30 =	simm.s32 $0x580;
	[sflag:s26] =	ssyncadd.s32 $0xFFFFFF80  }
0x18e: {  	[hbm4b:s2+s24] =	stream.indirect.scatter [tilespmem:s30], [sflag:$0x1], $0x1, s29, s24, $0xb8;
	[tilespmem:$0xA80] =	vst v63  }
0x18f: {  	_ =	swait.ge [sflag:s26], $0x80  }
0x190: {  	[sflag:s26] =	ssyncset.done $0x0  }
0x191: {  	s31 =	simm.s32 $0x680;
	[sflag:s26] =	ssyncadd.s32 $0xFFFFFF80  }
0x192: {  	[hbm4b:s3+s24] =	stream.indirect.scatter [tilespmem:s31], [sflag:$0x1], $0x1, s29, s24, $0xb8;
	[tilespmem:$0xA80] =	vst v63  }
0x193: {  	_ =	swait.ge [sflag:s26], $0x80  }
0x194: {  	[sflag:s26] =	ssyncset.done $0x0  }
0x195: {  	[sflag:s26] =	ssyncadd.s32 $0xFFFFFF80  }
.LBB2_8:
0x196: {  	_ =	sfence.sel $0x180000  }
0x197: {  	[bflag:$0x0] =	sbarrier.arrive $0xFFFF  }
0x198: {  	p0 =	sne.s32 s1, $0x0;
	_ =	strace $0x90000047  }
0x199: {  	s0 =	sadd.s32 @!p0 $0x100000, s0;
	[bflag:$0x2] =	sbarrier.arrive $0xFFFF  }
0x19a: {  	[sflag:s0] =	ssyncadd.tile.s32 @!p0 $0x1;
	_ =	shalt  }
.Lfunc_end2:
_tile_overlayer_lowered:
.L_overlay_start_2:
0x19b: {  	(tag) =	ssettag $0x2  }
0x19c: {  	s0 =	rddreg [dreg:$0x0];
	s2 =	stileid.u32  }
0x19d: {  	s1 =	rddreg [dreg:$0x1];
	p0 =	sne.s32 s2, $0x0  }
0x19e: {  	s3 =	rddreg [dreg:$0x2];
	[bflag:$0x3] =	sbarrier.arrive $0xFFFF;
	s2 =	simm.s32 @!p0 $0x1C02  }
0x19f: {  	[timem:s3], [sflag:s2] =	dma.local @!p0 [hbm:s0], s1  }
0x1a0: {  	s0 =	simm.s32 @!p0 $0x2  }
0x1a1: {  	_ =	swait.ge @!p0 [sflag:s0], s1  }
0x1a2: {  	s1 =	ssub.s32 @!p0 $0x0, s1;
	[sflag:s0] =	ssyncset.done @!p0 $0x0  }
0x1a3: {  	[sflag:s0] =	ssyncadd.s32 @!p0 s1  }
0x1a4: {  	[bflag:$0x3] =	sbarrier.arrive $0xFFFF  }
0x1a5: {  	_ =	shalt  }

</sc_bundles>
